<compile_context>
chip_gen: v7x
topology: tpu7x:2x2x1
jax: 0.10.2.dev20260603
libtpu: 0.0.44.dev20260713+nightly
codegen_flags: <defaults>
</compile_context>

<pallas_src>
import functools

import jax
import jax.numpy as jnp
from jax import lax
from jax.experimental import pallas as pl
from jax.experimental.pallas import tpu as pltpu
from jax.experimental.pallas import tpu_sc as plsc

DIST = 0.2
K = 32
EPS = 1e-5
B, N, M = 4, 4096, 1024
MK = M * K
HW = 96 * 312
C1, C2 = 32, 64
NC, NS, L = 2, 16, 16
NW = NC * NS
QPW = (B * M) // NW
NCHUNK = N // L
CNT_F = float(B * MK)


def _sc_mesh():
    return plsc.VectorSubcoreMesh(core_axis_name="c", subcore_axis_name="s",
                                  num_cores=NC, num_subcores=NS)


_SC_PARAMS = pltpu.CompilerParams(needs_layout_passes=False,
                                  use_tc_tiling_on_sc=False)


def _phase1_body(pc_hbm, feat_hbm, qv1_hbm, newpc_hbm,
                 g4_hbm, rgbidx_hbm, validk_hbm, mom_hbm,
                 pcb_v, qv1_v, newp_v, qbuf_v, g4_v, rgb_v, val_v, mom_v):
    wid = lax.axis_index("c") * NS + lax.axis_index("s")
    b = wid // (NW // B)
    q0 = (wid % (NW // B)) * QPW

    for c4 in range(3):
        pltpu.sync_copy(pc_hbm.at[pl.ds((b * 3 + c4) * N, N)],
                        pcb_v.at[pl.ds(c4 * N, N)])
    pltpu.sync_copy(feat_hbm.at[pl.ds(b * N, N)], pcb_v.at[pl.ds(3 * N, N)])
    pltpu.sync_copy(qv1_hbm.at[pl.ds(b * N, N)], qv1_v)
    for c4 in range(3):
        pltpu.sync_copy(newpc_hbm.at[pl.ds((b * 3 + c4) * M + q0, QPW)],
                        newp_v.at[pl.ds(c4 * QPW, QPW)])
    for i in range(QPW // L):
        newp_v[pl.ds(3 * QPW + i * L, L)] = jnp.zeros((L,), jnp.float32)

    iota = lax.iota(jnp.int32, L)
    zeros_i = jnp.zeros((L,), jnp.int32)
    zf16 = jnp.zeros((L,), jnp.float32)

    def qbody(q, accs):
        qsplat = jnp.full((L,), q, jnp.int32)
        qz = plsc.load_gather(newp_v, [qsplat + 2 * QPW])
        qbuf_v[pl.ds(0, L)] = zeros_i

        def cond(st):
            c, cnt = st
            return jnp.logical_and(c < NCHUNK, cnt < K)

        def step(st):
            c, cnt = st
            z0 = pcb_v[pl.ds(2 * N + c * L, L)]
            z1 = pcb_v[pl.ds(2 * N + c * L + L, L)]
            m0 = jnp.abs(z0 - qz) < DIST
            m1 = jnp.abs(z1 - qz) < DIST
            plsc.store_compressed(qbuf_v.at[pl.ds(cnt, L)], iota + c * L,
                                  mask=m0)
            cnt1 = cnt + jnp.max(plsc.all_reduce_population_count(m0))
            plsc.store_compressed(qbuf_v.at[pl.ds(cnt1, L)],
                                  iota + (c * L + L), mask=m1)
            cnt2 = cnt1 + jnp.max(plsc.all_reduce_population_count(m1))
            return c + 2, cnt2

        _, cnt = lax.while_loop(cond, step, (jnp.int32(0), jnp.int32(0)))

        firstv = qbuf_v[pl.ds(0, L)]
        first_sc = jnp.min(jnp.where(iota == 0, firstv, jnp.int32(2 * N)))
        first = jnp.full((L,), jnp.int32(0)) + first_sc
        subs = [plsc.load_gather(newp_v, [qsplat + c4 * QPW])
                for c4 in range(4)]
        validq = cnt > 0
        val_vec = jnp.where(validq, jnp.float32(1.0), jnp.float32(0.0))
        val_vec = jnp.full((L,), jnp.float32(0.0)) + val_vec

        def jbody(jj, accs):
            j = jj * L
            raw = qbuf_v[pl.ds(j, L)]
            pos = iota + j
            sel = jnp.where(pos < cnt, raw, first)
            qcol = jnp.full((L,), q, jnp.int32)
            g = []
            for c4 in range(4):
                gv = plsc.load_gather(pcb_v, [sel + c4 * N]) - subs[c4]
                plsc.store_scatter(g4_v, [pos + c4 * K, qcol], gv)
                g.append(gv)
            rv = plsc.load_gather(qv1_v, [sel])
            plsc.store_scatter(rgb_v, [pos, qcol],
                               jnp.where(validq, rv, jnp.int32(HW)))
            plsc.store_scatter(val_v, [pos, qcol], val_vec)
            new_accs = list(accs[:4])
            for c4 in range(4):
                new_accs[c4] = new_accs[c4] + g[c4]
            i = 4
            for c4 in range(4):
                for c5 in range(c4, 4):
                    new_accs.append(accs[i] + g[c4] * g[c5])
                    i += 1
            return tuple(new_accs)

        return lax.fori_loop(0, K // L, jbody, accs)

    accs = lax.fori_loop(0, QPW, qbody, tuple([zf16] * 14))
    for i in range(14):
        mom_v[pl.ds(i * L, L)] = accs[i]

    pltpu.sync_copy(g4_v, g4_hbm.at[pl.ds(b * 4 * K, 4 * K), pl.ds(q0, QPW)])
    pltpu.sync_copy(rgb_v, rgbidx_hbm.at[pl.ds(b * K, K), pl.ds(q0, QPW)])
    pltpu.sync_copy(val_v, validk_hbm.at[pl.ds(b * K, K), pl.ds(q0, QPW)])
    pltpu.sync_copy(mom_v, mom_hbm.at[pl.ds(wid * 14 * L, 14 * L)])


def _phase1(pc, feat, qv1, new_pc):
    fn = pl.kernel(
        _phase1_body,
        out_type=(
            jax.ShapeDtypeStruct((B * 4 * K, M), jnp.float32),
            jax.ShapeDtypeStruct((B * K, M), jnp.int32),
            jax.ShapeDtypeStruct((B * K, M), jnp.float32),
            jax.ShapeDtypeStruct((NW * 14 * L,), jnp.float32),
        ),
        mesh=_sc_mesh(),
        compiler_params=_SC_PARAMS,
        scratch_types=[
            pltpu.VMEM((4 * N,), jnp.float32),
            pltpu.VMEM((N,), jnp.int32),
            pltpu.VMEM((4 * QPW,), jnp.float32),
            pltpu.VMEM((K + 2 * L,), jnp.int32),
            pltpu.VMEM((4 * K, QPW), jnp.float32),
            pltpu.VMEM((K, QPW), jnp.int32),
            pltpu.VMEM((K, QPW), jnp.float32),
            pltpu.VMEM((14 * L,), jnp.float32),
        ],
    )
    g4f, rgbf, valf, mom = fn(pc.reshape(-1), feat.reshape(-1),
                              qv1.reshape(-1), new_pc.reshape(-1))
    return (g4f.reshape(B, 4, MK), rgbf.reshape(B, MK), valf.reshape(B, MK),
            mom.reshape(NW, 14 * L))


TABP = HW + L
HMK = MK // 2


def _phase2_body(img1_hbm, img2_hbm, rgbidx_hbm,
                 rgb1_hbm, rgb2_hbm,
                 idx_v, tab_v, out_v):
    wid = lax.axis_index("c") * NS + lax.axis_index("s")
    b = wid // (NW // B)
    lane8 = wid % (NW // B)

    pltpu.sync_copy(rgbidx_hbm.at[pl.ds(b * MK, MK)], idx_v)

    zf = jnp.zeros((L,), jnp.float32)

    for tp in range(6):
        t0, t1 = 2 * tp, 2 * tp + 1
        for slot, t in ((0, t0), (1, t1)):
            if t < 4:
                ch = t * 8 + lane8
                pltpu.sync_copy(img1_hbm.at[pl.ds((b * C1 + ch) * HW, HW)],
                                tab_v.at[pl.ds(slot * TABP, HW)])
            else:
                ch = (t - 4) * 8 + lane8
                pltpu.sync_copy(img2_hbm.at[pl.ds((b * C2 + ch) * HW, HW)],
                                tab_v.at[pl.ds(slot * TABP, HW)])
            tab_v[pl.ds(slot * TABP + HW, L)] = zf

        for h in range(2):
            @plsc.parallel_loop(0, HMK // L, step=1, unroll=8)
            def gbody(i, h=h):
                ids = idx_v[pl.ds(h * HMK + i * L, L)]
                out_v[pl.ds(i * L, L)] = plsc.load_gather(tab_v, [ids])
                out_v[pl.ds(HMK + i * L, L)] = plsc.load_gather(
                    tab_v, [ids + TABP])
            for slot, t in ((0, t0), (1, t1)):
                if t < 4:
                    ch = t * 8 + lane8
                    dst = rgb1_hbm.at[pl.ds((b * C1 + ch) * MK + h * HMK, HMK)]
                else:
                    ch = (t - 4) * 8 + lane8
                    dst = rgb2_hbm.at[pl.ds((b * C2 + ch) * MK + h * HMK, HMK)]
                pltpu.sync_copy(out_v.at[pl.ds(slot * HMK, HMK)], dst)


def _phase2(img1f, img2f, rgbidx):
    fn = pl.kernel(
        _phase2_body,
        out_type=(
            jax.ShapeDtypeStruct((B * C1 * MK,), jnp.float32),
            jax.ShapeDtypeStruct((B * C2 * MK,), jnp.float32),
        ),
        mesh=_sc_mesh(),
        compiler_params=_SC_PARAMS,
        scratch_types=[
            pltpu.VMEM((MK,), jnp.int32),
            pltpu.VMEM((2 * TABP,), jnp.float32),
            pltpu.VMEM((2 * HMK,), jnp.float32),
        ],
    )
    r1, r2 = fn(img1f.reshape(-1), img2f.reshape(-1), rgbidx.reshape(-1))
    return r1.reshape(B, C1, MK), r2.reshape(B, C2, MK)


TB = 16384
NT = MK // TB
KB = TB // M


_PAIRS = [(c, cp) for c in range(4) for cp in range(c, 4)]


def _pass_b_body(g4_ref, mom_ref, w1_ref, g_ref, b_ref, w2_ref, vk_ref,
                 xv_ref, y2_ref, st2_ref):
    b = pl.program_id(0)
    t = pl.program_id(1)

    @pl.when(jnp.logical_and(b == 0, t == 0))
    def _():
        st2_ref[...] = jnp.zeros_like(st2_ref)

    inv = 1.0 / CNT_F
    s = [jnp.sum(mom_ref[:, i * L:(i + 1) * L]) * inv for i in range(14)]
    w1 = w1_ref[...]
    m1 = (w1[:, 0:1] * s[0] + w1[:, 1:2] * s[1]
          + w1[:, 2:3] * s[2] + w1[:, 3:4] * s[3])
    e2 = jnp.zeros_like(m1)
    for i, (c, cp) in enumerate(_PAIRS):
        coeff = 1.0 if c == cp else 2.0
        e2 = e2 + (coeff * s[4 + i]) * (w1[:, c:c + 1] * w1[:, cp:cp + 1])
    var = e2 - m1 * m1
    a = g_ref[...] * lax.rsqrt(var + EPS)
    cb = b_ref[...] - m1 * a

    x0 = g4_ref[0]
    y1 = (w1[:, 0:1] * x0[0:1, :] + w1[:, 1:2] * x0[1:2, :]
          + w1[:, 2:3] * x0[2:3, :] + w1[:, 3:4] * x0[3:4, :])
    x1 = jnp.maximum(a * y1 + cb, 0.0)
    xv_ref[0] = (x1 * vk_ref[0]).reshape(C1, KB, M)
    y2 = jnp.dot(w2_ref[...], x1, preferred_element_type=jnp.float32)
    y2_ref[0] = y2
    sm = jnp.sum(y2, axis=1, keepdims=True)
    s2 = jnp.sum(y2 * y2, axis=1, keepdims=True)
    st2_ref[:, 0:2] += jnp.concatenate([sm, s2], axis=1)


def _pass_b(g4, mom, W1, g, bb, w2, validk):
    return pl.pallas_call(
        _pass_b_body,
        grid=(B, NT),
        in_specs=[
            pl.BlockSpec((1, 4, TB), lambda b, t: (b, 0, t)),
            pl.BlockSpec((NW, 14 * L), lambda b, t: (0, 0)),
            pl.BlockSpec((C1, 4), lambda b, t: (0, 0)),
            pl.BlockSpec((C1, 1), lambda b, t: (0, 0)),
            pl.BlockSpec((C1, 1), lambda b, t: (0, 0)),
            pl.BlockSpec((C2, C1), lambda b, t: (0, 0)),
            pl.BlockSpec((1, 1, TB), lambda b, t: (b, 0, t)),
        ],
        out_specs=[
            pl.BlockSpec((1, C1, KB, M), lambda b, t: (b, 0, t, 0)),
            pl.BlockSpec((1, C2, TB), lambda b, t: (b, 0, t)),
            pl.BlockSpec((C2, 128), lambda b, t: (0, 0)),
        ],
        out_shape=[
            jax.ShapeDtypeStruct((B, 256, K, M), jnp.float32),
            jax.ShapeDtypeStruct((B, C2, MK), jnp.float32),
            jax.ShapeDtypeStruct((C2, 128), jnp.float32),
        ],
    )(g4, mom, W1, g, bb, w2, validk)


def _affine(st_ref, g_ref, b_ref):
    st = st_ref[:, 0:2]
    mean = st[:, 0:1] * (1.0 / CNT_F)
    ex2 = st[:, 1:2] * (1.0 / CNT_F)
    var = ex2 - mean * mean
    a = g_ref[...] * lax.rsqrt(var + EPS)
    c = b_ref[...] - mean * a
    return a, c


def _mid_body(y_ref, st_ref, g_ref, b_ref, w_ref, vk_ref, ob_ref,
              xv_ref, y2_ref, st2_ref):
    del ob_ref
    b = pl.program_id(0)
    t = pl.program_id(1)

    @pl.when(jnp.logical_and(b == 0, t == 0))
    def _():
        st2_ref[...] = jnp.zeros_like(st2_ref)

    a, c = _affine(st_ref, g_ref, b_ref)
    x = jnp.maximum(a * y_ref[0] + c, 0.0)
    xv_ref[0] = (x * vk_ref[0]).reshape(x.shape[0], KB, M)
    y2 = jnp.dot(w_ref[...], x, preferred_element_type=jnp.float32)
    y2_ref[0] = y2
    s = jnp.sum(y2, axis=1, keepdims=True)
    s2 = jnp.sum(y2 * y2, axis=1, keepdims=True)
    st2_ref[:, 0:2] += jnp.concatenate([s, s2], axis=1)


def _pass_mid(y, st, g, bb, w, validk, outbuf, cin, chblk):
    cout = C2
    return pl.pallas_call(
        _mid_body,
        grid=(B, NT),
        in_specs=[
            pl.BlockSpec((1, cin, TB), lambda b, t: (b, 0, t)),
            pl.BlockSpec((cin, 128), lambda b, t: (0, 0)),
            pl.BlockSpec((cin, 1), lambda b, t: (0, 0)),
            pl.BlockSpec((cin, 1), lambda b, t: (0, 0)),
            pl.BlockSpec((cout, cin), lambda b, t: (0, 0)),
            pl.BlockSpec((1, 1, TB), lambda b, t: (b, 0, t)),
            pl.BlockSpec(memory_space=pltpu.HBM),
        ],
        out_specs=[
            pl.BlockSpec((1, cin, KB, M),
                         lambda b, t, c=chblk: (b, c, t, 0)),
            pl.BlockSpec((1, cout, TB), lambda b, t: (b, 0, t)),
            pl.BlockSpec((cout, 128), lambda b, t: (0, 0)),
        ],
        out_shape=[
            jax.ShapeDtypeStruct((B, 256, K, M), jnp.float32),
            jax.ShapeDtypeStruct((B, cout, MK), jnp.float32),
            jax.ShapeDtypeStruct((cout, 128), jnp.float32),
        ],
        input_output_aliases={6: 0},
    )(y, st, g, bb, w, validk, outbuf)


def _pass_d_body(y_ref, st_ref, g_ref, b_ref, w_ref, y2_ref, st2_ref):
    b = pl.program_id(0)
    t = pl.program_id(1)

    @pl.when(jnp.logical_and(b == 0, t == 0))
    def _():
        st2_ref[...] = jnp.zeros_like(st2_ref)

    a, c = _affine(st_ref, g_ref, b_ref)
    x = jnp.maximum(a * y_ref[0] + c, 0.0)
    y2 = jnp.dot(w_ref[...], x, preferred_element_type=jnp.float32)
    y2_ref[0] = y2
    s = jnp.sum(y2, axis=1, keepdims=True)
    s2 = jnp.sum(y2 * y2, axis=1, keepdims=True)
    st2_ref[:, 0:2] += jnp.concatenate([s, s2], axis=1)


def _pass_d(y3, st3, g, bb, w):
    return pl.pallas_call(
        _pass_d_body,
        grid=(B, NT),
        in_specs=[
            pl.BlockSpec((1, C2, TB), lambda b, t: (b, 0, t)),
            pl.BlockSpec((C2, 128), lambda b, t: (0, 0)),
            pl.BlockSpec((C2, 1), lambda b, t: (0, 0)),
            pl.BlockSpec((C2, 1), lambda b, t: (0, 0)),
            pl.BlockSpec((C2, C2), lambda b, t: (0, 0)),
        ],
        out_specs=[
            pl.BlockSpec((1, C2, TB), lambda b, t: (b, 0, t)),
            pl.BlockSpec((C2, 128), lambda b, t: (0, 0)),
        ],
        out_shape=[
            jax.ShapeDtypeStruct((B, C2, MK), jnp.float32),
            jax.ShapeDtypeStruct((C2, 128), jnp.float32),
        ],
    )(y3, st3, g, bb, w)


def _pass_e_body(y_ref, st_ref, g_ref, b_ref, vk_ref, ob_ref, xv_ref):
    del ob_ref
    a, c = _affine(st_ref, g_ref, b_ref)
    x = jnp.maximum(a * y_ref[0] + c, 0.0)
    xv_ref[0] = (x * vk_ref[0]).reshape(C2, KB, M)


def _pass_e(y4, st4, g, bb, validk, outbuf):
    return pl.pallas_call(
        _pass_e_body,
        grid=(B, NT),
        in_specs=[
            pl.BlockSpec((1, C2, TB), lambda b, t: (b, 0, t)),
            pl.BlockSpec((C2, 128), lambda b, t: (0, 0)),
            pl.BlockSpec((C2, 1), lambda b, t: (0, 0)),
            pl.BlockSpec((C2, 1), lambda b, t: (0, 0)),
            pl.BlockSpec((1, 1, TB), lambda b, t: (b, 0, t)),
            pl.BlockSpec(memory_space=pltpu.HBM),
        ],
        out_specs=[pl.BlockSpec((1, C2, KB, M), lambda b, t: (b, 3, t, 0))],
        out_shape=[jax.ShapeDtypeStruct((B, 256, K, M), jnp.float32)],
        input_output_aliases={5: 0},
    )(y4, st4, g, bb, validk, outbuf)


def _copy_body(rgb_ref, ob_ref, out_ref):
    del ob_ref
    r = rgb_ref[0]
    out_ref[0] = r.reshape(r.shape[0], KB, M)


def _pass_copy(rgb, outbuf, cw, chblk):
    return pl.pallas_call(
        _copy_body,
        grid=(B, NT),
        in_specs=[
            pl.BlockSpec((1, cw, TB), lambda b, t: (b, 0, t)),
            pl.BlockSpec(memory_space=pltpu.HBM),
        ],
        out_specs=[pl.BlockSpec((1, cw, KB, M),
                                lambda b, t, c=chblk: (b, c, t, 0))],
        out_shape=[jax.ShapeDtypeStruct((B, 256, K, M), jnp.float32)],
        input_output_aliases={1: 0},
    )(rgb, outbuf)[0]


def kernel(pc, feat, img1, img2, P, query_v1, new_pc,
           W1, W2, W3, W4, g1, b1, g2, b2, g3, b3, g4, b4):
    del P
    img1f = img1.reshape(B, C1, HW)
    img2f = img2.reshape(B, C2, HW)
    qv1 = query_v1.astype(jnp.int32)

    x0, rgbidx, validk, mom = _phase1(pc, feat, qv1, new_pc)
    validk = validk.reshape(B, 1, MK)
    rgb1, rgb2 = _phase2(img1f, img2f, rgbidx)

    outbuf, y2, st2 = _pass_b(x0, mom, W1, g1.reshape(C1, 1),
                              b1.reshape(C1, 1), W2, validk)
    outbuf, y3, st3 = _pass_mid(y2, st2, g2.reshape(C2, 1), b2.reshape(C2, 1),
                                W3, validk, outbuf, C2, 1)
    y4, st4 = _pass_d(y3, st3, g3.reshape(C2, 1), b3.reshape(C2, 1), W4)
    outbuf = _pass_e(y4, st4, g4.reshape(C2, 1), b4.reshape(C2, 1), validk,
                     outbuf)[0]
    outbuf = _pass_copy(rgb1, outbuf, C1, 1)
    outbuf = _pass_copy(rgb2, outbuf, C2, 2)
    return outbuf.swapaxes(2, 3)

# --- scband reference (transcript-rebuilt; emitter-appended) ---
"""Pipeline reference for scband-point-net-module-6347961663562 (READ-ONLY COPY).

The authoritative reference and input builder live on the scoring server;
editing this copy changes nothing except your own understanding.
"""

import jax, jax.numpy as jnp
import numpy as np

DIST = 0.2
K = 32
EPS = 1e-5
B, N, M = 4, 4096, 1024
INFEA = 1
MLP = [32, 64, 64, 64]
H, W = 96, 312


def _query_depth_point(pc, new_pc, dist, k):
    b, _, n = pc.shape
    m = new_pc.shape[2]
    pc_z = pc[:, 2, :]
    new_z = new_pc[:, 2, :]
    mask = jnp.abs(pc_z[:, None, :] - new_z[:, :, None]) < dist  # [B, M, N]
    count = jnp.sum(mask, axis=-1)
    num = jnp.minimum(count, k)
    vals = jnp.where(mask, jnp.arange(n)[None, None, :], n)
    order = jnp.argsort(vals, axis=-1)[:, :, :k]  # first in-range indices, ascending
    first = order[:, :, 0:1]
    pos = jnp.arange(k)[None, None, :]
    idx = jnp.where(pos < num[:, :, None], order, first)
    return idx, num


def _conv_bn_relu(x, Wt, gamma, beta):
    y = jnp.einsum('bimk,oi->bomk', x, Wt)
    mean = jnp.mean(y, axis=(0, 2, 3), keepdims=True)
    var = jnp.var(y, axis=(0, 2, 3), keepdims=True)
    yhat = (y - mean) / jnp.sqrt(var + EPS)
    y = gamma[None, :, None, None] * yhat + beta[None, :, None, None]
    return jax.nn.relu(y)


def setup_inputs(seed: int = 0):
    key = jax.random.key(seed)
    ks = jax.random.split(key, 12)
    pc = jax.random.normal(ks[0], (B, 3, N), dtype=jnp.float32)
    feat = jax.random.normal(ks[1], (B, INFEA, N), dtype=jnp.float32)
    img1 = jax.random.normal(ks[2], (B, MLP[0], H, W), dtype=jnp.float32)
    img2 = jax.random.normal(ks[3], (B, MLP[1], H, W), dtype=jnp.float32)
    P = jax.random.normal(ks[4], (3, 4), dtype=jnp.float32)
    query_v1 = jax.random.randint(ks[5], (B, N), 0, H * W)
    new_pc = jax.random.normal(ks[6], (B, 3, M), dtype=jnp.float32)

    def kaiming(k_, o, i):
        return jax.random.normal(k_, (o, i), dtype=jnp.float32) * np.sqrt(2.0 / i)

    W1 = kaiming(ks[7], MLP[0], INFEA + 3)
    W2 = kaiming(ks[8], MLP[1], MLP[0])
    W3 = kaiming(ks[9], MLP[2], MLP[1])
    W4 = kaiming(ks[10], MLP[3], MLP[2])
    params = {}
    for i, c in enumerate(MLP):
        params['g%d' % (i + 1)] = jnp.ones((c,), dtype=jnp.float32)
        params['b%d' % (i + 1)] = jnp.zeros((c,), dtype=jnp.float32)
    return dict(pc=pc, feat=feat, img1=img1, img2=img2, P=P, query_v1=query_v1,
                new_pc=new_pc, W1=W1, W2=W2, W3=W3, W4=W4, **params)


def reference(pc, feat, img1, img2, P, query_v1, new_pc, W1, W2, W3, W4,
              g1, b1, g2, b2, g3, b3, g4, b4):
    b = pc.shape[0]
    m = new_pc.shape[2]
    k = K
    idx, num = _query_depth_point(pc, new_pc, DIST, k)  # [B, M, k], [B, M]
    idx_flat = idx.reshape(b, 1, m * k)
    indices_rgb = jnp.take_along_axis(query_v1, idx.reshape(b, m * k), axis=1).reshape(b, m, k)
    grouped_pc = jnp.take_along_axis(pc, idx_flat, axis=2).reshape(b, 3, m, k)
    grouped_pc = grouped_pc - new_pc[:, :, :, None]
    grouped_feat = jnp.take_along_axis(feat, idx_flat, axis=2).reshape(b, feat.shape[1], m, k)
    c1 = img1.shape[1]
    img1f = img1.reshape(b, c1, -1)
    grouped_rgb1 = jnp.take_along_axis(img1f, indices_rgb.reshape(b, 1, m * k), axis=2).reshape(b, c1, m, k)
    c2 = img2.shape[1]
    img2f = img2.reshape(b, c2, -1)
    grouped_rgb2 = jnp.take_along_axis(img2f, indices_rgb.reshape(b, 1, m * k), axis=2).reshape(b, c2, m, k)
    grouped = jnp.concatenate([grouped_pc, grouped_feat], axis=1)
    pf = _conv_bn_relu(grouped, W1, g1, b1)
    f1 = jnp.concatenate([pf, grouped_rgb1], axis=1)
    pf = _conv_bn_relu(pf, W2, g2, b2)
    f2 = jnp.concatenate([pf, grouped_rgb2], axis=1)
    pf = _conv_bn_relu(pf, W3, g3, b3)
    pf = _conv_bn_relu(pf, W4, g4, b4)
    out = jnp.concatenate([f1, f2, pf], axis=1)
    valid = (num > 0).reshape(b, 1, m, 1)
    return out * valid.astype(out.dtype)

if __name__ == "__main__":
    import jax
    _d = setup_inputs()
    print(jax.jit(kernel)(*tuple(_d.values())))

</pallas_src>

<mosaic_0001>
#map = affine_map<(d0, d1) -> (0)>
#map1 = affine_map<(d0, d1) -> (0, 0)>
module attributes {stable_mosaic.version = 14 : i64} {
  func.func @_phase1_body(%arg0: i32, %arg1: i32, %arg2: memref<49152xf32, #tpu.memory_space<hbm>>, %arg3: memref<16384xf32, #tpu.memory_space<hbm>>, %arg4: memref<16384xi32, #tpu.memory_space<hbm>>, %arg5: memref<12288xf32, #tpu.memory_space<hbm>>, %arg6: memref<512x1024xf32, #tpu.memory_space<hbm>>, %arg7: memref<128x1024xi32, #tpu.memory_space<hbm>>, %arg8: memref<128x1024xf32, #tpu.memory_space<hbm>>, %arg9: memref<7168xf32, #tpu.memory_space<hbm>>, %arg10: memref<16384xf32, #tpu.memory_space<vmem>>, %arg11: memref<4096xi32, #tpu.memory_space<vmem>>, %arg12: memref<512xf32, #tpu.memory_space<vmem>>, %arg13: memref<64xi32, #tpu.memory_space<vmem>>, %arg14: memref<128x128xf32, #tpu.memory_space<vmem>>, %arg15: memref<32x128xi32, #tpu.memory_space<vmem>>, %arg16: memref<32x128xf32, #tpu.memory_space<vmem>>, %arg17: memref<224xf32, #tpu.memory_space<vmem>>) attributes {dimension_semantics = [#tpu.dimension_semantics<core_parallel>, #tpu.dimension_semantics<subcore_parallel>], iteration_bounds = array<i64: 2, 16>, scalar_prefetch = 0 : i64, scratch_operands = 8 : i64, tpu.core_type = #tpu.core_type<sc_vector_subcore>, window_params = [{transform_indices = #map}, {transform_indices = #map}, {transform_indices = #map}, {transform_indices = #map}, {transform_indices = #map1}, {transform_indices = #map1}, {transform_indices = #map1}, {transform_indices = #map}]} {
    %mul3A = arith.constant 16 : i32
    %mul3A_0 = arith.muli %arg0, %mul3A : i32
    %add3A = arith.addi %mul3A_0, %arg1 : i32
    %jit3A = arith.constant 8 : i32
    %div3A = arith.divsi %add3A, %jit3A : i32
    %sign3A = arith.constant 0 : i32
    %sign3A_1 = arith.cmpi sgt, %add3A, %sign3A : i32
    %sign3A_2 = arith.extui %sign3A_1 : i1 to i32
    %sign3A_3 = arith.constant 0 : i32
    %sign3A_4 = arith.cmpi slt, %add3A, %sign3A_3 : i32
    %sign3A_5 = arith.extui %sign3A_4 : i1 to i32
    %sign3A_6 = arith.subi %sign3A_2, %sign3A_5 : i32
    %sign3A_7 = arith.constant 0 : i32
    %sign3A_8 = arith.cmpi sgt, %jit3A, %sign3A_7 : i32
    %sign3A_9 = arith.extui %sign3A_8 : i1 to i32
    %sign3A_10 = arith.constant 0 : i32
    %sign3A_11 = arith.cmpi slt, %jit3A, %sign3A_10 : i32
    %sign3A_12 = arith.extui %sign3A_11 : i1 to i32
    %sign3A_13 = arith.subi %sign3A_9, %sign3A_12 : i32
    %ne3A = arith.cmpi ne, %sign3A_6, %sign3A_13 : i32
    %rem3A = arith.remsi %add3A, %jit3A : i32
    %ne3A_14 = arith.constant 0 : i32
    %ne3A_15 = arith.cmpi ne, %rem3A, %ne3A_14 : i32
    %and3A = arith.andi %ne3A, %ne3A_15 : i1
    %sub3A = arith.constant 1 : i32
    %sub3A_16 = arith.subi %div3A, %sub3A : i32
    %select_n3A = arith.select %and3A, %sub3A_16, %div3A : i32
    %jit3A_17 = arith.constant 8 : i32
    %eq3A = arith.constant 0 : i32
    %eq3A_18 = arith.cmpi eq, %jit3A_17, %eq3A : i32
    %jit3A_19 = arith.constant 1 : i32
    %select_n3A_20 = arith.select %eq3A_18, %jit3A_19, %jit3A_17 : i32
    %rem3A_21 = arith.remsi %add3A, %select_n3A_20 : i32
    %ne3A_22 = arith.constant 0 : i32
    %ne3A_23 = arith.cmpi ne, %rem3A_21, %ne3A_22 : i32
    %lt3A = arith.constant 0 : i32
    %lt3A_24 = arith.cmpi slt, %rem3A_21, %lt3A : i32
    %lt3A_25 = arith.constant 0 : i32
    %lt3A_26 = arith.cmpi slt, %select_n3A_20, %lt3A_25 : i32
    %ne3A_27 = arith.xori %lt3A_24, %lt3A_26 : i1
    %and3A_28 = arith.andi %ne3A_27, %ne3A_23 : i1
    %add3A_29 = arith.addi %rem3A_21, %select_n3A_20 : i32
    %select_n3A_30 = arith.select %and3A_28, %add3A_29, %rem3A_21 : i32
    %mul3A_31 = arith.constant 128 : i32
    %mul3A_32 = arith.muli %select_n3A_30, %mul3A_31 : i32
    %mul3A_33 = arith.constant 3 : i32
    %mul3A_34 = arith.muli %select_n3A, %mul3A_33 : i32
    %add3A_35 = arith.constant 0 : i32
    %add3A_36 = arith.addi %mul3A_34, %add3A_35 : i32
    %mul3A_37 = arith.constant 4096 : i32
    %mul3A_38 = arith.muli %add3A_36, %mul3A_37 : i32
    "tpu.region"() ({
      %run_scoped3A = tpu.sem_alloc : memref<!tpu.dma_semaphore, #tpu.memory_space<semaphore_mem>>
      %dma_start3A = arith.constant 0 : i32
      %dma_start3A_155 = tpu.memref_slice %arg10[%dma_start3A] : memref<16384xf32, #tpu.memory_space<vmem>> -> memref<4096xf32, #tpu.memory_space<vmem>>
      %dma_start3A_156 = tpu.memref_slice %arg2[%mul3A_38] : memref<49152xf32, #tpu.memory_space<hbm>> -> memref<4096xf32, #tpu.memory_space<hbm>>
      %dma_start3A_157 = arith.constant 0 : i32
      %dma_start3A_158 = tpu.memref_slice %arg10[%dma_start3A_157] : memref<16384xf32, #tpu.memory_space<vmem>> -> memref<4096xf32, #tpu.memory_space<vmem>>
      %dma_start3A_159 = tpu.memref_slice %arg2[%mul3A_38] : memref<49152xf32, #tpu.memory_space<hbm>> -> memref<4096xf32, #tpu.memory_space<hbm>>
      tpu.enqueue_dma source(%dma_start3A_159 : memref<4096xf32, #tpu.memory_space<hbm>>) target(%dma_start3A_158 : memref<4096xf32, #tpu.memory_space<vmem>>) target_semaphore(%run_scoped3A : memref<!tpu.dma_semaphore, #tpu.memory_space<semaphore_mem>>)
      %dma_wait3A = arith.constant 0 : i32
      %dma_wait3A_160 = tpu.memref_slice %arg10[%dma_wait3A] : memref<16384xf32, #tpu.memory_space<vmem>> -> memref<4096xf32, #tpu.memory_space<vmem>>
      %dma_wait3A_161 = tpu.memref_slice %arg2[%mul3A_38] : memref<49152xf32, #tpu.memory_space<hbm>> -> memref<4096xf32, #tpu.memory_space<hbm>>
      %dma_wait3A_162 = arith.constant 0 : i32
      %dma_wait3A_163 = tpu.memref_slice %arg10[%dma_wait3A_162] : memref<16384xf32, #tpu.memory_space<vmem>> -> memref<4096xf32, #tpu.memory_space<vmem>>
      %dma_wait3A_164 = tpu.memref_slice %arg2[%mul3A_38] : memref<49152xf32, #tpu.memory_space<hbm>> -> memref<4096xf32, #tpu.memory_space<hbm>>
      tpu.wait_dma2 semaphore(%run_scoped3A : memref<!tpu.dma_semaphore, #tpu.memory_space<semaphore_mem>>) src(%dma_wait3A_164 : memref<4096xf32, #tpu.memory_space<hbm>>) dst(%dma_wait3A_163 : memref<4096xf32, #tpu.memory_space<vmem>>)
      tpu.yield
    }) : () -> ()
    %mul3A_39 = arith.constant 3 : i32
    %mul3A_40 = arith.muli %select_n3A, %mul3A_39 : i32
    %add3A_41 = arith.constant 1 : i32
    %add3A_42 = arith.addi %mul3A_40, %add3A_41 : i32
    %mul3A_43 = arith.constant 4096 : i32
    %mul3A_44 = arith.muli %add3A_42, %mul3A_43 : i32
    "tpu.region"() ({
      %run_scoped3A = tpu.sem_alloc : memref<!tpu.dma_semaphore, #tpu.memory_space<semaphore_mem>>
      %dma_start3A = arith.constant 4096 : i32
      %dma_start3A_155 = tpu.memref_slice %arg10[%dma_start3A] : memref<16384xf32, #tpu.memory_space<vmem>> -> memref<4096xf32, #tpu.memory_space<vmem>>
      %dma_start3A_156 = tpu.memref_slice %arg2[%mul3A_44] : memref<49152xf32, #tpu.memory_space<hbm>> -> memref<4096xf32, #tpu.memory_space<hbm>>
      %dma_start3A_157 = arith.constant 4096 : i32
      %dma_start3A_158 = tpu.memref_slice %arg10[%dma_start3A_157] : memref<16384xf32, #tpu.memory_space<vmem>> -> memref<4096xf32, #tpu.memory_space<vmem>>
      %dma_start3A_159 = tpu.memref_slice %arg2[%mul3A_44] : memref<49152xf32, #tpu.memory_space<hbm>> -> memref<4096xf32, #tpu.memory_space<hbm>>
      tpu.enqueue_dma source(%dma_start3A_159 : memref<4096xf32, #tpu.memory_space<hbm>>) target(%dma_start3A_158 : memref<4096xf32, #tpu.memory_space<vmem>>) target_semaphore(%run_scoped3A : memref<!tpu.dma_semaphore, #tpu.memory_space<semaphore_mem>>)
      %dma_wait3A = arith.constant 4096 : i32
      %dma_wait3A_160 = tpu.memref_slice %arg10[%dma_wait3A] : memref<16384xf32, #tpu.memory_space<vmem>> -> memref<4096xf32, #tpu.memory_space<vmem>>
      %dma_wait3A_161 = tpu.memref_slice %arg2[%mul3A_44] : memref<49152xf32, #tpu.memory_space<hbm>> -> memref<4096xf32, #tpu.memory_space<hbm>>
      %dma_wait3A_162 = arith.constant 4096 : i32
      %dma_wait3A_163 = tpu.memref_slice %arg10[%dma_wait3A_162] : memref<16384xf32, #tpu.memory_space<vmem>> -> memref<4096xf32, #tpu.memory_space<vmem>>
      %dma_wait3A_164 = tpu.memref_slice %arg2[%mul3A_44] : memref<49152xf32, #tpu.memory_space<hbm>> -> memref<4096xf32, #tpu.memory_space<hbm>>
      tpu.wait_dma2 semaphore(%run_scoped3A : memref<!tpu.dma_semaphore, #tpu.memory_space<semaphore_mem>>) src(%dma_wait3A_164 : memref<4096xf32, #tpu.memory_space<hbm>>) dst(%dma_wait3A_163 : memref<4096xf32, #tpu.memory_space<vmem>>)
      tpu.yield
    }) : () -> ()
    %mul3A_45 = arith.constant 3 : i32
    %mul3A_46 = arith.muli %select_n3A, %mul3A_45 : i32
    %add3A_47 = arith.constant 2 : i32
    %add3A_48 = arith.addi %mul3A_46, %add3A_47 : i32
    %mul3A_49 = arith.constant 4096 : i32
    %mul3A_50 = arith.muli %add3A_48, %mul3A_49 : i32
    "tpu.region"() ({
      %run_scoped3A = tpu.sem_alloc : memref<!tpu.dma_semaphore, #tpu.memory_space<semaphore_mem>>
      %dma_start3A = arith.constant 8192 : i32
      %dma_start3A_155 = tpu.memref_slice %arg10[%dma_start3A] : memref<16384xf32, #tpu.memory_space<vmem>> -> memref<4096xf32, #tpu.memory_space<vmem>>
      %dma_start3A_156 = tpu.memref_slice %arg2[%mul3A_50] : memref<49152xf32, #tpu.memory_space<hbm>> -> memref<4096xf32, #tpu.memory_space<hbm>>
      %dma_start3A_157 = arith.constant 8192 : i32
      %dma_start3A_158 = tpu.memref_slice %arg10[%dma_start3A_157] : memref<16384xf32, #tpu.memory_space<vmem>> -> memref<4096xf32, #tpu.memory_space<vmem>>
      %dma_start3A_159 = tpu.memref_slice %arg2[%mul3A_50] : memref<49152xf32, #tpu.memory_space<hbm>> -> memref<4096xf32, #tpu.memory_space<hbm>>
      tpu.enqueue_dma source(%dma_start3A_159 : memref<4096xf32, #tpu.memory_space<hbm>>) target(%dma_start3A_158 : memref<4096xf32, #tpu.memory_space<vmem>>) target_semaphore(%run_scoped3A : memref<!tpu.dma_semaphore, #tpu.memory_space<semaphore_mem>>)
      %dma_wait3A = arith.constant 8192 : i32
      %dma_wait3A_160 = tpu.memref_slice %arg10[%dma_wait3A] : memref<16384xf32, #tpu.memory_space<vmem>> -> memref<4096xf32, #tpu.memory_space<vmem>>
      %dma_wait3A_161 = tpu.memref_slice %arg2[%mul3A_50] : memref<49152xf32, #tpu.memory_space<hbm>> -> memref<4096xf32, #tpu.memory_space<hbm>>
      %dma_wait3A_162 = arith.constant 8192 : i32
      %dma_wait3A_163 = tpu.memref_slice %arg10[%dma_wait3A_162] : memref<16384xf32, #tpu.memory_space<vmem>> -> memref<4096xf32, #tpu.memory_space<vmem>>
      %dma_wait3A_164 = tpu.memref_slice %arg2[%mul3A_50] : memref<49152xf32, #tpu.memory_space<hbm>> -> memref<4096xf32, #tpu.memory_space<hbm>>
      tpu.wait_dma2 semaphore(%run_scoped3A : memref<!tpu.dma_semaphore, #tpu.memory_space<semaphore_mem>>) src(%dma_wait3A_164 : memref<4096xf32, #tpu.memory_space<hbm>>) dst(%dma_wait3A_163 : memref<4096xf32, #tpu.memory_space<vmem>>)
      tpu.yield
    }) : () -> ()
    %mul3A_51 = arith.constant 4096 : i32
    %mul3A_52 = arith.muli %select_n3A, %mul3A_51 : i32
    "tpu.region"() ({
      %run_scoped3A = tpu.sem_alloc : memref<!tpu.dma_semaphore, #tpu.memory_space<semaphore_mem>>
      %dma_start3A = arith.constant 12288 : i32
      %dma_start3A_155 = tpu.memref_slice %arg10[%dma_start3A] : memref<16384xf32, #tpu.memory_space<vmem>> -> memref<4096xf32, #tpu.memory_space<vmem>>
      %dma_start3A_156 = tpu.memref_slice %arg3[%mul3A_52] : memref<16384xf32, #tpu.memory_space<hbm>> -> memref<4096xf32, #tpu.memory_space<hbm>>
      %dma_start3A_157 = arith.constant 12288 : i32
      %dma_start3A_158 = tpu.memref_slice %arg10[%dma_start3A_157] : memref<16384xf32, #tpu.memory_space<vmem>> -> memref<4096xf32, #tpu.memory_space<vmem>>
      %dma_start3A_159 = tpu.memref_slice %arg3[%mul3A_52] : memref<16384xf32, #tpu.memory_space<hbm>> -> memref<4096xf32, #tpu.memory_space<hbm>>
      tpu.enqueue_dma source(%dma_start3A_159 : memref<4096xf32, #tpu.memory_space<hbm>>) target(%dma_start3A_158 : memref<4096xf32, #tpu.memory_space<vmem>>) target_semaphore(%run_scoped3A : memref<!tpu.dma_semaphore, #tpu.memory_space<semaphore_mem>>)
      %dma_wait3A = arith.constant 12288 : i32
      %dma_wait3A_160 = tpu.memref_slice %arg10[%dma_wait3A] : memref<16384xf32, #tpu.memory_space<vmem>> -> memref<4096xf32, #tpu.memory_space<vmem>>
      %dma_wait3A_161 = tpu.memref_slice %arg3[%mul3A_52] : memref<16384xf32, #tpu.memory_space<hbm>> -> memref<4096xf32, #tpu.memory_space<hbm>>
      %dma_wait3A_162 = arith.constant 12288 : i32
      %dma_wait3A_163 = tpu.memref_slice %arg10[%dma_wait3A_162] : memref<16384xf32, #tpu.memory_space<vmem>> -> memref<4096xf32, #tpu.memory_space<vmem>>
      %dma_wait3A_164 = tpu.memref_slice %arg3[%mul3A_52] : memref<16384xf32, #tpu.memory_space<hbm>> -> memref<4096xf32, #tpu.memory_space<hbm>>
      tpu.wait_dma2 semaphore(%run_scoped3A : memref<!tpu.dma_semaphore, #tpu.memory_space<semaphore_mem>>) src(%dma_wait3A_164 : memref<4096xf32, #tpu.memory_space<hbm>>) dst(%dma_wait3A_163 : memref<4096xf32, #tpu.memory_space<vmem>>)
      tpu.yield
    }) : () -> ()
    %mul3A_53 = arith.constant 4096 : i32
    %mul3A_54 = arith.muli %select_n3A, %mul3A_53 : i32
    "tpu.region"() ({
      %run_scoped3A = tpu.sem_alloc : memref<!tpu.dma_semaphore, #tpu.memory_space<semaphore_mem>>
      %dma_start3A = tpu.memref_slice %arg4[%mul3A_54] : memref<16384xi32, #tpu.memory_space<hbm>> -> memref<4096xi32, #tpu.memory_space<hbm>>
      %dma_start3A_155 = tpu.memref_slice %arg4[%mul3A_54] : memref<16384xi32, #tpu.memory_space<hbm>> -> memref<4096xi32, #tpu.memory_space<hbm>>
      tpu.enqueue_dma source(%dma_start3A_155 : memref<4096xi32, #tpu.memory_space<hbm>>) target(%arg11 : memref<4096xi32, #tpu.memory_space<vmem>>) target_semaphore(%run_scoped3A : memref<!tpu.dma_semaphore, #tpu.memory_space<semaphore_mem>>)
      %dma_wait3A = tpu.memref_slice %arg4[%mul3A_54] : memref<16384xi32, #tpu.memory_space<hbm>> -> memref<4096xi32, #tpu.memory_space<hbm>>
      %dma_wait3A_156 = tpu.memref_slice %arg4[%mul3A_54] : memref<16384xi32, #tpu.memory_space<hbm>> -> memref<4096xi32, #tpu.memory_space<hbm>>
      tpu.wait_dma2 semaphore(%run_scoped3A : memref<!tpu.dma_semaphore, #tpu.memory_space<semaphore_mem>>) src(%dma_wait3A_156 : memref<4096xi32, #tpu.memory_space<hbm>>) dst(%arg11 : memref<4096xi32, #tpu.memory_space<vmem>>)
      tpu.yield
    }) : () -> ()
    %mul3A_55 = arith.constant 3 : i32
    %mul3A_56 = arith.muli %select_n3A, %mul3A_55 : i32
    %add3A_57 = arith.constant 0 : i32
    %add3A_58 = arith.addi %mul3A_56, %add3A_57 : i32
    %mul3A_59 = arith.constant 1024 : i32
    %mul3A_60 = arith.muli %add3A_58, %mul3A_59 : i32
    %add3A_61 = arith.addi %mul3A_60, %mul3A_32 : i32
    "tpu.region"() ({
      %run_scoped3A = tpu.sem_alloc : memref<!tpu.dma_semaphore, #tpu.memory_space<semaphore_mem>>
      %dma_start3A = arith.constant 0 : i32
      %dma_start3A_155 = tpu.memref_slice %arg12[%dma_start3A] : memref<512xf32, #tpu.memory_space<vmem>> -> memref<128xf32, #tpu.memory_space<vmem>>
      %dma_start3A_156 = tpu.memref_slice %arg5[%add3A_61] : memref<12288xf32, #tpu.memory_space<hbm>> -> memref<128xf32, #tpu.memory_space<hbm>>
      %dma_start3A_157 = arith.constant 0 : i32
      %dma_start3A_158 = tpu.memref_slice %arg12[%dma_start3A_157] : memref<512xf32, #tpu.memory_space<vmem>> -> memref<128xf32, #tpu.memory_space<vmem>>
      %dma_start3A_159 = tpu.memref_slice %arg5[%add3A_61] : memref<12288xf32, #tpu.memory_space<hbm>> -> memref<128xf32, #tpu.memory_space<hbm>>
      tpu.enqueue_dma source(%dma_start3A_159 : memref<128xf32, #tpu.memory_space<hbm>>) target(%dma_start3A_158 : memref<128xf32, #tpu.memory_space<vmem>>) target_semaphore(%run_scoped3A : memref<!tpu.dma_semaphore, #tpu.memory_space<semaphore_mem>>)
      %dma_wait3A = arith.constant 0 : i32
      %dma_wait3A_160 = tpu.memref_slice %arg12[%dma_wait3A] : memref<512xf32, #tpu.memory_space<vmem>> -> memref<128xf32, #tpu.memory_space<vmem>>
      %dma_wait3A_161 = tpu.memref_slice %arg5[%add3A_61] : memref<12288xf32, #tpu.memory_space<hbm>> -> memref<128xf32, #tpu.memory_space<hbm>>
      %dma_wait3A_162 = arith.constant 0 : i32
      %dma_wait3A_163 = tpu.memref_slice %arg12[%dma_wait3A_162] : memref<512xf32, #tpu.memory_space<vmem>> -> memref<128xf32, #tpu.memory_space<vmem>>
      %dma_wait3A_164 = tpu.memref_slice %arg5[%add3A_61] : memref<12288xf32, #tpu.memory_space<hbm>> -> memref<128xf32, #tpu.memory_space<hbm>>
      tpu.wait_dma2 semaphore(%run_scoped3A : memref<!tpu.dma_semaphore, #tpu.memory_space<semaphore_mem>>) src(%dma_wait3A_164 : memref<128xf32, #tpu.memory_space<hbm>>) dst(%dma_wait3A_163 : memref<128xf32, #tpu.memory_space<vmem>>)
      tpu.yield
    }) : () -> ()
    %mul3A_62 = arith.constant 3 : i32
    %mul3A_63 = arith.muli %select_n3A, %mul3A_62 : i32
    %add3A_64 = arith.constant 1 : i32
    %add3A_65 = arith.addi %mul3A_63, %add3A_64 : i32
    %mul3A_66 = arith.constant 1024 : i32
    %mul3A_67 = arith.muli %add3A_65, %mul3A_66 : i32
    %add3A_68 = arith.addi %mul3A_67, %mul3A_32 : i32
    "tpu.region"() ({
      %run_scoped3A = tpu.sem_alloc : memref<!tpu.dma_semaphore, #tpu.memory_space<semaphore_mem>>
      %dma_start3A = arith.constant 128 : i32
      %dma_start3A_155 = tpu.memref_slice %arg12[%dma_start3A] : memref<512xf32, #tpu.memory_space<vmem>> -> memref<128xf32, #tpu.memory_space<vmem>>
      %dma_start3A_156 = tpu.memref_slice %arg5[%add3A_68] : memref<12288xf32, #tpu.memory_space<hbm>> -> memref<128xf32, #tpu.memory_space<hbm>>
      %dma_start3A_157 = arith.constant 128 : i32
      %dma_start3A_158 = tpu.memref_slice %arg12[%dma_start3A_157] : memref<512xf32, #tpu.memory_space<vmem>> -> memref<128xf32, #tpu.memory_space<vmem>>
      %dma_start3A_159 = tpu.memref_slice %arg5[%add3A_68] : memref<12288xf32, #tpu.memory_space<hbm>> -> memref<128xf32, #tpu.memory_space<hbm>>
      tpu.enqueue_dma source(%dma_start3A_159 : memref<128xf32, #tpu.memory_space<hbm>>) target(%dma_start3A_158 : memref<128xf32, #tpu.memory_space<vmem>>) target_semaphore(%run_scoped3A : memref<!tpu.dma_semaphore, #tpu.memory_space<semaphore_mem>>)
      %dma_wait3A = arith.constant 128 : i32
      %dma_wait3A_160 = tpu.memref_slice %arg12[%dma_wait3A] : memref<512xf32, #tpu.memory_space<vmem>> -> memref<128xf32, #tpu.memory_space<vmem>>
      %dma_wait3A_161 = tpu.memref_slice %arg5[%add3A_68] : memref<12288xf32, #tpu.memory_space<hbm>> -> memref<128xf32, #tpu.memory_space<hbm>>
      %dma_wait3A_162 = arith.constant 128 : i32
      %dma_wait3A_163 = tpu.memref_slice %arg12[%dma_wait3A_162] : memref<512xf32, #tpu.memory_space<vmem>> -> memref<128xf32, #tpu.memory_space<vmem>>
      %dma_wait3A_164 = tpu.memref_slice %arg5[%add3A_68] : memref<12288xf32, #tpu.memory_space<hbm>> -> memref<128xf32, #tpu.memory_space<hbm>>
      tpu.wait_dma2 semaphore(%run_scoped3A : memref<!tpu.dma_semaphore, #tpu.memory_space<semaphore_mem>>) src(%dma_wait3A_164 : memref<128xf32, #tpu.memory_space<hbm>>) dst(%dma_wait3A_163 : memref<128xf32, #tpu.memory_space<vmem>>)
      tpu.yield
    }) : () -> ()
    %mul3A_69 = arith.constant 3 : i32
    %mul3A_70 = arith.muli %select_n3A, %mul3A_69 : i32
    %add3A_71 = arith.constant 2 : i32
    %add3A_72 = arith.addi %mul3A_70, %add3A_71 : i32
    %mul3A_73 = arith.constant 1024 : i32
    %mul3A_74 = arith.muli %add3A_72, %mul3A_73 : i32
    %add3A_75 = arith.addi %mul3A_74, %mul3A_32 : i32
    "tpu.region"() ({
      %run_scoped3A = tpu.sem_alloc : memref<!tpu.dma_semaphore, #tpu.memory_space<semaphore_mem>>
      %dma_start3A = arith.constant 256 : i32
      %dma_start3A_155 = tpu.memref_slice %arg12[%dma_start3A] : memref<512xf32, #tpu.memory_space<vmem>> -> memref<128xf32, #tpu.memory_space<vmem>>
      %dma_start3A_156 = tpu.memref_slice %arg5[%add3A_75] : memref<12288xf32, #tpu.memory_space<hbm>> -> memref<128xf32, #tpu.memory_space<hbm>>
      %dma_start3A_157 = arith.constant 256 : i32
      %dma_start3A_158 = tpu.memref_slice %arg12[%dma_start3A_157] : memref<512xf32, #tpu.memory_space<vmem>> -> memref<128xf32, #tpu.memory_space<vmem>>
      %dma_start3A_159 = tpu.memref_slice %arg5[%add3A_75] : memref<12288xf32, #tpu.memory_space<hbm>> -> memref<128xf32, #tpu.memory_space<hbm>>
      tpu.enqueue_dma source(%dma_start3A_159 : memref<128xf32, #tpu.memory_space<hbm>>) target(%dma_start3A_158 : memref<128xf32, #tpu.memory_space<vmem>>) target_semaphore(%run_scoped3A : memref<!tpu.dma_semaphore, #tpu.memory_space<semaphore_mem>>)
      %dma_wait3A = arith.constant 256 : i32
      %dma_wait3A_160 = tpu.memref_slice %arg12[%dma_wait3A] : memref<512xf32, #tpu.memory_space<vmem>> -> memref<128xf32, #tpu.memory_space<vmem>>
      %dma_wait3A_161 = tpu.memref_slice %arg5[%add3A_75] : memref<12288xf32, #tpu.memory_space<hbm>> -> memref<128xf32, #tpu.memory_space<hbm>>
      %dma_wait3A_162 = arith.constant 256 : i32
      %dma_wait3A_163 = tpu.memref_slice %arg12[%dma_wait3A_162] : memref<512xf32, #tpu.memory_space<vmem>> -> memref<128xf32, #tpu.memory_space<vmem>>
      %dma_wait3A_164 = tpu.memref_slice %arg5[%add3A_75] : memref<12288xf32, #tpu.memory_space<hbm>> -> memref<128xf32, #tpu.memory_space<hbm>>
      tpu.wait_dma2 semaphore(%run_scoped3A : memref<!tpu.dma_semaphore, #tpu.memory_space<semaphore_mem>>) src(%dma_wait3A_164 : memref<128xf32, #tpu.memory_space<hbm>>) dst(%dma_wait3A_163 : memref<128xf32, #tpu.memory_space<vmem>>)
      tpu.yield
    }) : () -> ()
    %broadcast_in_dim3A = arith.constant 0.000000e+00 : f32
    %broadcast_in_dim3A_76 = vector.broadcast %broadcast_in_dim3A : f32 to vector<16xf32>
    %swap3A = arith.constant 384 : index
    %swap3A_77 = tpu.vector_load %arg12[%swap3A] {strides = array<i32>} : memref<512xf32, #tpu.memory_space<vmem>>, vector<16xf32>,
    tpu.vector_store %arg12[%swap3A], %broadcast_in_dim3A_76 {strides = array<i32>} : memref<512xf32, #tpu.memory_space<vmem>>, vector<16xf32>,
    %broadcast_in_dim3A_78 = arith.constant 0.000000e+00 : f32
    %broadcast_in_dim3A_79 = vector.broadcast %broadcast_in_dim3A_78 : f32 to vector<16xf32>
    %swap3A_80 = arith.constant 400 : index
    %swap3A_81 = tpu.vector_load %arg12[%swap3A_80] {strides = array<i32>} : memref<512xf32, #tpu.memory_space<vmem>>, vector<16xf32>,
    tpu.vector_store %arg12[%swap3A_80], %broadcast_in_dim3A_79 {strides = array<i32>} : memref<512xf32, #tpu.memory_space<vmem>>, vector<16xf32>,
    %broadcast_in_dim3A_82 = arith.constant 0.000000e+00 : f32
    %broadcast_in_dim3A_83 = vector.broadcast %broadcast_in_dim3A_82 : f32 to vector<16xf32>
    %swap3A_84 = arith.constant 416 : index
    %swap3A_85 = tpu.vector_load %arg12[%swap3A_84] {strides = array<i32>} : memref<512xf32, #tpu.memory_space<vmem>>, vector<16xf32>,
    tpu.vector_store %arg12[%swap3A_84], %broadcast_in_dim3A_83 {strides = array<i32>} : memref<512xf32, #tpu.memory_space<vmem>>, vector<16xf32>,
    %broadcast_in_dim3A_86 = arith.constant 0.000000e+00 : f32
    %broadcast_in_dim3A_87 = vector.broadcast %broadcast_in_dim3A_86 : f32 to vector<16xf32>
    %swap3A_88 = arith.constant 432 : index
    %swap3A_89 = tpu.vector_load %arg12[%swap3A_88] {strides = array<i32>} : memref<512xf32, #tpu.memory_space<vmem>>, vector<16xf32>,
    tpu.vector_store %arg12[%swap3A_88], %broadcast_in_dim3A_87 {strides = array<i32>} : memref<512xf32, #tpu.memory_space<vmem>>, vector<16xf32>,
    %broadcast_in_dim3A_90 = arith.constant 0.000000e+00 : f32
    %broadcast_in_dim3A_91 = vector.broadcast %broadcast_in_dim3A_90 : f32 to vector<16xf32>
    %swap3A_92 = arith.constant 448 : index
    %swap3A_93 = tpu.vector_load %arg12[%swap3A_92] {strides = array<i32>} : memref<512xf32, #tpu.memory_space<vmem>>, vector<16xf32>,
    tpu.vector_store %arg12[%swap3A_92], %broadcast_in_dim3A_91 {strides = array<i32>} : memref<512xf32, #tpu.memory_space<vmem>>, vector<16xf32>,
    %broadcast_in_dim3A_94 = arith.constant 0.000000e+00 : f32
    %broadcast_in_dim3A_95 = vector.broadcast %broadcast_in_dim3A_94 : f32 to vector<16xf32>
    %swap3A_96 = arith.constant 464 : index
    %swap3A_97 = tpu.vector_load %arg12[%swap3A_96] {strides = array<i32>} : memref<512xf32, #tpu.memory_space<vmem>>, vector<16xf32>,
    tpu.vector_store %arg12[%swap3A_96], %broadcast_in_dim3A_95 {strides = array<i32>} : memref<512xf32, #tpu.memory_space<vmem>>, vector<16xf32>,
    %broadcast_in_dim3A_98 = arith.constant 0.000000e+00 : f32
    %broadcast_in_dim3A_99 = vector.broadcast %broadcast_in_dim3A_98 : f32 to vector<16xf32>
    %swap3A_100 = arith.constant 480 : index
    %swap3A_101 = tpu.vector_load %arg12[%swap3A_100] {strides = array<i32>} : memref<512xf32, #tpu.memory_space<vmem>>, vector<16xf32>,
    tpu.vector_store %arg12[%swap3A_100], %broadcast_in_dim3A_99 {strides = array<i32>} : memref<512xf32, #tpu.memory_space<vmem>>, vector<16xf32>,
    %broadcast_in_dim3A_102 = arith.constant 0.000000e+00 : f32
    %broadcast_in_dim3A_103 = vector.broadcast %broadcast_in_dim3A_102 : f32 to vector<16xf32>
    %swap3A_104 = arith.constant 496 : index
    %swap3A_105 = tpu.vector_load %arg12[%swap3A_104] {strides = array<i32>} : memref<512xf32, #tpu.memory_space<vmem>>, vector<16xf32>,
    tpu.vector_store %arg12[%swap3A_104], %broadcast_in_dim3A_103 {strides = array<i32>} : memref<512xf32, #tpu.memory_space<vmem>>, vector<16xf32>,
    %iota3A = tpu.iota {dimensions = array<i32: 0>} : vector<16xi32>
    %broadcast_in_dim3A_106 = arith.constant 0 : i32
    %broadcast_in_dim3A_107 = vector.broadcast %broadcast_in_dim3A_106 : i32 to vector<16xi32>
    %broadcast_in_dim3A_108 = arith.constant 0.000000e+00 : f32
    %broadcast_in_dim3A_109 = vector.broadcast %broadcast_in_dim3A_108 : f32 to vector<16xf32>
    %scan3A = arith.constant 0 : i32
    %scan3A_110 = arith.constant 128 : i32
    %scan3A_111 = arith.addi %scan3A, %scan3A_110 : i32
    %scan3A_112 = arith.constant 1 : i32
    %scan3A_113:14 = scf.for %scan3A_155 = %scan3A to %scan3A_111 step %scan3A_112 iter_args(%scan3A_156 = %broadcast_in_dim3A_109, %scan3A_157 = %broadcast_in_dim3A_109, %scan3A_158 = %broadcast_in_dim3A_109, %scan3A_159 = %broadcast_in_dim3A_109, %scan3A_160 = %broadcast_in_dim3A_109, %scan3A_161 = %broadcast_in_dim3A_109, %scan3A_162 = %broadcast_in_dim3A_109, %scan3A_163 = %broadcast_in_dim3A_109, %scan3A_164 = %broadcast_in_dim3A_109, %scan3A_165 = %broadcast_in_dim3A_109, %scan3A_166 = %broadcast_in_dim3A_109, %scan3A_167 = %broadcast_in_dim3A_109, %scan3A_168 = %broadcast_in_dim3A_109, %scan3A_169 = %broadcast_in_dim3A_109) -> (vector<16xf32>, vector<16xf32>, vector<16xf32>, vector<16xf32>, vector<16xf32>, vector<16xf32>, vector<16xf32>, vector<16xf32>, vector<16xf32>, vector<16xf32>, vector<16xf32>, vector<16xf32>, vector<16xf32>, vector<16xf32>)  : i32 {
      %broadcast_in_dim3A_170 = vector.broadcast %scan3A_155 : i32 to vector<16xi32>
      %add3A_171 = arith.constant 256 : i32
      %add3A_172 = vector.broadcast %add3A_171 : i32 to vector<16xi32>
      %add3A_173 = arith.addi %broadcast_in_dim3A_170, %add3A_172 : vector<16xi32>
      %gather3A = tpu.vector_load_idx %arg12[%add3A_173] : memref<512xf32, #tpu.memory_space<vmem>>[vector<16xi32>], vector<16xf32>,
      %swap3A_174 = arith.constant 0 : index
      %swap3A_175 = tpu.vector_load %arg13[%swap3A_174] {strides = array<i32>} : memref<64xi32, #tpu.memory_space<vmem>>, vector<16xi32>,
      tpu.vector_store %arg13[%swap3A_174], %broadcast_in_dim3A_107 {strides = array<i32>} : memref<64xi32, #tpu.memory_space<vmem>>, vector<16xi32>,
      %while3A = arith.constant 0 : i32
      %while3A_176 = arith.constant 0 : i32
      %while3A_177:2 = scf.while (%while3A_226 = %while3A, %while3A_227 = %while3A_176) : (i32, i32) -> (i32, i32) {
        %lt3A_228 = arith.constant 256 : i32
        %lt3A_229 = arith.cmpi slt, %while3A_226, %lt3A_228 : i32
        %lt3A_230 = arith.constant 32 : i32
        %lt3A_231 = arith.cmpi slt, %while3A_227, %lt3A_230 : i32
        %and3A_232 = arith.andi %lt3A_229, %lt3A_231 : i1
        scf.condition(%and3A_232) %while3A_226, %while3A_227 : i32, i32
      } do {
      ^bb0(%while3A_226: i32, %while3A_227: i32):
        %mul3A_228 = arith.constant 16 : i32
        %mul3A_229 = arith.muli %while3A_226, %mul3A_228 : i32
        %add3A_230 = arith.constant 8192 : i32
        %add3A_231 = arith.addi %add3A_230, %mul3A_229 : i32
        %get3A_232 = arith.index_cast %add3A_231 : i32 to index
        %get3A_233 = tpu.vector_load %arg10[%get3A_232] {strides = array<i32>} : memref<16384xf32, #tpu.memory_space<vmem>>, vector<16xf32>,
        %mul3A_234 = arith.constant 16 : i32
        %mul3A_235 = arith.muli %while3A_226, %mul3A_234 : i32
        %add3A_236 = arith.constant 8192 : i32
        %add3A_237 = arith.addi %add3A_236, %mul3A_235 : i32
        %add3A_238 = arith.constant 16 : i32
        %add3A_239 = arith.addi %add3A_237, %add3A_238 : i32
        %get3A_240 = arith.index_cast %add3A_239 : i32 to index
        %get3A_241 = tpu.vector_load %arg10[%get3A_240] {strides = array<i32>} : memref<16384xf32, #tpu.memory_space<vmem>>, vector<16xf32>,
        %sub3A_242 = arith.subf %get3A_233, %gather3A : vector<16xf32>
        %abs3A = math.absf %sub3A_242 : vector<16xf32>
        %lt3A_243 = arith.constant 2.000000e-01 : f32
        %lt3A_244 = vector.broadcast %lt3A_243 : f32 to vector<16xf32>
        %lt3A_245 = arith.cmpf olt, %abs3A, %lt3A_244 : vector<16xf32>
        %sub3A_246 = arith.subf %get3A_241, %gather3A : vector<16xf32>
        %abs3A_247 = math.absf %sub3A_246 : vector<16xf32>
        %lt3A_248 = arith.constant 2.000000e-01 : f32
        %lt3A_249 = vector.broadcast %lt3A_248 : f32 to vector<16xf32>
        %lt3A_250 = arith.cmpf olt, %abs3A_247, %lt3A_249 : vector<16xf32>
        %mul3A_251 = arith.constant 16 : i32
        %mul3A_252 = arith.muli %while3A_226, %mul3A_251 : i32
        %add3A_253 = vector.broadcast %mul3A_252 : i32 to vector<16xi32>
        %add3A_254 = arith.addi %iota3A, %add3A_253 : vector<16xi32>
        %swap3A_255 = arith.index_cast %while3A_227 : i32 to index
        %swap3A_256 = tpu.vector_load %arg13[%swap3A_255] masked %lt3A_245 {strides = array<i32>} : memref<64xi32, #tpu.memory_space<vmem>>, vector<16xi32>, vector<16xi1>
        tpu.vector_store %arg13[%swap3A_255], %add3A_254 masked %lt3A_245 {strides = array<i32>} : memref<64xi32, #tpu.memory_space<vmem>>, vector<16xi32>, vector<16xi1>
        %all_reduce_population_count3A = tpu.all_reduce %lt3A_245 {dim = 0 : i64, kind = #tpu.reduction_kind<sum>} : vector<16xi1> -> vector<16xi32>
        %reduce_max3A = arith.constant true
        %reduce_max3A_257 = vector.broadcast %reduce_max3A : i1 to vector<16xi1>
        %reduce_max3A_258 = arith.constant -2147483648 : i32
        %reduce_max3A_259 = vector.broadcast %reduce_max3A_258 : i32 to vector<16xi32>
        %reduce_max3A_260 = arith.xori %all_reduce_population_count3A, %reduce_max3A_259 : vector<16xi32>
        %reduce_max3A_261 = tpu.scan <max>, %reduce_max3A_260 masked %reduce_max3A_257 : vector<16xi32>, vector<16xi1> -> vector<16xi32>
        %reduce_max3A_262 = arith.xori %reduce_max3A_261, %reduce_max3A_259 : vector<16xi32>
        %reduce_max3A_263 = vector.extract %reduce_max3A_262[15] : i32 from vector<16xi32>
        %add3A_264 = arith.addi %while3A_227, %reduce_max3A_263 : i32
        %mul3A_265 = arith.constant 16 : i32
        %mul3A_266 = arith.muli %while3A_226, %mul3A_265 : i32
        %add3A_267 = arith.constant 16 : i32
        %add3A_268 = arith.addi %mul3A_266, %add3A_267 : i32
        %add3A_269 = vector.broadcast %add3A_268 : i32 to vector<16xi32>
        %add3A_270 = arith.addi %iota3A, %add3A_269 : vector<16xi32>
        %swap3A_271 = arith.index_cast %add3A_264 : i32 to index
        %swap3A_272 = tpu.vector_load %arg13[%swap3A_271] masked %lt3A_250 {strides = array<i32>} : memref<64xi32, #tpu.memory_space<vmem>>, vector<16xi32>, vector<16xi1>
        tpu.vector_store %arg13[%swap3A_271], %add3A_270 masked %lt3A_250 {strides = array<i32>} : memref<64xi32, #tpu.memory_space<vmem>>, vector<16xi32>, vector<16xi1>
        %all_reduce_population_count3A_273 = tpu.all_reduce %lt3A_250 {dim = 0 : i64, kind = #tpu.reduction_kind<sum>} : vector<16xi1> -> vector<16xi32>
        %reduce_max3A_274 = arith.constant true
        %reduce_max3A_275 = vector.broadcast %reduce_max3A_274 : i1 to vector<16xi1>
        %reduce_max3A_276 = arith.constant -2147483648 : i32
        %reduce_max3A_277 = vector.broadcast %reduce_max3A_276 : i32 to vector<16xi32>
        %reduce_max3A_278 = arith.xori %all_reduce_population_count3A_273, %reduce_max3A_277 : vector<16xi32>
        %reduce_max3A_279 = tpu.scan <max>, %reduce_max3A_278 masked %reduce_max3A_275 : vector<16xi32>, vector<16xi1> -> vector<16xi32>
        %reduce_max3A_280 = arith.xori %reduce_max3A_279, %reduce_max3A_277 : vector<16xi32>
        %reduce_max3A_281 = vector.extract %reduce_max3A_280[15] : i32 from vector<16xi32>
        %add3A_282 = arith.addi %add3A_264, %reduce_max3A_281 : i32
        %add3A_283 = arith.constant 2 : i32
        %add3A_284 = arith.addi %while3A_226, %add3A_283 : i32
        scf.yield %add3A_284, %add3A_282 : i32, i32
      }
      %get3A = arith.constant 0 : index
      %get3A_178 = tpu.vector_load %arg13[%get3A] {strides = array<i32>} : memref<64xi32, #tpu.memory_space<vmem>>, vector<16xi32>,
      %eq3A_179 = arith.constant 0 : i32
      %eq3A_180 = vector.broadcast %eq3A_179 : i32 to vector<16xi32>
      %eq3A_181 = arith.cmpi eq, %iota3A, %eq3A_180 : vector<16xi32>
      %jit3A_182 = arith.constant 8192 : i32
      %broadcast_in_dim3A_183 = vector.broadcast %jit3A_182 : i32 to vector<16xi32>
      %select_n3A_184 = arith.select %eq3A_181, %get3A_178, %broadcast_in_dim3A_183 : vector<16xi1>, vector<16xi32>
      %reduce_min3A = arith.constant true
      %reduce_min3A_185 = vector.broadcast %reduce_min3A : i1 to vector<16xi1>
      %reduce_min3A_186 = arith.constant -2147483648 : i32
      %reduce_min3A_187 = vector.broadcast %reduce_min3A_186 : i32 to vector<16xi32>
      %reduce_min3A_188 = arith.xori %select_n3A_184, %reduce_min3A_187 : vector<16xi32>
      %reduce_min3A_189 = tpu.scan <min>, %reduce_min3A_188 masked %reduce_min3A_185 : vector<16xi32>, vector<16xi1> -> vector<16xi32>
      %reduce_min3A_190 = arith.xori %reduce_min3A_189, %reduce_min3A_187 : vector<16xi32>
      %reduce_min3A_191 = vector.extract %reduce_min3A_190[15] : i32 from vector<16xi32>
      %broadcast_in_dim3A_192 = arith.constant 0 : i32
      %broadcast_in_dim3A_193 = vector.broadcast %broadcast_in_dim3A_192 : i32 to vector<16xi32>
      %add3A_194 = vector.broadcast %reduce_min3A_191 : i32 to vector<16xi32>
      %add3A_195 = arith.addi %broadcast_in_dim3A_193, %add3A_194 : vector<16xi32>
      %add3A_196 = arith.constant 0 : i32
      %add3A_197 = vector.broadcast %add3A_196 : i32 to vector<16xi32>
      %add3A_198 = arith.addi %broadcast_in_dim3A_170, %add3A_197 : vector<16xi32>
      %gather3A_199 = tpu.vector_load_idx %arg12[%add3A_198] : memref<512xf32, #tpu.memory_space<vmem>>[vector<16xi32>], vector<16xf32>,
      %add3A_200 = arith.constant 128 : i32
      %add3A_201 = vector.broadcast %add3A_200 : i32 to vector<16xi32>
      %add3A_202 = arith.addi %broadcast_in_dim3A_170, %add3A_201 : vector<16xi32>
      %gather3A_203 = tpu.vector_load_idx %arg12[%add3A_202] : memref<512xf32, #tpu.memory_space<vmem>>[vector<16xi32>], vector<16xf32>,
      %add3A_204 = arith.constant 256 : i32
      %add3A_205 = vector.broadcast %add3A_204 : i32 to vector<16xi32>
      %add3A_206 = arith.addi %broadcast_in_dim3A_170, %add3A_205 : vector<16xi32>
      %gather3A_207 = tpu.vector_load_idx %arg12[%add3A_206] : memref<512xf32, #tpu.memory_space<vmem>>[vector<16xi32>], vector<16xf32>,
      %add3A_208 = arith.constant 384 : i32
      %add3A_209 = vector.broadcast %add3A_208 : i32 to vector<16xi32>
      %add3A_210 = arith.addi %broadcast_in_dim3A_170, %add3A_209 : vector<16xi32>
      %gather3A_211 = tpu.vector_load_idx %arg12[%add3A_210] : memref<512xf32, #tpu.memory_space<vmem>>[vector<16xi32>], vector<16xf32>,
      %gt3A = arith.constant 0 : i32
      %gt3A_212 = arith.cmpi sgt, %while3A_177#1, %gt3A : i32
      %jit3A_213 = arith.constant 1.000000e+00 : f32
      %jit3A_214 = arith.constant 0.000000e+00 : f32
      %select_n3A_215 = arith.select %gt3A_212, %jit3A_213, %jit3A_214 : f32
      %broadcast_in_dim3A_216 = arith.constant 0.000000e+00 : f32
      %broadcast_in_dim3A_217 = vector.broadcast %broadcast_in_dim3A_216 : f32 to vector<16xf32>
      %add3A_218 = vector.broadcast %select_n3A_215 : f32 to vector<16xf32>
      %add3A_219 = arith.addf %broadcast_in_dim3A_217, %add3A_218 : vector<16xf32>
      %scan3A_220 = arith.constant 0 : i32
      %scan3A_221 = arith.constant 2 : i32
      %scan3A_222 = arith.addi %scan3A_220, %scan3A_221 : i32
      %scan3A_223 = arith.constant 1 : i32
      %scan3A_224:14 = scf.for %scan3A_226 = %scan3A_220 to %scan3A_222 step %scan3A_223 iter_args(%scan3A_227 = %scan3A_156, %scan3A_228 = %scan3A_157, %scan3A_229 = %scan3A_158, %scan3A_230 = %scan3A_159, %scan3A_231 = %scan3A_160, %scan3A_232 = %scan3A_161, %scan3A_233 = %scan3A_162, %scan3A_234 = %scan3A_163, %scan3A_235 = %scan3A_164, %scan3A_236 = %scan3A_165, %scan3A_237 = %scan3A_166, %scan3A_238 = %scan3A_167, %scan3A_239 = %scan3A_168, %scan3A_240 = %scan3A_169) -> (vector<16xf32>, vector<16xf32>, vector<16xf32>, vector<16xf32>, vector<16xf32>, vector<16xf32>, vector<16xf32>, vector<16xf32>, vector<16xf32>, vector<16xf32>, vector<16xf32>, vector<16xf32>, vector<16xf32>, vector<16xf32>)  : i32 {
        %mul3A_241 = arith.constant 16 : i32
        %mul3A_242 = arith.muli %scan3A_226, %mul3A_241 : i32
        %get3A_243 = arith.index_cast %mul3A_242 : i32 to index
        %get3A_244 = tpu.vector_load %arg13[%get3A_243] {strides = array<i32>} : memref<64xi32, #tpu.memory_space<vmem>>, vector<16xi32>,
        %add3A_245 = vector.broadcast %mul3A_242 : i32 to vector<16xi32>
        %add3A_246 = arith.addi %iota3A, %add3A_245 : vector<16xi32>
        %lt3A_247 = vector.broadcast %while3A_177#1 : i32 to vector<16xi32>
        %lt3A_248 = arith.cmpi slt, %add3A_246, %lt3A_247 : vector<16xi32>
        %select_n3A_249 = arith.select %lt3A_248, %get3A_244, %add3A_195 : vector<16xi1>, vector<16xi32>
        %broadcast_in_dim3A_250 = vector.broadcast %scan3A_155 : i32 to vector<16xi32>
        %add3A_251 = arith.constant 0 : i32
        %add3A_252 = vector.broadcast %add3A_251 : i32 to vector<16xi32>
        %add3A_253 = arith.addi %select_n3A_249, %add3A_252 : vector<16xi32>
        %gather3A_254 = tpu.vector_load_idx %arg10[%add3A_253] : memref<16384xf32, #tpu.memory_space<vmem>>[vector<16xi32>], vector<16xf32>,
        %sub3A_255 = arith.subf %gather3A_254, %gather3A_199 : vector<16xf32>
        %add3A_256 = arith.constant 0 : i32
        %add3A_257 = vector.broadcast %add3A_256 : i32 to vector<16xi32>
        %add3A_258 = arith.addi %add3A_246, %add3A_257 : vector<16xi32>
        tpu.vector_store_idx %arg14[%add3A_258, %broadcast_in_dim3A_250], %sub3A_255 : memref<128x128xf32, #tpu.memory_space<vmem>>[vector<16xi32>, vector<16xi32>], vector<16xf32>,
        %add3A_259 = arith.constant 4096 : i32
        %add3A_260 = vector.broadcast %add3A_259 : i32 to vector<16xi32>
        %add3A_261 = arith.addi %select_n3A_249, %add3A_260 : vector<16xi32>
        %gather3A_262 = tpu.vector_load_idx %arg10[%add3A_261] : memref<16384xf32, #tpu.memory_space<vmem>>[vector<16xi32>], vector<16xf32>,
        %sub3A_263 = arith.subf %gather3A_262, %gather3A_203 : vector<16xf32>
        %add3A_264 = arith.constant 32 : i32
        %add3A_265 = vector.broadcast %add3A_264 : i32 to vector<16xi32>
        %add3A_266 = arith.addi %add3A_246, %add3A_265 : vector<16xi32>
        tpu.vector_store_idx %arg14[%add3A_266, %broadcast_in_dim3A_250], %sub3A_263 : memref<128x128xf32, #tpu.memory_space<vmem>>[vector<16xi32>, vector<16xi32>], vector<16xf32>,
        %add3A_267 = arith.constant 8192 : i32
        %add3A_268 = vector.broadcast %add3A_267 : i32 to vector<16xi32>
        %add3A_269 = arith.addi %select_n3A_249, %add3A_268 : vector<16xi32>
        %gather3A_270 = tpu.vector_load_idx %arg10[%add3A_269] : memref<16384xf32, #tpu.memory_space<vmem>>[vector<16xi32>], vector<16xf32>,
        %sub3A_271 = arith.subf %gather3A_270, %gather3A_207 : vector<16xf32>
        %add3A_272 = arith.constant 64 : i32
        %add3A_273 = vector.broadcast %add3A_272 : i32 to vector<16xi32>
        %add3A_274 = arith.addi %add3A_246, %add3A_273 : vector<16xi32>
        tpu.vector_store_idx %arg14[%add3A_274, %broadcast_in_dim3A_250], %sub3A_271 : memref<128x128xf32, #tpu.memory_space<vmem>>[vector<16xi32>, vector<16xi32>], vector<16xf32>,
        %add3A_275 = arith.constant 12288 : i32
        %add3A_276 = vector.broadcast %add3A_275 : i32 to vector<16xi32>
        %add3A_277 = arith.addi %select_n3A_249, %add3A_276 : vector<16xi32>
        %gather3A_278 = tpu.vector_load_idx %arg10[%add3A_277] : memref<16384xf32, #tpu.memory_space<vmem>>[vector<16xi32>], vector<16xf32>,
        %sub3A_279 = arith.subf %gather3A_278, %gather3A_211 : vector<16xf32>
        %add3A_280 = arith.constant 96 : i32
        %add3A_281 = vector.broadcast %add3A_280 : i32 to vector<16xi32>
        %add3A_282 = arith.addi %add3A_246, %add3A_281 : vector<16xi32>
        tpu.vector_store_idx %arg14[%add3A_282, %broadcast_in_dim3A_250], %sub3A_279 : memref<128x128xf32, #tpu.memory_space<vmem>>[vector<16xi32>, vector<16xi32>], vector<16xf32>,
        %gather3A_283 = tpu.vector_load_idx %arg11[%select_n3A_249] : memref<4096xi32, #tpu.memory_space<vmem>>[vector<16xi32>], vector<16xi32>,
        %jit3A_284 = arith.constant 29952 : i32
        %broadcast_in_dim3A_285 = vector.broadcast %jit3A_284 : i32 to vector<16xi32>
        %select_n3A_286 = arith.select %gt3A_212, %gather3A_283, %broadcast_in_dim3A_285 : vector<16xi32>
        tpu.vector_store_idx %arg15[%add3A_246, %broadcast_in_dim3A_250], %select_n3A_286 : memref<32x128xi32, #tpu.memory_space<vmem>>[vector<16xi32>, vector<16xi32>], vector<16xi32>,
        tpu.vector_store_idx %arg16[%add3A_246, %broadcast_in_dim3A_250], %add3A_219 : memref<32x128xf32, #tpu.memory_space<vmem>>[vector<16xi32>, vector<16xi32>], vector<16xf32>,
        %add3A_287 = arith.addf %scan3A_227, %sub3A_255 : vector<16xf32>
        %add3A_288 = arith.addf %scan3A_228, %sub3A_263 : vector<16xf32>
        %add3A_289 = arith.addf %scan3A_229, %sub3A_271 : vector<16xf32>
        %add3A_290 = arith.addf %scan3A_230, %sub3A_279 : vector<16xf32>
        %mul3A_291 = arith.mulf %sub3A_255, %sub3A_255 : vector<16xf32>
        %add3A_292 = arith.addf %scan3A_231, %mul3A_291 : vector<16xf32>
        %mul3A_293 = arith.mulf %sub3A_255, %sub3A_263 : vector<16xf32>
        %add3A_294 = arith.addf %scan3A_232, %mul3A_293 : vector<16xf32>
        %mul3A_295 = arith.mulf %sub3A_255, %sub3A_271 : vector<16xf32>
        %add3A_296 = arith.addf %scan3A_233, %mul3A_295 : vector<16xf32>
        %mul3A_297 = arith.mulf %sub3A_255, %sub3A_279 : vector<16xf32>
        %add3A_298 = arith.addf %scan3A_234, %mul3A_297 : vector<16xf32>
        %mul3A_299 = arith.mulf %sub3A_263, %sub3A_263 : vector<16xf32>
        %add3A_300 = arith.addf %scan3A_235, %mul3A_299 : vector<16xf32>
        %mul3A_301 = arith.mulf %sub3A_263, %sub3A_271 : vector<16xf32>
        %add3A_302 = arith.addf %scan3A_236, %mul3A_301 : vector<16xf32>
        %mul3A_303 = arith.mulf %sub3A_263, %sub3A_279 : vector<16xf32>
        %add3A_304 = arith.addf %scan3A_237, %mul3A_303 : vector<16xf32>
        %mul3A_305 = arith.mulf %sub3A_271, %sub3A_271 : vector<16xf32>
        %add3A_306 = arith.addf %scan3A_238, %mul3A_305 : vector<16xf32>
        %mul3A_307 = arith.mulf %sub3A_271, %sub3A_279 : vector<16xf32>
        %add3A_308 = arith.addf %scan3A_239, %mul3A_307 : vector<16xf32>
        %mul3A_309 = arith.mulf %sub3A_279, %sub3A_279 : vector<16xf32>
        %add3A_310 = arith.addf %scan3A_240, %mul3A_309 : vector<16xf32>
        scf.yield %add3A_287, %add3A_288, %add3A_289, %add3A_290, %add3A_292, %add3A_294, %add3A_296, %add3A_298, %add3A_300, %add3A_302, %add3A_304, %add3A_306, %add3A_308, %add3A_310 : vector<16xf32>, vector<16xf32>, vector<16xf32>, vector<16xf32>, vector<16xf32>, vector<16xf32>, vector<16xf32>, vector<16xf32>, vector<16xf32>, vector<16xf32>, vector<16xf32>, vector<16xf32>, vector<16xf32>, vector<16xf32>
      }
      %scan3A_225 = arith.constant 2 : i32
      scf.yield %scan3A_224#0, %scan3A_224#1, %scan3A_224#2, %scan3A_224#3, %scan3A_224#4, %scan3A_224#5, %scan3A_224#6, %scan3A_224#7, %scan3A_224#8, %scan3A_224#9, %scan3A_224#10, %scan3A_224#11, %scan3A_224#12, %scan3A_224#13 : vector<16xf32>, vector<16xf32>, vector<16xf32>, vector<16xf32>, vector<16xf32>, vector<16xf32>, vector<16xf32>, vector<16xf32>, vector<16xf32>, vector<16xf32>, vector<16xf32>, vector<16xf32>, vector<16xf32>, vector<16xf32>
    }
    %scan3A_114 = arith.constant 128 : i32
    %swap3A_115 = arith.constant 0 : index
    %swap3A_116 = tpu.vector_load %arg17[%swap3A_115] {strides = array<i32>} : memref<224xf32, #tpu.memory_space<vmem>>, vector<16xf32>,
    tpu.vector_store %arg17[%swap3A_115], %scan3A_113#0 {strides = array<i32>} : memref<224xf32, #tpu.memory_space<vmem>>, vector<16xf32>,
    %swap3A_117 = arith.constant 16 : index
    %swap3A_118 = tpu.vector_load %arg17[%swap3A_117] {strides = array<i32>} : memref<224xf32, #tpu.memory_space<vmem>>, vector<16xf32>,
    tpu.vector_store %arg17[%swap3A_117], %scan3A_113#1 {strides = array<i32>} : memref<224xf32, #tpu.memory_space<vmem>>, vector<16xf32>,
    %swap3A_119 = arith.constant 32 : index
    %swap3A_120 = tpu.vector_load %arg17[%swap3A_119] {strides = array<i32>} : memref<224xf32, #tpu.memory_space<vmem>>, vector<16xf32>,
    tpu.vector_store %arg17[%swap3A_119], %scan3A_113#2 {strides = array<i32>} : memref<224xf32, #tpu.memory_space<vmem>>, vector<16xf32>,
    %swap3A_121 = arith.constant 48 : index
    %swap3A_122 = tpu.vector_load %arg17[%swap3A_121] {strides = array<i32>} : memref<224xf32, #tpu.memory_space<vmem>>, vector<16xf32>,
    tpu.vector_store %arg17[%swap3A_121], %scan3A_113#3 {strides = array<i32>} : memref<224xf32, #tpu.memory_space<vmem>>, vector<16xf32>,
    %swap3A_123 = arith.constant 64 : index
    %swap3A_124 = tpu.vector_load %arg17[%swap3A_123] {strides = array<i32>} : memref<224xf32, #tpu.memory_space<vmem>>, vector<16xf32>,
    tpu.vector_store %arg17[%swap3A_123], %scan3A_113#4 {strides = array<i32>} : memref<224xf32, #tpu.memory_space<vmem>>, vector<16xf32>,
    %swap3A_125 = arith.constant 80 : index
    %swap3A_126 = tpu.vector_load %arg17[%swap3A_125] {strides = array<i32>} : memref<224xf32, #tpu.memory_space<vmem>>, vector<16xf32>,
    tpu.vector_store %arg17[%swap3A_125], %scan3A_113#5 {strides = array<i32>} : memref<224xf32, #tpu.memory_space<vmem>>, vector<16xf32>,
    %swap3A_127 = arith.constant 96 : index
    %swap3A_128 = tpu.vector_load %arg17[%swap3A_127] {strides = array<i32>} : memref<224xf32, #tpu.memory_space<vmem>>, vector<16xf32>,
    tpu.vector_store %arg17[%swap3A_127], %scan3A_113#6 {strides = array<i32>} : memref<224xf32, #tpu.memory_space<vmem>>, vector<16xf32>,
    %swap3A_129 = arith.constant 112 : index
    %swap3A_130 = tpu.vector_load %arg17[%swap3A_129] {strides = array<i32>} : memref<224xf32, #tpu.memory_space<vmem>>, vector<16xf32>,
    tpu.vector_store %arg17[%swap3A_129], %scan3A_113#7 {strides = array<i32>} : memref<224xf32, #tpu.memory_space<vmem>>, vector<16xf32>,
    %swap3A_131 = arith.constant 128 : index
    %swap3A_132 = tpu.vector_load %arg17[%swap3A_131] {strides = array<i32>} : memref<224xf32, #tpu.memory_space<vmem>>, vector<16xf32>,
    tpu.vector_store %arg17[%swap3A_131], %scan3A_113#8 {strides = array<i32>} : memref<224xf32, #tpu.memory_space<vmem>>, vector<16xf32>,
    %swap3A_133 = arith.constant 144 : index
    %swap3A_134 = tpu.vector_load %arg17[%swap3A_133] {strides = array<i32>} : memref<224xf32, #tpu.memory_space<vmem>>, vector<16xf32>,
    tpu.vector_store %arg17[%swap3A_133], %scan3A_113#9 {strides = array<i32>} : memref<224xf32, #tpu.memory_space<vmem>>, vector<16xf32>,
    %swap3A_135 = arith.constant 160 : index
    %swap3A_136 = tpu.vector_load %arg17[%swap3A_135] {strides = array<i32>} : memref<224xf32, #tpu.memory_space<vmem>>, vector<16xf32>,
    tpu.vector_store %arg17[%swap3A_135], %scan3A_113#10 {strides = array<i32>} : memref<224xf32, #tpu.memory_space<vmem>>, vector<16xf32>,
    %swap3A_137 = arith.constant 176 : index
    %swap3A_138 = tpu.vector_load %arg17[%swap3A_137] {strides = array<i32>} : memref<224xf32, #tpu.memory_space<vmem>>, vector<16xf32>,
    tpu.vector_store %arg17[%swap3A_137], %scan3A_113#11 {strides = array<i32>} : memref<224xf32, #tpu.memory_space<vmem>>, vector<16xf32>,
    %swap3A_139 = arith.constant 192 : index
    %swap3A_140 = tpu.vector_load %arg17[%swap3A_139] {strides = array<i32>} : memref<224xf32, #tpu.memory_space<vmem>>, vector<16xf32>,
    tpu.vector_store %arg17[%swap3A_139], %scan3A_113#12 {strides = array<i32>} : memref<224xf32, #tpu.memory_space<vmem>>, vector<16xf32>,
    %swap3A_141 = arith.constant 208 : index
    %swap3A_142 = tpu.vector_load %arg17[%swap3A_141] {strides = array<i32>} : memref<224xf32, #tpu.memory_space<vmem>>, vector<16xf32>,
    tpu.vector_store %arg17[%swap3A_141], %scan3A_113#13 {strides = array<i32>} : memref<224xf32, #tpu.memory_space<vmem>>, vector<16xf32>,
    %mul3A_143 = arith.constant 4 : i32
    %mul3A_144 = arith.muli %select_n3A, %mul3A_143 : i32
    %mul3A_145 = arith.constant 32 : i32
    %mul3A_146 = arith.muli %mul3A_144, %mul3A_145 : i32
    "tpu.region"() ({
      %run_scoped3A = tpu.sem_alloc : memref<!tpu.dma_semaphore, #tpu.memory_space<semaphore_mem>>
      %dma_start3A = tpu.memref_slice %arg6[%mul3A_146, %mul3A_32] : memref<512x1024xf32, #tpu.memory_space<hbm>> -> memref<128x128xf32, #tpu.memory_space<hbm>>
      %dma_start3A_155 = tpu.memref_slice %arg6[%mul3A_146, %mul3A_32] : memref<512x1024xf32, #tpu.memory_space<hbm>> -> memref<128x128xf32, #tpu.memory_space<hbm>>
      tpu.enqueue_dma source(%arg14 : memref<128x128xf32, #tpu.memory_space<vmem>>) target(%dma_start3A_155 : memref<128x128xf32, #tpu.memory_space<hbm>>) target_semaphore(%run_scoped3A : memref<!tpu.dma_semaphore, #tpu.memory_space<semaphore_mem>>)
      %dma_wait3A = tpu.memref_slice %arg6[%mul3A_146, %mul3A_32] : memref<512x1024xf32, #tpu.memory_space<hbm>> -> memref<128x128xf32, #tpu.memory_space<hbm>>
      %dma_wait3A_156 = tpu.memref_slice %arg6[%mul3A_146, %mul3A_32] : memref<512x1024xf32, #tpu.memory_space<hbm>> -> memref<128x128xf32, #tpu.memory_space<hbm>>
      tpu.wait_dma2 semaphore(%run_scoped3A : memref<!tpu.dma_semaphore, #tpu.memory_space<semaphore_mem>>) src(%arg14 : memref<128x128xf32, #tpu.memory_space<vmem>>) dst(%dma_wait3A_156 : memref<128x128xf32, #tpu.memory_space<hbm>>)
      tpu.yield
    }) : () -> ()
    %mul3A_147 = arith.constant 32 : i32
    %mul3A_148 = arith.muli %select_n3A, %mul3A_147 : i32
    "tpu.region"() ({
      %run_scoped3A = tpu.sem_alloc : memref<!tpu.dma_semaphore, #tpu.memory_space<semaphore_mem>>
      %dma_start3A = tpu.memref_slice %arg7[%mul3A_148, %mul3A_32] : memref<128x1024xi32, #tpu.memory_space<hbm>> -> memref<32x128xi32, #tpu.memory_space<hbm>>
      %dma_start3A_155 = tpu.memref_slice %arg7[%mul3A_148, %mul3A_32] : memref<128x1024xi32, #tpu.memory_space<hbm>> -> memref<32x128xi32, #tpu.memory_space<hbm>>
      tpu.enqueue_dma source(%arg15 : memref<32x128xi32, #tpu.memory_space<vmem>>) target(%dma_start3A_155 : memref<32x128xi32, #tpu.memory_space<hbm>>) target_semaphore(%run_scoped3A : memref<!tpu.dma_semaphore, #tpu.memory_space<semaphore_mem>>)
      %dma_wait3A = tpu.memref_slice %arg7[%mul3A_148, %mul3A_32] : memref<128x1024xi32, #tpu.memory_space<hbm>> -> memref<32x128xi32, #tpu.memory_space<hbm>>
      %dma_wait3A_156 = tpu.memref_slice %arg7[%mul3A_148, %mul3A_32] : memref<128x1024xi32, #tpu.memory_space<hbm>> -> memref<32x128xi32, #tpu.memory_space<hbm>>
      tpu.wait_dma2 semaphore(%run_scoped3A : memref<!tpu.dma_semaphore, #tpu.memory_space<semaphore_mem>>) src(%arg15 : memref<32x128xi32, #tpu.memory_space<vmem>>) dst(%dma_wait3A_156 : memref<32x128xi32, #tpu.memory_space<hbm>>)
      tpu.yield
    }) : () -> ()
    %mul3A_149 = arith.constant 32 : i32
    %mul3A_150 = arith.muli %select_n3A, %mul3A_149 : i32
    "tpu.region"() ({
      %run_scoped3A = tpu.sem_alloc : memref<!tpu.dma_semaphore, #tpu.memory_space<semaphore_mem>>
      %dma_start3A = tpu.memref_slice %arg8[%mul3A_150, %mul3A_32] : memref<128x1024xf32, #tpu.memory_space<hbm>> -> memref<32x128xf32, #tpu.memory_space<hbm>>
      %dma_start3A_155 = tpu.memref_slice %arg8[%mul3A_150, %mul3A_32] : memref<128x1024xf32, #tpu.memory_space<hbm>> -> memref<32x128xf32, #tpu.memory_space<hbm>>
      tpu.enqueue_dma source(%arg16 : memref<32x128xf32, #tpu.memory_space<vmem>>) target(%dma_start3A_155 : memref<32x128xf32, #tpu.memory_space<hbm>>) target_semaphore(%run_scoped3A : memref<!tpu.dma_semaphore, #tpu.memory_space<semaphore_mem>>)
      %dma_wait3A = tpu.memref_slice %arg8[%mul3A_150, %mul3A_32] : memref<128x1024xf32, #tpu.memory_space<hbm>> -> memref<32x128xf32, #tpu.memory_space<hbm>>
      %dma_wait3A_156 = tpu.memref_slice %arg8[%mul3A_150, %mul3A_32] : memref<128x1024xf32, #tpu.memory_space<hbm>> -> memref<32x128xf32, #tpu.memory_space<hbm>>
      tpu.wait_dma2 semaphore(%run_scoped3A : memref<!tpu.dma_semaphore, #tpu.memory_space<semaphore_mem>>) src(%arg16 : memref<32x128xf32, #tpu.memory_space<vmem>>) dst(%dma_wait3A_156 : memref<32x128xf32, #tpu.memory_space<hbm>>)
      tpu.yield
    }) : () -> ()
    %mul3A_151 = arith.constant 14 : i32
    %mul3A_152 = arith.muli %add3A, %mul3A_151 : i32
    %mul3A_153 = arith.constant 16 : i32
    %mul3A_154 = arith.muli %mul3A_152, %mul3A_153 : i32
    "tpu.region"() ({
      %run_scoped3A = tpu.sem_alloc : memref<!tpu.dma_semaphore, #tpu.memory_space<semaphore_mem>>
      %dma_start3A = tpu.memref_slice %arg9[%mul3A_154] : memref<7168xf32, #tpu.memory_space<hbm>> -> memref<224xf32, #tpu.memory_space<hbm>>
      %dma_start3A_155 = tpu.memref_slice %arg9[%mul3A_154] : memref<7168xf32, #tpu.memory_space<hbm>> -> memref<224xf32, #tpu.memory_space<hbm>>
      tpu.enqueue_dma source(%arg17 : memref<224xf32, #tpu.memory_space<vmem>>) target(%dma_start3A_155 : memref<224xf32, #tpu.memory_space<hbm>>) target_semaphore(%run_scoped3A : memref<!tpu.dma_semaphore, #tpu.memory_space<semaphore_mem>>)
      %dma_wait3A = tpu.memref_slice %arg9[%mul3A_154] : memref<7168xf32, #tpu.memory_space<hbm>> -> memref<224xf32, #tpu.memory_space<hbm>>
      %dma_wait3A_156 = tpu.memref_slice %arg9[%mul3A_154] : memref<7168xf32, #tpu.memory_space<hbm>> -> memref<224xf32, #tpu.memory_space<hbm>>
      tpu.wait_dma2 semaphore(%run_scoped3A : memref<!tpu.dma_semaphore, #tpu.memory_space<semaphore_mem>>) src(%arg17 : memref<224xf32, #tpu.memory_space<vmem>>) dst(%dma_wait3A_156 : memref<224xf32, #tpu.memory_space<hbm>>)
      tpu.yield
    }) : () -> ()
    return
  }
}

#map = affine_map<(d0, d1) -> (0)>
module attributes {stable_mosaic.version = 14 : i64} {
  func.func @_phase2_body(%arg0: i32, %arg1: i32, %arg2: memref<3833856xf32, #tpu.memory_space<hbm>>, %arg3: memref<7667712xf32, #tpu.memory_space<hbm>>, %arg4: memref<131072xi32, #tpu.memory_space<hbm>>, %arg5: memref<4194304xf32, #tpu.memory_space<hbm>>, %arg6: memref<8388608xf32, #tpu.memory_space<hbm>>, %arg7: memref<32768xi32, #tpu.memory_space<vmem>>, %arg8: memref<59936xf32, #tpu.memory_space<vmem>>, %arg9: memref<32768xf32, #tpu.memory_space<vmem>>) attributes {dimension_semantics = [#tpu.dimension_semantics<core_parallel>, #tpu.dimension_semantics<subcore_parallel>], iteration_bounds = array<i64: 2, 16>, scalar_prefetch = 0 : i64, scratch_operands = 3 : i64, tpu.core_type = #tpu.core_type<sc_vector_subcore>, window_params = [{transform_indices = #map}, {transform_indices = #map}, {transform_indices = #map}, {transform_indices = #map}, {transform_indices = #map}]} {
    %mul3A = arith.constant 16 : i32
    %mul3A_0 = arith.muli %arg0, %mul3A : i32
    %add3A = arith.addi %mul3A_0, %arg1 : i32
    %jit3A = arith.constant 8 : i32
    %div3A = arith.divsi %add3A, %jit3A : i32
    %sign3A = arith.constant 0 : i32
    %sign3A_1 = arith.cmpi sgt, %add3A, %sign3A : i32
    %sign3A_2 = arith.extui %sign3A_1 : i1 to i32
    %sign3A_3 = arith.constant 0 : i32
    %sign3A_4 = arith.cmpi slt, %add3A, %sign3A_3 : i32
    %sign3A_5 = arith.extui %sign3A_4 : i1 to i32
    %sign3A_6 = arith.subi %sign3A_2, %sign3A_5 : i32
    %sign3A_7 = arith.constant 0 : i32
    %sign3A_8 = arith.cmpi sgt, %jit3A, %sign3A_7 : i32
    %sign3A_9 = arith.extui %sign3A_8 : i1 to i32
    %sign3A_10 = arith.constant 0 : i32
    %sign3A_11 = arith.cmpi slt, %jit3A, %sign3A_10 : i32
    %sign3A_12 = arith.extui %sign3A_11 : i1 to i32
    %sign3A_13 = arith.subi %sign3A_9, %sign3A_12 : i32
    %ne3A = arith.cmpi ne, %sign3A_6, %sign3A_13 : i32
    %rem3A = arith.remsi %add3A, %jit3A : i32
    %ne3A_14 = arith.constant 0 : i32
    %ne3A_15 = arith.cmpi ne, %rem3A, %ne3A_14 : i32
    %and3A = arith.andi %ne3A, %ne3A_15 : i1
    %sub3A = arith.constant 1 : i32
    %sub3A_16 = arith.subi %div3A, %sub3A : i32
    %select_n3A = arith.select %and3A, %sub3A_16, %div3A : i32
    %jit3A_17 = arith.constant 8 : i32
    %eq3A = arith.constant 0 : i32
    %eq3A_18 = arith.cmpi eq, %jit3A_17, %eq3A : i32
    %jit3A_19 = arith.constant 1 : i32
    %select_n3A_20 = arith.select %eq3A_18, %jit3A_19, %jit3A_17 : i32
    %rem3A_21 = arith.remsi %add3A, %select_n3A_20 : i32
    %ne3A_22 = arith.constant 0 : i32
    %ne3A_23 = arith.cmpi ne, %rem3A_21, %ne3A_22 : i32
    %lt3A = arith.constant 0 : i32
    %lt3A_24 = arith.cmpi slt, %rem3A_21, %lt3A : i32
    %lt3A_25 = arith.constant 0 : i32
    %lt3A_26 = arith.cmpi slt, %select_n3A_20, %lt3A_25 : i32
    %ne3A_27 = arith.xori %lt3A_24, %lt3A_26 : i1
    %and3A_28 = arith.andi %ne3A_27, %ne3A_23 : i1
    %add3A_29 = arith.addi %rem3A_21, %select_n3A_20 : i32
    %select_n3A_30 = arith.select %and3A_28, %add3A_29, %rem3A_21 : i32
    %mul3A_31 = arith.constant 32768 : i32
    %mul3A_32 = arith.muli %select_n3A, %mul3A_31 : i32
    "tpu.region"() ({
      %run_scoped3A = tpu.sem_alloc : memref<!tpu.dma_semaphore, #tpu.memory_space<semaphore_mem>>
      %dma_start3A = tpu.memref_slice %arg4[%mul3A_32] : memref<131072xi32, #tpu.memory_space<hbm>> -> memref<32768xi32, #tpu.memory_space<hbm>>
      %dma_start3A_392 = tpu.memref_slice %arg4[%mul3A_32] : memref<131072xi32, #tpu.memory_space<hbm>> -> memref<32768xi32, #tpu.memory_space<hbm>>
      tpu.enqueue_dma source(%dma_start3A_392 : memref<32768xi32, #tpu.memory_space<hbm>>) target(%arg7 : memref<32768xi32, #tpu.memory_space<vmem>>) target_semaphore(%run_scoped3A : memref<!tpu.dma_semaphore, #tpu.memory_space<semaphore_mem>>)
      %dma_wait3A = tpu.memref_slice %arg4[%mul3A_32] : memref<131072xi32, #tpu.memory_space<hbm>> -> memref<32768xi32, #tpu.memory_space<hbm>>
      %dma_wait3A_393 = tpu.memref_slice %arg4[%mul3A_32] : memref<131072xi32, #tpu.memory_space<hbm>> -> memref<32768xi32, #tpu.memory_space<hbm>>
      tpu.wait_dma2 semaphore(%run_scoped3A : memref<!tpu.dma_semaphore, #tpu.memory_space<semaphore_mem>>) src(%dma_wait3A_393 : memref<32768xi32, #tpu.memory_space<hbm>>) dst(%arg7 : memref<32768xi32, #tpu.memory_space<vmem>>)
      tpu.yield
    }) : () -> ()
    %broadcast_in_dim3A = arith.constant 0.000000e+00 : f32
    %broadcast_in_dim3A_33 = vector.broadcast %broadcast_in_dim3A : f32 to vector<16xf32>
    %add3A_34 = arith.constant 0 : i32
    %add3A_35 = arith.addi %add3A_34, %select_n3A_30 : i32
    %mul3A_36 = arith.constant 32 : i32
    %mul3A_37 = arith.muli %select_n3A, %mul3A_36 : i32
    %add3A_38 = arith.addi %mul3A_37, %add3A_35 : i32
    %mul3A_39 = arith.constant 29952 : i32
    %mul3A_40 = arith.muli %add3A_38, %mul3A_39 : i32
    "tpu.region"() ({
      %run_scoped3A = tpu.sem_alloc : memref<!tpu.dma_semaphore, #tpu.memory_space<semaphore_mem>>
      %dma_start3A = arith.constant 0 : i32
      %dma_start3A_392 = tpu.memref_slice %arg8[%dma_start3A] : memref<59936xf32, #tpu.memory_space<vmem>> -> memref<29952xf32, #tpu.memory_space<vmem>>
      %dma_start3A_393 = tpu.memref_slice %arg2[%mul3A_40] : memref<3833856xf32, #tpu.memory_space<hbm>> -> memref<29952xf32, #tpu.memory_space<hbm>>
      %dma_start3A_394 = arith.constant 0 : i32
      %dma_start3A_395 = tpu.memref_slice %arg8[%dma_start3A_394] : memref<59936xf32, #tpu.memory_space<vmem>> -> memref<29952xf32, #tpu.memory_space<vmem>>
      %dma_start3A_396 = tpu.memref_slice %arg2[%mul3A_40] : memref<3833856xf32, #tpu.memory_space<hbm>> -> memref<29952xf32, #tpu.memory_space<hbm>>
      tpu.enqueue_dma source(%dma_start3A_396 : memref<29952xf32, #tpu.memory_space<hbm>>) target(%dma_start3A_395 : memref<29952xf32, #tpu.memory_space<vmem>>) target_semaphore(%run_scoped3A : memref<!tpu.dma_semaphore, #tpu.memory_space<semaphore_mem>>)
      %dma_wait3A = arith.constant 0 : i32
      %dma_wait3A_397 = tpu.memref_slice %arg8[%dma_wait3A] : memref<59936xf32, #tpu.memory_space<vmem>> -> memref<29952xf32, #tpu.memory_space<vmem>>
      %dma_wait3A_398 = tpu.memref_slice %arg2[%mul3A_40] : memref<3833856xf32, #tpu.memory_space<hbm>> -> memref<29952xf32, #tpu.memory_space<hbm>>
      %dma_wait3A_399 = arith.constant 0 : i32
      %dma_wait3A_400 = tpu.memref_slice %arg8[%dma_wait3A_399] : memref<59936xf32, #tpu.memory_space<vmem>> -> memref<29952xf32, #tpu.memory_space<vmem>>
      %dma_wait3A_401 = tpu.memref_slice %arg2[%mul3A_40] : memref<3833856xf32, #tpu.memory_space<hbm>> -> memref<29952xf32, #tpu.memory_space<hbm>>
      tpu.wait_dma2 semaphore(%run_scoped3A : memref<!tpu.dma_semaphore, #tpu.memory_space<semaphore_mem>>) src(%dma_wait3A_401 : memref<29952xf32, #tpu.memory_space<hbm>>) dst(%dma_wait3A_400 : memref<29952xf32, #tpu.memory_space<vmem>>)
      tpu.yield
    }) : () -> ()
    %swap3A = arith.constant 29952 : index
    %swap3A_41 = tpu.vector_load %arg8[%swap3A] {strides = array<i32>} : memref<59936xf32, #tpu.memory_space<vmem>>, vector<16xf32>,
    tpu.vector_store %arg8[%swap3A], %broadcast_in_dim3A_33 {strides = array<i32>} : memref<59936xf32, #tpu.memory_space<vmem>>, vector<16xf32>,
    %add3A_42 = arith.constant 8 : i32
    %add3A_43 = arith.addi %add3A_42, %select_n3A_30 : i32
    %mul3A_44 = arith.constant 32 : i32
    %mul3A_45 = arith.muli %select_n3A, %mul3A_44 : i32
    %add3A_46 = arith.addi %mul3A_45, %add3A_43 : i32
    %mul3A_47 = arith.constant 29952 : i32
    %mul3A_48 = arith.muli %add3A_46, %mul3A_47 : i32
    "tpu.region"() ({
      %run_scoped3A = tpu.sem_alloc : memref<!tpu.dma_semaphore, #tpu.memory_space<semaphore_mem>>
      %dma_start3A = arith.constant 29968 : i32
      %dma_start3A_392 = tpu.memref_slice %arg8[%dma_start3A] : memref<59936xf32, #tpu.memory_space<vmem>> -> memref<29952xf32, #tpu.memory_space<vmem>>
      %dma_start3A_393 = tpu.memref_slice %arg2[%mul3A_48] : memref<3833856xf32, #tpu.memory_space<hbm>> -> memref<29952xf32, #tpu.memory_space<hbm>>
      %dma_start3A_394 = arith.constant 29968 : i32
      %dma_start3A_395 = tpu.memref_slice %arg8[%dma_start3A_394] : memref<59936xf32, #tpu.memory_space<vmem>> -> memref<29952xf32, #tpu.memory_space<vmem>>
      %dma_start3A_396 = tpu.memref_slice %arg2[%mul3A_48] : memref<3833856xf32, #tpu.memory_space<hbm>> -> memref<29952xf32, #tpu.memory_space<hbm>>
      tpu.enqueue_dma source(%dma_start3A_396 : memref<29952xf32, #tpu.memory_space<hbm>>) target(%dma_start3A_395 : memref<29952xf32, #tpu.memory_space<vmem>>) target_semaphore(%run_scoped3A : memref<!tpu.dma_semaphore, #tpu.memory_space<semaphore_mem>>)
      %dma_wait3A = arith.constant 29968 : i32
      %dma_wait3A_397 = tpu.memref_slice %arg8[%dma_wait3A] : memref<59936xf32, #tpu.memory_space<vmem>> -> memref<29952xf32, #tpu.memory_space<vmem>>
      %dma_wait3A_398 = tpu.memref_slice %arg2[%mul3A_48] : memref<3833856xf32, #tpu.memory_space<hbm>> -> memref<29952xf32, #tpu.memory_space<hbm>>
      %dma_wait3A_399 = arith.constant 29968 : i32
      %dma_wait3A_400 = tpu.memref_slice %arg8[%dma_wait3A_399] : memref<59936xf32, #tpu.memory_space<vmem>> -> memref<29952xf32, #tpu.memory_space<vmem>>
      %dma_wait3A_401 = tpu.memref_slice %arg2[%mul3A_48] : memref<3833856xf32, #tpu.memory_space<hbm>> -> memref<29952xf32, #tpu.memory_space<hbm>>
      tpu.wait_dma2 semaphore(%run_scoped3A : memref<!tpu.dma_semaphore, #tpu.memory_space<semaphore_mem>>) src(%dma_wait3A_401 : memref<29952xf32, #tpu.memory_space<hbm>>) dst(%dma_wait3A_400 : memref<29952xf32, #tpu.memory_space<vmem>>)
      tpu.yield
    }) : () -> ()
    %swap3A_49 = arith.constant 59920 : index
    %swap3A_50 = tpu.vector_load %arg8[%swap3A_49] {strides = array<i32>} : memref<59936xf32, #tpu.memory_space<vmem>>, vector<16xf32>,
    tpu.vector_store %arg8[%swap3A_49], %broadcast_in_dim3A_33 {strides = array<i32>} : memref<59936xf32, #tpu.memory_space<vmem>>, vector<16xf32>,
    %parallel_loop3A = arith.constant 0 : i32
    %parallel_loop3A_51 = arith.constant 1024 : i32
    %parallel_loop3A_52 = arith.constant 1 : i32
    scf.for %parallel_loop3A_392 = %parallel_loop3A to %parallel_loop3A_51 step %parallel_loop3A_52  : i32 {
      %parallel_loop3A_393 = arith.constant 16 : i32
      %parallel_loop3A_394 = arith.muli %parallel_loop3A_392, %parallel_loop3A_393 : i32
      %parallel_loop3A_395 = arith.constant 0 : i32
      %parallel_loop3A_396 = arith.addi %parallel_loop3A_395, %parallel_loop3A_394 : i32
      %parallel_loop3A_397 = arith.index_cast %parallel_loop3A_396 : i32 to index
      %parallel_loop3A_398 = tpu.vector_load %arg7[%parallel_loop3A_397] {strides = array<i32>} : memref<32768xi32, #tpu.memory_space<vmem>>, vector<16xi32>,
      %parallel_loop3A_399 = tpu.vector_load_idx %arg8[%parallel_loop3A_398] : memref<59936xf32, #tpu.memory_space<vmem>>[vector<16xi32>], vector<16xf32>,
      %parallel_loop3A_400 = arith.constant 16 : i32
      %parallel_loop3A_401 = arith.muli %parallel_loop3A_392, %parallel_loop3A_400 : i32
      %parallel_loop3A_402 = arith.index_cast %parallel_loop3A_401 : i32 to index
      %parallel_loop3A_403 = tpu.vector_load %arg9[%parallel_loop3A_402] {strides = array<i32>} : memref<32768xf32, #tpu.memory_space<vmem>>, vector<16xf32>,
      tpu.vector_store %arg9[%parallel_loop3A_402], %parallel_loop3A_399 {strides = array<i32>} : memref<32768xf32, #tpu.memory_space<vmem>>, vector<16xf32>,
      %parallel_loop3A_404 = arith.constant 29968 : i32
      %parallel_loop3A_405 = vector.broadcast %parallel_loop3A_404 : i32 to vector<16xi32>
      %parallel_loop3A_406 = arith.addi %parallel_loop3A_398, %parallel_loop3A_405 : vector<16xi32>
      %parallel_loop3A_407 = tpu.vector_load_idx %arg8[%parallel_loop3A_406] : memref<59936xf32, #tpu.memory_space<vmem>>[vector<16xi32>], vector<16xf32>,
      %parallel_loop3A_408 = arith.constant 16 : i32
      %parallel_loop3A_409 = arith.muli %parallel_loop3A_392, %parallel_loop3A_408 : i32
      %parallel_loop3A_410 = arith.constant 16384 : i32
      %parallel_loop3A_411 = arith.addi %parallel_loop3A_410, %parallel_loop3A_409 : i32
      %parallel_loop3A_412 = arith.index_cast %parallel_loop3A_411 : i32 to index
      %parallel_loop3A_413 = tpu.vector_load %arg9[%parallel_loop3A_412] {strides = array<i32>} : memref<32768xf32, #tpu.memory_space<vmem>>, vector<16xf32>,
      tpu.vector_store %arg9[%parallel_loop3A_412], %parallel_loop3A_407 {strides = array<i32>} : memref<32768xf32, #tpu.memory_space<vmem>>, vector<16xf32>,
    } {sc.loop_unroll_factor = 8 : i64, sc.parallel_access}
    %add3A_53 = arith.constant 0 : i32
    %add3A_54 = arith.addi %add3A_53, %select_n3A_30 : i32
    %mul3A_55 = arith.constant 32 : i32
    %mul3A_56 = arith.muli %select_n3A, %mul3A_55 : i32
    %add3A_57 = arith.addi %mul3A_56, %add3A_54 : i32
    %mul3A_58 = arith.constant 32768 : i32
    %mul3A_59 = arith.muli %add3A_57, %mul3A_58 : i32
    %add3A_60 = arith.constant 0 : i32
    %add3A_61 = arith.addi %mul3A_59, %add3A_60 : i32
    "tpu.region"() ({
      %run_scoped3A = tpu.sem_alloc : memref<!tpu.dma_semaphore, #tpu.memory_space<semaphore_mem>>
      %dma_start3A = arith.constant 0 : i32
      %dma_start3A_392 = tpu.memref_slice %arg9[%dma_start3A] : memref<32768xf32, #tpu.memory_space<vmem>> -> memref<16384xf32, #tpu.memory_space<vmem>>
      %dma_start3A_393 = tpu.memref_slice %arg5[%add3A_61] : memref<4194304xf32, #tpu.memory_space<hbm>> -> memref<16384xf32, #tpu.memory_space<hbm>>
      %dma_start3A_394 = tpu.memref_slice %arg5[%add3A_61] : memref<4194304xf32, #tpu.memory_space<hbm>> -> memref<16384xf32, #tpu.memory_space<hbm>>
      %dma_start3A_395 = arith.constant 0 : i32
      %dma_start3A_396 = tpu.memref_slice %arg9[%dma_start3A_395] : memref<32768xf32, #tpu.memory_space<vmem>> -> memref<16384xf32, #tpu.memory_space<vmem>>
      tpu.enqueue_dma source(%dma_start3A_396 : memref<16384xf32, #tpu.memory_space<vmem>>) target(%dma_start3A_394 : memref<16384xf32, #tpu.memory_space<hbm>>) target_semaphore(%run_scoped3A : memref<!tpu.dma_semaphore, #tpu.memory_space<semaphore_mem>>)
      %dma_wait3A = arith.constant 0 : i32
      %dma_wait3A_397 = tpu.memref_slice %arg9[%dma_wait3A] : memref<32768xf32, #tpu.memory_space<vmem>> -> memref<16384xf32, #tpu.memory_space<vmem>>
      %dma_wait3A_398 = tpu.memref_slice %arg5[%add3A_61] : memref<4194304xf32, #tpu.memory_space<hbm>> -> memref<16384xf32, #tpu.memory_space<hbm>>
      %dma_wait3A_399 = tpu.memref_slice %arg5[%add3A_61] : memref<4194304xf32, #tpu.memory_space<hbm>> -> memref<16384xf32, #tpu.memory_space<hbm>>
      %dma_wait3A_400 = arith.constant 0 : i32
      %dma_wait3A_401 = tpu.memref_slice %arg9[%dma_wait3A_400] : memref<32768xf32, #tpu.memory_space<vmem>> -> memref<16384xf32, #tpu.memory_space<vmem>>
      tpu.wait_dma2 semaphore(%run_scoped3A : memref<!tpu.dma_semaphore, #tpu.memory_space<semaphore_mem>>) src(%dma_wait3A_401 : memref<16384xf32, #tpu.memory_space<vmem>>) dst(%dma_wait3A_399 : memref<16384xf32, #tpu.memory_space<hbm>>)
      tpu.yield
    }) : () -> ()
    %add3A_62 = arith.constant 8 : i32
    %add3A_63 = arith.addi %add3A_62, %select_n3A_30 : i32
    %mul3A_64 = arith.constant 32 : i32
    %mul3A_65 = arith.muli %select_n3A, %mul3A_64 : i32
    %add3A_66 = arith.addi %mul3A_65, %add3A_63 : i32
    %mul3A_67 = arith.constant 32768 : i32
    %mul3A_68 = arith.muli %add3A_66, %mul3A_67 : i32
    %add3A_69 = arith.constant 0 : i32
    %add3A_70 = arith.addi %mul3A_68, %add3A_69 : i32
    "tpu.region"() ({
      %run_scoped3A = tpu.sem_alloc : memref<!tpu.dma_semaphore, #tpu.memory_space<semaphore_mem>>
      %dma_start3A = arith.constant 16384 : i32
      %dma_start3A_392 = tpu.memref_slice %arg9[%dma_start3A] : memref<32768xf32, #tpu.memory_space<vmem>> -> memref<16384xf32, #tpu.memory_space<vmem>>
      %dma_start3A_393 = tpu.memref_slice %arg5[%add3A_70] : memref<4194304xf32, #tpu.memory_space<hbm>> -> memref<16384xf32, #tpu.memory_space<hbm>>
      %dma_start3A_394 = tpu.memref_slice %arg5[%add3A_70] : memref<4194304xf32, #tpu.memory_space<hbm>> -> memref<16384xf32, #tpu.memory_space<hbm>>
      %dma_start3A_395 = arith.constant 16384 : i32
      %dma_start3A_396 = tpu.memref_slice %arg9[%dma_start3A_395] : memref<32768xf32, #tpu.memory_space<vmem>> -> memref<16384xf32, #tpu.memory_space<vmem>>
      tpu.enqueue_dma source(%dma_start3A_396 : memref<16384xf32, #tpu.memory_space<vmem>>) target(%dma_start3A_394 : memref<16384xf32, #tpu.memory_space<hbm>>) target_semaphore(%run_scoped3A : memref<!tpu.dma_semaphore, #tpu.memory_space<semaphore_mem>>)
      %dma_wait3A = arith.constant 16384 : i32
      %dma_wait3A_397 = tpu.memref_slice %arg9[%dma_wait3A] : memref<32768xf32, #tpu.memory_space<vmem>> -> memref<16384xf32, #tpu.memory_space<vmem>>
      %dma_wait3A_398 = tpu.memref_slice %arg5[%add3A_70] : memref<4194304xf32, #tpu.memory_space<hbm>> -> memref<16384xf32, #tpu.memory_space<hbm>>
      %dma_wait3A_399 = tpu.memref_slice %arg5[%add3A_70] : memref<4194304xf32, #tpu.memory_space<hbm>> -> memref<16384xf32, #tpu.memory_space<hbm>>
      %dma_wait3A_400 = arith.constant 16384 : i32
      %dma_wait3A_401 = tpu.memref_slice %arg9[%dma_wait3A_400] : memref<32768xf32, #tpu.memory_space<vmem>> -> memref<16384xf32, #tpu.memory_space<vmem>>
      tpu.wait_dma2 semaphore(%run_scoped3A : memref<!tpu.dma_semaphore, #tpu.memory_space<semaphore_mem>>) src(%dma_wait3A_401 : memref<16384xf32, #tpu.memory_space<vmem>>) dst(%dma_wait3A_399 : memref<16384xf32, #tpu.memory_space<hbm>>)
      tpu.yield
    }) : () -> ()
    %parallel_loop3A_71 = arith.constant 0 : i32
    %parallel_loop3A_72 = arith.constant 1024 : i32
    %parallel_loop3A_73 = arith.constant 1 : i32
    scf.for %parallel_loop3A_392 = %parallel_loop3A_71 to %parallel_loop3A_72 step %parallel_loop3A_73  : i32 {
      %parallel_loop3A_393 = arith.constant 16 : i32
      %parallel_loop3A_394 = arith.muli %parallel_loop3A_392, %parallel_loop3A_393 : i32
      %parallel_loop3A_395 = arith.constant 16384 : i32
      %parallel_loop3A_396 = arith.addi %parallel_loop3A_395, %parallel_loop3A_394 : i32
      %parallel_loop3A_397 = arith.index_cast %parallel_loop3A_396 : i32 to index
      %parallel_loop3A_398 = tpu.vector_load %arg7[%parallel_loop3A_397] {strides = array<i32>} : memref<32768xi32, #tpu.memory_space<vmem>>, vector<16xi32>,
      %parallel_loop3A_399 = tpu.vector_load_idx %arg8[%parallel_loop3A_398] : memref<59936xf32, #tpu.memory_space<vmem>>[vector<16xi32>], vector<16xf32>,
      %parallel_loop3A_400 = arith.constant 16 : i32
      %parallel_loop3A_401 = arith.muli %parallel_loop3A_392, %parallel_loop3A_400 : i32
      %parallel_loop3A_402 = arith.index_cast %parallel_loop3A_401 : i32 to index
      %parallel_loop3A_403 = tpu.vector_load %arg9[%parallel_loop3A_402] {strides = array<i32>} : memref<32768xf32, #tpu.memory_space<vmem>>, vector<16xf32>,
      tpu.vector_store %arg9[%parallel_loop3A_402], %parallel_loop3A_399 {strides = array<i32>} : memref<32768xf32, #tpu.memory_space<vmem>>, vector<16xf32>,
      %parallel_loop3A_404 = arith.constant 29968 : i32
      %parallel_loop3A_405 = vector.broadcast %parallel_loop3A_404 : i32 to vector<16xi32>
      %parallel_loop3A_406 = arith.addi %parallel_loop3A_398, %parallel_loop3A_405 : vector<16xi32>
      %parallel_loop3A_407 = tpu.vector_load_idx %arg8[%parallel_loop3A_406] : memref<59936xf32, #tpu.memory_space<vmem>>[vector<16xi32>], vector<16xf32>,
      %parallel_loop3A_408 = arith.constant 16 : i32
      %parallel_loop3A_409 = arith.muli %parallel_loop3A_392, %parallel_loop3A_408 : i32
      %parallel_loop3A_410 = arith.constant 16384 : i32
      %parallel_loop3A_411 = arith.addi %parallel_loop3A_410, %parallel_loop3A_409 : i32
      %parallel_loop3A_412 = arith.index_cast %parallel_loop3A_411 : i32 to index
      %parallel_loop3A_413 = tpu.vector_load %arg9[%parallel_loop3A_412] {strides = array<i32>} : memref<32768xf32, #tpu.memory_space<vmem>>, vector<16xf32>,
      tpu.vector_store %arg9[%parallel_loop3A_412], %parallel_loop3A_407 {strides = array<i32>} : memref<32768xf32, #tpu.memory_space<vmem>>, vector<16xf32>,
    } {sc.loop_unroll_factor = 8 : i64, sc.parallel_access}
    %add3A_74 = arith.constant 0 : i32
    %add3A_75 = arith.addi %add3A_74, %select_n3A_30 : i32
    %mul3A_76 = arith.constant 32 : i32
    %mul3A_77 = arith.muli %select_n3A, %mul3A_76 : i32
    %add3A_78 = arith.addi %mul3A_77, %add3A_75 : i32
    %mul3A_79 = arith.constant 32768 : i32
    %mul3A_80 = arith.muli %add3A_78, %mul3A_79 : i32
    %add3A_81 = arith.constant 16384 : i32
    %add3A_82 = arith.addi %mul3A_80, %add3A_81 : i32
    "tpu.region"() ({
      %run_scoped3A = tpu.sem_alloc : memref<!tpu.dma_semaphore, #tpu.memory_space<semaphore_mem>>
      %dma_start3A = arith.constant 0 : i32
      %dma_start3A_392 = tpu.memref_slice %arg9[%dma_start3A] : memref<32768xf32, #tpu.memory_space<vmem>> -> memref<16384xf32, #tpu.memory_space<vmem>>
      %dma_start3A_393 = tpu.memref_slice %arg5[%add3A_82] : memref<4194304xf32, #tpu.memory_space<hbm>> -> memref<16384xf32, #tpu.memory_space<hbm>>
      %dma_start3A_394 = tpu.memref_slice %arg5[%add3A_82] : memref<4194304xf32, #tpu.memory_space<hbm>> -> memref<16384xf32, #tpu.memory_space<hbm>>
      %dma_start3A_395 = arith.constant 0 : i32
      %dma_start3A_396 = tpu.memref_slice %arg9[%dma_start3A_395] : memref<32768xf32, #tpu.memory_space<vmem>> -> memref<16384xf32, #tpu.memory_space<vmem>>
      tpu.enqueue_dma source(%dma_start3A_396 : memref<16384xf32, #tpu.memory_space<vmem>>) target(%dma_start3A_394 : memref<16384xf32, #tpu.memory_space<hbm>>) target_semaphore(%run_scoped3A : memref<!tpu.dma_semaphore, #tpu.memory_space<semaphore_mem>>)
      %dma_wait3A = arith.constant 0 : i32
      %dma_wait3A_397 = tpu.memref_slice %arg9[%dma_wait3A] : memref<32768xf32, #tpu.memory_space<vmem>> -> memref<16384xf32, #tpu.memory_space<vmem>>
      %dma_wait3A_398 = tpu.memref_slice %arg5[%add3A_82] : memref<4194304xf32, #tpu.memory_space<hbm>> -> memref<16384xf32, #tpu.memory_space<hbm>>
      %dma_wait3A_399 = tpu.memref_slice %arg5[%add3A_82] : memref<4194304xf32, #tpu.memory_space<hbm>> -> memref<16384xf32, #tpu.memory_space<hbm>>
      %dma_wait3A_400 = arith.constant 0 : i32
      %dma_wait3A_401 = tpu.memref_slice %arg9[%dma_wait3A_400] : memref<32768xf32, #tpu.memory_space<vmem>> -> memref<16384xf32, #tpu.memory_space<vmem>>
      tpu.wait_dma2 semaphore(%run_scoped3A : memref<!tpu.dma_semaphore, #tpu.memory_space<semaphore_mem>>) src(%dma_wait3A_401 : memref<16384xf32, #tpu.memory_space<vmem>>) dst(%dma_wait3A_399 : memref<16384xf32, #tpu.memory_space<hbm>>)
      tpu.yield
    }) : () -> ()
    %add3A_83 = arith.constant 8 : i32
    %add3A_84 = arith.addi %add3A_83, %select_n3A_30 : i32
    %mul3A_85 = arith.constant 32 : i32
    %mul3A_86 = arith.muli %select_n3A, %mul3A_85 : i32
    %add3A_87 = arith.addi %mul3A_86, %add3A_84 : i32
    %mul3A_88 = arith.constant 32768 : i32
    %mul3A_89 = arith.muli %add3A_87, %mul3A_88 : i32
    %add3A_90 = arith.constant 16384 : i32
    %add3A_91 = arith.addi %mul3A_89, %add3A_90 : i32
    "tpu.region"() ({
      %run_scoped3A = tpu.sem_alloc : memref<!tpu.dma_semaphore, #tpu.memory_space<semaphore_mem>>
      %dma_start3A = arith.constant 16384 : i32
      %dma_start3A_392 = tpu.memref_slice %arg9[%dma_start3A] : memref<32768xf32, #tpu.memory_space<vmem>> -> memref<16384xf32, #tpu.memory_space<vmem>>
      %dma_start3A_393 = tpu.memref_slice %arg5[%add3A_91] : memref<4194304xf32, #tpu.memory_space<hbm>> -> memref<16384xf32, #tpu.memory_space<hbm>>
      %dma_start3A_394 = tpu.memref_slice %arg5[%add3A_91] : memref<4194304xf32, #tpu.memory_space<hbm>> -> memref<16384xf32, #tpu.memory_space<hbm>>
      %dma_start3A_395 = arith.constant 16384 : i32
      %dma_start3A_396 = tpu.memref_slice %arg9[%dma_start3A_395] : memref<32768xf32, #tpu.memory_space<vmem>> -> memref<16384xf32, #tpu.memory_space<vmem>>
      tpu.enqueue_dma source(%dma_start3A_396 : memref<16384xf32, #tpu.memory_space<vmem>>) target(%dma_start3A_394 : memref<16384xf32, #tpu.memory_space<hbm>>) target_semaphore(%run_scoped3A : memref<!tpu.dma_semaphore, #tpu.memory_space<semaphore_mem>>)
      %dma_wait3A = arith.constant 16384 : i32
      %dma_wait3A_397 = tpu.memref_slice %arg9[%dma_wait3A] : memref<32768xf32, #tpu.memory_space<vmem>> -> memref<16384xf32, #tpu.memory_space<vmem>>
      %dma_wait3A_398 = tpu.memref_slice %arg5[%add3A_91] : memref<4194304xf32, #tpu.memory_space<hbm>> -> memref<16384xf32, #tpu.memory_space<hbm>>
      %dma_wait3A_399 = tpu.memref_slice %arg5[%add3A_91] : memref<4194304xf32, #tpu.memory_space<hbm>> -> memref<16384xf32, #tpu.memory_space<hbm>>
      %dma_wait3A_400 = arith.constant 16384 : i32
      %dma_wait3A_401 = tpu.memref_slice %arg9[%dma_wait3A_400] : memref<32768xf32, #tpu.memory_space<vmem>> -> memref<16384xf32, #tpu.memory_space<vmem>>
      tpu.wait_dma2 semaphore(%run_scoped3A : memref<!tpu.dma_semaphore, #tpu.memory_space<semaphore_mem>>) src(%dma_wait3A_401 : memref<16384xf32, #tpu.memory_space<vmem>>) dst(%dma_wait3A_399 : memref<16384xf32, #tpu.memory_space<hbm>>)
      tpu.yield
    }) : () -> ()
    %add3A_92 = arith.constant 16 : i32
    %add3A_93 = arith.addi %add3A_92, %select_n3A_30 : i32
    %mul3A_94 = arith.constant 32 : i32
    %mul3A_95 = arith.muli %select_n3A, %mul3A_94 : i32
    %add3A_96 = arith.addi %mul3A_95, %add3A_93 : i32
    %mul3A_97 = arith.constant 29952 : i32
    %mul3A_98 = arith.muli %add3A_96, %mul3A_97 : i32
    "tpu.region"() ({
      %run_scoped3A = tpu.sem_alloc : memref<!tpu.dma_semaphore, #tpu.memory_space<semaphore_mem>>
      %dma_start3A = arith.constant 0 : i32
      %dma_start3A_392 = tpu.memref_slice %arg8[%dma_start3A] : memref<59936xf32, #tpu.memory_space<vmem>> -> memref<29952xf32, #tpu.memory_space<vmem>>
      %dma_start3A_393 = tpu.memref_slice %arg2[%mul3A_98] : memref<3833856xf32, #tpu.memory_space<hbm>> -> memref<29952xf32, #tpu.memory_space<hbm>>
      %dma_start3A_394 = arith.constant 0 : i32
      %dma_start3A_395 = tpu.memref_slice %arg8[%dma_start3A_394] : memref<59936xf32, #tpu.memory_space<vmem>> -> memref<29952xf32, #tpu.memory_space<vmem>>
      %dma_start3A_396 = tpu.memref_slice %arg2[%mul3A_98] : memref<3833856xf32, #tpu.memory_space<hbm>> -> memref<29952xf32, #tpu.memory_space<hbm>>
      tpu.enqueue_dma source(%dma_start3A_396 : memref<29952xf32, #tpu.memory_space<hbm>>) target(%dma_start3A_395 : memref<29952xf32, #tpu.memory_space<vmem>>) target_semaphore(%run_scoped3A : memref<!tpu.dma_semaphore, #tpu.memory_space<semaphore_mem>>)
      %dma_wait3A = arith.constant 0 : i32
      %dma_wait3A_397 = tpu.memref_slice %arg8[%dma_wait3A] : memref<59936xf32, #tpu.memory_space<vmem>> -> memref<29952xf32, #tpu.memory_space<vmem>>
      %dma_wait3A_398 = tpu.memref_slice %arg2[%mul3A_98] : memref<3833856xf32, #tpu.memory_space<hbm>> -> memref<29952xf32, #tpu.memory_space<hbm>>
      %dma_wait3A_399 = arith.constant 0 : i32
      %dma_wait3A_400 = tpu.memref_slice %arg8[%dma_wait3A_399] : memref<59936xf32, #tpu.memory_space<vmem>> -> memref<29952xf32, #tpu.memory_space<vmem>>
      %dma_wait3A_401 = tpu.memref_slice %arg2[%mul3A_98] : memref<3833856xf32, #tpu.memory_space<hbm>> -> memref<29952xf32, #tpu.memory_space<hbm>>
      tpu.wait_dma2 semaphore(%run_scoped3A : memref<!tpu.dma_semaphore, #tpu.memory_space<semaphore_mem>>) src(%dma_wait3A_401 : memref<29952xf32, #tpu.memory_space<hbm>>) dst(%dma_wait3A_400 : memref<29952xf32, #tpu.memory_space<vmem>>)
      tpu.yield
    }) : () -> ()
    %swap3A_99 = arith.constant 29952 : index
    %swap3A_100 = tpu.vector_load %arg8[%swap3A_99] {strides = array<i32>} : memref<59936xf32, #tpu.memory_space<vmem>>, vector<16xf32>,
    tpu.vector_store %arg8[%swap3A_99], %broadcast_in_dim3A_33 {strides = array<i32>} : memref<59936xf32, #tpu.memory_space<vmem>>, vector<16xf32>,
    %add3A_101 = arith.constant 24 : i32
    %add3A_102 = arith.addi %add3A_101, %select_n3A_30 : i32
    %mul3A_103 = arith.constant 32 : i32
    %mul3A_104 = arith.muli %select_n3A, %mul3A_103 : i32
    %add3A_105 = arith.addi %mul3A_104, %add3A_102 : i32
    %mul3A_106 = arith.constant 29952 : i32
    %mul3A_107 = arith.muli %add3A_105, %mul3A_106 : i32
    "tpu.region"() ({
      %run_scoped3A = tpu.sem_alloc : memref<!tpu.dma_semaphore, #tpu.memory_space<semaphore_mem>>
      %dma_start3A = arith.constant 29968 : i32
      %dma_start3A_392 = tpu.memref_slice %arg8[%dma_start3A] : memref<59936xf32, #tpu.memory_space<vmem>> -> memref<29952xf32, #tpu.memory_space<vmem>>
      %dma_start3A_393 = tpu.memref_slice %arg2[%mul3A_107] : memref<3833856xf32, #tpu.memory_space<hbm>> -> memref<29952xf32, #tpu.memory_space<hbm>>
      %dma_start3A_394 = arith.constant 29968 : i32
      %dma_start3A_395 = tpu.memref_slice %arg8[%dma_start3A_394] : memref<59936xf32, #tpu.memory_space<vmem>> -> memref<29952xf32, #tpu.memory_space<vmem>>
      %dma_start3A_396 = tpu.memref_slice %arg2[%mul3A_107] : memref<3833856xf32, #tpu.memory_space<hbm>> -> memref<29952xf32, #tpu.memory_space<hbm>>
      tpu.enqueue_dma source(%dma_start3A_396 : memref<29952xf32, #tpu.memory_space<hbm>>) target(%dma_start3A_395 : memref<29952xf32, #tpu.memory_space<vmem>>) target_semaphore(%run_scoped3A : memref<!tpu.dma_semaphore, #tpu.memory_space<semaphore_mem>>)
      %dma_wait3A = arith.constant 29968 : i32
      %dma_wait3A_397 = tpu.memref_slice %arg8[%dma_wait3A] : memref<59936xf32, #tpu.memory_space<vmem>> -> memref<29952xf32, #tpu.memory_space<vmem>>
      %dma_wait3A_398 = tpu.memref_slice %arg2[%mul3A_107] : memref<3833856xf32, #tpu.memory_space<hbm>> -> memref<29952xf32, #tpu.memory_space<hbm>>
      %dma_wait3A_399 = arith.constant 29968 : i32
      %dma_wait3A_400 = tpu.memref_slice %arg8[%dma_wait3A_399] : memref<59936xf32, #tpu.memory_space<vmem>> -> memref<29952xf32, #tpu.memory_space<vmem>>
      %dma_wait3A_401 = tpu.memref_slice %arg2[%mul3A_107] : memref<3833856xf32, #tpu.memory_space<hbm>> -> memref<29952xf32, #tpu.memory_space<hbm>>
      tpu.wait_dma2 semaphore(%run_scoped3A : memref<!tpu.dma_semaphore, #tpu.memory_space<semaphore_mem>>) src(%dma_wait3A_401 : memref<29952xf32, #tpu.memory_space<hbm>>) dst(%dma_wait3A_400 : memref<29952xf32, #tpu.memory_space<vmem>>)
      tpu.yield
    }) : () -> ()
    %swap3A_108 = arith.constant 59920 : index
    %swap3A_109 = tpu.vector_load %arg8[%swap3A_108] {strides = array<i32>} : memref<59936xf32, #tpu.memory_space<vmem>>, vector<16xf32>,
    tpu.vector_store %arg8[%swap3A_108], %broadcast_in_dim3A_33 {strides = array<i32>} : memref<59936xf32, #tpu.memory_space<vmem>>, vector<16xf32>,
    %parallel_loop3A_110 = arith.constant 0 : i32
    %parallel_loop3A_111 = arith.constant 1024 : i32
    %parallel_loop3A_112 = arith.constant 1 : i32
    scf.for %parallel_loop3A_392 = %parallel_loop3A_110 to %parallel_loop3A_111 step %parallel_loop3A_112  : i32 {
      %parallel_loop3A_393 = arith.constant 16 : i32
      %parallel_loop3A_394 = arith.muli %parallel_loop3A_392, %parallel_loop3A_393 : i32
      %parallel_loop3A_395 = arith.constant 0 : i32
      %parallel_loop3A_396 = arith.addi %parallel_loop3A_395, %parallel_loop3A_394 : i32
      %parallel_loop3A_397 = arith.index_cast %parallel_loop3A_396 : i32 to index
      %parallel_loop3A_398 = tpu.vector_load %arg7[%parallel_loop3A_397] {strides = array<i32>} : memref<32768xi32, #tpu.memory_space<vmem>>, vector<16xi32>,
      %parallel_loop3A_399 = tpu.vector_load_idx %arg8[%parallel_loop3A_398] : memref<59936xf32, #tpu.memory_space<vmem>>[vector<16xi32>], vector<16xf32>,
      %parallel_loop3A_400 = arith.constant 16 : i32
      %parallel_loop3A_401 = arith.muli %parallel_loop3A_392, %parallel_loop3A_400 : i32
      %parallel_loop3A_402 = arith.index_cast %parallel_loop3A_401 : i32 to index
      %parallel_loop3A_403 = tpu.vector_load %arg9[%parallel_loop3A_402] {strides = array<i32>} : memref<32768xf32, #tpu.memory_space<vmem>>, vector<16xf32>,
      tpu.vector_store %arg9[%parallel_loop3A_402], %parallel_loop3A_399 {strides = array<i32>} : memref<32768xf32, #tpu.memory_space<vmem>>, vector<16xf32>,
      %parallel_loop3A_404 = arith.constant 29968 : i32
      %parallel_loop3A_405 = vector.broadcast %parallel_loop3A_404 : i32 to vector<16xi32>
      %parallel_loop3A_406 = arith.addi %parallel_loop3A_398, %parallel_loop3A_405 : vector<16xi32>
      %parallel_loop3A_407 = tpu.vector_load_idx %arg8[%parallel_loop3A_406] : memref<59936xf32, #tpu.memory_space<vmem>>[vector<16xi32>], vector<16xf32>,
      %parallel_loop3A_408 = arith.constant 16 : i32
      %parallel_loop3A_409 = arith.muli %parallel_loop3A_392, %parallel_loop3A_408 : i32
      %parallel_loop3A_410 = arith.constant 16384 : i32
      %parallel_loop3A_411 = arith.addi %parallel_loop3A_410, %parallel_loop3A_409 : i32
      %parallel_loop3A_412 = arith.index_cast %parallel_loop3A_411 : i32 to index
      %parallel_loop3A_413 = tpu.vector_load %arg9[%parallel_loop3A_412] {strides = array<i32>} : memref<32768xf32, #tpu.memory_space<vmem>>, vector<16xf32>,
      tpu.vector_store %arg9[%parallel_loop3A_412], %parallel_loop3A_407 {strides = array<i32>} : memref<32768xf32, #tpu.memory_space<vmem>>, vector<16xf32>,
    } {sc.loop_unroll_factor = 8 : i64, sc.parallel_access}
    %add3A_113 = arith.constant 16 : i32
    %add3A_114 = arith.addi %add3A_113, %select_n3A_30 : i32
    %mul3A_115 = arith.constant 32 : i32
    %mul3A_116 = arith.muli %select_n3A, %mul3A_115 : i32
    %add3A_117 = arith.addi %mul3A_116, %add3A_114 : i32
    %mul3A_118 = arith.constant 32768 : i32
    %mul3A_119 = arith.muli %add3A_117, %mul3A_118 : i32
    %add3A_120 = arith.constant 0 : i32
    %add3A_121 = arith.addi %mul3A_119, %add3A_120 : i32
    "tpu.region"() ({
      %run_scoped3A = tpu.sem_alloc : memref<!tpu.dma_semaphore, #tpu.memory_space<semaphore_mem>>
      %dma_start3A = arith.constant 0 : i32
      %dma_start3A_392 = tpu.memref_slice %arg9[%dma_start3A] : memref<32768xf32, #tpu.memory_space<vmem>> -> memref<16384xf32, #tpu.memory_space<vmem>>
      %dma_start3A_393 = tpu.memref_slice %arg5[%add3A_121] : memref<4194304xf32, #tpu.memory_space<hbm>> -> memref<16384xf32, #tpu.memory_space<hbm>>
      %dma_start3A_394 = tpu.memref_slice %arg5[%add3A_121] : memref<4194304xf32, #tpu.memory_space<hbm>> -> memref<16384xf32, #tpu.memory_space<hbm>>
      %dma_start3A_395 = arith.constant 0 : i32
      %dma_start3A_396 = tpu.memref_slice %arg9[%dma_start3A_395] : memref<32768xf32, #tpu.memory_space<vmem>> -> memref<16384xf32, #tpu.memory_space<vmem>>
      tpu.enqueue_dma source(%dma_start3A_396 : memref<16384xf32, #tpu.memory_space<vmem>>) target(%dma_start3A_394 : memref<16384xf32, #tpu.memory_space<hbm>>) target_semaphore(%run_scoped3A : memref<!tpu.dma_semaphore, #tpu.memory_space<semaphore_mem>>)
      %dma_wait3A = arith.constant 0 : i32
      %dma_wait3A_397 = tpu.memref_slice %arg9[%dma_wait3A] : memref<32768xf32, #tpu.memory_space<vmem>> -> memref<16384xf32, #tpu.memory_space<vmem>>
      %dma_wait3A_398 = tpu.memref_slice %arg5[%add3A_121] : memref<4194304xf32, #tpu.memory_space<hbm>> -> memref<16384xf32, #tpu.memory_space<hbm>>
      %dma_wait3A_399 = tpu.memref_slice %arg5[%add3A_121] : memref<4194304xf32, #tpu.memory_space<hbm>> -> memref<16384xf32, #tpu.memory_space<hbm>>
      %dma_wait3A_400 = arith.constant 0 : i32
      %dma_wait3A_401 = tpu.memref_slice %arg9[%dma_wait3A_400] : memref<32768xf32, #tpu.memory_space<vmem>> -> memref<16384xf32, #tpu.memory_space<vmem>>
      tpu.wait_dma2 semaphore(%run_scoped3A : memref<!tpu.dma_semaphore, #tpu.memory_space<semaphore_mem>>) src(%dma_wait3A_401 : memref<16384xf32, #tpu.memory_space<vmem>>) dst(%dma_wait3A_399 : memref<16384xf32, #tpu.memory_space<hbm>>)
      tpu.yield
    }) : () -> ()
    %add3A_122 = arith.constant 24 : i32
    %add3A_123 = arith.addi %add3A_122, %select_n3A_30 : i32
    %mul3A_124 = arith.constant 32 : i32
    %mul3A_125 = arith.muli %select_n3A, %mul3A_124 : i32
    %add3A_126 = arith.addi %mul3A_125, %add3A_123 : i32
    %mul3A_127 = arith.constant 32768 : i32
    %mul3A_128 = arith.muli %add3A_126, %mul3A_127 : i32
    %add3A_129 = arith.constant 0 : i32
    %add3A_130 = arith.addi %mul3A_128, %add3A_129 : i32
    "tpu.region"() ({
      %run_scoped3A = tpu.sem_alloc : memref<!tpu.dma_semaphore, #tpu.memory_space<semaphore_mem>>
      %dma_start3A = arith.constant 16384 : i32
      %dma_start3A_392 = tpu.memref_slice %arg9[%dma_start3A] : memref<32768xf32, #tpu.memory_space<vmem>> -> memref<16384xf32, #tpu.memory_space<vmem>>
      %dma_start3A_393 = tpu.memref_slice %arg5[%add3A_130] : memref<4194304xf32, #tpu.memory_space<hbm>> -> memref<16384xf32, #tpu.memory_space<hbm>>
      %dma_start3A_394 = tpu.memref_slice %arg5[%add3A_130] : memref<4194304xf32, #tpu.memory_space<hbm>> -> memref<16384xf32, #tpu.memory_space<hbm>>
      %dma_start3A_395 = arith.constant 16384 : i32
      %dma_start3A_396 = tpu.memref_slice %arg9[%dma_start3A_395] : memref<32768xf32, #tpu.memory_space<vmem>> -> memref<16384xf32, #tpu.memory_space<vmem>>
      tpu.enqueue_dma source(%dma_start3A_396 : memref<16384xf32, #tpu.memory_space<vmem>>) target(%dma_start3A_394 : memref<16384xf32, #tpu.memory_space<hbm>>) target_semaphore(%run_scoped3A : memref<!tpu.dma_semaphore, #tpu.memory_space<semaphore_mem>>)
      %dma_wait3A = arith.constant 16384 : i32
      %dma_wait3A_397 = tpu.memref_slice %arg9[%dma_wait3A] : memref<32768xf32, #tpu.memory_space<vmem>> -> memref<16384xf32, #tpu.memory_space<vmem>>
      %dma_wait3A_398 = tpu.memref_slice %arg5[%add3A_130] : memref<4194304xf32, #tpu.memory_space<hbm>> -> memref<16384xf32, #tpu.memory_space<hbm>>
      %dma_wait3A_399 = tpu.memref_slice %arg5[%add3A_130] : memref<4194304xf32, #tpu.memory_space<hbm>> -> memref<16384xf32, #tpu.memory_space<hbm>>
      %dma_wait3A_400 = arith.constant 16384 : i32
      %dma_wait3A_401 = tpu.memref_slice %arg9[%dma_wait3A_400] : memref<32768xf32, #tpu.memory_space<vmem>> -> memref<16384xf32, #tpu.memory_space<vmem>>
      tpu.wait_dma2 semaphore(%run_scoped3A : memref<!tpu.dma_semaphore, #tpu.memory_space<semaphore_mem>>) src(%dma_wait3A_401 : memref<16384xf32, #tpu.memory_space<vmem>>) dst(%dma_wait3A_399 : memref<16384xf32, #tpu.memory_space<hbm>>)
      tpu.yield
    }) : () -> ()
    %parallel_loop3A_131 = arith.constant 0 : i32
    %parallel_loop3A_132 = arith.constant 1024 : i32
    %parallel_loop3A_133 = arith.constant 1 : i32
    scf.for %parallel_loop3A_392 = %parallel_loop3A_131 to %parallel_loop3A_132 step %parallel_loop3A_133  : i32 {
      %parallel_loop3A_393 = arith.constant 16 : i32
      %parallel_loop3A_394 = arith.muli %parallel_loop3A_392, %parallel_loop3A_393 : i32
      %parallel_loop3A_395 = arith.constant 16384 : i32
      %parallel_loop3A_396 = arith.addi %parallel_loop3A_395, %parallel_loop3A_394 : i32
      %parallel_loop3A_397 = arith.index_cast %parallel_loop3A_396 : i32 to index
      %parallel_loop3A_398 = tpu.vector_load %arg7[%parallel_loop3A_397] {strides = array<i32>} : memref<32768xi32, #tpu.memory_space<vmem>>, vector<16xi32>,
      %parallel_loop3A_399 = tpu.vector_load_idx %arg8[%parallel_loop3A_398] : memref<59936xf32, #tpu.memory_space<vmem>>[vector<16xi32>], vector<16xf32>,
      %parallel_loop3A_400 = arith.constant 16 : i32
      %parallel_loop3A_401 = arith.muli %parallel_loop3A_392, %parallel_loop3A_400 : i32
      %parallel_loop3A_402 = arith.index_cast %parallel_loop3A_401 : i32 to index
      %parallel_loop3A_403 = tpu.vector_load %arg9[%parallel_loop3A_402] {strides = array<i32>} : memref<32768xf32, #tpu.memory_space<vmem>>, vector<16xf32>,
      tpu.vector_store %arg9[%parallel_loop3A_402], %parallel_loop3A_399 {strides = array<i32>} : memref<32768xf32, #tpu.memory_space<vmem>>, vector<16xf32>,
      %parallel_loop3A_404 = arith.constant 29968 : i32
      %parallel_loop3A_405 = vector.broadcast %parallel_loop3A_404 : i32 to vector<16xi32>
      %parallel_loop3A_406 = arith.addi %parallel_loop3A_398, %parallel_loop3A_405 : vector<16xi32>
      %parallel_loop3A_407 = tpu.vector_load_idx %arg8[%parallel_loop3A_406] : memref<59936xf32, #tpu.memory_space<vmem>>[vector<16xi32>], vector<16xf32>,
      %parallel_loop3A_408 = arith.constant 16 : i32
      %parallel_loop3A_409 = arith.muli %parallel_loop3A_392, %parallel_loop3A_408 : i32
      %parallel_loop3A_410 = arith.constant 16384 : i32
      %parallel_loop3A_411 = arith.addi %parallel_loop3A_410, %parallel_loop3A_409 : i32
      %parallel_loop3A_412 = arith.index_cast %parallel_loop3A_411 : i32 to index
      %parallel_loop3A_413 = tpu.vector_load %arg9[%parallel_loop3A_412] {strides = array<i32>} : memref<32768xf32, #tpu.memory_space<vmem>>, vector<16xf32>,
      tpu.vector_store %arg9[%parallel_loop3A_412], %parallel_loop3A_407 {strides = array<i32>} : memref<32768xf32, #tpu.memory_space<vmem>>, vector<16xf32>,
    } {sc.loop_unroll_factor = 8 : i64, sc.parallel_access}
    %add3A_134 = arith.constant 16 : i32
    %add3A_135 = arith.addi %add3A_134, %select_n3A_30 : i32
    %mul3A_136 = arith.constant 32 : i32
    %mul3A_137 = arith.muli %select_n3A, %mul3A_136 : i32
    %add3A_138 = arith.addi %mul3A_137, %add3A_135 : i32
    %mul3A_139 = arith.constant 32768 : i32
    %mul3A_140 = arith.muli %add3A_138, %mul3A_139 : i32
    %add3A_141 = arith.constant 16384 : i32
    %add3A_142 = arith.addi %mul3A_140, %add3A_141 : i32
    "tpu.region"() ({
      %run_scoped3A = tpu.sem_alloc : memref<!tpu.dma_semaphore, #tpu.memory_space<semaphore_mem>>
      %dma_start3A = arith.constant 0 : i32
      %dma_start3A_392 = tpu.memref_slice %arg9[%dma_start3A] : memref<32768xf32, #tpu.memory_space<vmem>> -> memref<16384xf32, #tpu.memory_space<vmem>>
      %dma_start3A_393 = tpu.memref_slice %arg5[%add3A_142] : memref<4194304xf32, #tpu.memory_space<hbm>> -> memref<16384xf32, #tpu.memory_space<hbm>>
      %dma_start3A_394 = tpu.memref_slice %arg5[%add3A_142] : memref<4194304xf32, #tpu.memory_space<hbm>> -> memref<16384xf32, #tpu.memory_space<hbm>>
      %dma_start3A_395 = arith.constant 0 : i32
      %dma_start3A_396 = tpu.memref_slice %arg9[%dma_start3A_395] : memref<32768xf32, #tpu.memory_space<vmem>> -> memref<16384xf32, #tpu.memory_space<vmem>>
      tpu.enqueue_dma source(%dma_start3A_396 : memref<16384xf32, #tpu.memory_space<vmem>>) target(%dma_start3A_394 : memref<16384xf32, #tpu.memory_space<hbm>>) target_semaphore(%run_scoped3A : memref<!tpu.dma_semaphore, #tpu.memory_space<semaphore_mem>>)
      %dma_wait3A = arith.constant 0 : i32
      %dma_wait3A_397 = tpu.memref_slice %arg9[%dma_wait3A] : memref<32768xf32, #tpu.memory_space<vmem>> -> memref<16384xf32, #tpu.memory_space<vmem>>
      %dma_wait3A_398 = tpu.memref_slice %arg5[%add3A_142] : memref<4194304xf32, #tpu.memory_space<hbm>> -> memref<16384xf32, #tpu.memory_space<hbm>>
      %dma_wait3A_399 = tpu.memref_slice %arg5[%add3A_142] : memref<4194304xf32, #tpu.memory_space<hbm>> -> memref<16384xf32, #tpu.memory_space<hbm>>
      %dma_wait3A_400 = arith.constant 0 : i32
      %dma_wait3A_401 = tpu.memref_slice %arg9[%dma_wait3A_400] : memref<32768xf32, #tpu.memory_space<vmem>> -> memref<16384xf32, #tpu.memory_space<vmem>>
      tpu.wait_dma2 semaphore(%run_scoped3A : memref<!tpu.dma_semaphore, #tpu.memory_space<semaphore_mem>>) src(%dma_wait3A_401 : memref<16384xf32, #tpu.memory_space<vmem>>) dst(%dma_wait3A_399 : memref<16384xf32, #tpu.memory_space<hbm>>)
      tpu.yield
    }) : () -> ()
    %add3A_143 = arith.constant 24 : i32
    %add3A_144 = arith.addi %add3A_143, %select_n3A_30 : i32
    %mul3A_145 = arith.constant 32 : i32
    %mul3A_146 = arith.muli %select_n3A, %mul3A_145 : i32
    %add3A_147 = arith.addi %mul3A_146, %add3A_144 : i32
    %mul3A_148 = arith.constant 32768 : i32
    %mul3A_149 = arith.muli %add3A_147, %mul3A_148 : i32
    %add3A_150 = arith.constant 16384 : i32
    %add3A_151 = arith.addi %mul3A_149, %add3A_150 : i32
    "tpu.region"() ({
      %run_scoped3A = tpu.sem_alloc : memref<!tpu.dma_semaphore, #tpu.memory_space<semaphore_mem>>
      %dma_start3A = arith.constant 16384 : i32
      %dma_start3A_392 = tpu.memref_slice %arg9[%dma_start3A] : memref<32768xf32, #tpu.memory_space<vmem>> -> memref<16384xf32, #tpu.memory_space<vmem>>
      %dma_start3A_393 = tpu.memref_slice %arg5[%add3A_151] : memref<4194304xf32, #tpu.memory_space<hbm>> -> memref<16384xf32, #tpu.memory_space<hbm>>
      %dma_start3A_394 = tpu.memref_slice %arg5[%add3A_151] : memref<4194304xf32, #tpu.memory_space<hbm>> -> memref<16384xf32, #tpu.memory_space<hbm>>
      %dma_start3A_395 = arith.constant 16384 : i32
      %dma_start3A_396 = tpu.memref_slice %arg9[%dma_start3A_395] : memref<32768xf32, #tpu.memory_space<vmem>> -> memref<16384xf32, #tpu.memory_space<vmem>>
      tpu.enqueue_dma source(%dma_start3A_396 : memref<16384xf32, #tpu.memory_space<vmem>>) target(%dma_start3A_394 : memref<16384xf32, #tpu.memory_space<hbm>>) target_semaphore(%run_scoped3A : memref<!tpu.dma_semaphore, #tpu.memory_space<semaphore_mem>>)
      %dma_wait3A = arith.constant 16384 : i32
      %dma_wait3A_397 = tpu.memref_slice %arg9[%dma_wait3A] : memref<32768xf32, #tpu.memory_space<vmem>> -> memref<16384xf32, #tpu.memory_space<vmem>>
      %dma_wait3A_398 = tpu.memref_slice %arg5[%add3A_151] : memref<4194304xf32, #tpu.memory_space<hbm>> -> memref<16384xf32, #tpu.memory_space<hbm>>
      %dma_wait3A_399 = tpu.memref_slice %arg5[%add3A_151] : memref<4194304xf32, #tpu.memory_space<hbm>> -> memref<16384xf32, #tpu.memory_space<hbm>>
      %dma_wait3A_400 = arith.constant 16384 : i32
      %dma_wait3A_401 = tpu.memref_slice %arg9[%dma_wait3A_400] : memref<32768xf32, #tpu.memory_space<vmem>> -> memref<16384xf32, #tpu.memory_space<vmem>>
      tpu.wait_dma2 semaphore(%run_scoped3A : memref<!tpu.dma_semaphore, #tpu.memory_space<semaphore_mem>>) src(%dma_wait3A_401 : memref<16384xf32, #tpu.memory_space<vmem>>) dst(%dma_wait3A_399 : memref<16384xf32, #tpu.memory_space<hbm>>)
      tpu.yield
    }) : () -> ()
    %add3A_152 = arith.constant 0 : i32
    %add3A_153 = arith.addi %add3A_152, %select_n3A_30 : i32
    %mul3A_154 = arith.constant 64 : i32
    %mul3A_155 = arith.muli %select_n3A, %mul3A_154 : i32
    %add3A_156 = arith.addi %mul3A_155, %add3A_153 : i32
    %mul3A_157 = arith.constant 29952 : i32
    %mul3A_158 = arith.muli %add3A_156, %mul3A_157 : i32
    "tpu.region"() ({
      %run_scoped3A = tpu.sem_alloc : memref<!tpu.dma_semaphore, #tpu.memory_space<semaphore_mem>>
      %dma_start3A = arith.constant 0 : i32
      %dma_start3A_392 = tpu.memref_slice %arg8[%dma_start3A] : memref<59936xf32, #tpu.memory_space<vmem>> -> memref<29952xf32, #tpu.memory_space<vmem>>
      %dma_start3A_393 = tpu.memref_slice %arg3[%mul3A_158] : memref<7667712xf32, #tpu.memory_space<hbm>> -> memref<29952xf32, #tpu.memory_space<hbm>>
      %dma_start3A_394 = arith.constant 0 : i32
      %dma_start3A_395 = tpu.memref_slice %arg8[%dma_start3A_394] : memref<59936xf32, #tpu.memory_space<vmem>> -> memref<29952xf32, #tpu.memory_space<vmem>>
      %dma_start3A_396 = tpu.memref_slice %arg3[%mul3A_158] : memref<7667712xf32, #tpu.memory_space<hbm>> -> memref<29952xf32, #tpu.memory_space<hbm>>
      tpu.enqueue_dma source(%dma_start3A_396 : memref<29952xf32, #tpu.memory_space<hbm>>) target(%dma_start3A_395 : memref<29952xf32, #tpu.memory_space<vmem>>) target_semaphore(%run_scoped3A : memref<!tpu.dma_semaphore, #tpu.memory_space<semaphore_mem>>)
      %dma_wait3A = arith.constant 0 : i32
      %dma_wait3A_397 = tpu.memref_slice %arg8[%dma_wait3A] : memref<59936xf32, #tpu.memory_space<vmem>> -> memref<29952xf32, #tpu.memory_space<vmem>>
      %dma_wait3A_398 = tpu.memref_slice %arg3[%mul3A_158] : memref<7667712xf32, #tpu.memory_space<hbm>> -> memref<29952xf32, #tpu.memory_space<hbm>>
      %dma_wait3A_399 = arith.constant 0 : i32
      %dma_wait3A_400 = tpu.memref_slice %arg8[%dma_wait3A_399] : memref<59936xf32, #tpu.memory_space<vmem>> -> memref<29952xf32, #tpu.memory_space<vmem>>
      %dma_wait3A_401 = tpu.memref_slice %arg3[%mul3A_158] : memref<7667712xf32, #tpu.memory_space<hbm>> -> memref<29952xf32, #tpu.memory_space<hbm>>
      tpu.wait_dma2 semaphore(%run_scoped3A : memref<!tpu.dma_semaphore, #tpu.memory_space<semaphore_mem>>) src(%dma_wait3A_401 : memref<29952xf32, #tpu.memory_space<hbm>>) dst(%dma_wait3A_400 : memref<29952xf32, #tpu.memory_space<vmem>>)
      tpu.yield
    }) : () -> ()
    %swap3A_159 = arith.constant 29952 : index
    %swap3A_160 = tpu.vector_load %arg8[%swap3A_159] {strides = array<i32>} : memref<59936xf32, #tpu.memory_space<vmem>>, vector<16xf32>,
    tpu.vector_store %arg8[%swap3A_159], %broadcast_in_dim3A_33 {strides = array<i32>} : memref<59936xf32, #tpu.memory_space<vmem>>, vector<16xf32>,
    %add3A_161 = arith.constant 8 : i32
    %add3A_162 = arith.addi %add3A_161, %select_n3A_30 : i32
    %mul3A_163 = arith.constant 64 : i32
    %mul3A_164 = arith.muli %select_n3A, %mul3A_163 : i32
    %add3A_165 = arith.addi %mul3A_164, %add3A_162 : i32
    %mul3A_166 = arith.constant 29952 : i32
    %mul3A_167 = arith.muli %add3A_165, %mul3A_166 : i32
    "tpu.region"() ({
      %run_scoped3A = tpu.sem_alloc : memref<!tpu.dma_semaphore, #tpu.memory_space<semaphore_mem>>
      %dma_start3A = arith.constant 29968 : i32
      %dma_start3A_392 = tpu.memref_slice %arg8[%dma_start3A] : memref<59936xf32, #tpu.memory_space<vmem>> -> memref<29952xf32, #tpu.memory_space<vmem>>
      %dma_start3A_393 = tpu.memref_slice %arg3[%mul3A_167] : memref<7667712xf32, #tpu.memory_space<hbm>> -> memref<29952xf32, #tpu.memory_space<hbm>>
      %dma_start3A_394 = arith.constant 29968 : i32
      %dma_start3A_395 = tpu.memref_slice %arg8[%dma_start3A_394] : memref<59936xf32, #tpu.memory_space<vmem>> -> memref<29952xf32, #tpu.memory_space<vmem>>
      %dma_start3A_396 = tpu.memref_slice %arg3[%mul3A_167] : memref<7667712xf32, #tpu.memory_space<hbm>> -> memref<29952xf32, #tpu.memory_space<hbm>>
      tpu.enqueue_dma source(%dma_start3A_396 : memref<29952xf32, #tpu.memory_space<hbm>>) target(%dma_start3A_395 : memref<29952xf32, #tpu.memory_space<vmem>>) target_semaphore(%run_scoped3A : memref<!tpu.dma_semaphore, #tpu.memory_space<semaphore_mem>>)
      %dma_wait3A = arith.constant 29968 : i32
      %dma_wait3A_397 = tpu.memref_slice %arg8[%dma_wait3A] : memref<59936xf32, #tpu.memory_space<vmem>> -> memref<29952xf32, #tpu.memory_space<vmem>>
      %dma_wait3A_398 = tpu.memref_slice %arg3[%mul3A_167] : memref<7667712xf32, #tpu.memory_space<hbm>> -> memref<29952xf32, #tpu.memory_space<hbm>>
      %dma_wait3A_399 = arith.constant 29968 : i32
      %dma_wait3A_400 = tpu.memref_slice %arg8[%dma_wait3A_399] : memref<59936xf32, #tpu.memory_space<vmem>> -> memref<29952xf32, #tpu.memory_space<vmem>>
      %dma_wait3A_401 = tpu.memref_slice %arg3[%mul3A_167] : memref<7667712xf32, #tpu.memory_space<hbm>> -> memref<29952xf32, #tpu.memory_space<hbm>>
      tpu.wait_dma2 semaphore(%run_scoped3A : memref<!tpu.dma_semaphore, #tpu.memory_space<semaphore_mem>>) src(%dma_wait3A_401 : memref<29952xf32, #tpu.memory_space<hbm>>) dst(%dma_wait3A_400 : memref<29952xf32, #tpu.memory_space<vmem>>)
      tpu.yield
    }) : () -> ()
    %swap3A_168 = arith.constant 59920 : index
    %swap3A_169 = tpu.vector_load %arg8[%swap3A_168] {strides = array<i32>} : memref<59936xf32, #tpu.memory_space<vmem>>, vector<16xf32>,
    tpu.vector_store %arg8[%swap3A_168], %broadcast_in_dim3A_33 {strides = array<i32>} : memref<59936xf32, #tpu.memory_space<vmem>>, vector<16xf32>,
    %parallel_loop3A_170 = arith.constant 0 : i32
    %parallel_loop3A_171 = arith.constant 1024 : i32
    %parallel_loop3A_172 = arith.constant 1 : i32
    scf.for %parallel_loop3A_392 = %parallel_loop3A_170 to %parallel_loop3A_171 step %parallel_loop3A_172  : i32 {
      %parallel_loop3A_393 = arith.constant 16 : i32
      %parallel_loop3A_394 = arith.muli %parallel_loop3A_392, %parallel_loop3A_393 : i32
      %parallel_loop3A_395 = arith.constant 0 : i32
      %parallel_loop3A_396 = arith.addi %parallel_loop3A_395, %parallel_loop3A_394 : i32
      %parallel_loop3A_397 = arith.index_cast %parallel_loop3A_396 : i32 to index
      %parallel_loop3A_398 = tpu.vector_load %arg7[%parallel_loop3A_397] {strides = array<i32>} : memref<32768xi32, #tpu.memory_space<vmem>>, vector<16xi32>,
      %parallel_loop3A_399 = tpu.vector_load_idx %arg8[%parallel_loop3A_398] : memref<59936xf32, #tpu.memory_space<vmem>>[vector<16xi32>], vector<16xf32>,
      %parallel_loop3A_400 = arith.constant 16 : i32
      %parallel_loop3A_401 = arith.muli %parallel_loop3A_392, %parallel_loop3A_400 : i32
      %parallel_loop3A_402 = arith.index_cast %parallel_loop3A_401 : i32 to index
      %parallel_loop3A_403 = tpu.vector_load %arg9[%parallel_loop3A_402] {strides = array<i32>} : memref<32768xf32, #tpu.memory_space<vmem>>, vector<16xf32>,
      tpu.vector_store %arg9[%parallel_loop3A_402], %parallel_loop3A_399 {strides = array<i32>} : memref<32768xf32, #tpu.memory_space<vmem>>, vector<16xf32>,
      %parallel_loop3A_404 = arith.constant 29968 : i32
      %parallel_loop3A_405 = vector.broadcast %parallel_loop3A_404 : i32 to vector<16xi32>
      %parallel_loop3A_406 = arith.addi %parallel_loop3A_398, %parallel_loop3A_405 : vector<16xi32>
      %parallel_loop3A_407 = tpu.vector_load_idx %arg8[%parallel_loop3A_406] : memref<59936xf32, #tpu.memory_space<vmem>>[vector<16xi32>], vector<16xf32>,
      %parallel_loop3A_408 = arith.constant 16 : i32
      %parallel_loop3A_409 = arith.muli %parallel_loop3A_392, %parallel_loop3A_408 : i32
      %parallel_loop3A_410 = arith.constant 16384 : i32
      %parallel_loop3A_411 = arith.addi %parallel_loop3A_410, %parallel_loop3A_409 : i32
      %parallel_loop3A_412 = arith.index_cast %parallel_loop3A_411 : i32 to index
      %parallel_loop3A_413 = tpu.vector_load %arg9[%parallel_loop3A_412] {strides = array<i32>} : memref<32768xf32, #tpu.memory_space<vmem>>, vector<16xf32>,
      tpu.vector_store %arg9[%parallel_loop3A_412], %parallel_loop3A_407 {strides = array<i32>} : memref<32768xf32, #tpu.memory_space<vmem>>, vector<16xf32>,
    } {sc.loop_unroll_factor = 8 : i64, sc.parallel_access}
    %add3A_173 = arith.constant 0 : i32
    %add3A_174 = arith.addi %add3A_173, %select_n3A_30 : i32
    %mul3A_175 = arith.constant 64 : i32
    %mul3A_176 = arith.muli %select_n3A, %mul3A_175 : i32
    %add3A_177 = arith.addi %mul3A_176, %add3A_174 : i32
    %mul3A_178 = arith.constant 32768 : i32
    %mul3A_179 = arith.muli %add3A_177, %mul3A_178 : i32
    %add3A_180 = arith.constant 0 : i32
    %add3A_181 = arith.addi %mul3A_179, %add3A_180 : i32
    "tpu.region"() ({
      %run_scoped3A = tpu.sem_alloc : memref<!tpu.dma_semaphore, #tpu.memory_space<semaphore_mem>>
      %dma_start3A = arith.constant 0 : i32
      %dma_start3A_392 = tpu.memref_slice %arg9[%dma_start3A] : memref<32768xf32, #tpu.memory_space<vmem>> -> memref<16384xf32, #tpu.memory_space<vmem>>
      %dma_start3A_393 = tpu.memref_slice %arg6[%add3A_181] : memref<8388608xf32, #tpu.memory_space<hbm>> -> memref<16384xf32, #tpu.memory_space<hbm>>
      %dma_start3A_394 = tpu.memref_slice %arg6[%add3A_181] : memref<8388608xf32, #tpu.memory_space<hbm>> -> memref<16384xf32, #tpu.memory_space<hbm>>
      %dma_start3A_395 = arith.constant 0 : i32
      %dma_start3A_396 = tpu.memref_slice %arg9[%dma_start3A_395] : memref<32768xf32, #tpu.memory_space<vmem>> -> memref<16384xf32, #tpu.memory_space<vmem>>
      tpu.enqueue_dma source(%dma_start3A_396 : memref<16384xf32, #tpu.memory_space<vmem>>) target(%dma_start3A_394 : memref<16384xf32, #tpu.memory_space<hbm>>) target_semaphore(%run_scoped3A : memref<!tpu.dma_semaphore, #tpu.memory_space<semaphore_mem>>)
      %dma_wait3A = arith.constant 0 : i32
      %dma_wait3A_397 = tpu.memref_slice %arg9[%dma_wait3A] : memref<32768xf32, #tpu.memory_space<vmem>> -> memref<16384xf32, #tpu.memory_space<vmem>>
      %dma_wait3A_398 = tpu.memref_slice %arg6[%add3A_181] : memref<8388608xf32, #tpu.memory_space<hbm>> -> memref<16384xf32, #tpu.memory_space<hbm>>
      %dma_wait3A_399 = tpu.memref_slice %arg6[%add3A_181] : memref<8388608xf32, #tpu.memory_space<hbm>> -> memref<16384xf32, #tpu.memory_space<hbm>>
      %dma_wait3A_400 = arith.constant 0 : i32
      %dma_wait3A_401 = tpu.memref_slice %arg9[%dma_wait3A_400] : memref<32768xf32, #tpu.memory_space<vmem>> -> memref<16384xf32, #tpu.memory_space<vmem>>
      tpu.wait_dma2 semaphore(%run_scoped3A : memref<!tpu.dma_semaphore, #tpu.memory_space<semaphore_mem>>) src(%dma_wait3A_401 : memref<16384xf32, #tpu.memory_space<vmem>>) dst(%dma_wait3A_399 : memref<16384xf32, #tpu.memory_space<hbm>>)
      tpu.yield
    }) : () -> ()
    %add3A_182 = arith.constant 8 : i32
    %add3A_183 = arith.addi %add3A_182, %select_n3A_30 : i32
    %mul3A_184 = arith.constant 64 : i32
    %mul3A_185 = arith.muli %select_n3A, %mul3A_184 : i32
    %add3A_186 = arith.addi %mul3A_185, %add3A_183 : i32
    %mul3A_187 = arith.constant 32768 : i32
    %mul3A_188 = arith.muli %add3A_186, %mul3A_187 : i32
    %add3A_189 = arith.constant 0 : i32
    %add3A_190 = arith.addi %mul3A_188, %add3A_189 : i32
    "tpu.region"() ({
      %run_scoped3A = tpu.sem_alloc : memref<!tpu.dma_semaphore, #tpu.memory_space<semaphore_mem>>
      %dma_start3A = arith.constant 16384 : i32
      %dma_start3A_392 = tpu.memref_slice %arg9[%dma_start3A] : memref<32768xf32, #tpu.memory_space<vmem>> -> memref<16384xf32, #tpu.memory_space<vmem>>
      %dma_start3A_393 = tpu.memref_slice %arg6[%add3A_190] : memref<8388608xf32, #tpu.memory_space<hbm>> -> memref<16384xf32, #tpu.memory_space<hbm>>
      %dma_start3A_394 = tpu.memref_slice %arg6[%add3A_190] : memref<8388608xf32, #tpu.memory_space<hbm>> -> memref<16384xf32, #tpu.memory_space<hbm>>
      %dma_start3A_395 = arith.constant 16384 : i32
      %dma_start3A_396 = tpu.memref_slice %arg9[%dma_start3A_395] : memref<32768xf32, #tpu.memory_space<vmem>> -> memref<16384xf32, #tpu.memory_space<vmem>>
      tpu.enqueue_dma source(%dma_start3A_396 : memref<16384xf32, #tpu.memory_space<vmem>>) target(%dma_start3A_394 : memref<16384xf32, #tpu.memory_space<hbm>>) target_semaphore(%run_scoped3A : memref<!tpu.dma_semaphore, #tpu.memory_space<semaphore_mem>>)
      %dma_wait3A = arith.constant 16384 : i32
      %dma_wait3A_397 = tpu.memref_slice %arg9[%dma_wait3A] : memref<32768xf32, #tpu.memory_space<vmem>> -> memref<16384xf32, #tpu.memory_space<vmem>>
      %dma_wait3A_398 = tpu.memref_slice %arg6[%add3A_190] : memref<8388608xf32, #tpu.memory_space<hbm>> -> memref<16384xf32, #tpu.memory_space<hbm>>
      %dma_wait3A_399 = tpu.memref_slice %arg6[%add3A_190] : memref<8388608xf32, #tpu.memory_space<hbm>> -> memref<16384xf32, #tpu.memory_space<hbm>>
      %dma_wait3A_400 = arith.constant 16384 : i32
      %dma_wait3A_401 = tpu.memref_slice %arg9[%dma_wait3A_400] : memref<32768xf32, #tpu.memory_space<vmem>> -> memref<16384xf32, #tpu.memory_space<vmem>>
      tpu.wait_dma2 semaphore(%run_scoped3A : memref<!tpu.dma_semaphore, #tpu.memory_space<semaphore_mem>>) src(%dma_wait3A_401 : memref<16384xf32, #tpu.memory_space<vmem>>) dst(%dma_wait3A_399 : memref<16384xf32, #tpu.memory_space<hbm>>)
      tpu.yield
    }) : () -> ()
    %parallel_loop3A_191 = arith.constant 0 : i32
    %parallel_loop3A_192 = arith.constant 1024 : i32
    %parallel_loop3A_193 = arith.constant 1 : i32
    scf.for %parallel_loop3A_392 = %parallel_loop3A_191 to %parallel_loop3A_192 step %parallel_loop3A_193  : i32 {
      %parallel_loop3A_393 = arith.constant 16 : i32
      %parallel_loop3A_394 = arith.muli %parallel_loop3A_392, %parallel_loop3A_393 : i32
      %parallel_loop3A_395 = arith.constant 16384 : i32
      %parallel_loop3A_396 = arith.addi %parallel_loop3A_395, %parallel_loop3A_394 : i32
      %parallel_loop3A_397 = arith.index_cast %parallel_loop3A_396 : i32 to index
      %parallel_loop3A_398 = tpu.vector_load %arg7[%parallel_loop3A_397] {strides = array<i32>} : memref<32768xi32, #tpu.memory_space<vmem>>, vector<16xi32>,
      %parallel_loop3A_399 = tpu.vector_load_idx %arg8[%parallel_loop3A_398] : memref<59936xf32, #tpu.memory_space<vmem>>[vector<16xi32>], vector<16xf32>,
      %parallel_loop3A_400 = arith.constant 16 : i32
      %parallel_loop3A_401 = arith.muli %parallel_loop3A_392, %parallel_loop3A_400 : i32
      %parallel_loop3A_402 = arith.index_cast %parallel_loop3A_401 : i32 to index
      %parallel_loop3A_403 = tpu.vector_load %arg9[%parallel_loop3A_402] {strides = array<i32>} : memref<32768xf32, #tpu.memory_space<vmem>>, vector<16xf32>,
      tpu.vector_store %arg9[%parallel_loop3A_402], %parallel_loop3A_399 {strides = array<i32>} : memref<32768xf32, #tpu.memory_space<vmem>>, vector<16xf32>,
      %parallel_loop3A_404 = arith.constant 29968 : i32
      %parallel_loop3A_405 = vector.broadcast %parallel_loop3A_404 : i32 to vector<16xi32>
      %parallel_loop3A_406 = arith.addi %parallel_loop3A_398, %parallel_loop3A_405 : vector<16xi32>
      %parallel_loop3A_407 = tpu.vector_load_idx %arg8[%parallel_loop3A_406] : memref<59936xf32, #tpu.memory_space<vmem>>[vector<16xi32>], vector<16xf32>,
      %parallel_loop3A_408 = arith.constant 16 : i32
      %parallel_loop3A_409 = arith.muli %parallel_loop3A_392, %parallel_loop3A_408 : i32
      %parallel_loop3A_410 = arith.constant 16384 : i32
      %parallel_loop3A_411 = arith.addi %parallel_loop3A_410, %parallel_loop3A_409 : i32
      %parallel_loop3A_412 = arith.index_cast %parallel_loop3A_411 : i32 to index
      %parallel_loop3A_413 = tpu.vector_load %arg9[%parallel_loop3A_412] {strides = array<i32>} : memref<32768xf32, #tpu.memory_space<vmem>>, vector<16xf32>,
      tpu.vector_store %arg9[%parallel_loop3A_412], %parallel_loop3A_407 {strides = array<i32>} : memref<32768xf32, #tpu.memory_space<vmem>>, vector<16xf32>,
    } {sc.loop_unroll_factor = 8 : i64, sc.parallel_access}
    %add3A_194 = arith.constant 0 : i32
    %add3A_195 = arith.addi %add3A_194, %select_n3A_30 : i32
    %mul3A_196 = arith.constant 64 : i32
    %mul3A_197 = arith.muli %select_n3A, %mul3A_196 : i32
    %add3A_198 = arith.addi %mul3A_197, %add3A_195 : i32
    %mul3A_199 = arith.constant 32768 : i32
    %mul3A_200 = arith.muli %add3A_198, %mul3A_199 : i32
    %add3A_201 = arith.constant 16384 : i32
    %add3A_202 = arith.addi %mul3A_200, %add3A_201 : i32
    "tpu.region"() ({
      %run_scoped3A = tpu.sem_alloc : memref<!tpu.dma_semaphore, #tpu.memory_space<semaphore_mem>>
      %dma_start3A = arith.constant 0 : i32
      %dma_start3A_392 = tpu.memref_slice %arg9[%dma_start3A] : memref<32768xf32, #tpu.memory_space<vmem>> -> memref<16384xf32, #tpu.memory_space<vmem>>
      %dma_start3A_393 = tpu.memref_slice %arg6[%add3A_202] : memref<8388608xf32, #tpu.memory_space<hbm>> -> memref<16384xf32, #tpu.memory_space<hbm>>
      %dma_start3A_394 = tpu.memref_slice %arg6[%add3A_202] : memref<8388608xf32, #tpu.memory_space<hbm>> -> memref<16384xf32, #tpu.memory_space<hbm>>
      %dma_start3A_395 = arith.constant 0 : i32
      %dma_start3A_396 = tpu.memref_slice %arg9[%dma_start3A_395] : memref<32768xf32, #tpu.memory_space<vmem>> -> memref<16384xf32, #tpu.memory_space<vmem>>
      tpu.enqueue_dma source(%dma_start3A_396 : memref<16384xf32, #tpu.memory_space<vmem>>) target(%dma_start3A_394 : memref<16384xf32, #tpu.memory_space<hbm>>) target_semaphore(%run_scoped3A : memref<!tpu.dma_semaphore, #tpu.memory_space<semaphore_mem>>)
      %dma_wait3A = arith.constant 0 : i32
      %dma_wait3A_397 = tpu.memref_slice %arg9[%dma_wait3A] : memref<32768xf32, #tpu.memory_space<vmem>> -> memref<16384xf32, #tpu.memory_space<vmem>>
      %dma_wait3A_398 = tpu.memref_slice %arg6[%add3A_202] : memref<8388608xf32, #tpu.memory_space<hbm>> -> memref<16384xf32, #tpu.memory_space<hbm>>
      %dma_wait3A_399 = tpu.memref_slice %arg6[%add3A_202] : memref<8388608xf32, #tpu.memory_space<hbm>> -> memref<16384xf32, #tpu.memory_space<hbm>>
      %dma_wait3A_400 = arith.constant 0 : i32
      %dma_wait3A_401 = tpu.memref_slice %arg9[%dma_wait3A_400] : memref<32768xf32, #tpu.memory_space<vmem>> -> memref<16384xf32, #tpu.memory_space<vmem>>
      tpu.wait_dma2 semaphore(%run_scoped3A : memref<!tpu.dma_semaphore, #tpu.memory_space<semaphore_mem>>) src(%dma_wait3A_401 : memref<16384xf32, #tpu.memory_space<vmem>>) dst(%dma_wait3A_399 : memref<16384xf32, #tpu.memory_space<hbm>>)
      tpu.yield
    }) : () -> ()
    %add3A_203 = arith.constant 8 : i32
    %add3A_204 = arith.addi %add3A_203, %select_n3A_30 : i32
    %mul3A_205 = arith.constant 64 : i32
    %mul3A_206 = arith.muli %select_n3A, %mul3A_205 : i32
    %add3A_207 = arith.addi %mul3A_206, %add3A_204 : i32
    %mul3A_208 = arith.constant 32768 : i32
    %mul3A_209 = arith.muli %add3A_207, %mul3A_208 : i32
    %add3A_210 = arith.constant 16384 : i32
    %add3A_211 = arith.addi %mul3A_209, %add3A_210 : i32
    "tpu.region"() ({
      %run_scoped3A = tpu.sem_alloc : memref<!tpu.dma_semaphore, #tpu.memory_space<semaphore_mem>>
      %dma_start3A = arith.constant 16384 : i32
      %dma_start3A_392 = tpu.memref_slice %arg9[%dma_start3A] : memref<32768xf32, #tpu.memory_space<vmem>> -> memref<16384xf32, #tpu.memory_space<vmem>>
      %dma_start3A_393 = tpu.memref_slice %arg6[%add3A_211] : memref<8388608xf32, #tpu.memory_space<hbm>> -> memref<16384xf32, #tpu.memory_space<hbm>>
      %dma_start3A_394 = tpu.memref_slice %arg6[%add3A_211] : memref<8388608xf32, #tpu.memory_space<hbm>> -> memref<16384xf32, #tpu.memory_space<hbm>>
      %dma_start3A_395 = arith.constant 16384 : i32
      %dma_start3A_396 = tpu.memref_slice %arg9[%dma_start3A_395] : memref<32768xf32, #tpu.memory_space<vmem>> -> memref<16384xf32, #tpu.memory_space<vmem>>
      tpu.enqueue_dma source(%dma_start3A_396 : memref<16384xf32, #tpu.memory_space<vmem>>) target(%dma_start3A_394 : memref<16384xf32, #tpu.memory_space<hbm>>) target_semaphore(%run_scoped3A : memref<!tpu.dma_semaphore, #tpu.memory_space<semaphore_mem>>)
      %dma_wait3A = arith.constant 16384 : i32
      %dma_wait3A_397 = tpu.memref_slice %arg9[%dma_wait3A] : memref<32768xf32, #tpu.memory_space<vmem>> -> memref<16384xf32, #tpu.memory_space<vmem>>
      %dma_wait3A_398 = tpu.memref_slice %arg6[%add3A_211] : memref<8388608xf32, #tpu.memory_space<hbm>> -> memref<16384xf32, #tpu.memory_space<hbm>>
      %dma_wait3A_399 = tpu.memref_slice %arg6[%add3A_211] : memref<8388608xf32, #tpu.memory_space<hbm>> -> memref<16384xf32, #tpu.memory_space<hbm>>
      %dma_wait3A_400 = arith.constant 16384 : i32
      %dma_wait3A_401 = tpu.memref_slice %arg9[%dma_wait3A_400] : memref<32768xf32, #tpu.memory_space<vmem>> -> memref<16384xf32, #tpu.memory_space<vmem>>
      tpu.wait_dma2 semaphore(%run_scoped3A : memref<!tpu.dma_semaphore, #tpu.memory_space<semaphore_mem>>) src(%dma_wait3A_401 : memref<16384xf32, #tpu.memory_space<vmem>>) dst(%dma_wait3A_399 : memref<16384xf32, #tpu.memory_space<hbm>>)
      tpu.yield
    }) : () -> ()
    %add3A_212 = arith.constant 16 : i32
    %add3A_213 = arith.addi %add3A_212, %select_n3A_30 : i32
    %mul3A_214 = arith.constant 64 : i32
    %mul3A_215 = arith.muli %select_n3A, %mul3A_214 : i32
    %add3A_216 = arith.addi %mul3A_215, %add3A_213 : i32
    %mul3A_217 = arith.constant 29952 : i32
    %mul3A_218 = arith.muli %add3A_216, %mul3A_217 : i32
    "tpu.region"() ({
      %run_scoped3A = tpu.sem_alloc : memref<!tpu.dma_semaphore, #tpu.memory_space<semaphore_mem>>
      %dma_start3A = arith.constant 0 : i32
      %dma_start3A_392 = tpu.memref_slice %arg8[%dma_start3A] : memref<59936xf32, #tpu.memory_space<vmem>> -> memref<29952xf32, #tpu.memory_space<vmem>>
      %dma_start3A_393 = tpu.memref_slice %arg3[%mul3A_218] : memref<7667712xf32, #tpu.memory_space<hbm>> -> memref<29952xf32, #tpu.memory_space<hbm>>
      %dma_start3A_394 = arith.constant 0 : i32
      %dma_start3A_395 = tpu.memref_slice %arg8[%dma_start3A_394] : memref<59936xf32, #tpu.memory_space<vmem>> -> memref<29952xf32, #tpu.memory_space<vmem>>
      %dma_start3A_396 = tpu.memref_slice %arg3[%mul3A_218] : memref<7667712xf32, #tpu.memory_space<hbm>> -> memref<29952xf32, #tpu.memory_space<hbm>>
      tpu.enqueue_dma source(%dma_start3A_396 : memref<29952xf32, #tpu.memory_space<hbm>>) target(%dma_start3A_395 : memref<29952xf32, #tpu.memory_space<vmem>>) target_semaphore(%run_scoped3A : memref<!tpu.dma_semaphore, #tpu.memory_space<semaphore_mem>>)
      %dma_wait3A = arith.constant 0 : i32
      %dma_wait3A_397 = tpu.memref_slice %arg8[%dma_wait3A] : memref<59936xf32, #tpu.memory_space<vmem>> -> memref<29952xf32, #tpu.memory_space<vmem>>
      %dma_wait3A_398 = tpu.memref_slice %arg3[%mul3A_218] : memref<7667712xf32, #tpu.memory_space<hbm>> -> memref<29952xf32, #tpu.memory_space<hbm>>
      %dma_wait3A_399 = arith.constant 0 : i32
      %dma_wait3A_400 = tpu.memref_slice %arg8[%dma_wait3A_399] : memref<59936xf32, #tpu.memory_space<vmem>> -> memref<29952xf32, #tpu.memory_space<vmem>>
      %dma_wait3A_401 = tpu.memref_slice %arg3[%mul3A_218] : memref<7667712xf32, #tpu.memory_space<hbm>> -> memref<29952xf32, #tpu.memory_space<hbm>>
      tpu.wait_dma2 semaphore(%run_scoped3A : memref<!tpu.dma_semaphore, #tpu.memory_space<semaphore_mem>>) src(%dma_wait3A_401 : memref<29952xf32, #tpu.memory_space<hbm>>) dst(%dma_wait3A_400 : memref<29952xf32, #tpu.memory_space<vmem>>)
      tpu.yield
    }) : () -> ()
    %swap3A_219 = arith.constant 29952 : index
    %swap3A_220 = tpu.vector_load %arg8[%swap3A_219] {strides = array<i32>} : memref<59936xf32, #tpu.memory_space<vmem>>, vector<16xf32>,
    tpu.vector_store %arg8[%swap3A_219], %broadcast_in_dim3A_33 {strides = array<i32>} : memref<59936xf32, #tpu.memory_space<vmem>>, vector<16xf32>,
    %add3A_221 = arith.constant 24 : i32
    %add3A_222 = arith.addi %add3A_221, %select_n3A_30 : i32
    %mul3A_223 = arith.constant 64 : i32
    %mul3A_224 = arith.muli %select_n3A, %mul3A_223 : i32
    %add3A_225 = arith.addi %mul3A_224, %add3A_222 : i32
    %mul3A_226 = arith.constant 29952 : i32
    %mul3A_227 = arith.muli %add3A_225, %mul3A_226 : i32
    "tpu.region"() ({
      %run_scoped3A = tpu.sem_alloc : memref<!tpu.dma_semaphore, #tpu.memory_space<semaphore_mem>>
      %dma_start3A = arith.constant 29968 : i32
      %dma_start3A_392 = tpu.memref_slice %arg8[%dma_start3A] : memref<59936xf32, #tpu.memory_space<vmem>> -> memref<29952xf32, #tpu.memory_space<vmem>>
      %dma_start3A_393 = tpu.memref_slice %arg3[%mul3A_227] : memref<7667712xf32, #tpu.memory_space<hbm>> -> memref<29952xf32, #tpu.memory_space<hbm>>
      %dma_start3A_394 = arith.constant 29968 : i32
      %dma_start3A_395 = tpu.memref_slice %arg8[%dma_start3A_394] : memref<59936xf32, #tpu.memory_space<vmem>> -> memref<29952xf32, #tpu.memory_space<vmem>>
      %dma_start3A_396 = tpu.memref_slice %arg3[%mul3A_227] : memref<7667712xf32, #tpu.memory_space<hbm>> -> memref<29952xf32, #tpu.memory_space<hbm>>
      tpu.enqueue_dma source(%dma_start3A_396 : memref<29952xf32, #tpu.memory_space<hbm>>) target(%dma_start3A_395 : memref<29952xf32, #tpu.memory_space<vmem>>) target_semaphore(%run_scoped3A : memref<!tpu.dma_semaphore, #tpu.memory_space<semaphore_mem>>)
      %dma_wait3A = arith.constant 29968 : i32
      %dma_wait3A_397 = tpu.memref_slice %arg8[%dma_wait3A] : memref<59936xf32, #tpu.memory_space<vmem>> -> memref<29952xf32, #tpu.memory_space<vmem>>
      %dma_wait3A_398 = tpu.memref_slice %arg3[%mul3A_227] : memref<7667712xf32, #tpu.memory_space<hbm>> -> memref<29952xf32, #tpu.memory_space<hbm>>
      %dma_wait3A_399 = arith.constant 29968 : i32
      %dma_wait3A_400 = tpu.memref_slice %arg8[%dma_wait3A_399] : memref<59936xf32, #tpu.memory_space<vmem>> -> memref<29952xf32, #tpu.memory_space<vmem>>
      %dma_wait3A_401 = tpu.memref_slice %arg3[%mul3A_227] : memref<7667712xf32, #tpu.memory_space<hbm>> -> memref<29952xf32, #tpu.memory_space<hbm>>
      tpu.wait_dma2 semaphore(%run_scoped3A : memref<!tpu.dma_semaphore, #tpu.memory_space<semaphore_mem>>) src(%dma_wait3A_401 : memref<29952xf32, #tpu.memory_space<hbm>>) dst(%dma_wait3A_400 : memref<29952xf32, #tpu.memory_space<vmem>>)
      tpu.yield
    }) : () -> ()
    %swap3A_228 = arith.constant 59920 : index
    %swap3A_229 = tpu.vector_load %arg8[%swap3A_228] {strides = array<i32>} : memref<59936xf32, #tpu.memory_space<vmem>>, vector<16xf32>,
    tpu.vector_store %arg8[%swap3A_228], %broadcast_in_dim3A_33 {strides = array<i32>} : memref<59936xf32, #tpu.memory_space<vmem>>, vector<16xf32>,
    %parallel_loop3A_230 = arith.constant 0 : i32
    %parallel_loop3A_231 = arith.constant 1024 : i32
    %parallel_loop3A_232 = arith.constant 1 : i32
    scf.for %parallel_loop3A_392 = %parallel_loop3A_230 to %parallel_loop3A_231 step %parallel_loop3A_232  : i32 {
      %parallel_loop3A_393 = arith.constant 16 : i32
      %parallel_loop3A_394 = arith.muli %parallel_loop3A_392, %parallel_loop3A_393 : i32
      %parallel_loop3A_395 = arith.constant 0 : i32
      %parallel_loop3A_396 = arith.addi %parallel_loop3A_395, %parallel_loop3A_394 : i32
      %parallel_loop3A_397 = arith.index_cast %parallel_loop3A_396 : i32 to index
      %parallel_loop3A_398 = tpu.vector_load %arg7[%parallel_loop3A_397] {strides = array<i32>} : memref<32768xi32, #tpu.memory_space<vmem>>, vector<16xi32>,
      %parallel_loop3A_399 = tpu.vector_load_idx %arg8[%parallel_loop3A_398] : memref<59936xf32, #tpu.memory_space<vmem>>[vector<16xi32>], vector<16xf32>,
      %parallel_loop3A_400 = arith.constant 16 : i32
      %parallel_loop3A_401 = arith.muli %parallel_loop3A_392, %parallel_loop3A_400 : i32
      %parallel_loop3A_402 = arith.index_cast %parallel_loop3A_401 : i32 to index
      %parallel_loop3A_403 = tpu.vector_load %arg9[%parallel_loop3A_402] {strides = array<i32>} : memref<32768xf32, #tpu.memory_space<vmem>>, vector<16xf32>,
      tpu.vector_store %arg9[%parallel_loop3A_402], %parallel_loop3A_399 {strides = array<i32>} : memref<32768xf32, #tpu.memory_space<vmem>>, vector<16xf32>,
      %parallel_loop3A_404 = arith.constant 29968 : i32
      %parallel_loop3A_405 = vector.broadcast %parallel_loop3A_404 : i32 to vector<16xi32>
      %parallel_loop3A_406 = arith.addi %parallel_loop3A_398, %parallel_loop3A_405 : vector<16xi32>
      %parallel_loop3A_407 = tpu.vector_load_idx %arg8[%parallel_loop3A_406] : memref<59936xf32, #tpu.memory_space<vmem>>[vector<16xi32>], vector<16xf32>,
      %parallel_loop3A_408 = arith.constant 16 : i32
      %parallel_loop3A_409 = arith.muli %parallel_loop3A_392, %parallel_loop3A_408 : i32
      %parallel_loop3A_410 = arith.constant 16384 : i32
      %parallel_loop3A_411 = arith.addi %parallel_loop3A_410, %parallel_loop3A_409 : i32
      %parallel_loop3A_412 = arith.index_cast %parallel_loop3A_411 : i32 to index
      %parallel_loop3A_413 = tpu.vector_load %arg9[%parallel_loop3A_412] {strides = array<i32>} : memref<32768xf32, #tpu.memory_space<vmem>>, vector<16xf32>,
      tpu.vector_store %arg9[%parallel_loop3A_412], %parallel_loop3A_407 {strides = array<i32>} : memref<32768xf32, #tpu.memory_space<vmem>>, vector<16xf32>,
    } {sc.loop_unroll_factor = 8 : i64, sc.parallel_access}
    %add3A_233 = arith.constant 16 : i32
    %add3A_234 = arith.addi %add3A_233, %select_n3A_30 : i32
    %mul3A_235 = arith.constant 64 : i32
    %mul3A_236 = arith.muli %select_n3A, %mul3A_235 : i32
    %add3A_237 = arith.addi %mul3A_236, %add3A_234 : i32
    %mul3A_238 = arith.constant 32768 : i32
    %mul3A_239 = arith.muli %add3A_237, %mul3A_238 : i32
    %add3A_240 = arith.constant 0 : i32
    %add3A_241 = arith.addi %mul3A_239, %add3A_240 : i32
    "tpu.region"() ({
      %run_scoped3A = tpu.sem_alloc : memref<!tpu.dma_semaphore, #tpu.memory_space<semaphore_mem>>
      %dma_start3A = arith.constant 0 : i32
      %dma_start3A_392 = tpu.memref_slice %arg9[%dma_start3A] : memref<32768xf32, #tpu.memory_space<vmem>> -> memref<16384xf32, #tpu.memory_space<vmem>>
      %dma_start3A_393 = tpu.memref_slice %arg6[%add3A_241] : memref<8388608xf32, #tpu.memory_space<hbm>> -> memref<16384xf32, #tpu.memory_space<hbm>>
      %dma_start3A_394 = tpu.memref_slice %arg6[%add3A_241] : memref<8388608xf32, #tpu.memory_space<hbm>> -> memref<16384xf32, #tpu.memory_space<hbm>>
      %dma_start3A_395 = arith.constant 0 : i32
      %dma_start3A_396 = tpu.memref_slice %arg9[%dma_start3A_395] : memref<32768xf32, #tpu.memory_space<vmem>> -> memref<16384xf32, #tpu.memory_space<vmem>>
      tpu.enqueue_dma source(%dma_start3A_396 : memref<16384xf32, #tpu.memory_space<vmem>>) target(%dma_start3A_394 : memref<16384xf32, #tpu.memory_space<hbm>>) target_semaphore(%run_scoped3A : memref<!tpu.dma_semaphore, #tpu.memory_space<semaphore_mem>>)
      %dma_wait3A = arith.constant 0 : i32
      %dma_wait3A_397 = tpu.memref_slice %arg9[%dma_wait3A] : memref<32768xf32, #tpu.memory_space<vmem>> -> memref<16384xf32, #tpu.memory_space<vmem>>
      %dma_wait3A_398 = tpu.memref_slice %arg6[%add3A_241] : memref<8388608xf32, #tpu.memory_space<hbm>> -> memref<16384xf32, #tpu.memory_space<hbm>>
      %dma_wait3A_399 = tpu.memref_slice %arg6[%add3A_241] : memref<8388608xf32, #tpu.memory_space<hbm>> -> memref<16384xf32, #tpu.memory_space<hbm>>
      %dma_wait3A_400 = arith.constant 0 : i32
      %dma_wait3A_401 = tpu.memref_slice %arg9[%dma_wait3A_400] : memref<32768xf32, #tpu.memory_space<vmem>> -> memref<16384xf32, #tpu.memory_space<vmem>>
      tpu.wait_dma2 semaphore(%run_scoped3A : memref<!tpu.dma_semaphore, #tpu.memory_space<semaphore_mem>>) src(%dma_wait3A_401 : memref<16384xf32, #tpu.memory_space<vmem>>) dst(%dma_wait3A_399 : memref<16384xf32, #tpu.memory_space<hbm>>)
      tpu.yield
    }) : () -> ()
    %add3A_242 = arith.constant 24 : i32
    %add3A_243 = arith.addi %add3A_242, %select_n3A_30 : i32
    %mul3A_244 = arith.constant 64 : i32
    %mul3A_245 = arith.muli %select_n3A, %mul3A_244 : i32
    %add3A_246 = arith.addi %mul3A_245, %add3A_243 : i32
    %mul3A_247 = arith.constant 32768 : i32
    %mul3A_248 = arith.muli %add3A_246, %mul3A_247 : i32
    %add3A_249 = arith.constant 0 : i32
    %add3A_250 = arith.addi %mul3A_248, %add3A_249 : i32
    "tpu.region"() ({
      %run_scoped3A = tpu.sem_alloc : memref<!tpu.dma_semaphore, #tpu.memory_space<semaphore_mem>>
      %dma_start3A = arith.constant 16384 : i32
      %dma_start3A_392 = tpu.memref_slice %arg9[%dma_start3A] : memref<32768xf32, #tpu.memory_space<vmem>> -> memref<16384xf32, #tpu.memory_space<vmem>>
      %dma_start3A_393 = tpu.memref_slice %arg6[%add3A_250] : memref<8388608xf32, #tpu.memory_space<hbm>> -> memref<16384xf32, #tpu.memory_space<hbm>>
      %dma_start3A_394 = tpu.memref_slice %arg6[%add3A_250] : memref<8388608xf32, #tpu.memory_space<hbm>> -> memref<16384xf32, #tpu.memory_space<hbm>>
      %dma_start3A_395 = arith.constant 16384 : i32
      %dma_start3A_396 = tpu.memref_slice %arg9[%dma_start3A_395] : memref<32768xf32, #tpu.memory_space<vmem>> -> memref<16384xf32, #tpu.memory_space<vmem>>
      tpu.enqueue_dma source(%dma_start3A_396 : memref<16384xf32, #tpu.memory_space<vmem>>) target(%dma_start3A_394 : memref<16384xf32, #tpu.memory_space<hbm>>) target_semaphore(%run_scoped3A : memref<!tpu.dma_semaphore, #tpu.memory_space<semaphore_mem>>)
      %dma_wait3A = arith.constant 16384 : i32
      %dma_wait3A_397 = tpu.memref_slice %arg9[%dma_wait3A] : memref<32768xf32, #tpu.memory_space<vmem>> -> memref<16384xf32, #tpu.memory_space<vmem>>
      %dma_wait3A_398 = tpu.memref_slice %arg6[%add3A_250] : memref<8388608xf32, #tpu.memory_space<hbm>> -> memref<16384xf32, #tpu.memory_space<hbm>>
      %dma_wait3A_399 = tpu.memref_slice %arg6[%add3A_250] : memref<8388608xf32, #tpu.memory_space<hbm>> -> memref<16384xf32, #tpu.memory_space<hbm>>
      %dma_wait3A_400 = arith.constant 16384 : i32
      %dma_wait3A_401 = tpu.memref_slice %arg9[%dma_wait3A_400] : memref<32768xf32, #tpu.memory_space<vmem>> -> memref<16384xf32, #tpu.memory_space<vmem>>
      tpu.wait_dma2 semaphore(%run_scoped3A : memref<!tpu.dma_semaphore, #tpu.memory_space<semaphore_mem>>) src(%dma_wait3A_401 : memref<16384xf32, #tpu.memory_space<vmem>>) dst(%dma_wait3A_399 : memref<16384xf32, #tpu.memory_space<hbm>>)
      tpu.yield
    }) : () -> ()
    %parallel_loop3A_251 = arith.constant 0 : i32
    %parallel_loop3A_252 = arith.constant 1024 : i32
    %parallel_loop3A_253 = arith.constant 1 : i32
    scf.for %parallel_loop3A_392 = %parallel_loop3A_251 to %parallel_loop3A_252 step %parallel_loop3A_253  : i32 {
      %parallel_loop3A_393 = arith.constant 16 : i32
      %parallel_loop3A_394 = arith.muli %parallel_loop3A_392, %parallel_loop3A_393 : i32
      %parallel_loop3A_395 = arith.constant 16384 : i32
      %parallel_loop3A_396 = arith.addi %parallel_loop3A_395, %parallel_loop3A_394 : i32
      %parallel_loop3A_397 = arith.index_cast %parallel_loop3A_396 : i32 to index
      %parallel_loop3A_398 = tpu.vector_load %arg7[%parallel_loop3A_397] {strides = array<i32>} : memref<32768xi32, #tpu.memory_space<vmem>>, vector<16xi32>,
      %parallel_loop3A_399 = tpu.vector_load_idx %arg8[%parallel_loop3A_398] : memref<59936xf32, #tpu.memory_space<vmem>>[vector<16xi32>], vector<16xf32>,
      %parallel_loop3A_400 = arith.constant 16 : i32
      %parallel_loop3A_401 = arith.muli %parallel_loop3A_392, %parallel_loop3A_400 : i32
      %parallel_loop3A_402 = arith.index_cast %parallel_loop3A_401 : i32 to index
      %parallel_loop3A_403 = tpu.vector_load %arg9[%parallel_loop3A_402] {strides = array<i32>} : memref<32768xf32, #tpu.memory_space<vmem>>, vector<16xf32>,
      tpu.vector_store %arg9[%parallel_loop3A_402], %parallel_loop3A_399 {strides = array<i32>} : memref<32768xf32, #tpu.memory_space<vmem>>, vector<16xf32>,
      %parallel_loop3A_404 = arith.constant 29968 : i32
      %parallel_loop3A_405 = vector.broadcast %parallel_loop3A_404 : i32 to vector<16xi32>
      %parallel_loop3A_406 = arith.addi %parallel_loop3A_398, %parallel_loop3A_405 : vector<16xi32>
      %parallel_loop3A_407 = tpu.vector_load_idx %arg8[%parallel_loop3A_406] : memref<59936xf32, #tpu.memory_space<vmem>>[vector<16xi32>], vector<16xf32>,
      %parallel_loop3A_408 = arith.constant 16 : i32
      %parallel_loop3A_409 = arith.muli %parallel_loop3A_392, %parallel_loop3A_408 : i32
      %parallel_loop3A_410 = arith.constant 16384 : i32
      %parallel_loop3A_411 = arith.addi %parallel_loop3A_410, %parallel_loop3A_409 : i32
      %parallel_loop3A_412 = arith.index_cast %parallel_loop3A_411 : i32 to index
      %parallel_loop3A_413 = tpu.vector_load %arg9[%parallel_loop3A_412] {strides = array<i32>} : memref<32768xf32, #tpu.memory_space<vmem>>, vector<16xf32>,
      tpu.vector_store %arg9[%parallel_loop3A_412], %parallel_loop3A_407 {strides = array<i32>} : memref<32768xf32, #tpu.memory_space<vmem>>, vector<16xf32>,
    } {sc.loop_unroll_factor = 8 : i64, sc.parallel_access}
    %add3A_254 = arith.constant 16 : i32
    %add3A_255 = arith.addi %add3A_254, %select_n3A_30 : i32
    %mul3A_256 = arith.constant 64 : i32
    %mul3A_257 = arith.muli %select_n3A, %mul3A_256 : i32
    %add3A_258 = arith.addi %mul3A_257, %add3A_255 : i32
    %mul3A_259 = arith.constant 32768 : i32
    %mul3A_260 = arith.muli %add3A_258, %mul3A_259 : i32
    %add3A_261 = arith.constant 16384 : i32
    %add3A_262 = arith.addi %mul3A_260, %add3A_261 : i32
    "tpu.region"() ({
      %run_scoped3A = tpu.sem_alloc : memref<!tpu.dma_semaphore, #tpu.memory_space<semaphore_mem>>
      %dma_start3A = arith.constant 0 : i32
      %dma_start3A_392 = tpu.memref_slice %arg9[%dma_start3A] : memref<32768xf32, #tpu.memory_space<vmem>> -> memref<16384xf32, #tpu.memory_space<vmem>>
      %dma_start3A_393 = tpu.memref_slice %arg6[%add3A_262] : memref<8388608xf32, #tpu.memory_space<hbm>> -> memref<16384xf32, #tpu.memory_space<hbm>>
      %dma_start3A_394 = tpu.memref_slice %arg6[%add3A_262] : memref<8388608xf32, #tpu.memory_space<hbm>> -> memref<16384xf32, #tpu.memory_space<hbm>>
      %dma_start3A_395 = arith.constant 0 : i32
      %dma_start3A_396 = tpu.memref_slice %arg9[%dma_start3A_395] : memref<32768xf32, #tpu.memory_space<vmem>> -> memref<16384xf32, #tpu.memory_space<vmem>>
      tpu.enqueue_dma source(%dma_start3A_396 : memref<16384xf32, #tpu.memory_space<vmem>>) target(%dma_start3A_394 : memref<16384xf32, #tpu.memory_space<hbm>>) target_semaphore(%run_scoped3A : memref<!tpu.dma_semaphore, #tpu.memory_space<semaphore_mem>>)
      %dma_wait3A = arith.constant 0 : i32
      %dma_wait3A_397 = tpu.memref_slice %arg9[%dma_wait3A] : memref<32768xf32, #tpu.memory_space<vmem>> -> memref<16384xf32, #tpu.memory_space<vmem>>
      %dma_wait3A_398 = tpu.memref_slice %arg6[%add3A_262] : memref<8388608xf32, #tpu.memory_space<hbm>> -> memref<16384xf32, #tpu.memory_space<hbm>>
      %dma_wait3A_399 = tpu.memref_slice %arg6[%add3A_262] : memref<8388608xf32, #tpu.memory_space<hbm>> -> memref<16384xf32, #tpu.memory_space<hbm>>
      %dma_wait3A_400 = arith.constant 0 : i32
      %dma_wait3A_401 = tpu.memref_slice %arg9[%dma_wait3A_400] : memref<32768xf32, #tpu.memory_space<vmem>> -> memref<16384xf32, #tpu.memory_space<vmem>>
      tpu.wait_dma2 semaphore(%run_scoped3A : memref<!tpu.dma_semaphore, #tpu.memory_space<semaphore_mem>>) src(%dma_wait3A_401 : memref<16384xf32, #tpu.memory_space<vmem>>) dst(%dma_wait3A_399 : memref<16384xf32, #tpu.memory_space<hbm>>)
      tpu.yield
    }) : () -> ()
    %add3A_263 = arith.constant 24 : i32
    %add3A_264 = arith.addi %add3A_263, %select_n3A_30 : i32
    %mul3A_265 = arith.constant 64 : i32
    %mul3A_266 = arith.muli %select_n3A, %mul3A_265 : i32
    %add3A_267 = arith.addi %mul3A_266, %add3A_264 : i32
    %mul3A_268 = arith.constant 32768 : i32
    %mul3A_269 = arith.muli %add3A_267, %mul3A_268 : i32
    %add3A_270 = arith.constant 16384 : i32
    %add3A_271 = arith.addi %mul3A_269, %add3A_270 : i32
    "tpu.region"() ({
      %run_scoped3A = tpu.sem_alloc : memref<!tpu.dma_semaphore, #tpu.memory_space<semaphore_mem>>
      %dma_start3A = arith.constant 16384 : i32
      %dma_start3A_392 = tpu.memref_slice %arg9[%dma_start3A] : memref<32768xf32, #tpu.memory_space<vmem>> -> memref<16384xf32, #tpu.memory_space<vmem>>
      %dma_start3A_393 = tpu.memref_slice %arg6[%add3A_271] : memref<8388608xf32, #tpu.memory_space<hbm>> -> memref<16384xf32, #tpu.memory_space<hbm>>
      %dma_start3A_394 = tpu.memref_slice %arg6[%add3A_271] : memref<8388608xf32, #tpu.memory_space<hbm>> -> memref<16384xf32, #tpu.memory_space<hbm>>
      %dma_start3A_395 = arith.constant 16384 : i32
      %dma_start3A_396 = tpu.memref_slice %arg9[%dma_start3A_395] : memref<32768xf32, #tpu.memory_space<vmem>> -> memref<16384xf32, #tpu.memory_space<vmem>>
      tpu.enqueue_dma source(%dma_start3A_396 : memref<16384xf32, #tpu.memory_space<vmem>>) target(%dma_start3A_394 : memref<16384xf32, #tpu.memory_space<hbm>>) target_semaphore(%run_scoped3A : memref<!tpu.dma_semaphore, #tpu.memory_space<semaphore_mem>>)
      %dma_wait3A = arith.constant 16384 : i32
      %dma_wait3A_397 = tpu.memref_slice %arg9[%dma_wait3A] : memref<32768xf32, #tpu.memory_space<vmem>> -> memref<16384xf32, #tpu.memory_space<vmem>>
      %dma_wait3A_398 = tpu.memref_slice %arg6[%add3A_271] : memref<8388608xf32, #tpu.memory_space<hbm>> -> memref<16384xf32, #tpu.memory_space<hbm>>
      %dma_wait3A_399 = tpu.memref_slice %arg6[%add3A_271] : memref<8388608xf32, #tpu.memory_space<hbm>> -> memref<16384xf32, #tpu.memory_space<hbm>>
      %dma_wait3A_400 = arith.constant 16384 : i32
      %dma_wait3A_401 = tpu.memref_slice %arg9[%dma_wait3A_400] : memref<32768xf32, #tpu.memory_space<vmem>> -> memref<16384xf32, #tpu.memory_space<vmem>>
      tpu.wait_dma2 semaphore(%run_scoped3A : memref<!tpu.dma_semaphore, #tpu.memory_space<semaphore_mem>>) src(%dma_wait3A_401 : memref<16384xf32, #tpu.memory_space<vmem>>) dst(%dma_wait3A_399 : memref<16384xf32, #tpu.memory_space<hbm>>)
      tpu.yield
    }) : () -> ()
    %add3A_272 = arith.constant 32 : i32
    %add3A_273 = arith.addi %add3A_272, %select_n3A_30 : i32
    %mul3A_274 = arith.constant 64 : i32
    %mul3A_275 = arith.muli %select_n3A, %mul3A_274 : i32
    %add3A_276 = arith.addi %mul3A_275, %add3A_273 : i32
    %mul3A_277 = arith.constant 29952 : i32
    %mul3A_278 = arith.muli %add3A_276, %mul3A_277 : i32
    "tpu.region"() ({
      %run_scoped3A = tpu.sem_alloc : memref<!tpu.dma_semaphore, #tpu.memory_space<semaphore_mem>>
      %dma_start3A = arith.constant 0 : i32
      %dma_start3A_392 = tpu.memref_slice %arg8[%dma_start3A] : memref<59936xf32, #tpu.memory_space<vmem>> -> memref<29952xf32, #tpu.memory_space<vmem>>
      %dma_start3A_393 = tpu.memref_slice %arg3[%mul3A_278] : memref<7667712xf32, #tpu.memory_space<hbm>> -> memref<29952xf32, #tpu.memory_space<hbm>>
      %dma_start3A_394 = arith.constant 0 : i32
      %dma_start3A_395 = tpu.memref_slice %arg8[%dma_start3A_394] : memref<59936xf32, #tpu.memory_space<vmem>> -> memref<29952xf32, #tpu.memory_space<vmem>>
      %dma_start3A_396 = tpu.memref_slice %arg3[%mul3A_278] : memref<7667712xf32, #tpu.memory_space<hbm>> -> memref<29952xf32, #tpu.memory_space<hbm>>
      tpu.enqueue_dma source(%dma_start3A_396 : memref<29952xf32, #tpu.memory_space<hbm>>) target(%dma_start3A_395 : memref<29952xf32, #tpu.memory_space<vmem>>) target_semaphore(%run_scoped3A : memref<!tpu.dma_semaphore, #tpu.memory_space<semaphore_mem>>)
      %dma_wait3A = arith.constant 0 : i32
      %dma_wait3A_397 = tpu.memref_slice %arg8[%dma_wait3A] : memref<59936xf32, #tpu.memory_space<vmem>> -> memref<29952xf32, #tpu.memory_space<vmem>>
      %dma_wait3A_398 = tpu.memref_slice %arg3[%mul3A_278] : memref<7667712xf32, #tpu.memory_space<hbm>> -> memref<29952xf32, #tpu.memory_space<hbm>>
      %dma_wait3A_399 = arith.constant 0 : i32
      %dma_wait3A_400 = tpu.memref_slice %arg8[%dma_wait3A_399] : memref<59936xf32, #tpu.memory_space<vmem>> -> memref<29952xf32, #tpu.memory_space<vmem>>
      %dma_wait3A_401 = tpu.memref_slice %arg3[%mul3A_278] : memref<7667712xf32, #tpu.memory_space<hbm>> -> memref<29952xf32, #tpu.memory_space<hbm>>
      tpu.wait_dma2 semaphore(%run_scoped3A : memref<!tpu.dma_semaphore, #tpu.memory_space<semaphore_mem>>) src(%dma_wait3A_401 : memref<29952xf32, #tpu.memory_space<hbm>>) dst(%dma_wait3A_400 : memref<29952xf32, #tpu.memory_space<vmem>>)
      tpu.yield
    }) : () -> ()
    %swap3A_279 = arith.constant 29952 : index
    %swap3A_280 = tpu.vector_load %arg8[%swap3A_279] {strides = array<i32>} : memref<59936xf32, #tpu.memory_space<vmem>>, vector<16xf32>,
    tpu.vector_store %arg8[%swap3A_279], %broadcast_in_dim3A_33 {strides = array<i32>} : memref<59936xf32, #tpu.memory_space<vmem>>, vector<16xf32>,
    %add3A_281 = arith.constant 40 : i32
    %add3A_282 = arith.addi %add3A_281, %select_n3A_30 : i32
    %mul3A_283 = arith.constant 64 : i32
    %mul3A_284 = arith.muli %select_n3A, %mul3A_283 : i32
    %add3A_285 = arith.addi %mul3A_284, %add3A_282 : i32
    %mul3A_286 = arith.constant 29952 : i32
    %mul3A_287 = arith.muli %add3A_285, %mul3A_286 : i32
    "tpu.region"() ({
      %run_scoped3A = tpu.sem_alloc : memref<!tpu.dma_semaphore, #tpu.memory_space<semaphore_mem>>
      %dma_start3A = arith.constant 29968 : i32
      %dma_start3A_392 = tpu.memref_slice %arg8[%dma_start3A] : memref<59936xf32, #tpu.memory_space<vmem>> -> memref<29952xf32, #tpu.memory_space<vmem>>
      %dma_start3A_393 = tpu.memref_slice %arg3[%mul3A_287] : memref<7667712xf32, #tpu.memory_space<hbm>> -> memref<29952xf32, #tpu.memory_space<hbm>>
      %dma_start3A_394 = arith.constant 29968 : i32
      %dma_start3A_395 = tpu.memref_slice %arg8[%dma_start3A_394] : memref<59936xf32, #tpu.memory_space<vmem>> -> memref<29952xf32, #tpu.memory_space<vmem>>
      %dma_start3A_396 = tpu.memref_slice %arg3[%mul3A_287] : memref<7667712xf32, #tpu.memory_space<hbm>> -> memref<29952xf32, #tpu.memory_space<hbm>>
      tpu.enqueue_dma source(%dma_start3A_396 : memref<29952xf32, #tpu.memory_space<hbm>>) target(%dma_start3A_395 : memref<29952xf32, #tpu.memory_space<vmem>>) target_semaphore(%run_scoped3A : memref<!tpu.dma_semaphore, #tpu.memory_space<semaphore_mem>>)
      %dma_wait3A = arith.constant 29968 : i32
      %dma_wait3A_397 = tpu.memref_slice %arg8[%dma_wait3A] : memref<59936xf32, #tpu.memory_space<vmem>> -> memref<29952xf32, #tpu.memory_space<vmem>>
      %dma_wait3A_398 = tpu.memref_slice %arg3[%mul3A_287] : memref<7667712xf32, #tpu.memory_space<hbm>> -> memref<29952xf32, #tpu.memory_space<hbm>>
      %dma_wait3A_399 = arith.constant 29968 : i32
      %dma_wait3A_400 = tpu.memref_slice %arg8[%dma_wait3A_399] : memref<59936xf32, #tpu.memory_space<vmem>> -> memref<29952xf32, #tpu.memory_space<vmem>>
      %dma_wait3A_401 = tpu.memref_slice %arg3[%mul3A_287] : memref<7667712xf32, #tpu.memory_space<hbm>> -> memref<29952xf32, #tpu.memory_space<hbm>>
      tpu.wait_dma2 semaphore(%run_scoped3A : memref<!tpu.dma_semaphore, #tpu.memory_space<semaphore_mem>>) src(%dma_wait3A_401 : memref<29952xf32, #tpu.memory_space<hbm>>) dst(%dma_wait3A_400 : memref<29952xf32, #tpu.memory_space<vmem>>)
      tpu.yield
    }) : () -> ()
    %swap3A_288 = arith.constant 59920 : index
    %swap3A_289 = tpu.vector_load %arg8[%swap3A_288] {strides = array<i32>} : memref<59936xf32, #tpu.memory_space<vmem>>, vector<16xf32>,
    tpu.vector_store %arg8[%swap3A_288], %broadcast_in_dim3A_33 {strides = array<i32>} : memref<59936xf32, #tpu.memory_space<vmem>>, vector<16xf32>,
    %parallel_loop3A_290 = arith.constant 0 : i32
    %parallel_loop3A_291 = arith.constant 1024 : i32
    %parallel_loop3A_292 = arith.constant 1 : i32
    scf.for %parallel_loop3A_392 = %parallel_loop3A_290 to %parallel_loop3A_291 step %parallel_loop3A_292  : i32 {
      %parallel_loop3A_393 = arith.constant 16 : i32
      %parallel_loop3A_394 = arith.muli %parallel_loop3A_392, %parallel_loop3A_393 : i32
      %parallel_loop3A_395 = arith.constant 0 : i32
      %parallel_loop3A_396 = arith.addi %parallel_loop3A_395, %parallel_loop3A_394 : i32
      %parallel_loop3A_397 = arith.index_cast %parallel_loop3A_396 : i32 to index
      %parallel_loop3A_398 = tpu.vector_load %arg7[%parallel_loop3A_397] {strides = array<i32>} : memref<32768xi32, #tpu.memory_space<vmem>>, vector<16xi32>,
      %parallel_loop3A_399 = tpu.vector_load_idx %arg8[%parallel_loop3A_398] : memref<59936xf32, #tpu.memory_space<vmem>>[vector<16xi32>], vector<16xf32>,
      %parallel_loop3A_400 = arith.constant 16 : i32
      %parallel_loop3A_401 = arith.muli %parallel_loop3A_392, %parallel_loop3A_400 : i32
      %parallel_loop3A_402 = arith.index_cast %parallel_loop3A_401 : i32 to index
      %parallel_loop3A_403 = tpu.vector_load %arg9[%parallel_loop3A_402] {strides = array<i32>} : memref<32768xf32, #tpu.memory_space<vmem>>, vector<16xf32>,
      tpu.vector_store %arg9[%parallel_loop3A_402], %parallel_loop3A_399 {strides = array<i32>} : memref<32768xf32, #tpu.memory_space<vmem>>, vector<16xf32>,
      %parallel_loop3A_404 = arith.constant 29968 : i32
      %parallel_loop3A_405 = vector.broadcast %parallel_loop3A_404 : i32 to vector<16xi32>
      %parallel_loop3A_406 = arith.addi %parallel_loop3A_398, %parallel_loop3A_405 : vector<16xi32>
      %parallel_loop3A_407 = tpu.vector_load_idx %arg8[%parallel_loop3A_406] : memref<59936xf32, #tpu.memory_space<vmem>>[vector<16xi32>], vector<16xf32>,
      %parallel_loop3A_408 = arith.constant 16 : i32
      %parallel_loop3A_409 = arith.muli %parallel_loop3A_392, %parallel_loop3A_408 : i32
      %parallel_loop3A_410 = arith.constant 16384 : i32
      %parallel_loop3A_411 = arith.addi %parallel_loop3A_410, %parallel_loop3A_409 : i32
      %parallel_loop3A_412 = arith.index_cast %parallel_loop3A_411 : i32 to index
      %parallel_loop3A_413 = tpu.vector_load %arg9[%parallel_loop3A_412] {strides = array<i32>} : memref<32768xf32, #tpu.memory_space<vmem>>, vector<16xf32>,
      tpu.vector_store %arg9[%parallel_loop3A_412], %parallel_loop3A_407 {strides = array<i32>} : memref<32768xf32, #tpu.memory_space<vmem>>, vector<16xf32>,
    } {sc.loop_unroll_factor = 8 : i64, sc.parallel_access}
    %add3A_293 = arith.constant 32 : i32
    %add3A_294 = arith.addi %add3A_293, %select_n3A_30 : i32
    %mul3A_295 = arith.constant 64 : i32
    %mul3A_296 = arith.muli %select_n3A, %mul3A_295 : i32
    %add3A_297 = arith.addi %mul3A_296, %add3A_294 : i32
    %mul3A_298 = arith.constant 32768 : i32
    %mul3A_299 = arith.muli %add3A_297, %mul3A_298 : i32
    %add3A_300 = arith.constant 0 : i32
    %add3A_301 = arith.addi %mul3A_299, %add3A_300 : i32
    "tpu.region"() ({
      %run_scoped3A = tpu.sem_alloc : memref<!tpu.dma_semaphore, #tpu.memory_space<semaphore_mem>>
      %dma_start3A = arith.constant 0 : i32
      %dma_start3A_392 = tpu.memref_slice %arg9[%dma_start3A] : memref<32768xf32, #tpu.memory_space<vmem>> -> memref<16384xf32, #tpu.memory_space<vmem>>
      %dma_start3A_393 = tpu.memref_slice %arg6[%add3A_301] : memref<8388608xf32, #tpu.memory_space<hbm>> -> memref<16384xf32, #tpu.memory_space<hbm>>
      %dma_start3A_394 = tpu.memref_slice %arg6[%add3A_301] : memref<8388608xf32, #tpu.memory_space<hbm>> -> memref<16384xf32, #tpu.memory_space<hbm>>
      %dma_start3A_395 = arith.constant 0 : i32
      %dma_start3A_396 = tpu.memref_slice %arg9[%dma_start3A_395] : memref<32768xf32, #tpu.memory_space<vmem>> -> memref<16384xf32, #tpu.memory_space<vmem>>
      tpu.enqueue_dma source(%dma_start3A_396 : memref<16384xf32, #tpu.memory_space<vmem>>) target(%dma_start3A_394 : memref<16384xf32, #tpu.memory_space<hbm>>) target_semaphore(%run_scoped3A : memref<!tpu.dma_semaphore, #tpu.memory_space<semaphore_mem>>)
      %dma_wait3A = arith.constant 0 : i32
      %dma_wait3A_397 = tpu.memref_slice %arg9[%dma_wait3A] : memref<32768xf32, #tpu.memory_space<vmem>> -> memref<16384xf32, #tpu.memory_space<vmem>>
      %dma_wait3A_398 = tpu.memref_slice %arg6[%add3A_301] : memref<8388608xf32, #tpu.memory_space<hbm>> -> memref<16384xf32, #tpu.memory_space<hbm>>
      %dma_wait3A_399 = tpu.memref_slice %arg6[%add3A_301] : memref<8388608xf32, #tpu.memory_space<hbm>> -> memref<16384xf32, #tpu.memory_space<hbm>>
      %dma_wait3A_400 = arith.constant 0 : i32
      %dma_wait3A_401 = tpu.memref_slice %arg9[%dma_wait3A_400] : memref<32768xf32, #tpu.memory_space<vmem>> -> memref<16384xf32, #tpu.memory_space<vmem>>
      tpu.wait_dma2 semaphore(%run_scoped3A : memref<!tpu.dma_semaphore, #tpu.memory_space<semaphore_mem>>) src(%dma_wait3A_401 : memref<16384xf32, #tpu.memory_space<vmem>>) dst(%dma_wait3A_399 : memref<16384xf32, #tpu.memory_space<hbm>>)
      tpu.yield
    }) : () -> ()
    %add3A_302 = arith.constant 40 : i32
    %add3A_303 = arith.addi %add3A_302, %select_n3A_30 : i32
    %mul3A_304 = arith.constant 64 : i32
    %mul3A_305 = arith.muli %select_n3A, %mul3A_304 : i32
    %add3A_306 = arith.addi %mul3A_305, %add3A_303 : i32
    %mul3A_307 = arith.constant 32768 : i32
    %mul3A_308 = arith.muli %add3A_306, %mul3A_307 : i32
    %add3A_309 = arith.constant 0 : i32
    %add3A_310 = arith.addi %mul3A_308, %add3A_309 : i32
    "tpu.region"() ({
      %run_scoped3A = tpu.sem_alloc : memref<!tpu.dma_semaphore, #tpu.memory_space<semaphore_mem>>
      %dma_start3A = arith.constant 16384 : i32
      %dma_start3A_392 = tpu.memref_slice %arg9[%dma_start3A] : memref<32768xf32, #tpu.memory_space<vmem>> -> memref<16384xf32, #tpu.memory_space<vmem>>
      %dma_start3A_393 = tpu.memref_slice %arg6[%add3A_310] : memref<8388608xf32, #tpu.memory_space<hbm>> -> memref<16384xf32, #tpu.memory_space<hbm>>
      %dma_start3A_394 = tpu.memref_slice %arg6[%add3A_310] : memref<8388608xf32, #tpu.memory_space<hbm>> -> memref<16384xf32, #tpu.memory_space<hbm>>
      %dma_start3A_395 = arith.constant 16384 : i32
      %dma_start3A_396 = tpu.memref_slice %arg9[%dma_start3A_395] : memref<32768xf32, #tpu.memory_space<vmem>> -> memref<16384xf32, #tpu.memory_space<vmem>>
      tpu.enqueue_dma source(%dma_start3A_396 : memref<16384xf32, #tpu.memory_space<vmem>>) target(%dma_start3A_394 : memref<16384xf32, #tpu.memory_space<hbm>>) target_semaphore(%run_scoped3A : memref<!tpu.dma_semaphore, #tpu.memory_space<semaphore_mem>>)
      %dma_wait3A = arith.constant 16384 : i32
      %dma_wait3A_397 = tpu.memref_slice %arg9[%dma_wait3A] : memref<32768xf32, #tpu.memory_space<vmem>> -> memref<16384xf32, #tpu.memory_space<vmem>>
      %dma_wait3A_398 = tpu.memref_slice %arg6[%add3A_310] : memref<8388608xf32, #tpu.memory_space<hbm>> -> memref<16384xf32, #tpu.memory_space<hbm>>
      %dma_wait3A_399 = tpu.memref_slice %arg6[%add3A_310] : memref<8388608xf32, #tpu.memory_space<hbm>> -> memref<16384xf32, #tpu.memory_space<hbm>>
      %dma_wait3A_400 = arith.constant 16384 : i32
      %dma_wait3A_401 = tpu.memref_slice %arg9[%dma_wait3A_400] : memref<32768xf32, #tpu.memory_space<vmem>> -> memref<16384xf32, #tpu.memory_space<vmem>>
      tpu.wait_dma2 semaphore(%run_scoped3A : memref<!tpu.dma_semaphore, #tpu.memory_space<semaphore_mem>>) src(%dma_wait3A_401 : memref<16384xf32, #tpu.memory_space<vmem>>) dst(%dma_wait3A_399 : memref<16384xf32, #tpu.memory_space<hbm>>)
      tpu.yield
    }) : () -> ()
    %parallel_loop3A_311 = arith.constant 0 : i32
    %parallel_loop3A_312 = arith.constant 1024 : i32
    %parallel_loop3A_313 = arith.constant 1 : i32
    scf.for %parallel_loop3A_392 = %parallel_loop3A_311 to %parallel_loop3A_312 step %parallel_loop3A_313  : i32 {
      %parallel_loop3A_393 = arith.constant 16 : i32
      %parallel_loop3A_394 = arith.muli %parallel_loop3A_392, %parallel_loop3A_393 : i32
      %parallel_loop3A_395 = arith.constant 16384 : i32
      %parallel_loop3A_396 = arith.addi %parallel_loop3A_395, %parallel_loop3A_394 : i32
      %parallel_loop3A_397 = arith.index_cast %parallel_loop3A_396 : i32 to index
      %parallel_loop3A_398 = tpu.vector_load %arg7[%parallel_loop3A_397] {strides = array<i32>} : memref<32768xi32, #tpu.memory_space<vmem>>, vector<16xi32>,
      %parallel_loop3A_399 = tpu.vector_load_idx %arg8[%parallel_loop3A_398] : memref<59936xf32, #tpu.memory_space<vmem>>[vector<16xi32>], vector<16xf32>,
      %parallel_loop3A_400 = arith.constant 16 : i32
      %parallel_loop3A_401 = arith.muli %parallel_loop3A_392, %parallel_loop3A_400 : i32
      %parallel_loop3A_402 = arith.index_cast %parallel_loop3A_401 : i32 to index
      %parallel_loop3A_403 = tpu.vector_load %arg9[%parallel_loop3A_402] {strides = array<i32>} : memref<32768xf32, #tpu.memory_space<vmem>>, vector<16xf32>,
      tpu.vector_store %arg9[%parallel_loop3A_402], %parallel_loop3A_399 {strides = array<i32>} : memref<32768xf32, #tpu.memory_space<vmem>>, vector<16xf32>,
      %parallel_loop3A_404 = arith.constant 29968 : i32
      %parallel_loop3A_405 = vector.broadcast %parallel_loop3A_404 : i32 to vector<16xi32>
      %parallel_loop3A_406 = arith.addi %parallel_loop3A_398, %parallel_loop3A_405 : vector<16xi32>
      %parallel_loop3A_407 = tpu.vector_load_idx %arg8[%parallel_loop3A_406] : memref<59936xf32, #tpu.memory_space<vmem>>[vector<16xi32>], vector<16xf32>,
      %parallel_loop3A_408 = arith.constant 16 : i32
      %parallel_loop3A_409 = arith.muli %parallel_loop3A_392, %parallel_loop3A_408 : i32
      %parallel_loop3A_410 = arith.constant 16384 : i32
      %parallel_loop3A_411 = arith.addi %parallel_loop3A_410, %parallel_loop3A_409 : i32
      %parallel_loop3A_412 = arith.index_cast %parallel_loop3A_411 : i32 to index
      %parallel_loop3A_413 = tpu.vector_load %arg9[%parallel_loop3A_412] {strides = array<i32>} : memref<32768xf32, #tpu.memory_space<vmem>>, vector<16xf32>,
      tpu.vector_store %arg9[%parallel_loop3A_412], %parallel_loop3A_407 {strides = array<i32>} : memref<32768xf32, #tpu.memory_space<vmem>>, vector<16xf32>,
    } {sc.loop_unroll_factor = 8 : i64, sc.parallel_access}
    %add3A_314 = arith.constant 32 : i32
    %add3A_315 = arith.addi %add3A_314, %select_n3A_30 : i32
    %mul3A_316 = arith.constant 64 : i32
    %mul3A_317 = arith.muli %select_n3A, %mul3A_316 : i32
    %add3A_318 = arith.addi %mul3A_317, %add3A_315 : i32
    %mul3A_319 = arith.constant 32768 : i32
    %mul3A_320 = arith.muli %add3A_318, %mul3A_319 : i32
    %add3A_321 = arith.constant 16384 : i32
    %add3A_322 = arith.addi %mul3A_320, %add3A_321 : i32
    "tpu.region"() ({
      %run_scoped3A = tpu.sem_alloc : memref<!tpu.dma_semaphore, #tpu.memory_space<semaphore_mem>>
      %dma_start3A = arith.constant 0 : i32
      %dma_start3A_392 = tpu.memref_slice %arg9[%dma_start3A] : memref<32768xf32, #tpu.memory_space<vmem>> -> memref<16384xf32, #tpu.memory_space<vmem>>
      %dma_start3A_393 = tpu.memref_slice %arg6[%add3A_322] : memref<8388608xf32, #tpu.memory_space<hbm>> -> memref<16384xf32, #tpu.memory_space<hbm>>
      %dma_start3A_394 = tpu.memref_slice %arg6[%add3A_322] : memref<8388608xf32, #tpu.memory_space<hbm>> -> memref<16384xf32, #tpu.memory_space<hbm>>
      %dma_start3A_395 = arith.constant 0 : i32
      %dma_start3A_396 = tpu.memref_slice %arg9[%dma_start3A_395] : memref<32768xf32, #tpu.memory_space<vmem>> -> memref<16384xf32, #tpu.memory_space<vmem>>
      tpu.enqueue_dma source(%dma_start3A_396 : memref<16384xf32, #tpu.memory_space<vmem>>) target(%dma_start3A_394 : memref<16384xf32, #tpu.memory_space<hbm>>) target_semaphore(%run_scoped3A : memref<!tpu.dma_semaphore, #tpu.memory_space<semaphore_mem>>)
      %dma_wait3A = arith.constant 0 : i32
      %dma_wait3A_397 = tpu.memref_slice %arg9[%dma_wait3A] : memref<32768xf32, #tpu.memory_space<vmem>> -> memref<16384xf32, #tpu.memory_space<vmem>>
      %dma_wait3A_398 = tpu.memref_slice %arg6[%add3A_322] : memref<8388608xf32, #tpu.memory_space<hbm>> -> memref<16384xf32, #tpu.memory_space<hbm>>
      %dma_wait3A_399 = tpu.memref_slice %arg6[%add3A_322] : memref<8388608xf32, #tpu.memory_space<hbm>> -> memref<16384xf32, #tpu.memory_space<hbm>>
      %dma_wait3A_400 = arith.constant 0 : i32
      %dma_wait3A_401 = tpu.memref_slice %arg9[%dma_wait3A_400] : memref<32768xf32, #tpu.memory_space<vmem>> -> memref<16384xf32, #tpu.memory_space<vmem>>
      tpu.wait_dma2 semaphore(%run_scoped3A : memref<!tpu.dma_semaphore, #tpu.memory_space<semaphore_mem>>) src(%dma_wait3A_401 : memref<16384xf32, #tpu.memory_space<vmem>>) dst(%dma_wait3A_399 : memref<16384xf32, #tpu.memory_space<hbm>>)
      tpu.yield
    }) : () -> ()
    %add3A_323 = arith.constant 40 : i32
    %add3A_324 = arith.addi %add3A_323, %select_n3A_30 : i32
    %mul3A_325 = arith.constant 64 : i32
    %mul3A_326 = arith.muli %select_n3A, %mul3A_325 : i32
    %add3A_327 = arith.addi %mul3A_326, %add3A_324 : i32
    %mul3A_328 = arith.constant 32768 : i32
    %mul3A_329 = arith.muli %add3A_327, %mul3A_328 : i32
    %add3A_330 = arith.constant 16384 : i32
    %add3A_331 = arith.addi %mul3A_329, %add3A_330 : i32
    "tpu.region"() ({
      %run_scoped3A = tpu.sem_alloc : memref<!tpu.dma_semaphore, #tpu.memory_space<semaphore_mem>>
      %dma_start3A = arith.constant 16384 : i32
      %dma_start3A_392 = tpu.memref_slice %arg9[%dma_start3A] : memref<32768xf32, #tpu.memory_space<vmem>> -> memref<16384xf32, #tpu.memory_space<vmem>>
      %dma_start3A_393 = tpu.memref_slice %arg6[%add3A_331] : memref<8388608xf32, #tpu.memory_space<hbm>> -> memref<16384xf32, #tpu.memory_space<hbm>>
      %dma_start3A_394 = tpu.memref_slice %arg6[%add3A_331] : memref<8388608xf32, #tpu.memory_space<hbm>> -> memref<16384xf32, #tpu.memory_space<hbm>>
      %dma_start3A_395 = arith.constant 16384 : i32
      %dma_start3A_396 = tpu.memref_slice %arg9[%dma_start3A_395] : memref<32768xf32, #tpu.memory_space<vmem>> -> memref<16384xf32, #tpu.memory_space<vmem>>
      tpu.enqueue_dma source(%dma_start3A_396 : memref<16384xf32, #tpu.memory_space<vmem>>) target(%dma_start3A_394 : memref<16384xf32, #tpu.memory_space<hbm>>) target_semaphore(%run_scoped3A : memref<!tpu.dma_semaphore, #tpu.memory_space<semaphore_mem>>)
      %dma_wait3A = arith.constant 16384 : i32
      %dma_wait3A_397 = tpu.memref_slice %arg9[%dma_wait3A] : memref<32768xf32, #tpu.memory_space<vmem>> -> memref<16384xf32, #tpu.memory_space<vmem>>
      %dma_wait3A_398 = tpu.memref_slice %arg6[%add3A_331] : memref<8388608xf32, #tpu.memory_space<hbm>> -> memref<16384xf32, #tpu.memory_space<hbm>>
      %dma_wait3A_399 = tpu.memref_slice %arg6[%add3A_331] : memref<8388608xf32, #tpu.memory_space<hbm>> -> memref<16384xf32, #tpu.memory_space<hbm>>
      %dma_wait3A_400 = arith.constant 16384 : i32
      %dma_wait3A_401 = tpu.memref_slice %arg9[%dma_wait3A_400] : memref<32768xf32, #tpu.memory_space<vmem>> -> memref<16384xf32, #tpu.memory_space<vmem>>
      tpu.wait_dma2 semaphore(%run_scoped3A : memref<!tpu.dma_semaphore, #tpu.memory_space<semaphore_mem>>) src(%dma_wait3A_401 : memref<16384xf32, #tpu.memory_space<vmem>>) dst(%dma_wait3A_399 : memref<16384xf32, #tpu.memory_space<hbm>>)
      tpu.yield
    }) : () -> ()
    %add3A_332 = arith.constant 48 : i32
    %add3A_333 = arith.addi %add3A_332, %select_n3A_30 : i32
    %mul3A_334 = arith.constant 64 : i32
    %mul3A_335 = arith.muli %select_n3A, %mul3A_334 : i32
    %add3A_336 = arith.addi %mul3A_335, %add3A_333 : i32
    %mul3A_337 = arith.constant 29952 : i32
    %mul3A_338 = arith.muli %add3A_336, %mul3A_337 : i32
    "tpu.region"() ({
      %run_scoped3A = tpu.sem_alloc : memref<!tpu.dma_semaphore, #tpu.memory_space<semaphore_mem>>
      %dma_start3A = arith.constant 0 : i32
      %dma_start3A_392 = tpu.memref_slice %arg8[%dma_start3A] : memref<59936xf32, #tpu.memory_space<vmem>> -> memref<29952xf32, #tpu.memory_space<vmem>>
      %dma_start3A_393 = tpu.memref_slice %arg3[%mul3A_338] : memref<7667712xf32, #tpu.memory_space<hbm>> -> memref<29952xf32, #tpu.memory_space<hbm>>
      %dma_start3A_394 = arith.constant 0 : i32
      %dma_start3A_395 = tpu.memref_slice %arg8[%dma_start3A_394] : memref<59936xf32, #tpu.memory_space<vmem>> -> memref<29952xf32, #tpu.memory_space<vmem>>
      %dma_start3A_396 = tpu.memref_slice %arg3[%mul3A_338] : memref<7667712xf32, #tpu.memory_space<hbm>> -> memref<29952xf32, #tpu.memory_space<hbm>>
      tpu.enqueue_dma source(%dma_start3A_396 : memref<29952xf32, #tpu.memory_space<hbm>>) target(%dma_start3A_395 : memref<29952xf32, #tpu.memory_space<vmem>>) target_semaphore(%run_scoped3A : memref<!tpu.dma_semaphore, #tpu.memory_space<semaphore_mem>>)
      %dma_wait3A = arith.constant 0 : i32
      %dma_wait3A_397 = tpu.memref_slice %arg8[%dma_wait3A] : memref<59936xf32, #tpu.memory_space<vmem>> -> memref<29952xf32, #tpu.memory_space<vmem>>
      %dma_wait3A_398 = tpu.memref_slice %arg3[%mul3A_338] : memref<7667712xf32, #tpu.memory_space<hbm>> -> memref<29952xf32, #tpu.memory_space<hbm>>
      %dma_wait3A_399 = arith.constant 0 : i32
      %dma_wait3A_400 = tpu.memref_slice %arg8[%dma_wait3A_399] : memref<59936xf32, #tpu.memory_space<vmem>> -> memref<29952xf32, #tpu.memory_space<vmem>>
      %dma_wait3A_401 = tpu.memref_slice %arg3[%mul3A_338] : memref<7667712xf32, #tpu.memory_space<hbm>> -> memref<29952xf32, #tpu.memory_space<hbm>>
      tpu.wait_dma2 semaphore(%run_scoped3A : memref<!tpu.dma_semaphore, #tpu.memory_space<semaphore_mem>>) src(%dma_wait3A_401 : memref<29952xf32, #tpu.memory_space<hbm>>) dst(%dma_wait3A_400 : memref<29952xf32, #tpu.memory_space<vmem>>)
      tpu.yield
    }) : () -> ()
    %swap3A_339 = arith.constant 29952 : index
    %swap3A_340 = tpu.vector_load %arg8[%swap3A_339] {strides = array<i32>} : memref<59936xf32, #tpu.memory_space<vmem>>, vector<16xf32>,
    tpu.vector_store %arg8[%swap3A_339], %broadcast_in_dim3A_33 {strides = array<i32>} : memref<59936xf32, #tpu.memory_space<vmem>>, vector<16xf32>,
    %add3A_341 = arith.constant 56 : i32
    %add3A_342 = arith.addi %add3A_341, %select_n3A_30 : i32
    %mul3A_343 = arith.constant 64 : i32
    %mul3A_344 = arith.muli %select_n3A, %mul3A_343 : i32
    %add3A_345 = arith.addi %mul3A_344, %add3A_342 : i32
    %mul3A_346 = arith.constant 29952 : i32
    %mul3A_347 = arith.muli %add3A_345, %mul3A_346 : i32
    "tpu.region"() ({
      %run_scoped3A = tpu.sem_alloc : memref<!tpu.dma_semaphore, #tpu.memory_space<semaphore_mem>>
      %dma_start3A = arith.constant 29968 : i32
      %dma_start3A_392 = tpu.memref_slice %arg8[%dma_start3A] : memref<59936xf32, #tpu.memory_space<vmem>> -> memref<29952xf32, #tpu.memory_space<vmem>>
      %dma_start3A_393 = tpu.memref_slice %arg3[%mul3A_347] : memref<7667712xf32, #tpu.memory_space<hbm>> -> memref<29952xf32, #tpu.memory_space<hbm>>
      %dma_start3A_394 = arith.constant 29968 : i32
      %dma_start3A_395 = tpu.memref_slice %arg8[%dma_start3A_394] : memref<59936xf32, #tpu.memory_space<vmem>> -> memref<29952xf32, #tpu.memory_space<vmem>>
      %dma_start3A_396 = tpu.memref_slice %arg3[%mul3A_347] : memref<7667712xf32, #tpu.memory_space<hbm>> -> memref<29952xf32, #tpu.memory_space<hbm>>
      tpu.enqueue_dma source(%dma_start3A_396 : memref<29952xf32, #tpu.memory_space<hbm>>) target(%dma_start3A_395 : memref<29952xf32, #tpu.memory_space<vmem>>) target_semaphore(%run_scoped3A : memref<!tpu.dma_semaphore, #tpu.memory_space<semaphore_mem>>)
      %dma_wait3A = arith.constant 29968 : i32
      %dma_wait3A_397 = tpu.memref_slice %arg8[%dma_wait3A] : memref<59936xf32, #tpu.memory_space<vmem>> -> memref<29952xf32, #tpu.memory_space<vmem>>
      %dma_wait3A_398 = tpu.memref_slice %arg3[%mul3A_347] : memref<7667712xf32, #tpu.memory_space<hbm>> -> memref<29952xf32, #tpu.memory_space<hbm>>
      %dma_wait3A_399 = arith.constant 29968 : i32
      %dma_wait3A_400 = tpu.memref_slice %arg8[%dma_wait3A_399] : memref<59936xf32, #tpu.memory_space<vmem>> -> memref<29952xf32, #tpu.memory_space<vmem>>
      %dma_wait3A_401 = tpu.memref_slice %arg3[%mul3A_347] : memref<7667712xf32, #tpu.memory_space<hbm>> -> memref<29952xf32, #tpu.memory_space<hbm>>
      tpu.wait_dma2 semaphore(%run_scoped3A : memref<!tpu.dma_semaphore, #tpu.memory_space<semaphore_mem>>) src(%dma_wait3A_401 : memref<29952xf32, #tpu.memory_space<hbm>>) dst(%dma_wait3A_400 : memref<29952xf32, #tpu.memory_space<vmem>>)
      tpu.yield
    }) : () -> ()
    %swap3A_348 = arith.constant 59920 : index
    %swap3A_349 = tpu.vector_load %arg8[%swap3A_348] {strides = array<i32>} : memref<59936xf32, #tpu.memory_space<vmem>>, vector<16xf32>,
    tpu.vector_store %arg8[%swap3A_348], %broadcast_in_dim3A_33 {strides = array<i32>} : memref<59936xf32, #tpu.memory_space<vmem>>, vector<16xf32>,
    %parallel_loop3A_350 = arith.constant 0 : i32
    %parallel_loop3A_351 = arith.constant 1024 : i32
    %parallel_loop3A_352 = arith.constant 1 : i32
    scf.for %parallel_loop3A_392 = %parallel_loop3A_350 to %parallel_loop3A_351 step %parallel_loop3A_352  : i32 {
      %parallel_loop3A_393 = arith.constant 16 : i32
      %parallel_loop3A_394 = arith.muli %parallel_loop3A_392, %parallel_loop3A_393 : i32
      %parallel_loop3A_395 = arith.constant 0 : i32
      %parallel_loop3A_396 = arith.addi %parallel_loop3A_395, %parallel_loop3A_394 : i32
      %parallel_loop3A_397 = arith.index_cast %parallel_loop3A_396 : i32 to index
      %parallel_loop3A_398 = tpu.vector_load %arg7[%parallel_loop3A_397] {strides = array<i32>} : memref<32768xi32, #tpu.memory_space<vmem>>, vector<16xi32>,
      %parallel_loop3A_399 = tpu.vector_load_idx %arg8[%parallel_loop3A_398] : memref<59936xf32, #tpu.memory_space<vmem>>[vector<16xi32>], vector<16xf32>,
      %parallel_loop3A_400 = arith.constant 16 : i32
      %parallel_loop3A_401 = arith.muli %parallel_loop3A_392, %parallel_loop3A_400 : i32
      %parallel_loop3A_402 = arith.index_cast %parallel_loop3A_401 : i32 to index
      %parallel_loop3A_403 = tpu.vector_load %arg9[%parallel_loop3A_402] {strides = array<i32>} : memref<32768xf32, #tpu.memory_space<vmem>>, vector<16xf32>,
      tpu.vector_store %arg9[%parallel_loop3A_402], %parallel_loop3A_399 {strides = array<i32>} : memref<32768xf32, #tpu.memory_space<vmem>>, vector<16xf32>,
      %parallel_loop3A_404 = arith.constant 29968 : i32
      %parallel_loop3A_405 = vector.broadcast %parallel_loop3A_404 : i32 to vector<16xi32>
      %parallel_loop3A_406 = arith.addi %parallel_loop3A_398, %parallel_loop3A_405 : vector<16xi32>
      %parallel_loop3A_407 = tpu.vector_load_idx %arg8[%parallel_loop3A_406] : memref<59936xf32, #tpu.memory_space<vmem>>[vector<16xi32>], vector<16xf32>,
      %parallel_loop3A_408 = arith.constant 16 : i32
      %parallel_loop3A_409 = arith.muli %parallel_loop3A_392, %parallel_loop3A_408 : i32
      %parallel_loop3A_410 = arith.constant 16384 : i32
      %parallel_loop3A_411 = arith.addi %parallel_loop3A_410, %parallel_loop3A_409 : i32
      %parallel_loop3A_412 = arith.index_cast %parallel_loop3A_411 : i32 to index
      %parallel_loop3A_413 = tpu.vector_load %arg9[%parallel_loop3A_412] {strides = array<i32>} : memref<32768xf32, #tpu.memory_space<vmem>>, vector<16xf32>,
      tpu.vector_store %arg9[%parallel_loop3A_412], %parallel_loop3A_407 {strides = array<i32>} : memref<32768xf32, #tpu.memory_space<vmem>>, vector<16xf32>,
    } {sc.loop_unroll_factor = 8 : i64, sc.parallel_access}
    %add3A_353 = arith.constant 48 : i32
    %add3A_354 = arith.addi %add3A_353, %select_n3A_30 : i32
    %mul3A_355 = arith.constant 64 : i32
    %mul3A_356 = arith.muli %select_n3A, %mul3A_355 : i32
    %add3A_357 = arith.addi %mul3A_356, %add3A_354 : i32
    %mul3A_358 = arith.constant 32768 : i32
    %mul3A_359 = arith.muli %add3A_357, %mul3A_358 : i32
    %add3A_360 = arith.constant 0 : i32
    %add3A_361 = arith.addi %mul3A_359, %add3A_360 : i32
    "tpu.region"() ({
      %run_scoped3A = tpu.sem_alloc : memref<!tpu.dma_semaphore, #tpu.memory_space<semaphore_mem>>
      %dma_start3A = arith.constant 0 : i32
      %dma_start3A_392 = tpu.memref_slice %arg9[%dma_start3A] : memref<32768xf32, #tpu.memory_space<vmem>> -> memref<16384xf32, #tpu.memory_space<vmem>>
      %dma_start3A_393 = tpu.memref_slice %arg6[%add3A_361] : memref<8388608xf32, #tpu.memory_space<hbm>> -> memref<16384xf32, #tpu.memory_space<hbm>>
      %dma_start3A_394 = tpu.memref_slice %arg6[%add3A_361] : memref<8388608xf32, #tpu.memory_space<hbm>> -> memref<16384xf32, #tpu.memory_space<hbm>>
      %dma_start3A_395 = arith.constant 0 : i32
      %dma_start3A_396 = tpu.memref_slice %arg9[%dma_start3A_395] : memref<32768xf32, #tpu.memory_space<vmem>> -> memref<16384xf32, #tpu.memory_space<vmem>>
      tpu.enqueue_dma source(%dma_start3A_396 : memref<16384xf32, #tpu.memory_space<vmem>>) target(%dma_start3A_394 : memref<16384xf32, #tpu.memory_space<hbm>>) target_semaphore(%run_scoped3A : memref<!tpu.dma_semaphore, #tpu.memory_space<semaphore_mem>>)
      %dma_wait3A = arith.constant 0 : i32
      %dma_wait3A_397 = tpu.memref_slice %arg9[%dma_wait3A] : memref<32768xf32, #tpu.memory_space<vmem>> -> memref<16384xf32, #tpu.memory_space<vmem>>
      %dma_wait3A_398 = tpu.memref_slice %arg6[%add3A_361] : memref<8388608xf32, #tpu.memory_space<hbm>> -> memref<16384xf32, #tpu.memory_space<hbm>>
      %dma_wait3A_399 = tpu.memref_slice %arg6[%add3A_361] : memref<8388608xf32, #tpu.memory_space<hbm>> -> memref<16384xf32, #tpu.memory_space<hbm>>
      %dma_wait3A_400 = arith.constant 0 : i32
      %dma_wait3A_401 = tpu.memref_slice %arg9[%dma_wait3A_400] : memref<32768xf32, #tpu.memory_space<vmem>> -> memref<16384xf32, #tpu.memory_space<vmem>>
      tpu.wait_dma2 semaphore(%run_scoped3A : memref<!tpu.dma_semaphore, #tpu.memory_space<semaphore_mem>>) src(%dma_wait3A_401 : memref<16384xf32, #tpu.memory_space<vmem>>) dst(%dma_wait3A_399 : memref<16384xf32, #tpu.memory_space<hbm>>)
      tpu.yield
    }) : () -> ()
    %add3A_362 = arith.constant 56 : i32
    %add3A_363 = arith.addi %add3A_362, %select_n3A_30 : i32
    %mul3A_364 = arith.constant 64 : i32
    %mul3A_365 = arith.muli %select_n3A, %mul3A_364 : i32
    %add3A_366 = arith.addi %mul3A_365, %add3A_363 : i32
    %mul3A_367 = arith.constant 32768 : i32
    %mul3A_368 = arith.muli %add3A_366, %mul3A_367 : i32
    %add3A_369 = arith.constant 0 : i32
    %add3A_370 = arith.addi %mul3A_368, %add3A_369 : i32
    "tpu.region"() ({
      %run_scoped3A = tpu.sem_alloc : memref<!tpu.dma_semaphore, #tpu.memory_space<semaphore_mem>>
      %dma_start3A = arith.constant 16384 : i32
      %dma_start3A_392 = tpu.memref_slice %arg9[%dma_start3A] : memref<32768xf32, #tpu.memory_space<vmem>> -> memref<16384xf32, #tpu.memory_space<vmem>>
      %dma_start3A_393 = tpu.memref_slice %arg6[%add3A_370] : memref<8388608xf32, #tpu.memory_space<hbm>> -> memref<16384xf32, #tpu.memory_space<hbm>>
      %dma_start3A_394 = tpu.memref_slice %arg6[%add3A_370] : memref<8388608xf32, #tpu.memory_space<hbm>> -> memref<16384xf32, #tpu.memory_space<hbm>>
      %dma_start3A_395 = arith.constant 16384 : i32
      %dma_start3A_396 = tpu.memref_slice %arg9[%dma_start3A_395] : memref<32768xf32, #tpu.memory_space<vmem>> -> memref<16384xf32, #tpu.memory_space<vmem>>
      tpu.enqueue_dma source(%dma_start3A_396 : memref<16384xf32, #tpu.memory_space<vmem>>) target(%dma_start3A_394 : memref<16384xf32, #tpu.memory_space<hbm>>) target_semaphore(%run_scoped3A : memref<!tpu.dma_semaphore, #tpu.memory_space<semaphore_mem>>)
      %dma_wait3A = arith.constant 16384 : i32
      %dma_wait3A_397 = tpu.memref_slice %arg9[%dma_wait3A] : memref<32768xf32, #tpu.memory_space<vmem>> -> memref<16384xf32, #tpu.memory_space<vmem>>
      %dma_wait3A_398 = tpu.memref_slice %arg6[%add3A_370] : memref<8388608xf32, #tpu.memory_space<hbm>> -> memref<16384xf32, #tpu.memory_space<hbm>>
      %dma_wait3A_399 = tpu.memref_slice %arg6[%add3A_370] : memref<8388608xf32, #tpu.memory_space<hbm>> -> memref<16384xf32, #tpu.memory_space<hbm>>
      %dma_wait3A_400 = arith.constant 16384 : i32
      %dma_wait3A_401 = tpu.memref_slice %arg9[%dma_wait3A_400] : memref<32768xf32, #tpu.memory_space<vmem>> -> memref<16384xf32, #tpu.memory_space<vmem>>
      tpu.wait_dma2 semaphore(%run_scoped3A : memref<!tpu.dma_semaphore, #tpu.memory_space<semaphore_mem>>) src(%dma_wait3A_401 : memref<16384xf32, #tpu.memory_space<vmem>>) dst(%dma_wait3A_399 : memref<16384xf32, #tpu.memory_space<hbm>>)
      tpu.yield
    }) : () -> ()
    %parallel_loop3A_371 = arith.constant 0 : i32
    %parallel_loop3A_372 = arith.constant 1024 : i32
    %parallel_loop3A_373 = arith.constant 1 : i32
    scf.for %parallel_loop3A_392 = %parallel_loop3A_371 to %parallel_loop3A_372 step %parallel_loop3A_373  : i32 {
      %parallel_loop3A_393 = arith.constant 16 : i32
      %parallel_loop3A_394 = arith.muli %parallel_loop3A_392, %parallel_loop3A_393 : i32
      %parallel_loop3A_395 = arith.constant 16384 : i32
      %parallel_loop3A_396 = arith.addi %parallel_loop3A_395, %parallel_loop3A_394 : i32
      %parallel_loop3A_397 = arith.index_cast %parallel_loop3A_396 : i32 to index
      %parallel_loop3A_398 = tpu.vector_load %arg7[%parallel_loop3A_397] {strides = array<i32>} : memref<32768xi32, #tpu.memory_space<vmem>>, vector<16xi32>,
      %parallel_loop3A_399 = tpu.vector_load_idx %arg8[%parallel_loop3A_398] : memref<59936xf32, #tpu.memory_space<vmem>>[vector<16xi32>], vector<16xf32>,
      %parallel_loop3A_400 = arith.constant 16 : i32
      %parallel_loop3A_401 = arith.muli %parallel_loop3A_392, %parallel_loop3A_400 : i32
      %parallel_loop3A_402 = arith.index_cast %parallel_loop3A_401 : i32 to index
      %parallel_loop3A_403 = tpu.vector_load %arg9[%parallel_loop3A_402] {strides = array<i32>} : memref<32768xf32, #tpu.memory_space<vmem>>, vector<16xf32>,
      tpu.vector_store %arg9[%parallel_loop3A_402], %parallel_loop3A_399 {strides = array<i32>} : memref<32768xf32, #tpu.memory_space<vmem>>, vector<16xf32>,
      %parallel_loop3A_404 = arith.constant 29968 : i32
      %parallel_loop3A_405 = vector.broadcast %parallel_loop3A_404 : i32 to vector<16xi32>
      %parallel_loop3A_406 = arith.addi %parallel_loop3A_398, %parallel_loop3A_405 : vector<16xi32>
      %parallel_loop3A_407 = tpu.vector_load_idx %arg8[%parallel_loop3A_406] : memref<59936xf32, #tpu.memory_space<vmem>>[vector<16xi32>], vector<16xf32>,
      %parallel_loop3A_408 = arith.constant 16 : i32
      %parallel_loop3A_409 = arith.muli %parallel_loop3A_392, %parallel_loop3A_408 : i32
      %parallel_loop3A_410 = arith.constant 16384 : i32
      %parallel_loop3A_411 = arith.addi %parallel_loop3A_410, %parallel_loop3A_409 : i32
      %parallel_loop3A_412 = arith.index_cast %parallel_loop3A_411 : i32 to index
      %parallel_loop3A_413 = tpu.vector_load %arg9[%parallel_loop3A_412] {strides = array<i32>} : memref<32768xf32, #tpu.memory_space<vmem>>, vector<16xf32>,
      tpu.vector_store %arg9[%parallel_loop3A_412], %parallel_loop3A_407 {strides = array<i32>} : memref<32768xf32, #tpu.memory_space<vmem>>, vector<16xf32>,
    } {sc.loop_unroll_factor = 8 : i64, sc.parallel_access}
    %add3A_374 = arith.constant 48 : i32
    %add3A_375 = arith.addi %add3A_374, %select_n3A_30 : i32
    %mul3A_376 = arith.constant 64 : i32
    %mul3A_377 = arith.muli %select_n3A, %mul3A_376 : i32
    %add3A_378 = arith.addi %mul3A_377, %add3A_375 : i32
    %mul3A_379 = arith.constant 32768 : i32
    %mul3A_380 = arith.muli %add3A_378, %mul3A_379 : i32
    %add3A_381 = arith.constant 16384 : i32
    %add3A_382 = arith.addi %mul3A_380, %add3A_381 : i32
    "tpu.region"() ({
      %run_scoped3A = tpu.sem_alloc : memref<!tpu.dma_semaphore, #tpu.memory_space<semaphore_mem>>
      %dma_start3A = arith.constant 0 : i32
      %dma_start3A_392 = tpu.memref_slice %arg9[%dma_start3A] : memref<32768xf32, #tpu.memory_space<vmem>> -> memref<16384xf32, #tpu.memory_space<vmem>>
      %dma_start3A_393 = tpu.memref_slice %arg6[%add3A_382] : memref<8388608xf32, #tpu.memory_space<hbm>> -> memref<16384xf32, #tpu.memory_space<hbm>>
      %dma_start3A_394 = tpu.memref_slice %arg6[%add3A_382] : memref<8388608xf32, #tpu.memory_space<hbm>> -> memref<16384xf32, #tpu.memory_space<hbm>>
      %dma_start3A_395 = arith.constant 0 : i32
      %dma_start3A_396 = tpu.memref_slice %arg9[%dma_start3A_395] : memref<32768xf32, #tpu.memory_space<vmem>> -> memref<16384xf32, #tpu.memory_space<vmem>>
      tpu.enqueue_dma source(%dma_start3A_396 : memref<16384xf32, #tpu.memory_space<vmem>>) target(%dma_start3A_394 : memref<16384xf32, #tpu.memory_space<hbm>>) target_semaphore(%run_scoped3A : memref<!tpu.dma_semaphore, #tpu.memory_space<semaphore_mem>>)
      %dma_wait3A = arith.constant 0 : i32
      %dma_wait3A_397 = tpu.memref_slice %arg9[%dma_wait3A] : memref<32768xf32, #tpu.memory_space<vmem>> -> memref<16384xf32, #tpu.memory_space<vmem>>
      %dma_wait3A_398 = tpu.memref_slice %arg6[%add3A_382] : memref<8388608xf32, #tpu.memory_space<hbm>> -> memref<16384xf32, #tpu.memory_space<hbm>>
      %dma_wait3A_399 = tpu.memref_slice %arg6[%add3A_382] : memref<8388608xf32, #tpu.memory_space<hbm>> -> memref<16384xf32, #tpu.memory_space<hbm>>
      %dma_wait3A_400 = arith.constant 0 : i32
      %dma_wait3A_401 = tpu.memref_slice %arg9[%dma_wait3A_400] : memref<32768xf32, #tpu.memory_space<vmem>> -> memref<16384xf32, #tpu.memory_space<vmem>>
      tpu.wait_dma2 semaphore(%run_scoped3A : memref<!tpu.dma_semaphore, #tpu.memory_space<semaphore_mem>>) src(%dma_wait3A_401 : memref<16384xf32, #tpu.memory_space<vmem>>) dst(%dma_wait3A_399 : memref<16384xf32, #tpu.memory_space<hbm>>)
      tpu.yield
    }) : () -> ()
    %add3A_383 = arith.constant 56 : i32
    %add3A_384 = arith.addi %add3A_383, %select_n3A_30 : i32
    %mul3A_385 = arith.constant 64 : i32
    %mul3A_386 = arith.muli %select_n3A, %mul3A_385 : i32
    %add3A_387 = arith.addi %mul3A_386, %add3A_384 : i32
    %mul3A_388 = arith.constant 32768 : i32
    %mul3A_389 = arith.muli %add3A_387, %mul3A_388 : i32
    %add3A_390 = arith.constant 16384 : i32
    %add3A_391 = arith.addi %mul3A_389, %add3A_390 : i32
    "tpu.region"() ({
      %run_scoped3A = tpu.sem_alloc : memref<!tpu.dma_semaphore, #tpu.memory_space<semaphore_mem>>
      %dma_start3A = arith.constant 16384 : i32
      %dma_start3A_392 = tpu.memref_slice %arg9[%dma_start3A] : memref<32768xf32, #tpu.memory_space<vmem>> -> memref<16384xf32, #tpu.memory_space<vmem>>
      %dma_start3A_393 = tpu.memref_slice %arg6[%add3A_391] : memref<8388608xf32, #tpu.memory_space<hbm>> -> memref<16384xf32, #tpu.memory_space<hbm>>
      %dma_start3A_394 = tpu.memref_slice %arg6[%add3A_391] : memref<8388608xf32, #tpu.memory_space<hbm>> -> memref<16384xf32, #tpu.memory_space<hbm>>
      %dma_start3A_395 = arith.constant 16384 : i32
      %dma_start3A_396 = tpu.memref_slice %arg9[%dma_start3A_395] : memref<32768xf32, #tpu.memory_space<vmem>> -> memref<16384xf32, #tpu.memory_space<vmem>>
      tpu.enqueue_dma source(%dma_start3A_396 : memref<16384xf32, #tpu.memory_space<vmem>>) target(%dma_start3A_394 : memref<16384xf32, #tpu.memory_space<hbm>>) target_semaphore(%run_scoped3A : memref<!tpu.dma_semaphore, #tpu.memory_space<semaphore_mem>>)
      %dma_wait3A = arith.constant 16384 : i32
      %dma_wait3A_397 = tpu.memref_slice %arg9[%dma_wait3A] : memref<32768xf32, #tpu.memory_space<vmem>> -> memref<16384xf32, #tpu.memory_space<vmem>>
      %dma_wait3A_398 = tpu.memref_slice %arg6[%add3A_391] : memref<8388608xf32, #tpu.memory_space<hbm>> -> memref<16384xf32, #tpu.memory_space<hbm>>
      %dma_wait3A_399 = tpu.memref_slice %arg6[%add3A_391] : memref<8388608xf32, #tpu.memory_space<hbm>> -> memref<16384xf32, #tpu.memory_space<hbm>>
      %dma_wait3A_400 = arith.constant 16384 : i32
      %dma_wait3A_401 = tpu.memref_slice %arg9[%dma_wait3A_400] : memref<32768xf32, #tpu.memory_space<vmem>> -> memref<16384xf32, #tpu.memory_space<vmem>>
      tpu.wait_dma2 semaphore(%run_scoped3A : memref<!tpu.dma_semaphore, #tpu.memory_space<semaphore_mem>>) src(%dma_wait3A_401 : memref<16384xf32, #tpu.memory_space<vmem>>) dst(%dma_wait3A_399 : memref<16384xf32, #tpu.memory_space<hbm>>)
      tpu.yield
    }) : () -> ()
    return
  }
}

module attributes {stable_mosaic.version = 14 : i64} {
  func.func @_pass_b_body(%arg0: i32, %arg1: i32, %arg2: memref<1x4x16384xf32, #tpu.memory_space<vmem>>, %arg3: memref<32x224xf32, #tpu.memory_space<vmem>>, %arg4: memref<32x4xf32, #tpu.memory_space<vmem>>, %arg5: memref<32x1xf32, #tpu.memory_space<vmem>>, %arg6: memref<32x1xf32, #tpu.memory_space<vmem>>, %arg7: memref<64x32xf32, #tpu.memory_space<vmem>>, %arg8: memref<1x1x16384xf32, #tpu.memory_space<vmem>>, %arg9: memref<1x32x16x1024xf32, #tpu.memory_space<vmem>>, %arg10: memref<1x64x16384xf32, #tpu.memory_space<vmem>>, %arg11: memref<64x128xf32, #tpu.memory_space<vmem>>) attributes {dimension_semantics = [#tpu.dimension_semantics<arbitrary>, #tpu.dimension_semantics<arbitrary>], iteration_bounds = array<i64: 4, 2>, scalar_prefetch = 0 : i64, scratch_operands = 0 : i64, tpu.core_type = #tpu.core_type<tc>, window_params = [{transform_indices = @transform_0, window_bounds = array<i64: 1, 4, 16384>}, {pipeline_mode = #tpu.pipeline_mode<synchronous>, transform_indices = @transform_1, window_bounds = array<i64: 32, 224>}, {pipeline_mode = #tpu.pipeline_mode<synchronous>, transform_indices = @transform_2, window_bounds = array<i64: 32, 4>}, {pipeline_mode = #tpu.pipeline_mode<synchronous>, transform_indices = @transform_3, window_bounds = array<i64: 32, 1>}, {pipeline_mode = #tpu.pipeline_mode<synchronous>, transform_indices = @transform_4, window_bounds = array<i64: 32, 1>}, {pipeline_mode = #tpu.pipeline_mode<synchronous>, transform_indices = @transform_5, window_bounds = array<i64: 64, 32>}, {transform_indices = @transform_6, window_bounds = array<i64: 1, 1, 16384>}, {transform_indices = @transform_7, window_bounds = array<i64: 1, 32, 16, 1024>}, {transform_indices = @transform_8, window_bounds = array<i64: 1, 64, 16384>}, {pipeline_mode = #tpu.pipeline_mode<synchronous>, transform_indices = @transform_9, window_bounds = array<i64: 64, 128>}]} {
    %eq3A = arith.constant 0 : i32
    %eq3A_0 = arith.cmpi eq, %arg0, %eq3A : i32
    %eq3A_1 = arith.constant 0 : i32
    %eq3A_2 = arith.cmpi eq, %arg1, %eq3A_1 : i32
    %and3A = arith.andi %eq3A_0, %eq3A_2 : i1
    %convert_element_type3A = arith.extui %and3A : i1 to i32
    %cond3A = arith.constant 0 : i32
    %cond3A_3 = arith.cmpi ne, %convert_element_type3A, %cond3A : i32
    scf.if %cond3A_3 {
      %broadcast_in_dim3A_322 = arith.constant 0.000000e+00 : f32
      %broadcast_in_dim3A_323 = vector.broadcast %broadcast_in_dim3A_322 : f32 to vector<64x128xf32>
      %swap3A_324 = arith.constant 0 : index
      %swap3A_325 = arith.constant 0 : index
      %swap3A_326 = vector.load %arg11[%swap3A_324, %swap3A_325] : memref<64x128xf32, #tpu.memory_space<vmem>>, vector<64x128xf32>
      tpu.vector_store %arg11[%swap3A_324, %swap3A_325], %broadcast_in_dim3A_323 {strides = array<i32>} : memref<64x128xf32, #tpu.memory_space<vmem>>, vector<64x128xf32>,
    } else {
    }
    %get3A = arith.constant 0 : index
    %get3A_4 = arith.constant 0 : index
    %get3A_5 = vector.load %arg3[%get3A, %get3A_4] : memref<32x224xf32, #tpu.memory_space<vmem>>, vector<32x16xf32>
    %reduce_sum3A = vector.shape_cast %get3A_5 : vector<32x16xf32> to vector<1x32x16xf32>
    %reduce_sum3A_6 = arith.constant dense<0.000000e+00> : vector<1xf32>
    %reduce_sum3A_7 = vector.multi_reduction <add>, %reduce_sum3A, %reduce_sum3A_6 [1, 2] : vector<1x32x16xf32> to vector<1xf32>
    %reduce_sum3A_8 = vector.shape_cast %reduce_sum3A_7 : vector<1xf32> to vector<1x1x1xf32>
    %reduce_sum3A_9 = vector.extract %reduce_sum3A_8[0, 0, 0] : f32 from vector<1x1x1xf32>
    %mul3A = arith.constant 7.62939453E-6 : f32
    %mul3A_10 = arith.mulf %reduce_sum3A_9, %mul3A : f32
    %get3A_11 = arith.constant 0 : index
    %get3A_12 = arith.constant 16 : index
    %get3A_13 = vector.load %arg3[%get3A_11, %get3A_12] : memref<32x224xf32, #tpu.memory_space<vmem>>, vector<32x16xf32>
    %reduce_sum3A_14 = vector.shape_cast %get3A_13 : vector<32x16xf32> to vector<1x32x16xf32>
    %reduce_sum3A_15 = arith.constant dense<0.000000e+00> : vector<1xf32>
    %reduce_sum3A_16 = vector.multi_reduction <add>, %reduce_sum3A_14, %reduce_sum3A_15 [1, 2] : vector<1x32x16xf32> to vector<1xf32>
    %reduce_sum3A_17 = vector.shape_cast %reduce_sum3A_16 : vector<1xf32> to vector<1x1x1xf32>
    %reduce_sum3A_18 = vector.extract %reduce_sum3A_17[0, 0, 0] : f32 from vector<1x1x1xf32>
    %mul3A_19 = arith.constant 7.62939453E-6 : f32
    %mul3A_20 = arith.mulf %reduce_sum3A_18, %mul3A_19 : f32
    %get3A_21 = arith.constant 0 : index
    %get3A_22 = arith.constant 32 : index
    %get3A_23 = vector.load %arg3[%get3A_21, %get3A_22] : memref<32x224xf32, #tpu.memory_space<vmem>>, vector<32x16xf32>
    %reduce_sum3A_24 = vector.shape_cast %get3A_23 : vector<32x16xf32> to vector<1x32x16xf32>
    %reduce_sum3A_25 = arith.constant dense<0.000000e+00> : vector<1xf32>
    %reduce_sum3A_26 = vector.multi_reduction <add>, %reduce_sum3A_24, %reduce_sum3A_25 [1, 2] : vector<1x32x16xf32> to vector<1xf32>
    %reduce_sum3A_27 = vector.shape_cast %reduce_sum3A_26 : vector<1xf32> to vector<1x1x1xf32>
    %reduce_sum3A_28 = vector.extract %reduce_sum3A_27[0, 0, 0] : f32 from vector<1x1x1xf32>
    %mul3A_29 = arith.constant 7.62939453E-6 : f32
    %mul3A_30 = arith.mulf %reduce_sum3A_28, %mul3A_29 : f32
    %get3A_31 = arith.constant 0 : index
    %get3A_32 = arith.constant 48 : index
    %get3A_33 = vector.load %arg3[%get3A_31, %get3A_32] : memref<32x224xf32, #tpu.memory_space<vmem>>, vector<32x16xf32>
    %reduce_sum3A_34 = vector.shape_cast %get3A_33 : vector<32x16xf32> to vector<1x32x16xf32>
    %reduce_sum3A_35 = arith.constant dense<0.000000e+00> : vector<1xf32>
    %reduce_sum3A_36 = vector.multi_reduction <add>, %reduce_sum3A_34, %reduce_sum3A_35 [1, 2] : vector<1x32x16xf32> to vector<1xf32>
    %reduce_sum3A_37 = vector.shape_cast %reduce_sum3A_36 : vector<1xf32> to vector<1x1x1xf32>
    %reduce_sum3A_38 = vector.extract %reduce_sum3A_37[0, 0, 0] : f32 from vector<1x1x1xf32>
    %mul3A_39 = arith.constant 7.62939453E-6 : f32
    %mul3A_40 = arith.mulf %reduce_sum3A_38, %mul3A_39 : f32
    %get3A_41 = arith.constant 0 : index
    %get3A_42 = arith.constant 64 : index
    %get3A_43 = vector.load %arg3[%get3A_41, %get3A_42] : memref<32x224xf32, #tpu.memory_space<vmem>>, vector<32x16xf32>
    %reduce_sum3A_44 = vector.shape_cast %get3A_43 : vector<32x16xf32> to vector<1x32x16xf32>
    %reduce_sum3A_45 = arith.constant dense<0.000000e+00> : vector<1xf32>
    %reduce_sum3A_46 = vector.multi_reduction <add>, %reduce_sum3A_44, %reduce_sum3A_45 [1, 2] : vector<1x32x16xf32> to vector<1xf32>
    %reduce_sum3A_47 = vector.shape_cast %reduce_sum3A_46 : vector<1xf32> to vector<1x1x1xf32>
    %reduce_sum3A_48 = vector.extract %reduce_sum3A_47[0, 0, 0] : f32 from vector<1x1x1xf32>
    %mul3A_49 = arith.constant 7.62939453E-6 : f32
    %mul3A_50 = arith.mulf %reduce_sum3A_48, %mul3A_49 : f32
    %get3A_51 = arith.constant 0 : index
    %get3A_52 = arith.constant 80 : index
    %get3A_53 = vector.load %arg3[%get3A_51, %get3A_52] : memref<32x224xf32, #tpu.memory_space<vmem>>, vector<32x16xf32>
    %reduce_sum3A_54 = vector.shape_cast %get3A_53 : vector<32x16xf32> to vector<1x32x16xf32>
    %reduce_sum3A_55 = arith.constant dense<0.000000e+00> : vector<1xf32>
    %reduce_sum3A_56 = vector.multi_reduction <add>, %reduce_sum3A_54, %reduce_sum3A_55 [1, 2] : vector<1x32x16xf32> to vector<1xf32>
    %reduce_sum3A_57 = vector.shape_cast %reduce_sum3A_56 : vector<1xf32> to vector<1x1x1xf32>
    %reduce_sum3A_58 = vector.extract %reduce_sum3A_57[0, 0, 0] : f32 from vector<1x1x1xf32>
    %mul3A_59 = arith.constant 7.62939453E-6 : f32
    %mul3A_60 = arith.mulf %reduce_sum3A_58, %mul3A_59 : f32
    %get3A_61 = arith.constant 0 : index
    %get3A_62 = arith.constant 96 : index
    %get3A_63 = vector.load %arg3[%get3A_61, %get3A_62] : memref<32x224xf32, #tpu.memory_space<vmem>>, vector<32x16xf32>
    %reduce_sum3A_64 = vector.shape_cast %get3A_63 : vector<32x16xf32> to vector<1x32x16xf32>
    %reduce_sum3A_65 = arith.constant dense<0.000000e+00> : vector<1xf32>
    %reduce_sum3A_66 = vector.multi_reduction <add>, %reduce_sum3A_64, %reduce_sum3A_65 [1, 2] : vector<1x32x16xf32> to vector<1xf32>
    %reduce_sum3A_67 = vector.shape_cast %reduce_sum3A_66 : vector<1xf32> to vector<1x1x1xf32>
    %reduce_sum3A_68 = vector.extract %reduce_sum3A_67[0, 0, 0] : f32 from vector<1x1x1xf32>
    %mul3A_69 = arith.constant 7.62939453E-6 : f32
    %mul3A_70 = arith.mulf %reduce_sum3A_68, %mul3A_69 : f32
    %get3A_71 = arith.constant 0 : index
    %get3A_72 = arith.constant 112 : index
    %get3A_73 = vector.load %arg3[%get3A_71, %get3A_72] : memref<32x224xf32, #tpu.memory_space<vmem>>, vector<32x16xf32>
    %reduce_sum3A_74 = vector.shape_cast %get3A_73 : vector<32x16xf32> to vector<1x32x16xf32>
    %reduce_sum3A_75 = arith.constant dense<0.000000e+00> : vector<1xf32>
    %reduce_sum3A_76 = vector.multi_reduction <add>, %reduce_sum3A_74, %reduce_sum3A_75 [1, 2] : vector<1x32x16xf32> to vector<1xf32>
    %reduce_sum3A_77 = vector.shape_cast %reduce_sum3A_76 : vector<1xf32> to vector<1x1x1xf32>
    %reduce_sum3A_78 = vector.extract %reduce_sum3A_77[0, 0, 0] : f32 from vector<1x1x1xf32>
    %mul3A_79 = arith.constant 7.62939453E-6 : f32
    %mul3A_80 = arith.mulf %reduce_sum3A_78, %mul3A_79 : f32
    %get3A_81 = arith.constant 0 : index
    %get3A_82 = arith.constant 128 : index
    %get3A_83 = vector.load %arg3[%get3A_81, %get3A_82] : memref<32x224xf32, #tpu.memory_space<vmem>>, vector<32x16xf32>
    %reduce_sum3A_84 = vector.shape_cast %get3A_83 : vector<32x16xf32> to vector<1x32x16xf32>
    %reduce_sum3A_85 = arith.constant dense<0.000000e+00> : vector<1xf32>
    %reduce_sum3A_86 = vector.multi_reduction <add>, %reduce_sum3A_84, %reduce_sum3A_85 [1, 2] : vector<1x32x16xf32> to vector<1xf32>
    %reduce_sum3A_87 = vector.shape_cast %reduce_sum3A_86 : vector<1xf32> to vector<1x1x1xf32>
    %reduce_sum3A_88 = vector.extract %reduce_sum3A_87[0, 0, 0] : f32 from vector<1x1x1xf32>
    %mul3A_89 = arith.constant 7.62939453E-6 : f32
    %mul3A_90 = arith.mulf %reduce_sum3A_88, %mul3A_89 : f32
    %get3A_91 = arith.constant 0 : index
    %get3A_92 = arith.constant 144 : index
    %get3A_93 = vector.load %arg3[%get3A_91, %get3A_92] : memref<32x224xf32, #tpu.memory_space<vmem>>, vector<32x16xf32>
    %reduce_sum3A_94 = vector.shape_cast %get3A_93 : vector<32x16xf32> to vector<1x32x16xf32>
    %reduce_sum3A_95 = arith.constant dense<0.000000e+00> : vector<1xf32>
    %reduce_sum3A_96 = vector.multi_reduction <add>, %reduce_sum3A_94, %reduce_sum3A_95 [1, 2] : vector<1x32x16xf32> to vector<1xf32>
    %reduce_sum3A_97 = vector.shape_cast %reduce_sum3A_96 : vector<1xf32> to vector<1x1x1xf32>
    %reduce_sum3A_98 = vector.extract %reduce_sum3A_97[0, 0, 0] : f32 from vector<1x1x1xf32>
    %mul3A_99 = arith.constant 7.62939453E-6 : f32
    %mul3A_100 = arith.mulf %reduce_sum3A_98, %mul3A_99 : f32
    %get3A_101 = arith.constant 0 : index
    %get3A_102 = arith.constant 160 : index
    %get3A_103 = vector.load %arg3[%get3A_101, %get3A_102] : memref<32x224xf32, #tpu.memory_space<vmem>>, vector<32x16xf32>
    %reduce_sum3A_104 = vector.shape_cast %get3A_103 : vector<32x16xf32> to vector<1x32x16xf32>
    %reduce_sum3A_105 = arith.constant dense<0.000000e+00> : vector<1xf32>
    %reduce_sum3A_106 = vector.multi_reduction <add>, %reduce_sum3A_104, %reduce_sum3A_105 [1, 2] : vector<1x32x16xf32> to vector<1xf32>
    %reduce_sum3A_107 = vector.shape_cast %reduce_sum3A_106 : vector<1xf32> to vector<1x1x1xf32>
    %reduce_sum3A_108 = vector.extract %reduce_sum3A_107[0, 0, 0] : f32 from vector<1x1x1xf32>
    %mul3A_109 = arith.constant 7.62939453E-6 : f32
    %mul3A_110 = arith.mulf %reduce_sum3A_108, %mul3A_109 : f32
    %get3A_111 = arith.constant 0 : index
    %get3A_112 = arith.constant 176 : index
    %get3A_113 = vector.load %arg3[%get3A_111, %get3A_112] : memref<32x224xf32, #tpu.memory_space<vmem>>, vector<32x16xf32>
    %reduce_sum3A_114 = vector.shape_cast %get3A_113 : vector<32x16xf32> to vector<1x32x16xf32>
    %reduce_sum3A_115 = arith.constant dense<0.000000e+00> : vector<1xf32>
    %reduce_sum3A_116 = vector.multi_reduction <add>, %reduce_sum3A_114, %reduce_sum3A_115 [1, 2] : vector<1x32x16xf32> to vector<1xf32>
    %reduce_sum3A_117 = vector.shape_cast %reduce_sum3A_116 : vector<1xf32> to vector<1x1x1xf32>
    %reduce_sum3A_118 = vector.extract %reduce_sum3A_117[0, 0, 0] : f32 from vector<1x1x1xf32>
    %mul3A_119 = arith.constant 7.62939453E-6 : f32
    %mul3A_120 = arith.mulf %reduce_sum3A_118, %mul3A_119 : f32
    %get3A_121 = arith.constant 0 : index
    %get3A_122 = arith.constant 192 : index
    %get3A_123 = vector.load %arg3[%get3A_121, %get3A_122] : memref<32x224xf32, #tpu.memory_space<vmem>>, vector<32x16xf32>
    %reduce_sum3A_124 = vector.shape_cast %get3A_123 : vector<32x16xf32> to vector<1x32x16xf32>
    %reduce_sum3A_125 = arith.constant dense<0.000000e+00> : vector<1xf32>
    %reduce_sum3A_126 = vector.multi_reduction <add>, %reduce_sum3A_124, %reduce_sum3A_125 [1, 2] : vector<1x32x16xf32> to vector<1xf32>
    %reduce_sum3A_127 = vector.shape_cast %reduce_sum3A_126 : vector<1xf32> to vector<1x1x1xf32>
    %reduce_sum3A_128 = vector.extract %reduce_sum3A_127[0, 0, 0] : f32 from vector<1x1x1xf32>
    %mul3A_129 = arith.constant 7.62939453E-6 : f32
    %mul3A_130 = arith.mulf %reduce_sum3A_128, %mul3A_129 : f32
    %get3A_131 = arith.constant 0 : index
    %get3A_132 = arith.constant 208 : index
    %get3A_133 = vector.load %arg3[%get3A_131, %get3A_132] : memref<32x224xf32, #tpu.memory_space<vmem>>, vector<32x16xf32>
    %reduce_sum3A_134 = vector.shape_cast %get3A_133 : vector<32x16xf32> to vector<1x32x16xf32>
    %reduce_sum3A_135 = arith.constant dense<0.000000e+00> : vector<1xf32>
    %reduce_sum3A_136 = vector.multi_reduction <add>, %reduce_sum3A_134, %reduce_sum3A_135 [1, 2] : vector<1x32x16xf32> to vector<1xf32>
    %reduce_sum3A_137 = vector.shape_cast %reduce_sum3A_136 : vector<1xf32> to vector<1x1x1xf32>
    %reduce_sum3A_138 = vector.extract %reduce_sum3A_137[0, 0, 0] : f32 from vector<1x1x1xf32>
    %mul3A_139 = arith.constant 7.62939453E-6 : f32
    %mul3A_140 = arith.mulf %reduce_sum3A_138, %mul3A_139 : f32
    %get3A_141 = arith.constant 0 : index
    %get3A_142 = arith.constant 0 : index
    %get3A_143 = vector.load %arg4[%get3A_141, %get3A_142] : memref<32x4xf32, #tpu.memory_space<vmem>>, vector<32x4xf32>
    %slice3A = vector.extract_strided_slice %get3A_143 {offsets = [0, 0], sizes = [32, 1], strides = [1, 1]} : vector<32x4xf32> to vector<32x1xf32>
    %mul3A_144 = vector.broadcast %mul3A_10 : f32 to vector<32x1xf32>
    %mul3A_145 = arith.mulf %slice3A, %mul3A_144 : vector<32x1xf32>
    %slice3A_146 = vector.extract_strided_slice %get3A_143 {offsets = [0, 1], sizes = [32, 1], strides = [1, 1]} : vector<32x4xf32> to vector<32x1xf32>
    %mul3A_147 = vector.broadcast %mul3A_20 : f32 to vector<32x1xf32>
    %mul3A_148 = arith.mulf %slice3A_146, %mul3A_147 : vector<32x1xf32>
    %add3A = arith.addf %mul3A_145, %mul3A_148 : vector<32x1xf32>
    %slice3A_149 = vector.extract_strided_slice %get3A_143 {offsets = [0, 2], sizes = [32, 1], strides = [1, 1]} : vector<32x4xf32> to vector<32x1xf32>
    %mul3A_150 = vector.broadcast %mul3A_30 : f32 to vector<32x1xf32>
    %mul3A_151 = arith.mulf %slice3A_149, %mul3A_150 : vector<32x1xf32>
    %add3A_152 = arith.addf %add3A, %mul3A_151 : vector<32x1xf32>
    %slice3A_153 = vector.extract_strided_slice %get3A_143 {offsets = [0, 3], sizes = [32, 1], strides = [1, 1]} : vector<32x4xf32> to vector<32x1xf32>
    %mul3A_154 = vector.broadcast %mul3A_40 : f32 to vector<32x1xf32>
    %mul3A_155 = arith.mulf %slice3A_153, %mul3A_154 : vector<32x1xf32>
    %add3A_156 = arith.addf %add3A_152, %mul3A_155 : vector<32x1xf32>
    %broadcast_in_dim3A = arith.constant 0.000000e+00 : f32
    %broadcast_in_dim3A_157 = vector.broadcast %broadcast_in_dim3A : f32 to vector<32x1xf32>
    %mul3A_158 = arith.constant 1.000000e+00 : f32
    %mul3A_159 = arith.mulf %mul3A_158, %mul3A_50 : f32
    %slice3A_160 = vector.extract_strided_slice %get3A_143 {offsets = [0, 0], sizes = [32, 1], strides = [1, 1]} : vector<32x4xf32> to vector<32x1xf32>
    %slice3A_161 = vector.extract_strided_slice %get3A_143 {offsets = [0, 0], sizes = [32, 1], strides = [1, 1]} : vector<32x4xf32> to vector<32x1xf32>
    %mul3A_162 = arith.mulf %slice3A_160, %slice3A_161 : vector<32x1xf32>
    %mul3A_163 = vector.broadcast %mul3A_159 : f32 to vector<32x1xf32>
    %mul3A_164 = arith.mulf %mul3A_163, %mul3A_162 : vector<32x1xf32>
    %add3A_165 = arith.addf %broadcast_in_dim3A_157, %mul3A_164 : vector<32x1xf32>
    %mul3A_166 = arith.constant 2.000000e+00 : f32
    %mul3A_167 = arith.mulf %mul3A_166, %mul3A_60 : f32
    %slice3A_168 = vector.extract_strided_slice %get3A_143 {offsets = [0, 0], sizes = [32, 1], strides = [1, 1]} : vector<32x4xf32> to vector<32x1xf32>
    %slice3A_169 = vector.extract_strided_slice %get3A_143 {offsets = [0, 1], sizes = [32, 1], strides = [1, 1]} : vector<32x4xf32> to vector<32x1xf32>
    %mul3A_170 = arith.mulf %slice3A_168, %slice3A_169 : vector<32x1xf32>
    %mul3A_171 = vector.broadcast %mul3A_167 : f32 to vector<32x1xf32>
    %mul3A_172 = arith.mulf %mul3A_171, %mul3A_170 : vector<32x1xf32>
    %add3A_173 = arith.addf %add3A_165, %mul3A_172 : vector<32x1xf32>
    %mul3A_174 = arith.constant 2.000000e+00 : f32
    %mul3A_175 = arith.mulf %mul3A_174, %mul3A_70 : f32
    %slice3A_176 = vector.extract_strided_slice %get3A_143 {offsets = [0, 0], sizes = [32, 1], strides = [1, 1]} : vector<32x4xf32> to vector<32x1xf32>
    %slice3A_177 = vector.extract_strided_slice %get3A_143 {offsets = [0, 2], sizes = [32, 1], strides = [1, 1]} : vector<32x4xf32> to vector<32x1xf32>
    %mul3A_178 = arith.mulf %slice3A_176, %slice3A_177 : vector<32x1xf32>
    %mul3A_179 = vector.broadcast %mul3A_175 : f32 to vector<32x1xf32>
    %mul3A_180 = arith.mulf %mul3A_179, %mul3A_178 : vector<32x1xf32>
    %add3A_181 = arith.addf %add3A_173, %mul3A_180 : vector<32x1xf32>
    %mul3A_182 = arith.constant 2.000000e+00 : f32
    %mul3A_183 = arith.mulf %mul3A_182, %mul3A_80 : f32
    %slice3A_184 = vector.extract_strided_slice %get3A_143 {offsets = [0, 0], sizes = [32, 1], strides = [1, 1]} : vector<32x4xf32> to vector<32x1xf32>
    %slice3A_185 = vector.extract_strided_slice %get3A_143 {offsets = [0, 3], sizes = [32, 1], strides = [1, 1]} : vector<32x4xf32> to vector<32x1xf32>
    %mul3A_186 = arith.mulf %slice3A_184, %slice3A_185 : vector<32x1xf32>
    %mul3A_187 = vector.broadcast %mul3A_183 : f32 to vector<32x1xf32>
    %mul3A_188 = arith.mulf %mul3A_187, %mul3A_186 : vector<32x1xf32>
    %add3A_189 = arith.addf %add3A_181, %mul3A_188 : vector<32x1xf32>
    %mul3A_190 = arith.constant 1.000000e+00 : f32
    %mul3A_191 = arith.mulf %mul3A_190, %mul3A_90 : f32
    %slice3A_192 = vector.extract_strided_slice %get3A_143 {offsets = [0, 1], sizes = [32, 1], strides = [1, 1]} : vector<32x4xf32> to vector<32x1xf32>
    %slice3A_193 = vector.extract_strided_slice %get3A_143 {offsets = [0, 1], sizes = [32, 1], strides = [1, 1]} : vector<32x4xf32> to vector<32x1xf32>
    %mul3A_194 = arith.mulf %slice3A_192, %slice3A_193 : vector<32x1xf32>
    %mul3A_195 = vector.broadcast %mul3A_191 : f32 to vector<32x1xf32>
    %mul3A_196 = arith.mulf %mul3A_195, %mul3A_194 : vector<32x1xf32>
    %add3A_197 = arith.addf %add3A_189, %mul3A_196 : vector<32x1xf32>
    %mul3A_198 = arith.constant 2.000000e+00 : f32
    %mul3A_199 = arith.mulf %mul3A_198, %mul3A_100 : f32
    %slice3A_200 = vector.extract_strided_slice %get3A_143 {offsets = [0, 1], sizes = [32, 1], strides = [1, 1]} : vector<32x4xf32> to vector<32x1xf32>
    %slice3A_201 = vector.extract_strided_slice %get3A_143 {offsets = [0, 2], sizes = [32, 1], strides = [1, 1]} : vector<32x4xf32> to vector<32x1xf32>
    %mul3A_202 = arith.mulf %slice3A_200, %slice3A_201 : vector<32x1xf32>
    %mul3A_203 = vector.broadcast %mul3A_199 : f32 to vector<32x1xf32>
    %mul3A_204 = arith.mulf %mul3A_203, %mul3A_202 : vector<32x1xf32>
    %add3A_205 = arith.addf %add3A_197, %mul3A_204 : vector<32x1xf32>
    %mul3A_206 = arith.constant 2.000000e+00 : f32
    %mul3A_207 = arith.mulf %mul3A_206, %mul3A_110 : f32
    %slice3A_208 = vector.extract_strided_slice %get3A_143 {offsets = [0, 1], sizes = [32, 1], strides = [1, 1]} : vector<32x4xf32> to vector<32x1xf32>
    %slice3A_209 = vector.extract_strided_slice %get3A_143 {offsets = [0, 3], sizes = [32, 1], strides = [1, 1]} : vector<32x4xf32> to vector<32x1xf32>
    %mul3A_210 = arith.mulf %slice3A_208, %slice3A_209 : vector<32x1xf32>
    %mul3A_211 = vector.broadcast %mul3A_207 : f32 to vector<32x1xf32>
    %mul3A_212 = arith.mulf %mul3A_211, %mul3A_210 : vector<32x1xf32>
    %add3A_213 = arith.addf %add3A_205, %mul3A_212 : vector<32x1xf32>
    %mul3A_214 = arith.constant 1.000000e+00 : f32
    %mul3A_215 = arith.mulf %mul3A_214, %mul3A_120 : f32
    %slice3A_216 = vector.extract_strided_slice %get3A_143 {offsets = [0, 2], sizes = [32, 1], strides = [1, 1]} : vector<32x4xf32> to vector<32x1xf32>
    %slice3A_217 = vector.extract_strided_slice %get3A_143 {offsets = [0, 2], sizes = [32, 1], strides = [1, 1]} : vector<32x4xf32> to vector<32x1xf32>
    %mul3A_218 = arith.mulf %slice3A_216, %slice3A_217 : vector<32x1xf32>
    %mul3A_219 = vector.broadcast %mul3A_215 : f32 to vector<32x1xf32>
    %mul3A_220 = arith.mulf %mul3A_219, %mul3A_218 : vector<32x1xf32>
    %add3A_221 = arith.addf %add3A_213, %mul3A_220 : vector<32x1xf32>
    %mul3A_222 = arith.constant 2.000000e+00 : f32
    %mul3A_223 = arith.mulf %mul3A_222, %mul3A_130 : f32
    %slice3A_224 = vector.extract_strided_slice %get3A_143 {offsets = [0, 2], sizes = [32, 1], strides = [1, 1]} : vector<32x4xf32> to vector<32x1xf32>
    %slice3A_225 = vector.extract_strided_slice %get3A_143 {offsets = [0, 3], sizes = [32, 1], strides = [1, 1]} : vector<32x4xf32> to vector<32x1xf32>
    %mul3A_226 = arith.mulf %slice3A_224, %slice3A_225 : vector<32x1xf32>
    %mul3A_227 = vector.broadcast %mul3A_223 : f32 to vector<32x1xf32>
    %mul3A_228 = arith.mulf %mul3A_227, %mul3A_226 : vector<32x1xf32>
    %add3A_229 = arith.addf %add3A_221, %mul3A_228 : vector<32x1xf32>
    %mul3A_230 = arith.constant 1.000000e+00 : f32
    %mul3A_231 = arith.mulf %mul3A_230, %mul3A_140 : f32
    %slice3A_232 = vector.extract_strided_slice %get3A_143 {offsets = [0, 3], sizes = [32, 1], strides = [1, 1]} : vector<32x4xf32> to vector<32x1xf32>
    %slice3A_233 = vector.extract_strided_slice %get3A_143 {offsets = [0, 3], sizes = [32, 1], strides = [1, 1]} : vector<32x4xf32> to vector<32x1xf32>
    %mul3A_234 = arith.mulf %slice3A_232, %slice3A_233 : vector<32x1xf32>
    %mul3A_235 = vector.broadcast %mul3A_231 : f32 to vector<32x1xf32>
    %mul3A_236 = arith.mulf %mul3A_235, %mul3A_234 : vector<32x1xf32>
    %add3A_237 = arith.addf %add3A_229, %mul3A_236 : vector<32x1xf32>
    %mul3A_238 = arith.mulf %add3A_156, %add3A_156 : vector<32x1xf32>
    %sub3A = arith.subf %add3A_237, %mul3A_238 : vector<32x1xf32>
    %get3A_239 = arith.constant 0 : index
    %get3A_240 = arith.constant 0 : index
    %get3A_241 = vector.load %arg5[%get3A_239, %get3A_240] : memref<32x1xf32, #tpu.memory_space<vmem>>, vector<32x1xf32>
    %add3A_242 = arith.constant 9.99999974E-6 : f32
    %add3A_243 = vector.broadcast %add3A_242 : f32 to vector<32x1xf32>
    %add3A_244 = arith.addf %sub3A, %add3A_243 : vector<32x1xf32>
    %rsqrt3A = math.rsqrt %add3A_244 : vector<32x1xf32>
    %mul3A_245 = arith.mulf %get3A_241, %rsqrt3A : vector<32x1xf32>
    %get3A_246 = arith.constant 0 : index
    %get3A_247 = arith.constant 0 : index
    %get3A_248 = vector.load %arg6[%get3A_246, %get3A_247] : memref<32x1xf32, #tpu.memory_space<vmem>>, vector<32x1xf32>
    %mul3A_249 = arith.mulf %add3A_156, %mul3A_245 : vector<32x1xf32>
    %sub3A_250 = arith.subf %get3A_248, %mul3A_249 : vector<32x1xf32>
    %get3A_251 = arith.constant 0 : index
    %get3A_252 = arith.constant 0 : index
    %get3A_253 = arith.constant 0 : index
    %get3A_254 = vector.load %arg2[%get3A_251, %get3A_252, %get3A_253] : memref<1x4x16384xf32, #tpu.memory_space<vmem>>, vector<1x4x16384xf32>
    %get3A_255 = vector.shape_cast %get3A_254 : vector<1x4x16384xf32> to vector<4x16384xf32>
    %slice3A_256 = vector.extract_strided_slice %get3A_143 {offsets = [0, 0], sizes = [32, 1], strides = [1, 1]} : vector<32x4xf32> to vector<32x1xf32>
    %slice3A_257 = vector.extract_strided_slice %get3A_255 {offsets = [0, 0], sizes = [1, 16384], strides = [1, 1]} : vector<4x16384xf32> to vector<1x16384xf32>
    %mul3A_258 = vector.broadcast %slice3A_256 : vector<32x1xf32> to vector<32x16384xf32>
    %mul3A_259 = vector.broadcast %slice3A_257 : vector<1x16384xf32> to vector<32x16384xf32>
    %mul3A_260 = arith.mulf %mul3A_258, %mul3A_259 : vector<32x16384xf32>
    %slice3A_261 = vector.extract_strided_slice %get3A_143 {offsets = [0, 1], sizes = [32, 1], strides = [1, 1]} : vector<32x4xf32> to vector<32x1xf32>
    %slice3A_262 = vector.extract_strided_slice %get3A_255 {offsets = [1, 0], sizes = [1, 16384], strides = [1, 1]} : vector<4x16384xf32> to vector<1x16384xf32>
    %mul3A_263 = vector.broadcast %slice3A_261 : vector<32x1xf32> to vector<32x16384xf32>
    %mul3A_264 = vector.broadcast %slice3A_262 : vector<1x16384xf32> to vector<32x16384xf32>
    %mul3A_265 = arith.mulf %mul3A_263, %mul3A_264 : vector<32x16384xf32>
    %add3A_266 = arith.addf %mul3A_260, %mul3A_265 : vector<32x16384xf32>
    %slice3A_267 = vector.extract_strided_slice %get3A_143 {offsets = [0, 2], sizes = [32, 1], strides = [1, 1]} : vector<32x4xf32> to vector<32x1xf32>
    %slice3A_268 = vector.extract_strided_slice %get3A_255 {offsets = [2, 0], sizes = [1, 16384], strides = [1, 1]} : vector<4x16384xf32> to vector<1x16384xf32>
    %mul3A_269 = vector.broadcast %slice3A_267 : vector<32x1xf32> to vector<32x16384xf32>
    %mul3A_270 = vector.broadcast %slice3A_268 : vector<1x16384xf32> to vector<32x16384xf32>
    %mul3A_271 = arith.mulf %mul3A_269, %mul3A_270 : vector<32x16384xf32>
    %add3A_272 = arith.addf %add3A_266, %mul3A_271 : vector<32x16384xf32>
    %slice3A_273 = vector.extract_strided_slice %get3A_143 {offsets = [0, 3], sizes = [32, 1], strides = [1, 1]} : vector<32x4xf32> to vector<32x1xf32>
    %slice3A_274 = vector.extract_strided_slice %get3A_255 {offsets = [3, 0], sizes = [1, 16384], strides = [1, 1]} : vector<4x16384xf32> to vector<1x16384xf32>
    %mul3A_275 = vector.broadcast %slice3A_273 : vector<32x1xf32> to vector<32x16384xf32>
    %mul3A_276 = vector.broadcast %slice3A_274 : vector<1x16384xf32> to vector<32x16384xf32>
    %mul3A_277 = arith.mulf %mul3A_275, %mul3A_276 : vector<32x16384xf32>
    %add3A_278 = arith.addf %add3A_272, %mul3A_277 : vector<32x16384xf32>
    %mul3A_279 = vector.broadcast %mul3A_245 : vector<32x1xf32> to vector<32x16384xf32>
    %mul3A_280 = arith.mulf %mul3A_279, %add3A_278 : vector<32x16384xf32>
    %add3A_281 = vector.broadcast %sub3A_250 : vector<32x1xf32> to vector<32x16384xf32>
    %add3A_282 = arith.addf %mul3A_280, %add3A_281 : vector<32x16384xf32>
    %max3A = arith.constant 0.000000e+00 : f32
    %max3A_283 = vector.broadcast %max3A : f32 to vector<32x16384xf32>
    %max3A_284 = arith.maximumf %add3A_282, %max3A_283 : vector<32x16384xf32>
    %get3A_285 = arith.constant 0 : index
    %get3A_286 = arith.constant 0 : index
    %get3A_287 = arith.constant 0 : index
    %get3A_288 = vector.load %arg8[%get3A_285, %get3A_286, %get3A_287] : memref<1x1x16384xf32, #tpu.memory_space<vmem>>, vector<1x1x16384xf32>
    %get3A_289 = vector.shape_cast %get3A_288 : vector<1x1x16384xf32> to vector<1x16384xf32>
    %mul3A_290 = vector.broadcast %get3A_289 : vector<1x16384xf32> to vector<32x16384xf32>
    %mul3A_291 = arith.mulf %max3A_284, %mul3A_290 : vector<32x16384xf32>
    %reshape3A = vector.shape_cast %mul3A_291 : vector<32x16384xf32> to vector<32x16x1024xf32>
    %swap3A = arith.constant 0 : index
    %swap3A_292 = arith.constant 0 : index
    %swap3A_293 = arith.constant 0 : index
    %swap3A_294 = arith.constant 0 : index
    %swap3A_295 = vector.load %arg9[%swap3A, %swap3A_292, %swap3A_293, %swap3A_294] : memref<1x32x16x1024xf32, #tpu.memory_space<vmem>>, vector<1x32x16x1024xf32>
    %swap3A_296 = vector.shape_cast %swap3A_295 : vector<1x32x16x1024xf32> to vector<32x16x1024xf32>
    %swap3A_297 = vector.shape_cast %reshape3A : vector<32x16x1024xf32> to vector<1x32x16x1024xf32>
    tpu.vector_store %arg9[%swap3A, %swap3A_292, %swap3A_293, %swap3A_294], %swap3A_297 {strides = array<i32>} : memref<1x32x16x1024xf32, #tpu.memory_space<vmem>>, vector<1x32x16x1024xf32>,
    %get3A_298 = arith.constant 0 : index
    %get3A_299 = arith.constant 0 : index
    %get3A_300 = vector.load %arg7[%get3A_298, %get3A_299] : memref<64x32xf32, #tpu.memory_space<vmem>>, vector<64x32xf32>
    %dot_general3A = arith.constant dense<0.000000e+00> : vector<64x16384xf32>
    %dot_general3A_301 = tpu.matmul %get3A_300, %max3A_284, %dot_general3A {dimension_numbers = #tpu.dot_dimension_numbers<[1], [0], [0], [1], [0, 0, 1, 1], [], []>, transpose_lhs_hint = false} : vector<64x32xf32>, vector<32x16384xf32>, vector<64x16384xf32> -> vector<64x16384xf32>
    %swap3A_302 = arith.constant 0 : index
    %swap3A_303 = arith.constant 0 : index
    %swap3A_304 = arith.constant 0 : index
    %swap3A_305 = vector.load %arg10[%swap3A_302, %swap3A_303, %swap3A_304] : memref<1x64x16384xf32, #tpu.memory_space<vmem>>, vector<1x64x16384xf32>
    %swap3A_306 = vector.shape_cast %swap3A_305 : vector<1x64x16384xf32> to vector<64x16384xf32>
    %swap3A_307 = vector.shape_cast %dot_general3A_301 : vector<64x16384xf32> to vector<1x64x16384xf32>
    tpu.vector_store %arg10[%swap3A_302, %swap3A_303, %swap3A_304], %swap3A_307 {strides = array<i32>} : memref<1x64x16384xf32, #tpu.memory_space<vmem>>, vector<1x64x16384xf32>,
    %reduce_sum3A_308 = arith.constant dense<0.000000e+00> : vector<64xf32>
    %reduce_sum3A_309 = vector.multi_reduction <add>, %dot_general3A_301, %reduce_sum3A_308 [1] : vector<64x16384xf32> to vector<64xf32>
    %broadcast_in_dim3A_310 = vector.shape_cast %reduce_sum3A_309 : vector<64xf32> to vector<64x1xf32>
    %mul3A_311 = arith.mulf %dot_general3A_301, %dot_general3A_301 : vector<64x16384xf32>
    %reduce_sum3A_312 = arith.constant dense<0.000000e+00> : vector<64xf32>
    %reduce_sum3A_313 = vector.multi_reduction <add>, %mul3A_311, %reduce_sum3A_312 [1] : vector<64x16384xf32> to vector<64xf32>
    %broadcast_in_dim3A_314 = vector.shape_cast %reduce_sum3A_313 : vector<64xf32> to vector<64x1xf32>
    %get3A_315 = arith.constant 0 : index
    %get3A_316 = arith.constant 0 : index
    %get3A_317 = vector.load %arg11[%get3A_315, %get3A_316] : memref<64x128xf32, #tpu.memory_space<vmem>>, vector<64x2xf32>
    %concatenate3A = tpu.concatenate %broadcast_in_dim3A_310, %broadcast_in_dim3A_314 in 1 : vector<64x1xf32>, vector<64x1xf32> -> vector<64x2xf32>
    %add3A_318 = arith.addf %get3A_317, %concatenate3A : vector<64x2xf32>
    %swap3A_319 = arith.constant 0 : index
    %swap3A_320 = arith.constant 0 : index
    %swap3A_321 = vector.load %arg11[%swap3A_319, %swap3A_320] : memref<64x128xf32, #tpu.memory_space<vmem>>, vector<64x2xf32>
    tpu.vector_store %arg11[%swap3A_319, %swap3A_320], %add3A_318 {strides = array<i32>} : memref<64x128xf32, #tpu.memory_space<vmem>>, vector<64x2xf32>,
    return
  }
  func.func @transform_0(%arg0: i32, %arg1: i32) -> (i32, i32, i32) {
    %c0_i32 = arith.constant 0 : i32
    %c0_i32_0 = arith.constant 0 : i32
    return %arg0, %c0_i32, %arg1 : i32, i32, i32
  }
  func.func @transform_1(%arg0: i32, %arg1: i32) -> (i32, i32) {
    %c0_i32 = arith.constant 0 : i32
    %c0_i32_0 = arith.constant 0 : i32
    %c0_i32_1 = arith.constant 0 : i32
    return %c0_i32, %c0_i32_0 : i32, i32
  }
  func.func @transform_2(%arg0: i32, %arg1: i32) -> (i32, i32) {
    %c0_i32 = arith.constant 0 : i32
    %c0_i32_0 = arith.constant 0 : i32
    %c0_i32_1 = arith.constant 0 : i32
    return %c0_i32, %c0_i32_0 : i32, i32
  }
  func.func @transform_3(%arg0: i32, %arg1: i32) -> (i32, i32) {
    %c0_i32 = arith.constant 0 : i32
    %c0_i32_0 = arith.constant 0 : i32
    %c0_i32_1 = arith.constant 0 : i32
    return %c0_i32, %c0_i32_0 : i32, i32
  }
  func.func @transform_4(%arg0: i32, %arg1: i32) -> (i32, i32) {
    %c0_i32 = arith.constant 0 : i32
    %c0_i32_0 = arith.constant 0 : i32
    %c0_i32_1 = arith.constant 0 : i32
    return %c0_i32, %c0_i32_0 : i32, i32
  }
  func.func @transform_5(%arg0: i32, %arg1: i32) -> (i32, i32) {
    %c0_i32 = arith.constant 0 : i32
    %c0_i32_0 = arith.constant 0 : i32
    %c0_i32_1 = arith.constant 0 : i32
    return %c0_i32, %c0_i32_0 : i32, i32
  }
  func.func @transform_6(%arg0: i32, %arg1: i32) -> (i32, i32, i32) {
    %c0_i32 = arith.constant 0 : i32
    %c0_i32_0 = arith.constant 0 : i32
    return %arg0, %c0_i32, %arg1 : i32, i32, i32
  }
  func.func @transform_7(%arg0: i32, %arg1: i32) -> (i32, i32, i32, i32) {
    %c0_i32 = arith.constant 0 : i32
    %c0_i32_0 = arith.constant 0 : i32
    %c0_i32_1 = arith.constant 0 : i32
    return %arg0, %c0_i32, %arg1, %c0_i32_0 : i32, i32, i32, i32
  }
  func.func @transform_8(%arg0: i32, %arg1: i32) -> (i32, i32, i32) {
    %c0_i32 = arith.constant 0 : i32
    %c0_i32_0 = arith.constant 0 : i32
    return %arg0, %c0_i32, %arg1 : i32, i32, i32
  }
  func.func @transform_9(%arg0: i32, %arg1: i32) -> (i32, i32) {
    %c0_i32 = arith.constant 0 : i32
    %c0_i32_0 = arith.constant 0 : i32
    %c0_i32_1 = arith.constant 0 : i32
    return %c0_i32, %c0_i32_0 : i32, i32
  }
}

module attributes {stable_mosaic.version = 14 : i64} {
  func.func @_mid_body(%arg0: i32, %arg1: i32, %arg2: memref<1x64x16384xf32, #tpu.memory_space<vmem>>, %arg3: memref<64x128xf32, #tpu.memory_space<vmem>>, %arg4: memref<64x1xf32, #tpu.memory_space<vmem>>, %arg5: memref<64x1xf32, #tpu.memory_space<vmem>>, %arg6: memref<64x64xf32, #tpu.memory_space<vmem>>, %arg7: memref<1x1x16384xf32, #tpu.memory_space<vmem>>, %arg8: memref<4x256x32x1024xf32, #tpu.memory_space<hbm>>, %arg9: memref<1x64x16x1024xf32, #tpu.memory_space<vmem>>, %arg10: memref<1x64x16384xf32, #tpu.memory_space<vmem>>, %arg11: memref<64x128xf32, #tpu.memory_space<vmem>>) attributes {dimension_semantics = [#tpu.dimension_semantics<arbitrary>, #tpu.dimension_semantics<arbitrary>], iteration_bounds = array<i64: 4, 2>, scalar_prefetch = 0 : i64, scratch_operands = 0 : i64, tpu.core_type = #tpu.core_type<tc>, window_params = [{transform_indices = @transform_0, window_bounds = array<i64: 1, 64, 16384>}, {pipeline_mode = #tpu.pipeline_mode<synchronous>, transform_indices = @transform_1, window_bounds = array<i64: 64, 128>}, {pipeline_mode = #tpu.pipeline_mode<synchronous>, transform_indices = @transform_2, window_bounds = array<i64: 64, 1>}, {pipeline_mode = #tpu.pipeline_mode<synchronous>, transform_indices = @transform_3, window_bounds = array<i64: 64, 1>}, {pipeline_mode = #tpu.pipeline_mode<synchronous>, transform_indices = @transform_4, window_bounds = array<i64: 64, 64>}, {transform_indices = @transform_5, window_bounds = array<i64: 1, 1, 16384>}, {}, {transform_indices = @transform_7, window_bounds = array<i64: 1, 64, 16, 1024>}, {transform_indices = @transform_8, window_bounds = array<i64: 1, 64, 16384>}, {pipeline_mode = #tpu.pipeline_mode<synchronous>, transform_indices = @transform_9, window_bounds = array<i64: 64, 128>}]} {
    %eq3A = arith.constant 0 : i32
    %eq3A_0 = arith.cmpi eq, %arg0, %eq3A : i32
    %eq3A_1 = arith.constant 0 : i32
    %eq3A_2 = arith.cmpi eq, %arg1, %eq3A_1 : i32
    %and3A = arith.andi %eq3A_0, %eq3A_2 : i1
    %convert_element_type3A = arith.extui %and3A : i1 to i32
    %cond3A = arith.constant 0 : i32
    %cond3A_3 = arith.cmpi ne, %convert_element_type3A, %cond3A : i32
    scf.if %cond3A_3 {
      %broadcast_in_dim3A_70 = arith.constant 0.000000e+00 : f32
      %broadcast_in_dim3A_71 = vector.broadcast %broadcast_in_dim3A_70 : f32 to vector<64x128xf32>
      %swap3A_72 = arith.constant 0 : index
      %swap3A_73 = arith.constant 0 : index
      %swap3A_74 = vector.load %arg11[%swap3A_72, %swap3A_73] : memref<64x128xf32, #tpu.memory_space<vmem>>, vector<64x128xf32>
      tpu.vector_store %arg11[%swap3A_72, %swap3A_73], %broadcast_in_dim3A_71 {strides = array<i32>} : memref<64x128xf32, #tpu.memory_space<vmem>>, vector<64x128xf32>,
    } else {
    }
    %get3A = arith.constant 0 : index
    %get3A_4 = arith.constant 0 : index
    %get3A_5 = vector.load %arg3[%get3A, %get3A_4] : memref<64x128xf32, #tpu.memory_space<vmem>>, vector<64x2xf32>
    %slice3A = vector.extract_strided_slice %get3A_5 {offsets = [0, 0], sizes = [64, 1], strides = [1, 1]} : vector<64x2xf32> to vector<64x1xf32>
    %mul3A = arith.constant 7.62939453E-6 : f32
    %mul3A_6 = vector.broadcast %mul3A : f32 to vector<64x1xf32>
    %mul3A_7 = arith.mulf %slice3A, %mul3A_6 : vector<64x1xf32>
    %slice3A_8 = vector.extract_strided_slice %get3A_5 {offsets = [0, 1], sizes = [64, 1], strides = [1, 1]} : vector<64x2xf32> to vector<64x1xf32>
    %mul3A_9 = arith.constant 7.62939453E-6 : f32
    %mul3A_10 = vector.broadcast %mul3A_9 : f32 to vector<64x1xf32>
    %mul3A_11 = arith.mulf %slice3A_8, %mul3A_10 : vector<64x1xf32>
    %mul3A_12 = arith.mulf %mul3A_7, %mul3A_7 : vector<64x1xf32>
    %sub3A = arith.subf %mul3A_11, %mul3A_12 : vector<64x1xf32>
    %get3A_13 = arith.constant 0 : index
    %get3A_14 = arith.constant 0 : index
    %get3A_15 = vector.load %arg4[%get3A_13, %get3A_14] : memref<64x1xf32, #tpu.memory_space<vmem>>, vector<64x1xf32>
    %add3A = arith.constant 9.99999974E-6 : f32
    %add3A_16 = vector.broadcast %add3A : f32 to vector<64x1xf32>
    %add3A_17 = arith.addf %sub3A, %add3A_16 : vector<64x1xf32>
    %rsqrt3A = math.rsqrt %add3A_17 : vector<64x1xf32>
    %mul3A_18 = arith.mulf %get3A_15, %rsqrt3A : vector<64x1xf32>
    %get3A_19 = arith.constant 0 : index
    %get3A_20 = arith.constant 0 : index
    %get3A_21 = vector.load %arg5[%get3A_19, %get3A_20] : memref<64x1xf32, #tpu.memory_space<vmem>>, vector<64x1xf32>
    %mul3A_22 = arith.mulf %mul3A_7, %mul3A_18 : vector<64x1xf32>
    %sub3A_23 = arith.subf %get3A_21, %mul3A_22 : vector<64x1xf32>
    %get3A_24 = arith.constant 0 : index
    %get3A_25 = arith.constant 0 : index
    %get3A_26 = arith.constant 0 : index
    %get3A_27 = vector.load %arg2[%get3A_24, %get3A_25, %get3A_26] : memref<1x64x16384xf32, #tpu.memory_space<vmem>>, vector<1x64x16384xf32>
    %get3A_28 = vector.shape_cast %get3A_27 : vector<1x64x16384xf32> to vector<64x16384xf32>
    %mul3A_29 = vector.broadcast %mul3A_18 : vector<64x1xf32> to vector<64x16384xf32>
    %mul3A_30 = arith.mulf %mul3A_29, %get3A_28 : vector<64x16384xf32>
    %add3A_31 = vector.broadcast %sub3A_23 : vector<64x1xf32> to vector<64x16384xf32>
    %add3A_32 = arith.addf %mul3A_30, %add3A_31 : vector<64x16384xf32>
    %max3A = arith.constant 0.000000e+00 : f32
    %max3A_33 = vector.broadcast %max3A : f32 to vector<64x16384xf32>
    %max3A_34 = arith.maximumf %add3A_32, %max3A_33 : vector<64x16384xf32>
    %get3A_35 = arith.constant 0 : index
    %get3A_36 = arith.constant 0 : index
    %get3A_37 = arith.constant 0 : index
    %get3A_38 = vector.load %arg7[%get3A_35, %get3A_36, %get3A_37] : memref<1x1x16384xf32, #tpu.memory_space<vmem>>, vector<1x1x16384xf32>
    %get3A_39 = vector.shape_cast %get3A_38 : vector<1x1x16384xf32> to vector<1x16384xf32>
    %mul3A_40 = vector.broadcast %get3A_39 : vector<1x16384xf32> to vector<64x16384xf32>
    %mul3A_41 = arith.mulf %max3A_34, %mul3A_40 : vector<64x16384xf32>
    %reshape3A = vector.shape_cast %mul3A_41 : vector<64x16384xf32> to vector<64x16x1024xf32>
    %swap3A = arith.constant 0 : index
    %swap3A_42 = arith.constant 0 : index
    %swap3A_43 = arith.constant 0 : index
    %swap3A_44 = arith.constant 0 : index
    %swap3A_45 = vector.load %arg9[%swap3A, %swap3A_42, %swap3A_43, %swap3A_44] : memref<1x64x16x1024xf32, #tpu.memory_space<vmem>>, vector<1x64x16x1024xf32>
    %swap3A_46 = vector.shape_cast %swap3A_45 : vector<1x64x16x1024xf32> to vector<64x16x1024xf32>
    %swap3A_47 = vector.shape_cast %reshape3A : vector<64x16x1024xf32> to vector<1x64x16x1024xf32>
    tpu.vector_store %arg9[%swap3A, %swap3A_42, %swap3A_43, %swap3A_44], %swap3A_47 {strides = array<i32>} : memref<1x64x16x1024xf32, #tpu.memory_space<vmem>>, vector<1x64x16x1024xf32>,
    %get3A_48 = arith.constant 0 : index
    %get3A_49 = arith.constant 0 : index
    %get3A_50 = vector.load %arg6[%get3A_48, %get3A_49] : memref<64x64xf32, #tpu.memory_space<vmem>>, vector<64x64xf32>
    %dot_general3A = arith.constant dense<0.000000e+00> : vector<64x16384xf32>
    %dot_general3A_51 = tpu.matmul %get3A_50, %max3A_34, %dot_general3A {dimension_numbers = #tpu.dot_dimension_numbers<[1], [0], [0], [1], [0, 0, 1, 1], [], []>, transpose_lhs_hint = false} : vector<64x64xf32>, vector<64x16384xf32>, vector<64x16384xf32> -> vector<64x16384xf32>
    %swap3A_52 = arith.constant 0 : index
    %swap3A_53 = arith.constant 0 : index
    %swap3A_54 = arith.constant 0 : index
    %swap3A_55 = vector.load %arg10[%swap3A_52, %swap3A_53, %swap3A_54] : memref<1x64x16384xf32, #tpu.memory_space<vmem>>, vector<1x64x16384xf32>
    %swap3A_56 = vector.shape_cast %swap3A_55 : vector<1x64x16384xf32> to vector<64x16384xf32>
    %swap3A_57 = vector.shape_cast %dot_general3A_51 : vector<64x16384xf32> to vector<1x64x16384xf32>
    tpu.vector_store %arg10[%swap3A_52, %swap3A_53, %swap3A_54], %swap3A_57 {strides = array<i32>} : memref<1x64x16384xf32, #tpu.memory_space<vmem>>, vector<1x64x16384xf32>,
    %reduce_sum3A = arith.constant dense<0.000000e+00> : vector<64xf32>
    %reduce_sum3A_58 = vector.multi_reduction <add>, %dot_general3A_51, %reduce_sum3A [1] : vector<64x16384xf32> to vector<64xf32>
    %broadcast_in_dim3A = vector.shape_cast %reduce_sum3A_58 : vector<64xf32> to vector<64x1xf32>
    %mul3A_59 = arith.mulf %dot_general3A_51, %dot_general3A_51 : vector<64x16384xf32>
    %reduce_sum3A_60 = arith.constant dense<0.000000e+00> : vector<64xf32>
    %reduce_sum3A_61 = vector.multi_reduction <add>, %mul3A_59, %reduce_sum3A_60 [1] : vector<64x16384xf32> to vector<64xf32>
    %broadcast_in_dim3A_62 = vector.shape_cast %reduce_sum3A_61 : vector<64xf32> to vector<64x1xf32>
    %get3A_63 = arith.constant 0 : index
    %get3A_64 = arith.constant 0 : index
    %get3A_65 = vector.load %arg11[%get3A_63, %get3A_64] : memref<64x128xf32, #tpu.memory_space<vmem>>, vector<64x2xf32>
    %concatenate3A = tpu.concatenate %broadcast_in_dim3A, %broadcast_in_dim3A_62 in 1 : vector<64x1xf32>, vector<64x1xf32> -> vector<64x2xf32>
    %add3A_66 = arith.addf %get3A_65, %concatenate3A : vector<64x2xf32>
    %swap3A_67 = arith.constant 0 : index
    %swap3A_68 = arith.constant 0 : index
    %swap3A_69 = vector.load %arg11[%swap3A_67, %swap3A_68] : memref<64x128xf32, #tpu.memory_space<vmem>>, vector<64x2xf32>
    tpu.vector_store %arg11[%swap3A_67, %swap3A_68], %add3A_66 {strides = array<i32>} : memref<64x128xf32, #tpu.memory_space<vmem>>, vector<64x2xf32>,
    return
  }
  func.func @transform_0(%arg0: i32, %arg1: i32) -> (i32, i32, i32) {
    %c0_i32 = arith.constant 0 : i32
    %c0_i32_0 = arith.constant 0 : i32
    return %arg0, %c0_i32, %arg1 : i32, i32, i32
  }
  func.func @transform_1(%arg0: i32, %arg1: i32) -> (i32, i32) {
    %c0_i32 = arith.constant 0 : i32
    %c0_i32_0 = arith.constant 0 : i32
    %c0_i32_1 = arith.constant 0 : i32
    return %c0_i32, %c0_i32_0 : i32, i32
  }
  func.func @transform_2(%arg0: i32, %arg1: i32) -> (i32, i32) {
    %c0_i32 = arith.constant 0 : i32
    %c0_i32_0 = arith.constant 0 : i32
    %c0_i32_1 = arith.constant 0 : i32
    return %c0_i32, %c0_i32_0 : i32, i32
  }
  func.func @transform_3(%arg0: i32, %arg1: i32) -> (i32, i32) {
    %c0_i32 = arith.constant 0 : i32
    %c0_i32_0 = arith.constant 0 : i32
    %c0_i32_1 = arith.constant 0 : i32
    return %c0_i32, %c0_i32_0 : i32, i32
  }
  func.func @transform_4(%arg0: i32, %arg1: i32) -> (i32, i32) {
    %c0_i32 = arith.constant 0 : i32
    %c0_i32_0 = arith.constant 0 : i32
    %c0_i32_1 = arith.constant 0 : i32
    return %c0_i32, %c0_i32_0 : i32, i32
  }
  func.func @transform_5(%arg0: i32, %arg1: i32) -> (i32, i32, i32) {
    %c0_i32 = arith.constant 0 : i32
    %c0_i32_0 = arith.constant 0 : i32
    return %arg0, %c0_i32, %arg1 : i32, i32, i32
  }
  func.func @transform_7(%arg0: i32, %arg1: i32) -> (i32, i32, i32, i32) {
    %c1_i32 = arith.constant 1 : i32
    %c0_i32 = arith.constant 0 : i32
    %c0_i32_0 = arith.constant 0 : i32
    return %arg0, %c1_i32, %arg1, %c0_i32 : i32, i32, i32, i32
  }
  func.func @transform_8(%arg0: i32, %arg1: i32) -> (i32, i32, i32) {
    %c0_i32 = arith.constant 0 : i32
    %c0_i32_0 = arith.constant 0 : i32
    return %arg0, %c0_i32, %arg1 : i32, i32, i32
  }
  func.func @transform_9(%arg0: i32, %arg1: i32) -> (i32, i32) {
    %c0_i32 = arith.constant 0 : i32
    %c0_i32_0 = arith.constant 0 : i32
    %c0_i32_1 = arith.constant 0 : i32
    return %c0_i32, %c0_i32_0 : i32, i32
  }
}

module attributes {stable_mosaic.version = 14 : i64} {
  func.func @_pass_d_body(%arg0: i32, %arg1: i32, %arg2: memref<1x64x16384xf32, #tpu.memory_space<vmem>>, %arg3: memref<64x128xf32, #tpu.memory_space<vmem>>, %arg4: memref<64x1xf32, #tpu.memory_space<vmem>>, %arg5: memref<64x1xf32, #tpu.memory_space<vmem>>, %arg6: memref<64x64xf32, #tpu.memory_space<vmem>>, %arg7: memref<1x64x16384xf32, #tpu.memory_space<vmem>>, %arg8: memref<64x128xf32, #tpu.memory_space<vmem>>) attributes {dimension_semantics = [#tpu.dimension_semantics<arbitrary>, #tpu.dimension_semantics<arbitrary>], iteration_bounds = array<i64: 4, 2>, scalar_prefetch = 0 : i64, scratch_operands = 0 : i64, tpu.core_type = #tpu.core_type<tc>, window_params = [{transform_indices = @transform_0, window_bounds = array<i64: 1, 64, 16384>}, {pipeline_mode = #tpu.pipeline_mode<synchronous>, transform_indices = @transform_1, window_bounds = array<i64: 64, 128>}, {pipeline_mode = #tpu.pipeline_mode<synchronous>, transform_indices = @transform_2, window_bounds = array<i64: 64, 1>}, {pipeline_mode = #tpu.pipeline_mode<synchronous>, transform_indices = @transform_3, window_bounds = array<i64: 64, 1>}, {pipeline_mode = #tpu.pipeline_mode<synchronous>, transform_indices = @transform_4, window_bounds = array<i64: 64, 64>}, {transform_indices = @transform_5, window_bounds = array<i64: 1, 64, 16384>}, {pipeline_mode = #tpu.pipeline_mode<synchronous>, transform_indices = @transform_6, window_bounds = array<i64: 64, 128>}]} {
    %eq3A = arith.constant 0 : i32
    %eq3A_0 = arith.cmpi eq, %arg0, %eq3A : i32
    %eq3A_1 = arith.constant 0 : i32
    %eq3A_2 = arith.cmpi eq, %arg1, %eq3A_1 : i32
    %and3A = arith.andi %eq3A_0, %eq3A_2 : i1
    %convert_element_type3A = arith.extui %and3A : i1 to i32
    %cond3A = arith.constant 0 : i32
    %cond3A_3 = arith.cmpi ne, %convert_element_type3A, %cond3A : i32
    scf.if %cond3A_3 {
      %broadcast_in_dim3A_56 = arith.constant 0.000000e+00 : f32
      %broadcast_in_dim3A_57 = vector.broadcast %broadcast_in_dim3A_56 : f32 to vector<64x128xf32>
      %swap3A_58 = arith.constant 0 : index
      %swap3A_59 = arith.constant 0 : index
      %swap3A_60 = vector.load %arg8[%swap3A_58, %swap3A_59] : memref<64x128xf32, #tpu.memory_space<vmem>>, vector<64x128xf32>
      tpu.vector_store %arg8[%swap3A_58, %swap3A_59], %broadcast_in_dim3A_57 {strides = array<i32>} : memref<64x128xf32, #tpu.memory_space<vmem>>, vector<64x128xf32>,
    } else {
    }
    %get3A = arith.constant 0 : index
    %get3A_4 = arith.constant 0 : index
    %get3A_5 = vector.load %arg3[%get3A, %get3A_4] : memref<64x128xf32, #tpu.memory_space<vmem>>, vector<64x2xf32>
    %slice3A = vector.extract_strided_slice %get3A_5 {offsets = [0, 0], sizes = [64, 1], strides = [1, 1]} : vector<64x2xf32> to vector<64x1xf32>
    %mul3A = arith.constant 7.62939453E-6 : f32
    %mul3A_6 = vector.broadcast %mul3A : f32 to vector<64x1xf32>
    %mul3A_7 = arith.mulf %slice3A, %mul3A_6 : vector<64x1xf32>
    %slice3A_8 = vector.extract_strided_slice %get3A_5 {offsets = [0, 1], sizes = [64, 1], strides = [1, 1]} : vector<64x2xf32> to vector<64x1xf32>
    %mul3A_9 = arith.constant 7.62939453E-6 : f32
    %mul3A_10 = vector.broadcast %mul3A_9 : f32 to vector<64x1xf32>
    %mul3A_11 = arith.mulf %slice3A_8, %mul3A_10 : vector<64x1xf32>
    %mul3A_12 = arith.mulf %mul3A_7, %mul3A_7 : vector<64x1xf32>
    %sub3A = arith.subf %mul3A_11, %mul3A_12 : vector<64x1xf32>
    %get3A_13 = arith.constant 0 : index
    %get3A_14 = arith.constant 0 : index
    %get3A_15 = vector.load %arg4[%get3A_13, %get3A_14] : memref<64x1xf32, #tpu.memory_space<vmem>>, vector<64x1xf32>
    %add3A = arith.constant 9.99999974E-6 : f32
    %add3A_16 = vector.broadcast %add3A : f32 to vector<64x1xf32>
    %add3A_17 = arith.addf %sub3A, %add3A_16 : vector<64x1xf32>
    %rsqrt3A = math.rsqrt %add3A_17 : vector<64x1xf32>
    %mul3A_18 = arith.mulf %get3A_15, %rsqrt3A : vector<64x1xf32>
    %get3A_19 = arith.constant 0 : index
    %get3A_20 = arith.constant 0 : index
    %get3A_21 = vector.load %arg5[%get3A_19, %get3A_20] : memref<64x1xf32, #tpu.memory_space<vmem>>, vector<64x1xf32>
    %mul3A_22 = arith.mulf %mul3A_7, %mul3A_18 : vector<64x1xf32>
    %sub3A_23 = arith.subf %get3A_21, %mul3A_22 : vector<64x1xf32>
    %get3A_24 = arith.constant 0 : index
    %get3A_25 = arith.constant 0 : index
    %get3A_26 = arith.constant 0 : index
    %get3A_27 = vector.load %arg2[%get3A_24, %get3A_25, %get3A_26] : memref<1x64x16384xf32, #tpu.memory_space<vmem>>, vector<1x64x16384xf32>
    %get3A_28 = vector.shape_cast %get3A_27 : vector<1x64x16384xf32> to vector<64x16384xf32>
    %mul3A_29 = vector.broadcast %mul3A_18 : vector<64x1xf32> to vector<64x16384xf32>
    %mul3A_30 = arith.mulf %mul3A_29, %get3A_28 : vector<64x16384xf32>
    %add3A_31 = vector.broadcast %sub3A_23 : vector<64x1xf32> to vector<64x16384xf32>
    %add3A_32 = arith.addf %mul3A_30, %add3A_31 : vector<64x16384xf32>
    %max3A = arith.constant 0.000000e+00 : f32
    %max3A_33 = vector.broadcast %max3A : f32 to vector<64x16384xf32>
    %max3A_34 = arith.maximumf %add3A_32, %max3A_33 : vector<64x16384xf32>
    %get3A_35 = arith.constant 0 : index
    %get3A_36 = arith.constant 0 : index
    %get3A_37 = vector.load %arg6[%get3A_35, %get3A_36] : memref<64x64xf32, #tpu.memory_space<vmem>>, vector<64x64xf32>
    %dot_general3A = arith.constant dense<0.000000e+00> : vector<64x16384xf32>
    %dot_general3A_38 = tpu.matmul %get3A_37, %max3A_34, %dot_general3A {dimension_numbers = #tpu.dot_dimension_numbers<[1], [0], [0], [1], [0, 0, 1, 1], [], []>, transpose_lhs_hint = false} : vector<64x64xf32>, vector<64x16384xf32>, vector<64x16384xf32> -> vector<64x16384xf32>
    %swap3A = arith.constant 0 : index
    %swap3A_39 = arith.constant 0 : index
    %swap3A_40 = arith.constant 0 : index
    %swap3A_41 = vector.load %arg7[%swap3A, %swap3A_39, %swap3A_40] : memref<1x64x16384xf32, #tpu.memory_space<vmem>>, vector<1x64x16384xf32>
    %swap3A_42 = vector.shape_cast %swap3A_41 : vector<1x64x16384xf32> to vector<64x16384xf32>
    %swap3A_43 = vector.shape_cast %dot_general3A_38 : vector<64x16384xf32> to vector<1x64x16384xf32>
    tpu.vector_store %arg7[%swap3A, %swap3A_39, %swap3A_40], %swap3A_43 {strides = array<i32>} : memref<1x64x16384xf32, #tpu.memory_space<vmem>>, vector<1x64x16384xf32>,
    %reduce_sum3A = arith.constant dense<0.000000e+00> : vector<64xf32>
    %reduce_sum3A_44 = vector.multi_reduction <add>, %dot_general3A_38, %reduce_sum3A [1] : vector<64x16384xf32> to vector<64xf32>
    %broadcast_in_dim3A = vector.shape_cast %reduce_sum3A_44 : vector<64xf32> to vector<64x1xf32>
    %mul3A_45 = arith.mulf %dot_general3A_38, %dot_general3A_38 : vector<64x16384xf32>
    %reduce_sum3A_46 = arith.constant dense<0.000000e+00> : vector<64xf32>
    %reduce_sum3A_47 = vector.multi_reduction <add>, %mul3A_45, %reduce_sum3A_46 [1] : vector<64x16384xf32> to vector<64xf32>
    %broadcast_in_dim3A_48 = vector.shape_cast %reduce_sum3A_47 : vector<64xf32> to vector<64x1xf32>
    %get3A_49 = arith.constant 0 : index
    %get3A_50 = arith.constant 0 : index
    %get3A_51 = vector.load %arg8[%get3A_49, %get3A_50] : memref<64x128xf32, #tpu.memory_space<vmem>>, vector<64x2xf32>
    %concatenate3A = tpu.concatenate %broadcast_in_dim3A, %broadcast_in_dim3A_48 in 1 : vector<64x1xf32>, vector<64x1xf32> -> vector<64x2xf32>
    %add3A_52 = arith.addf %get3A_51, %concatenate3A : vector<64x2xf32>
    %swap3A_53 = arith.constant 0 : index
    %swap3A_54 = arith.constant 0 : index
    %swap3A_55 = vector.load %arg8[%swap3A_53, %swap3A_54] : memref<64x128xf32, #tpu.memory_space<vmem>>, vector<64x2xf32>
    tpu.vector_store %arg8[%swap3A_53, %swap3A_54], %add3A_52 {strides = array<i32>} : memref<64x128xf32, #tpu.memory_space<vmem>>, vector<64x2xf32>,
    return
  }
  func.func @transform_0(%arg0: i32, %arg1: i32) -> (i32, i32, i32) {
    %c0_i32 = arith.constant 0 : i32
    %c0_i32_0 = arith.constant 0 : i32
    return %arg0, %c0_i32, %arg1 : i32, i32, i32
  }
  func.func @transform_1(%arg0: i32, %arg1: i32) -> (i32, i32) {
    %c0_i32 = arith.constant 0 : i32
    %c0_i32_0 = arith.constant 0 : i32
    %c0_i32_1 = arith.constant 0 : i32
    return %c0_i32, %c0_i32_0 : i32, i32
  }
  func.func @transform_2(%arg0: i32, %arg1: i32) -> (i32, i32) {
    %c0_i32 = arith.constant 0 : i32
    %c0_i32_0 = arith.constant 0 : i32
    %c0_i32_1 = arith.constant 0 : i32
    return %c0_i32, %c0_i32_0 : i32, i32
  }
  func.func @transform_3(%arg0: i32, %arg1: i32) -> (i32, i32) {
    %c0_i32 = arith.constant 0 : i32
    %c0_i32_0 = arith.constant 0 : i32
    %c0_i32_1 = arith.constant 0 : i32
    return %c0_i32, %c0_i32_0 : i32, i32
  }
  func.func @transform_4(%arg0: i32, %arg1: i32) -> (i32, i32) {
    %c0_i32 = arith.constant 0 : i32
    %c0_i32_0 = arith.constant 0 : i32
    %c0_i32_1 = arith.constant 0 : i32
    return %c0_i32, %c0_i32_0 : i32, i32
  }
  func.func @transform_5(%arg0: i32, %arg1: i32) -> (i32, i32, i32) {
    %c0_i32 = arith.constant 0 : i32
    %c0_i32_0 = arith.constant 0 : i32
    return %arg0, %c0_i32, %arg1 : i32, i32, i32
  }
  func.func @transform_6(%arg0: i32, %arg1: i32) -> (i32, i32) {
    %c0_i32 = arith.constant 0 : i32
    %c0_i32_0 = arith.constant 0 : i32
    %c0_i32_1 = arith.constant 0 : i32
    return %c0_i32, %c0_i32_0 : i32, i32
  }
}

module attributes {stable_mosaic.version = 14 : i64} {
  func.func @_pass_e_body(%arg0: i32, %arg1: i32, %arg2: memref<1x64x16384xf32, #tpu.memory_space<vmem>>, %arg3: memref<64x128xf32, #tpu.memory_space<vmem>>, %arg4: memref<64x1xf32, #tpu.memory_space<vmem>>, %arg5: memref<64x1xf32, #tpu.memory_space<vmem>>, %arg6: memref<1x1x16384xf32, #tpu.memory_space<vmem>>, %arg7: memref<4x256x32x1024xf32, #tpu.memory_space<hbm>>, %arg8: memref<1x64x16x1024xf32, #tpu.memory_space<vmem>>) attributes {dimension_semantics = [#tpu.dimension_semantics<arbitrary>, #tpu.dimension_semantics<arbitrary>], iteration_bounds = array<i64: 4, 2>, scalar_prefetch = 0 : i64, scratch_operands = 0 : i64, tpu.core_type = #tpu.core_type<tc>, window_params = [{transform_indices = @transform_0, window_bounds = array<i64: 1, 64, 16384>}, {pipeline_mode = #tpu.pipeline_mode<synchronous>, transform_indices = @transform_1, window_bounds = array<i64: 64, 128>}, {pipeline_mode = #tpu.pipeline_mode<synchronous>, transform_indices = @transform_2, window_bounds = array<i64: 64, 1>}, {pipeline_mode = #tpu.pipeline_mode<synchronous>, transform_indices = @transform_3, window_bounds = array<i64: 64, 1>}, {transform_indices = @transform_4, window_bounds = array<i64: 1, 1, 16384>}, {}, {transform_indices = @transform_6, window_bounds = array<i64: 1, 64, 16, 1024>}]} {
    %get3A = arith.constant 0 : index
    %get3A_0 = arith.constant 0 : index
    %get3A_1 = vector.load %arg3[%get3A, %get3A_0] : memref<64x128xf32, #tpu.memory_space<vmem>>, vector<64x2xf32>
    %slice3A = vector.extract_strided_slice %get3A_1 {offsets = [0, 0], sizes = [64, 1], strides = [1, 1]} : vector<64x2xf32> to vector<64x1xf32>
    %mul3A = arith.constant 7.62939453E-6 : f32
    %mul3A_2 = vector.broadcast %mul3A : f32 to vector<64x1xf32>
    %mul3A_3 = arith.mulf %slice3A, %mul3A_2 : vector<64x1xf32>
    %slice3A_4 = vector.extract_strided_slice %get3A_1 {offsets = [0, 1], sizes = [64, 1], strides = [1, 1]} : vector<64x2xf32> to vector<64x1xf32>
    %mul3A_5 = arith.constant 7.62939453E-6 : f32
    %mul3A_6 = vector.broadcast %mul3A_5 : f32 to vector<64x1xf32>
    %mul3A_7 = arith.mulf %slice3A_4, %mul3A_6 : vector<64x1xf32>
    %mul3A_8 = arith.mulf %mul3A_3, %mul3A_3 : vector<64x1xf32>
    %sub3A = arith.subf %mul3A_7, %mul3A_8 : vector<64x1xf32>
    %get3A_9 = arith.constant 0 : index
    %get3A_10 = arith.constant 0 : index
    %get3A_11 = vector.load %arg4[%get3A_9, %get3A_10] : memref<64x1xf32, #tpu.memory_space<vmem>>, vector<64x1xf32>
    %add3A = arith.constant 9.99999974E-6 : f32
    %add3A_12 = vector.broadcast %add3A : f32 to vector<64x1xf32>
    %add3A_13 = arith.addf %sub3A, %add3A_12 : vector<64x1xf32>
    %rsqrt3A = math.rsqrt %add3A_13 : vector<64x1xf32>
    %mul3A_14 = arith.mulf %get3A_11, %rsqrt3A : vector<64x1xf32>
    %get3A_15 = arith.constant 0 : index
    %get3A_16 = arith.constant 0 : index
    %get3A_17 = vector.load %arg5[%get3A_15, %get3A_16] : memref<64x1xf32, #tpu.memory_space<vmem>>, vector<64x1xf32>
    %mul3A_18 = arith.mulf %mul3A_3, %mul3A_14 : vector<64x1xf32>
    %sub3A_19 = arith.subf %get3A_17, %mul3A_18 : vector<64x1xf32>
    %get3A_20 = arith.constant 0 : index
    %get3A_21 = arith.constant 0 : index
    %get3A_22 = arith.constant 0 : index
    %get3A_23 = vector.load %arg2[%get3A_20, %get3A_21, %get3A_22] : memref<1x64x16384xf32, #tpu.memory_space<vmem>>, vector<1x64x16384xf32>
    %get3A_24 = vector.shape_cast %get3A_23 : vector<1x64x16384xf32> to vector<64x16384xf32>
    %mul3A_25 = vector.broadcast %mul3A_14 : vector<64x1xf32> to vector<64x16384xf32>
    %mul3A_26 = arith.mulf %mul3A_25, %get3A_24 : vector<64x16384xf32>
    %add3A_27 = vector.broadcast %sub3A_19 : vector<64x1xf32> to vector<64x16384xf32>
    %add3A_28 = arith.addf %mul3A_26, %add3A_27 : vector<64x16384xf32>
    %max3A = arith.constant 0.000000e+00 : f32
    %max3A_29 = vector.broadcast %max3A : f32 to vector<64x16384xf32>
    %max3A_30 = arith.maximumf %add3A_28, %max3A_29 : vector<64x16384xf32>
    %get3A_31 = arith.constant 0 : index
    %get3A_32 = arith.constant 0 : index
    %get3A_33 = arith.constant 0 : index
    %get3A_34 = vector.load %arg6[%get3A_31, %get3A_32, %get3A_33] : memref<1x1x16384xf32, #tpu.memory_space<vmem>>, vector<1x1x16384xf32>
    %get3A_35 = vector.shape_cast %get3A_34 : vector<1x1x16384xf32> to vector<1x16384xf32>
    %mul3A_36 = vector.broadcast %get3A_35 : vector<1x16384xf32> to vector<64x16384xf32>
    %mul3A_37 = arith.mulf %max3A_30, %mul3A_36 : vector<64x16384xf32>
    %reshape3A = vector.shape_cast %mul3A_37 : vector<64x16384xf32> to vector<64x16x1024xf32>
    %swap3A = arith.constant 0 : index
    %swap3A_38 = arith.constant 0 : index
    %swap3A_39 = arith.constant 0 : index
    %swap3A_40 = arith.constant 0 : index
    %swap3A_41 = vector.load %arg8[%swap3A, %swap3A_38, %swap3A_39, %swap3A_40] : memref<1x64x16x1024xf32, #tpu.memory_space<vmem>>, vector<1x64x16x1024xf32>
    %swap3A_42 = vector.shape_cast %swap3A_41 : vector<1x64x16x1024xf32> to vector<64x16x1024xf32>
    %swap3A_43 = vector.shape_cast %reshape3A : vector<64x16x1024xf32> to vector<1x64x16x1024xf32>
    tpu.vector_store %arg8[%swap3A, %swap3A_38, %swap3A_39, %swap3A_40], %swap3A_43 {strides = array<i32>} : memref<1x64x16x1024xf32, #tpu.memory_space<vmem>>, vector<1x64x16x1024xf32>,
    return
  }
  func.func @transform_0(%arg0: i32, %arg1: i32) -> (i32, i32, i32) {
    %c0_i32 = arith.constant 0 : i32
    %c0_i32_0 = arith.constant 0 : i32
    return %arg0, %c0_i32, %arg1 : i32, i32, i32
  }
  func.func @transform_1(%arg0: i32, %arg1: i32) -> (i32, i32) {
    %c0_i32 = arith.constant 0 : i32
    %c0_i32_0 = arith.constant 0 : i32
    %c0_i32_1 = arith.constant 0 : i32
    return %c0_i32, %c0_i32_0 : i32, i32
  }
  func.func @transform_2(%arg0: i32, %arg1: i32) -> (i32, i32) {
    %c0_i32 = arith.constant 0 : i32
    %c0_i32_0 = arith.constant 0 : i32
    %c0_i32_1 = arith.constant 0 : i32
    return %c0_i32, %c0_i32_0 : i32, i32
  }
  func.func @transform_3(%arg0: i32, %arg1: i32) -> (i32, i32) {
    %c0_i32 = arith.constant 0 : i32
    %c0_i32_0 = arith.constant 0 : i32
    %c0_i32_1 = arith.constant 0 : i32
    return %c0_i32, %c0_i32_0 : i32, i32
  }
  func.func @transform_4(%arg0: i32, %arg1: i32) -> (i32, i32, i32) {
    %c0_i32 = arith.constant 0 : i32
    %c0_i32_0 = arith.constant 0 : i32
    return %arg0, %c0_i32, %arg1 : i32, i32, i32
  }
  func.func @transform_6(%arg0: i32, %arg1: i32) -> (i32, i32, i32, i32) {
    %c3_i32 = arith.constant 3 : i32
    %c0_i32 = arith.constant 0 : i32
    %c0_i32_0 = arith.constant 0 : i32
    return %arg0, %c3_i32, %arg1, %c0_i32 : i32, i32, i32, i32
  }
}

module attributes {stable_mosaic.version = 14 : i64} {
  func.func @_copy_body(%arg0: i32, %arg1: i32, %arg2: memref<1x32x16384xf32, #tpu.memory_space<vmem>>, %arg3: memref<4x256x32x1024xf32, #tpu.memory_space<hbm>>, %arg4: memref<1x32x16x1024xf32, #tpu.memory_space<vmem>>) attributes {dimension_semantics = [#tpu.dimension_semantics<arbitrary>, #tpu.dimension_semantics<arbitrary>], iteration_bounds = array<i64: 4, 2>, scalar_prefetch = 0 : i64, scratch_operands = 0 : i64, tpu.core_type = #tpu.core_type<tc>, window_params = [{transform_indices = @transform_0, window_bounds = array<i64: 1, 32, 16384>}, {}, {transform_indices = @transform_2, window_bounds = array<i64: 1, 32, 16, 1024>}]} {
    %get3A = arith.constant 0 : index
    %get3A_0 = arith.constant 0 : index
    %get3A_1 = arith.constant 0 : index
    %get3A_2 = vector.load %arg2[%get3A, %get3A_0, %get3A_1] : memref<1x32x16384xf32, #tpu.memory_space<vmem>>, vector<1x32x16384xf32>
    %get3A_3 = vector.shape_cast %get3A_2 : vector<1x32x16384xf32> to vector<32x16384xf32>
    %reshape3A = vector.shape_cast %get3A_3 : vector<32x16384xf32> to vector<32x16x1024xf32>
    %swap3A = arith.constant 0 : index
    %swap3A_4 = arith.constant 0 : index
    %swap3A_5 = arith.constant 0 : index
    %swap3A_6 = arith.constant 0 : index
    %swap3A_7 = vector.load %arg4[%swap3A, %swap3A_4, %swap3A_5, %swap3A_6] : memref<1x32x16x1024xf32, #tpu.memory_space<vmem>>, vector<1x32x16x1024xf32>
    %swap3A_8 = vector.shape_cast %swap3A_7 : vector<1x32x16x1024xf32> to vector<32x16x1024xf32>
    %swap3A_9 = vector.shape_cast %reshape3A : vector<32x16x1024xf32> to vector<1x32x16x1024xf32>
    tpu.vector_store %arg4[%swap3A, %swap3A_4, %swap3A_5, %swap3A_6], %swap3A_9 {strides = array<i32>} : memref<1x32x16x1024xf32, #tpu.memory_space<vmem>>, vector<1x32x16x1024xf32>,
    return
  }
  func.func @transform_0(%arg0: i32, %arg1: i32) -> (i32, i32, i32) {
    %c0_i32 = arith.constant 0 : i32
    %c0_i32_0 = arith.constant 0 : i32
    return %arg0, %c0_i32, %arg1 : i32, i32, i32
  }
  func.func @transform_2(%arg0: i32, %arg1: i32) -> (i32, i32, i32, i32) {
    %c1_i32 = arith.constant 1 : i32
    %c0_i32 = arith.constant 0 : i32
    %c0_i32_0 = arith.constant 0 : i32
    return %arg0, %c1_i32, %arg1, %c0_i32 : i32, i32, i32, i32
  }
}

module attributes {stable_mosaic.version = 14 : i64} {
  func.func @_copy_body(%arg0: i32, %arg1: i32, %arg2: memref<1x64x16384xf32, #tpu.memory_space<vmem>>, %arg3: memref<4x256x32x1024xf32, #tpu.memory_space<hbm>>, %arg4: memref<1x64x16x1024xf32, #tpu.memory_space<vmem>>) attributes {dimension_semantics = [#tpu.dimension_semantics<arbitrary>, #tpu.dimension_semantics<arbitrary>], iteration_bounds = array<i64: 4, 2>, scalar_prefetch = 0 : i64, scratch_operands = 0 : i64, tpu.core_type = #tpu.core_type<tc>, window_params = [{transform_indices = @transform_0, window_bounds = array<i64: 1, 64, 16384>}, {}, {transform_indices = @transform_2, window_bounds = array<i64: 1, 64, 16, 1024>}]} {
    %get3A = arith.constant 0 : index
    %get3A_0 = arith.constant 0 : index
    %get3A_1 = arith.constant 0 : index
    %get3A_2 = vector.load %arg2[%get3A, %get3A_0, %get3A_1] : memref<1x64x16384xf32, #tpu.memory_space<vmem>>, vector<1x64x16384xf32>
    %get3A_3 = vector.shape_cast %get3A_2 : vector<1x64x16384xf32> to vector<64x16384xf32>
    %reshape3A = vector.shape_cast %get3A_3 : vector<64x16384xf32> to vector<64x16x1024xf32>
    %swap3A = arith.constant 0 : index
    %swap3A_4 = arith.constant 0 : index
    %swap3A_5 = arith.constant 0 : index
    %swap3A_6 = arith.constant 0 : index
    %swap3A_7 = vector.load %arg4[%swap3A, %swap3A_4, %swap3A_5, %swap3A_6] : memref<1x64x16x1024xf32, #tpu.memory_space<vmem>>, vector<1x64x16x1024xf32>
    %swap3A_8 = vector.shape_cast %swap3A_7 : vector<1x64x16x1024xf32> to vector<64x16x1024xf32>
    %swap3A_9 = vector.shape_cast %reshape3A : vector<64x16x1024xf32> to vector<1x64x16x1024xf32>
    tpu.vector_store %arg4[%swap3A, %swap3A_4, %swap3A_5, %swap3A_6], %swap3A_9 {strides = array<i32>} : memref<1x64x16x1024xf32, #tpu.memory_space<vmem>>, vector<1x64x16x1024xf32>,
    return
  }
  func.func @transform_0(%arg0: i32, %arg1: i32) -> (i32, i32, i32) {
    %c0_i32 = arith.constant 0 : i32
    %c0_i32_0 = arith.constant 0 : i32
    return %arg0, %c0_i32, %arg1 : i32, i32, i32
  }
  func.func @transform_2(%arg0: i32, %arg1: i32) -> (i32, i32, i32, i32) {
    %c2_i32 = arith.constant 2 : i32
    %c0_i32 = arith.constant 0 : i32
    %c0_i32_0 = arith.constant 0 : i32
    return %arg0, %c2_i32, %arg1, %c0_i32 : i32, i32, i32, i32
  }
}

</mosaic_0001>

<sc_bundles>
// kernel: kernel.10.cloned.1.call-start
scs
__scs_entry_jumppad:
0x0: {  	(pc) =	sbr.rel $0x88, $3  }
0x1: {  	(tag) =	ssettag $0x0;
	lr =	simm.s32 $0x1  }
0x2: {  	[smem:$0x3F8F] =	sst lr;
	_ =	strace $0xD0000000  }
0x3: {  	_ = 	snop  }
0x4: {  	_ = 	snop  }
0x5: {  	_ = 	snop  }
0x6: {  	_ = 	snop  }
0x7: {  	_ = 	snop  }
__scs_overlays_trampoline_lowered:
0x8: {  	[smem:$0x3F9E] =	sst s0  }
0x9: {  	[smem:$0x3F9F] =	sst s1  }
0xa: {  	[smem:$0x3FA0] =	sst s2  }
0xb: {  	[smem:$0x3FA1] =	sst s3  }
0xc: {  	[smem:$0x3FA2] =	sst s4  }
0xd: {  	[smem:$0x3FA3] =	sst s5  }
0xe: {  	[smem:$0x3FA4] =	sst s6  }
0xf: {  	[smem:$0x3FA5] =	sst s7  }
0x10: {  	[smem:$0x3FA6] =	sst s8  }
0x11: {  	[smem:$0x3FA7] =	sst s9;
	s0 =	simm.s32 @!p0 $0x0  }
0x12: {  	s1 =	sld [smem:$0x3F8D];
	s0 =	simm.s32 @p0 $0x1  }
0x13: {  	[smem:$0x3FA8] =	sst s0;
	s0 =	simm.s32 @!p1 $0x0  }
0x14: {  	s2 =	sld [smem:$0x3F8C];
	s0 =	simm.s32 @p1 $0x1  }
0x15: {  	[smem:$0x3FA9] =	sst s0;
	s0 =	simm.s32 @!p2 $0x0  }
0x16: {  	s3 =	sld [smem:$0x3FDB];
	s0 =	simm.s32 @p2 $0x1  }
0x17: {  	s4 =	simm.s32 $0x1BF5;
	[smem:$0x3FAB] =	sst s0  }
0x18: {  	s0 =	sld [smem:$0x3F8E];
	_ =	swait.ge [sflag:s4], $0x0  }
0x19: {  	s7 =	sld [smem:$0x3F8F]  }
0x1a: {  	s8 =	sadd.s32 $0xFFFFE003, lr  }
0x1b: {  	s9 =	sadd.s32 $0xFFFFFEF7, lr;
	s5 =	simm.s32 $0xFFFFFFFF;
	p2 =	slt.u32 s8, $0xFFFFF086  }
0x1c: {  	p1 =	slt.u32 s9, $0xF7A;
	s5 =	simm.s32 @!p2 $0x0  }
0x1d: {  	s5 =	simm.s32 @p1 $0x1;
	p0 =	seq.s32 s7, s2  }
0x1e: {  	s7 =	smul.u32 @!p0 $0xF7A, s2;
	p2 =	seq.s32 @!p0 s5, $0x0  }
0x1f: {  	s9 =	smul.u32 $0xF7A, s1;
	s8 =	simm.s32 @!p0 $0x1BF5;
	p2 =	por !p2, p0  }
0x20: {  	[sflag:s8] =	ssyncset.s32 @!p0 $0xFFFFF086;
	s6 =	sadd.s32 @!p0 s3, s7;
	s7 =	simm.s32 @!p0 $0x108  }
0x21: {  	s3 =	sadd.s32 s3, s9;
	s6 =	sadd.s32 @!p0 $0x88, s6;
	s7 =	simm.s32 @p2 $0x1082  }
0x22: {  	[simem:s7], [sflag:s8] =	dma.local @!p0 [hbm:s6], $0xF7A  }
0x23: {  	s9 =	sor.u32 $0xD0000000, s2;
	s6 =	simm.s32 $0x108;
	_ =	swait.ge @!p0 [sflag:s8], $0x0  }
0x24: {  	s3 =	sadd.s32 $0x88, s3;
	s6 =	simm.s32 @!p1 $0x1082;
	[sflag:s4] =	ssyncset.s32 $0xFFFFF086  }
0x25: {  	[simem:s6], [sflag:s4] =	dma.local [hbm:s3], $0xF7A  }
0x26: {  	[smem:$0x3F8F] =	sst s1;
	(tag) =	ssettag s2;
	_ =	strace s9  }
0x27: {  	s1 =	sld [smem:$0x3F9F]  }
0x28: {  	s2 =	sld [smem:$0x3FA0]  }
0x29: {  	s4 =	sld [smem:$0x3FA2]  }
0x2a: {  	p0 =	seq.s32 s5, $0x0;
	s5 =	sld [smem:$0x3FA3]  }
0x2b: {  	s6 =	sld [smem:$0x3FA4]  }
0x2c: {  	s7 =	sld [smem:$0x3FA5]  }
0x2d: {  	s3 =	simm.s32 $0x108;
	s8 =	sld [smem:$0x3FA6]  }
0x2e: {  	s3 =	simm.s32 @!p0 $0x1082;
	s9 =	sld [smem:$0x3FA7]  }
0x2f: {  	lr =	sadd.s32 s0, s3;
	s0 =	sld [smem:$0x3F9E]  }
0x30: {  	s3 =	sld [smem:$0x3FA1]  }
0x31: {  	[smem:$0x3FAA] =	sst s10  }
0x32: {  	s10 =	sld [smem:$0x3FA8];
	_ =	sdelay $0x3  }
0x33: {  	p0 =	seq.s32 s10, $0x1;
	s10 =	sld [smem:$0x3FAA];
	_ =	sdelay $0x3  }
0x34: {  	[smem:$0x3FAA] =	sst s10  }
0x35: {  	s10 =	sld [smem:$0x3FA9];
	_ =	sdelay $0x3  }
0x36: {  	p1 =	seq.s32 s10, $0x1;
	s10 =	sld [smem:$0x3FAA];
	_ =	sdelay $0x3  }
0x37: {  	[smem:$0x3FAA] =	sst s10  }
0x38: {  	s10 =	sld [smem:$0x3FAB]  }
0x39: {  	_ = 	snop;
	(pc) =	sbr.ind lr, $3  }
0x3a: {  	_ = 	snop  }
0x3b: {  	_ = 	snop  }
0x3c: {  	p2 =	seq.s32 s10, $0x1;
	s10 =	sld [smem:$0x3FAA]  }
0x3d: {  	_ =	shalt  }
0x3e: {  	_ =	shalt  }
0x3f: {  	_ =	shalt  }
0x40: {  	_ =	shalt  }
0x41: {  	_ =	shalt  }
0x42: {  	_ =	shalt  }
0x43: {  	_ =	shalt  }
0x44: {  	_ =	shalt  }
0x45: {  	_ =	shalt  }
0x46: {  	_ =	shalt  }
0x47: {  	_ =	shalt  }
0x48: {  	_ =	shalt  }
0x49: {  	_ =	shalt  }
0x4a: {  	_ =	shalt  }
0x4b: {  	_ =	shalt  }
0x4c: {  	_ =	shalt  }
0x4d: {  	_ =	shalt  }
0x4e: {  	_ =	shalt  }
0x4f: {  	_ =	shalt  }
0x50: {  	_ =	shalt  }
0x51: {  	_ =	shalt  }
0x52: {  	_ =	shalt  }
0x53: {  	_ =	shalt  }
0x54: {  	_ =	shalt  }
0x55: {  	_ =	shalt  }
0x56: {  	_ =	shalt  }
0x57: {  	_ =	shalt  }
0x58: {  	_ =	shalt  }
0x59: {  	_ =	shalt  }
0x5a: {  	_ =	shalt  }
0x5b: {  	_ =	shalt  }
0x5c: {  	_ =	shalt  }
0x5d: {  	_ =	shalt  }
0x5e: {  	_ =	shalt  }
0x5f: {  	_ =	shalt  }
0x60: {  	_ =	shalt  }
0x61: {  	_ =	shalt  }
0x62: {  	_ =	shalt  }
0x63: {  	_ =	shalt  }
0x64: {  	_ =	shalt  }
0x65: {  	_ =	shalt  }
0x66: {  	_ =	shalt  }
0x67: {  	_ =	shalt  }
0x68: {  	_ =	shalt  }
0x69: {  	_ =	shalt  }
0x6a: {  	_ =	shalt  }
0x6b: {  	_ =	shalt  }
0x6c: {  	_ =	shalt  }
0x6d: {  	_ =	shalt  }
0x6e: {  	_ =	shalt  }
0x6f: {  	_ =	shalt  }
0x70: {  	_ =	shalt  }
0x71: {  	_ =	shalt  }
0x72: {  	_ =	shalt  }
0x73: {  	_ =	shalt  }
0x74: {  	_ =	shalt  }
0x75: {  	_ =	shalt  }
0x76: {  	_ =	shalt  }
0x77: {  	_ =	shalt  }
0x78: {  	_ =	shalt  }
0x79: {  	_ =	shalt  }
0x7a: {  	_ =	shalt  }
0x7b: {  	_ =	shalt  }
0x7c: {  	_ =	shalt  }
0x7d: {  	_ =	shalt  }
0x7e: {  	_ =	shalt  }
0x7f: {  	_ =	shalt  }
0x80: {  	_ =	shalt  }
0x81: {  	_ =	shalt  }
0x82: {  	_ =	shalt  }
0x83: {  	_ =	shalt  }
0x84: {  	_ =	shalt  }
0x85: {  	_ =	shalt  }
0x86: {  	_ =	shalt  }
0x87: {  	_ =	shalt  }
.Lfunc_end0:
.L_simem_size_0:
called_computation_lowered:
.L_overlay_start_0:
0x88: {  	s2 =	sld [smem:$0x3FD9]  }
0x89: {  	s3 =	sld [smem:$0x3FFE];
	_ =	sdelay $0x1  }
0x8a: {  	s1 =	srdreg.scid  }
0x8b: {  	s0 =	sand.u32 $0x1, s1  }
0x8c: {  	s17 =	sshll.u32 s0, $0xA;
	s2 =	sadd.s32 s3, s2  }
0x8d: {  	s2 =	sadd.s32 s2, s17  }
0x8e: {  	[smem:$0x3FB6] =	sst s2  }
0x8f: {  	_ = 	snop  }
0x90: {  	s2 =	sld [smem:$0x3FC8]  }
0x91: {  	s18 =	sld [smem:$0x3FD0];
	(tm) =	ssettm $0x1  }
0x92: {  	s4 =	sld [smem:$0x3FFB];
	_ =	sdelay $0x3  }
0x93: {  	_ =	strace s4  }
0x94: {  	s4 =	sld [smem:$0x3FFC];
	_ =	sdelay $0x3  }
0x95: {  	_ =	strace s4  }
0x96: {  	s4 =	sld [smem:$0x3FFD];
	_ =	sdelay $0x3  }
0x97: {  	_ =	strace s4  }
0x98: {  	_ =	strace $0x8FFFFFFF  }
0x99: {  	s19 =	sld [smem:$0x3FDB];
	_ =	sdelay $0x1  }
0x9a: {  	s5 =	simm.s32 $_scs_section_size  }
0x9b: {  	s6 =	simm.s32 $_size__tile_overlayer_lowered;
	s7 =	simm.s32 $_tile_overlayer_lowered  }
0x9c: {  	s22 =	simm.s32 $0x1BFF;
	s21 =	sshll.u32 s7, $0x1;
	s4 =	sadd.s32 s5, s19  }
0x9d: {  	s8 =	simm.s32 $0x0;
	s20 =	sshll.u32 s6, $0x1;
	s6 =	sadd.s32 s21, s4  }
0x9e: {  	[timem:s8], [sflag:s22] =	dma.local [hbm:s6], s20  }
0x9f: {  	_ =	swait.ge [sflag:s22], s20  }
0xa0: {  	s5 =	ssub.s32 $0x0, s20;
	[sflag:s22] =	ssyncset.done $0x0  }
0xa1: {  	[sflag:s22] =	ssyncadd.s32 s5;
	_ =	sdelay $0x1  }
0xa2: {  	s23 =	simm.s32 $0x1B8B  }
0xa3: {  	_ =	swait.ge [sflag:s23], $0x1  }
0xa4: {  	[sflag:s23] =	ssyncset.done $0x0  }
0xa5: {  	s25 =	simm.s32 $0x1B8E;
	s24 =	sld [smem:$0x3FFE];
	[sflag:s23] =	ssyncadd.s32 $0xFFFFFFFF  }
0xa6: {  	s26 =	simm.s32 $execute0_lowered;
	[smem:$0x3FD2] =	sst s25  }
0xa7: {  	s6 =	sshll.u32 s26, $0x1;
	_ =	strace $0x80000046;
	[dreg:$0x1] =	wrdreg $0xFFFFFFFF  }
0xa8: {  	s28 =	simm.s32 $_size_execute0_lowered;
	s4 =	sadd.s32 s4, s6;
	[dreg:$0x0] =	wrdreg $0x0  }
0xa9: {  	s6 =	sshll.u32 s28, $0x1;
	[dreg:$0x2] =	wrdreg s4  }
0xaa: {  	[dreg:$0x3] =	wrdreg s6  }
0xab: {  	[dreg:$0x4] =	wrdreg $0xC0  }
0xac: {  	_ =	task [dreg:s8], $0x5FFFF  }
0xad: {  	[dreg:$0x1] =	wrdreg $0xFFFFFFFF  }
0xae: {  	[dreg:$0x0] =	wrdreg $0x60  }
0xaf: {  	[dreg:$0x2] =	wrdreg s24  }
0xb0: {  	[dreg:$0x3] =	wrdreg s2  }
0xb1: {  	[dreg:$0x4] =	wrdreg s18  }
0xb2: {  	[dreg:$0x5] =	wrdreg $0x9  }
0xb3: {  	_ =	task.clear_ibuf [dreg:s8], $0x6FFFF;
	_ =	strace $0x90000046  }
0xb4: {  	s29 =	simm.s32 $0x9;
	_ =	strace $0x80000048  }
0xb5: {  	_ =	swait.ge [sflag:s29], $0x1  }
0xb6: {  	[sflag:s29] =	ssyncadd.s32 $0xFFFFFFFF  }
0xb7: {  	_ =	strace $0x90000048  }
0xb8: {  	_ =	sfence  }
0xb9: {  	s30 =	sld [smem:$0x0];
	_ =	sdelay $0x2  }
0xba: {  	s31 =	sshll.u32 s1, $0xD;
	s1 =	sshrl.u32 s1, $0x2  }
0xbb: {  	s3 =	sand.u32 $0x4000, s31;
	s1 =	sadd.s32 s1, s30  }
0xbc: {  	s0 =	sor.u32 s3, s0;
	s1 =	sshll.u32 s1, $0x11  }
0xbd: {  	s0 =	sor.u32 s1, s0  }
0xbe: {  	s0 =	sadd.s32 $0x8F2B, s0  }
0xbf: {  	[sflag:s0] =	ssyncadd.remote.s32 $0x1  }
0xc0: {  	_ =	sfence.sel $0xFFFF  }
0xc1: {  	[dreg:$0x0] =	wrdreg $0xFFFFFFFF;
	(pc) =	sbr.abs _section_cstart, $3  }
0xc2: {  	[dreg:$0x1] =	wrdreg $0xFFFFFFFF  }
0xc3: {  	_ =	task.clear_ibuf [dreg:s8], $0x2FFFF;
	_ =	strace $0x9FFFFFFF  }
0xc4: {  	(tm) =	ssettm $0x7FFFFFFF  }
0xc5: {  	_ =	shalt  }
tec
execute0_lowered:
.L_overlay_start_1:
0x0: {  	(tag) =	ssettag $0x1  }
0x1: {  	s0 =	srdreg.scid;
	s4 =	rddreg [dreg:$0x0]  }
0x2: {  	s2 =	stileid.u32;
	s7 =	rddreg [dreg:$0x1]  }
0x3: {  	s12 =	rddreg [dreg:$0x2];
	s3 =	simm.s32 $0x1;
	s28 =	simm.s32 $0x80  }
0x4: {  	s29 =	simm.s32 $0x400;
	s30 =	simm.s32 $0xB240;
	s0 =	sand.u32 $0x1, s0  }
0x5: {  	s31 =	simm.s32 $0x0;
	s5 =	sand.u32 $0x7, s2;
	s1 =	sshll.u32 s0, $0x4  }
0x6: {  	s8 =	sadd.s32 $0x4800, s4;
	s14 =	sadd.s32 $0x6000, s4;
	s1 =	sor.u32 s2, s1  }
0x7: {  	p1 =	sne.s32 s5, $0x0;
	s13 =	sshll.u32 s5, $0x7;
	p0 =	seq.s32 s1, $0x0  }
0x8: {  	s0 =	ssub.s32 $0x2, s0;
	s2 =	simm.s32 $0x0;
	p0 =	por !p1, !p0  }
0x9: {  	s19 =	sshrl.u32 s0, $0x1;
	s6 =	sshrl.u32 s1, $0x3;
	p0 =	por !p0, !p0  }
0xa: {  	[smem:$0x7FF] =	sst s2;
	s1 =	smul.u32 $0x1C, s1;
	s3 =	simm.s32 @!p0 $0x0  }
0xb: {  	s0 =	ssub.s32 s0, s19;
	_ =	strace $0x80000047;
	s10 =	ssub.s32 s6, s3  }
0xc: {  	s1 =	sadd.s32 s1, s4;
	s3 =	simm.s32 $0x1;
	s18 =	smul.u32 $0x3000, s10  }
0xd: {  	s6 =	sshll.u32 s10, $0x9;
	s17 =	sshll.u32 s10, $0xF;
	s16 =	smul.u32 $0x3, s10  }
0xe: {  	s21 =	smul.u32 $0xC00, s10;
	s10 =	sshll.u32 s10, $0x11;
	s9 =	sand.u32 $0x1FFFFE00, s6  }
0xf: {  	s5 =	sor.u32 s13, s17;
	s10 =	sor.u32 s13, s10;
	s11 =	sadd.s32 s9, s4  }
0x10: {  	s5 =	sshrl.u32 s5, $0x3;
	s20 =	sshrl.u32 s18, $0x3;
	s17 =	sadd.s32 $0x1, s16  }
0x11: {  	s16 =	sadd.s32 $0x2, s16;
	s19 =	sor.u32 s13, s21;
	s7 =	sadd.s32 s7, s9  }
0x12: {  	s26 =	sshrl.u32 s10, $0x3;
	s21 =	simm.s32 $0x5000;
	s15 =	sadd.s32 s5, s4  }
0x13: {  	s4 =	sadd.s32 s8, s20;
	s22 =	sshll.u32 s17, $0x9;
	s18 =	sshll.u32 s16, $0x9  }
0x14: {  	s23 =	sshrl.u32 s19, $0x3;
	s24 =	sshll.u32 s17, $0xA;
	s16 =	sshll.u32 s16, $0xA  }
0x15: {  	s12 =	sadd.s32 s12, s26;
	s20 =	simm.s32 $0x4000;
	s26 =	simm.s32 $0xA240  }
0x16: {  	s6 =	sand.u32 $0x1FFFFE00, s22;
	s18 =	sand.u32 $0x1FFFFE00, s18;
	s9 =	sadd.s32 s14, s23  }
0x17: {  	s16 =	sor.u32 s13, s16;
	s5 =	sadd.s32 s8, s6;
	s6 =	sadd.s32 s8, s18  }
0x18: {  	v0 =	vlaneseq.u32;
	s8 =	sadd.s32 $0x6600, s11;
	s11 =	sor.u32 s13, s24;
	s25 =	sshrl.u32 s16, $0x3  }
0x19: {  	v4 =	vmul.u32 $0x80, v0;
	s13 =	sadd.s32 $0xB200, s15;
	s16 =	smax.u32 s0, $0x1;
	s11 =	sshrl.u32 s11, $0x3  }
0x1a: {  	v1 =	vimm.s32 $0x0;
	vm0 =	vmmov $0x1;
	s24 =	simm.s32 $0x5240;
	s10 =	sadd.s32 s14, s11;
	s11 =	sadd.s32 s14, s25  }
0x1b: {  	v2 =	vor.u32 $0x3000, v4;
	v3 =	vor.u32 $0x2000, v4;
	v4 =	vor.u32 $0x1000, v4;
	s14 =	sadd.s32 $0x7200, s15;
	s15 =	sadd.s32 $0x6E00, s1;
	s25 =	simm.s32 $0x9240  }
.LBB2_1:
0x1c: {  	[tilespmem:s2], [sflag:$0x1] =	stream.linear.gather [hbm4b:s4+s2], $0x1000, $0x38;
	[tilespmem:$0xB320] =	vst v63  }
0x1d: {  	_ =	swait.ge [sflag:s3], $0x1000  }
0x1e: {  	[sflag:s3] =	ssyncset.done $0x0  }
0x1f: {  	s0 =	simm.s32 $0x1000;
	[sflag:s3] =	ssyncadd.s32 $0xFFFFF000  }
0x20: {  	[tilespmem:s0], [sflag:$0x1] =	stream.linear.gather [hbm4b:s5+s2], $0x1000, $0x38;
	[tilespmem:$0xB320] =	vst v63  }
0x21: {  	_ =	swait.ge [sflag:s3], $0x1000  }
0x22: {  	[sflag:s3] =	ssyncset.done $0x0  }
0x23: {  	s18 =	simm.s32 $0x2000;
	[sflag:s3] =	ssyncadd.s32 $0xFFFFF000  }
0x24: {  	[tilespmem:s18], [sflag:$0x1] =	stream.linear.gather [hbm4b:s6+s2], $0x1000, $0x38;
	[tilespmem:$0xB320] =	vst v63  }
0x25: {  	_ =	swait.ge [sflag:s3], $0x1000  }
0x26: {  	[sflag:s3] =	ssyncset.done $0x0  }
0x27: {  	s19 =	simm.s32 $0x3000;
	[sflag:s3] =	ssyncadd.s32 $0xFFFFF000  }
0x28: {  	[tilespmem:s19], [sflag:$0x1] =	stream.linear.gather [hbm4b:s7+s2], $0x1000, $0x38;
	[tilespmem:$0xB320] =	vst v63  }
0x29: {  	_ =	swait.ge [sflag:s3], $0x1000  }
0x2a: {  	[sflag:s3] =	ssyncset.done $0x0  }
0x2b: {  	[sflag:s3] =	ssyncadd.s32 $0xFFFFF000  }
0x2c: {  	[tilespmem:s20], [sflag:$0x1] =	stream.linear.gather [hbm4b:s8+s2], $0x1000, $0x38;
	[tilespmem:$0xB320] =	vst v63  }
0x2d: {  	_ =	swait.ge [sflag:s3], $0x1000  }
0x2e: {  	[sflag:s3] =	ssyncset.done $0x0  }
0x2f: {  	[sflag:s3] =	ssyncadd.s32 $0xFFFFF000  }
0x30: {  	[tilespmem:s21], [sflag:$0x1] =	stream.linear.gather [hbm4b:s9+s2], $0x80, $0x38;
	[tilespmem:$0xB320] =	vst v63  }
0x31: {  	_ =	swait.ge [sflag:s3], $0x80  }
0x32: {  	[sflag:s3] =	ssyncset.done $0x0  }
0x33: {  	s22 =	simm.s32 $0x5080;
	[sflag:s3] =	ssyncadd.s32 $0xFFFFFF80  }
0x34: {  	[tilespmem:s22], [sflag:$0x1] =	stream.linear.gather [hbm4b:s10+s2], $0x80, $0x38;
	[tilespmem:$0xB320] =	vst v63  }
0x35: {  	_ =	swait.ge [sflag:s3], $0x80  }
0x36: {  	[sflag:s3] =	ssyncset.done $0x0  }
0x37: {  	s23 =	simm.s32 $0x5100;
	[sflag:s3] =	ssyncadd.s32 $0xFFFFFF80  }
0x38: {  	[tilespmem:s23], [sflag:$0x1] =	stream.linear.gather [hbm4b:s11+s2], $0x80, $0x38;
	[tilespmem:$0xB320] =	vst v63  }
0x39: {  	_ =	swait.ge [sflag:s3], $0x80  }
0x3a: {  	[sflag:s3] =	ssyncset.done $0x0  }
0x3b: {  	v5 =	vimm.f32 $0.0e+00;
	[sflag:s3] =	ssyncadd.s32 $0xFFFFFF80  }
0x3c: {  	[tilespmem:$0x5180] =	vst v5  }
0x3d: {  	[tilespmem:$0x5190] =	vst v5  }
0x3e: {  	[tilespmem:$0x51A0] =	vst v5  }
0x3f: {  	v6 =	vimm.f32 $0.0e+00;
	[tilespmem:$0x51B0] =	vst v5  }
0x40: {  	v7 =	vimm.f32 $0.0e+00;
	v8 =	vimm.f32 $0.0e+00;
	v9 =	vimm.f32 $0.0e+00;
	[tilespmem:$0x51C0] =	vst v5  }
0x41: {  	v10 =	vimm.f32 $0.0e+00;
	v11 =	vimm.f32 $0.0e+00;
	v12 =	vimm.f32 $0.0e+00;
	[tilespmem:$0x51D0] =	vst v5  }
0x42: {  	v13 =	vimm.f32 $0.0e+00;
	v14 =	vimm.f32 $0.0e+00;
	v15 =	vimm.f32 $0.0e+00;
	[tilespmem:$0x51E0] =	vst v5  }
0x43: {  	v16 =	vimm.f32 $0.0e+00;
	v17 =	vimm.f32 $0.0e+00;
	v18 =	vimm.f32 $0.0e+00;
	s1 =	simm.s32 $0x0;
	[tilespmem:$0x51F0] =	vst v5  }
.LBB2_2:
0x44: {  	v24 =	vmov s1  }
0x45: {  	v22 =	vor.u32 $0x100, v24;
	_ =	sdelay $0x3  }
0x46: {  	s19 =	simm.s32 $0x0  }
0x47: {  	s17 =	simm.s32 $0x10;
	s18 =	simm.s32 $0x2010;
	s0 =	simm.s32 $0x0;
	v19 =	vld.idx.msk [tilespmem:v22+s21+$0x0], $0xffff;
	[tilespmem:$0x5200] =	vst v1  }
.LBB2_3:
0x48: {  	v20 =	vld [tilespmem:s18+$0xFFFFFFF0];
	_ =	sdelay $0x1  }
0x49: {  	v21 =	vld [tilespmem:s18+$0x0];
	_ =	sdelay $0x2  }
0x4a: {  	v20 =	vsub.f32 v20, v19;
	_ =	sdelay $0x1  }
0x4b: {  	v21 =	vsub.f32 v21, v19;
	v20 =	vand.u32 $0x7FFFFFFF, v20  }
0x4c: {  	vm1 =	vlt.f32 v20, $2.000000030e-01  }
0x4d: {  	v20 =	vand.u32 $0x7FFFFFFF, v21;
	v21 =	vmpcnt.ones.xlane vm1  }
0x4e: {  	vm2 =	vlt.f32 v20, $2.000000030e-01  }
0x4f: {  	v20 =	vxor.u32 $0x80000000, v21;
	v21 =	vmpcnt.ones.xlane vm2  }
0x50: {  	(xrf0) =	vmax.scan.msk.u32 $0xffff, v20  }
0x51: {  	v20 =	vxor.u32 $0x80000000, v21  }
0x52: {  	(xrf0) =	vmax.scan.msk.u32 $0xffff, v20;
	_ =	sdelay $0x3  }
0x53: {  	v20, _, _ =	vpop (xrf0)  }
0x54: {  	(v2sf) =	vpush v20, $0xF  }
0x55: {  	v20, _, _ =	vpop (xrf0)  }
0x56: {  	(v2sf) =	vpush v20, $0xF;
	_ =	sdelay $0xc  }
0x57: {  	s22 =	spop (v2sf)  }
0x58: {  	s23 =	sadd.s32 $0xFFFFFFF0, s17;
	s22 =	sadd.s32 s22, s0  }
0x59: {  	v20 =	vor.u32 s23, v0;
	s22 =	sadd.s32 $0x80000000, s22;
	s23 =	spop (v2sf)  }
0x5a: {  	s23 =	sadd.s32 s23, s22  }
0x5b: {  	p0 =	sgt.u32 s19, $0xFD;
	[tilespmem:s0+$0x5200] =	vst.msk vm1, v20;
	s0 =	sadd.s32 $0x80000000, s23  }
0x5c: {  	p1 =	slt.s32 @!p0 s0, $0x20  }
0x5d: {  	p0 =	por p0, !p1  }
.Ltmp0:
0x5e: {  	_ = 	snop;
	(pc) =	sbr.rel @!p0 .LBB2_3-.Ltmp0, $3  }
0x5f: {  	_ =	sdelay $0x1  }
0x60: {  	v20 =	vor.u32 s17, v0  }
0x61: {  	s19 =	sadd.s32 $0x2, s19;
	s18 =	sadd.s32 $0x20, s18;
	s17 =	sadd.s32 $0x20, s17;
	[tilespmem:s22+$0x5200] =	vst.msk vm2, v20  }
0x62: {  	v19 =	vld [tilespmem:$0x5200];
	_ =	sdelay $0x4  }
0x63: {  	v19 =	vnsel vm0, $0x2000, v19  }
0x64: {  	v19 =	vxor.u32 $0x80000000, v19  }
0x65: {  	(xrf0) =	vmin.scan.msk.u32 $0xffff, v19;
	_ =	sdelay $0x5  }
0x66: {  	v19, _, _ =	vpop (xrf0)  }
0x67: {  	(v2sf) =	vpush v19, $0xF;
	_ =	sdelay $0x9  }
0x68: {  	v20 =	vor.u32 $0x80, v24  }
0x69: {  	v23 =	vor.u32 $0x180, v24;
	_ =	sdelay $0x2  }
0x6a: {  	v22 =	vld.idx.msk [tilespmem:v22+s21+$0x0], $0xffff  }
0x6b: {  	p0 =	sgt.s32 s0, $0x0;
	s18 =	simm.f32 $1.000000000e+00;
	v20 =	vld.idx.msk [tilespmem:v20+s21+$0x0], $0xffff;
	s17 =	spop (v2sf)  }
0x6c: {  	v26 =	vmov s0;
	s18 =	simm.s32 @!p0 $0x0;
	v23 =	vld.idx.msk [tilespmem:v23+s21+$0x0], $0xffff;
	s17 =	sxor.u32 $0x80000000, s17  }
0x6d: {  	s0 =	simm.s32 $0x0;
	p1 =	por $0x1, $0x1;
	v25 =	vmov s18;
	v19 =	vld.idx.msk [tilespmem:v24+s21+$0x0], $0xffff;
	v24 =	vand.u32 $0x7F, v24;
	v21 =	vmov s17  }
.LBB2_5:
0x6e: {  	v27 =	vld [tilespmem:s0+$0x5200];
	_ =	sdelay $0x2  }
0x6f: {  	v28 =	vor.u32 s0, v0  }
0x70: {  	vm1 =	vlt.s32 v28, v26  }
0x71: {  	v27 =	vsel vm1, v27, v21;
	_ =	sdelay $0x4  }
0x72: {  	v29 =	vld.idx.msk [tilespmem:v27+s2+$0x0], $0xffff  }
0x73: {  	v28 =	vshll.u32 v28, $0x7  }
0x74: {  	v28 =	vor.u32 v24, v28  }
0x75: {  	v30 =	vadd.s32 $0x1000, v27;
	_ =	sdelay $0x1  }
0x76: {  	v29 =	vsub.f32 v29, v19;
	_ =	sdelay $0x1  }
0x77: {  	v31 =	vmov s0;
	[tilespmem:v28+s24+$0x0] =	vst.idx.msk $0xffff, v29  }
0x78: {  	v31 =	vshll.u32 v31, $0x7;
	v30 =	vld.idx.msk [tilespmem:v30+s2+$0x0], $0xffff  }
0x79: {  	v32 =	vor.u32 v4, v31  }
0x7a: {  	v32 =	vor.u32 v24, v32  }
0x7b: {  	v33 =	vadd.s32 $0x2000, v27;
	_ =	sdelay $0x1  }
0x7c: {  	v30 =	vsub.f32 v30, v20;
	_ =	sdelay $0x1  }
0x7d: {  	[tilespmem:v32+s24+$0x0] =	vst.idx.msk $0xffff, v30  }
0x7e: {  	v32 =	vld.idx.msk [tilespmem:v33+s2+$0x0], $0xffff  }
0x7f: {  	v55 =	vor.u32 v3, v31  }
0x80: {  	v33 =	vor.u32 v24, v55  }
0x81: {  	v34 =	vadd.s32 $0x3000, v27;
	_ =	sdelay $0x1  }
0x82: {  	v32 =	vsub.f32 v32, v22;
	_ =	sdelay $0x1  }
0x83: {  	[tilespmem:v33+s24+$0x0] =	vst.idx.msk $0xffff, v32  }
0x84: {  	v33 =	vld.idx.msk [tilespmem:v34+s2+$0x0], $0xffff  }
0x85: {  	v31 =	vor.u32 v2, v31  }
0x86: {  	v31 =	vor.u32 v24, v31;
	_ =	sdelay $0x2  }
0x87: {  	v56 =	vmul.f32 v29, v29;
	v33 =	vsub.f32 v33, v23  }
0x88: {  	v18 =	vadd.f32 v29, v18;
	v57 =	vmul.f32 v30, v29  }
0x89: {  	v14 =	vadd.f32 v56, v14;
	v59 =	vmul.f32 v30, v30;
	[tilespmem:v31+s24+$0x0] =	vst.idx.msk $0xffff, v33  }
0x8a: {  	v17 =	vadd.f32 v30, v17;
	v13 =	vadd.f32 v57, v13;
	v58 =	vmul.f32 v32, v29;
	v27 =	vld.idx.msk [tilespmem:v27+s20+$0x0], $0xffff  }
0x8b: {  	v10 =	vadd.f32 v59, v10;
	v60 =	vmul.f32 v32, v30;
	v61 =	vmul.f32 v32, v32  }
0x8c: {  	p2 =	por p1, p1;
	v16 =	vadd.f32 v32, v16;
	v12 =	vadd.f32 v58, v12  }
.Ltmp1:
0x8d: {  	v9 =	vadd.f32 v60, v9;
	v7 =	vadd.f32 v61, v7;
	(pc) =	sbr.rel @p2 .LBB2_5-.Ltmp1, $4  }
0x8e: {  	v29 =	vmul.f32 v33, v29;
	v15 =	vadd.f32 v33, v15;
	v30 =	vmul.f32 v33, v30  }
0x8f: {  	v62 =	vmul.f32 v33, v32;
	v63 =	vmul.f32 v33, v33;
	v27 =	vpsel !p0, $0x7500, v27  }
0x90: {  	v11 =	vadd.f32 v29, v11;
	v8 =	vadd.f32 v30, v8;
	[tilespmem:v28+s25+$0x0] =	vst.idx.msk $0xffff, v27  }
0x91: {  	s0 =	simm.s32 $0x10;
	p1 =	por $0x0, $0x0;
	v6 =	vadd.f32 v62, v6;
	v5 =	vadd.f32 v63, v5;
	[tilespmem:v28+s26+$0x0] =	vst.idx.msk $0xffff, v25  }
0x92: {  	s1 =	sadd.s32 $0x1, s1  }
0x93: {  	p0 =	sne.s32 s1, $0x80  }
.Ltmp2:
0x94: {  	_ = 	snop;
	(pc) =	sbr.rel @p0 .LBB2_2-.Ltmp2, $1  }
0x95: {  	_ =	sdelay $0x3  }
0x96: {  	[tilespmem:$0xB240] =	vst v18  }
0x97: {  	[tilespmem:$0xB250] =	vst v17  }
0x98: {  	[tilespmem:$0xB260] =	vst v16  }
0x99: {  	[tilespmem:$0xB270] =	vst v15  }
0x9a: {  	[tilespmem:$0xB280] =	vst v14  }
0x9b: {  	[tilespmem:$0xB290] =	vst v13  }
0x9c: {  	[tilespmem:$0xB2A0] =	vst v12  }
0x9d: {  	[tilespmem:$0xB2B0] =	vst v11  }
0x9e: {  	[tilespmem:$0xB2C0] =	vst v10  }
0x9f: {  	[tilespmem:$0xB2D0] =	vst v9  }
0xa0: {  	[tilespmem:$0xB2E0] =	vst v8  }
0xa1: {  	[tilespmem:$0xB2F0] =	vst v7  }
0xa2: {  	[tilespmem:$0xB300] =	vst v6  }
0xa3: {  	[tilespmem:$0xB310] =	vst v5  }
0xa4: {  	[hbm4b:s12+s28] =	stream.strided.scatter [tilespmem:s24], [sflag:$0x1], $0x4000, s29, s28, $0x38;
	[tilespmem:$0xB320] =	vst v63  }
0xa5: {  	_ =	swait.ge [sflag:s3], $0x4000  }
0xa6: {  	[sflag:s3] =	ssyncset.done $0x0  }
0xa7: {  	[sflag:s3] =	ssyncadd.s32 $0xFFFFC000  }
0xa8: {  	[hbm4b:s13+s28] =	stream.strided.scatter [tilespmem:s25], [sflag:$0x1], $0x1000, s29, s28, $0x38;
	[tilespmem:$0xB320] =	vst v63  }
0xa9: {  	_ =	swait.ge [sflag:s3], $0x1000  }
0xaa: {  	[sflag:s3] =	ssyncset.done $0x0  }
0xab: {  	[sflag:s3] =	ssyncadd.s32 $0xFFFFF000  }
0xac: {  	[hbm4b:s14+s28] =	stream.strided.scatter [tilespmem:s26], [sflag:$0x1], $0x1000, s29, s28, $0x38;
	[tilespmem:$0xB320] =	vst v63  }
0xad: {  	s31 =	sadd.s32 $0x1, s31;
	_ =	swait.ge [sflag:s3], $0x1000  }
0xae: {  	p0 =	sne.s32 s31, s16;
	[sflag:s3] =	ssyncset.done $0x0  }
.Ltmp3:
0xaf: {  	[sflag:s3] =	ssyncadd.s32 $0xFFFFF000;
	(pc) =	sbr.rel @p0 .LBB2_1-.Ltmp3, $4  }
0xb0: {  	[hbm4b:s15+s2] =	stream.linear.scatter [tilespmem:s30], [sflag:$0x1], $0xE0, $0x38;
	[tilespmem:$0xB320] =	vst v63  }
0xb1: {  	_ =	swait.ge [sflag:s3], $0xE0  }
0xb2: {  	[sflag:s3] =	ssyncset.done $0x0  }
0xb3: {  	[sflag:s3] =	ssyncadd.s32 $0xFFFFFF20  }
0xb4: {  	_ =	sfence.sel $0x180000  }
0xb5: {  	[bflag:$0x0] =	sbarrier.arrive $0xFFFF  }
0xb6: {  	_ =	strace $0x90000047  }
0xb7: {  	s0 =	stileid.u32;
	[bflag:$0x2] =	sbarrier.arrive $0xFFFF  }
0xb8: {  	p0 =	sne.s32 s0, $0x0;
	s0 =	rddreg [dreg:$0x3]  }
0xb9: {  	s0 =	sadd.s32 @!p0 $0x100000, s0  }
0xba: {  	[sflag:s0] =	ssyncadd.tile.s32 @!p0 $0x1;
	_ =	shalt  }
.Lfunc_end2:
_tile_overlayer_lowered:
.L_overlay_start_2:
0xbb: {  	(tag) =	ssettag $0x2  }
0xbc: {  	s0 =	rddreg [dreg:$0x0];
	s2 =	stileid.u32  }
0xbd: {  	s1 =	rddreg [dreg:$0x1];
	p0 =	sne.s32 s2, $0x0  }
0xbe: {  	s3 =	rddreg [dreg:$0x2];
	[bflag:$0x3] =	sbarrier.arrive $0xFFFF;
	s2 =	simm.s32 @!p0 $0x1C01  }
0xbf: {  	[timem:s3], [sflag:s2] =	dma.local @!p0 [hbm:s0], s1  }
0xc0: {  	s0 =	simm.s32 @!p0 $0x1  }
0xc1: {  	_ =	swait.ge @!p0 [sflag:s0], s1  }
0xc2: {  	s1 =	ssub.s32 @!p0 $0x0, s1;
	[sflag:s0] =	ssyncset.done @!p0 $0x0  }
0xc3: {  	[sflag:s0] =	ssyncadd.s32 @!p0 s1  }
0xc4: {  	[bflag:$0x3] =	sbarrier.arrive $0xFFFF  }
0xc5: {  	_ =	shalt  }

// kernel: kernel.13.cloned.1.call-start
scs
__scs_entry_jumppad:
0x0: {  	(pc) =	sbr.rel $0x88, $3  }
0x1: {  	(tag) =	ssettag $0x0;
	lr =	simm.s32 $0x1  }
0x2: {  	[smem:$0x3F8F] =	sst lr;
	_ =	strace $0xD0000000  }
0x3: {  	_ = 	snop  }
0x4: {  	_ = 	snop  }
0x5: {  	_ = 	snop  }
0x6: {  	_ = 	snop  }
0x7: {  	_ = 	snop  }
__scs_overlays_trampoline_lowered:
0x8: {  	[smem:$0x3F9E] =	sst s0  }
0x9: {  	[smem:$0x3F9F] =	sst s1  }
0xa: {  	[smem:$0x3FA0] =	sst s2  }
0xb: {  	[smem:$0x3FA1] =	sst s3  }
0xc: {  	[smem:$0x3FA2] =	sst s4  }
0xd: {  	[smem:$0x3FA3] =	sst s5  }
0xe: {  	[smem:$0x3FA4] =	sst s6  }
0xf: {  	[smem:$0x3FA5] =	sst s7  }
0x10: {  	[smem:$0x3FA6] =	sst s8  }
0x11: {  	[smem:$0x3FA7] =	sst s9;
	s0 =	simm.s32 @!p0 $0x0  }
0x12: {  	s1 =	sld [smem:$0x3F8D];
	s0 =	simm.s32 @p0 $0x1  }
0x13: {  	[smem:$0x3FA8] =	sst s0;
	s0 =	simm.s32 @!p1 $0x0  }
0x14: {  	s2 =	sld [smem:$0x3F8C];
	s0 =	simm.s32 @p1 $0x1  }
0x15: {  	[smem:$0x3FA9] =	sst s0;
	s0 =	simm.s32 @!p2 $0x0  }
0x16: {  	s3 =	sld [smem:$0x3FDB];
	s0 =	simm.s32 @p2 $0x1  }
0x17: {  	s4 =	simm.s32 $0x1BF5;
	[smem:$0x3FAB] =	sst s0  }
0x18: {  	s0 =	sld [smem:$0x3F8E];
	_ =	swait.ge [sflag:s4], $0x0  }
0x19: {  	s7 =	sld [smem:$0x3F8F]  }
0x1a: {  	s8 =	sadd.s32 $0xFFFFE003, lr  }
0x1b: {  	s9 =	sadd.s32 $0xFFFFFEF7, lr;
	s5 =	simm.s32 $0xFFFFFFFF;
	p2 =	slt.u32 s8, $0xFFFFF086  }
0x1c: {  	p1 =	slt.u32 s9, $0xF7A;
	s5 =	simm.s32 @!p2 $0x0  }
0x1d: {  	s5 =	simm.s32 @p1 $0x1;
	p0 =	seq.s32 s7, s2  }
0x1e: {  	s7 =	smul.u32 @!p0 $0xF7A, s2;
	p2 =	seq.s32 @!p0 s5, $0x0  }
0x1f: {  	s9 =	smul.u32 $0xF7A, s1;
	s8 =	simm.s32 @!p0 $0x1BF5;
	p2 =	por !p2, p0  }
0x20: {  	[sflag:s8] =	ssyncset.s32 @!p0 $0xFFFFF086;
	s6 =	sadd.s32 @!p0 s3, s7;
	s7 =	simm.s32 @!p0 $0x108  }
0x21: {  	s3 =	sadd.s32 s3, s9;
	s6 =	sadd.s32 @!p0 $0x88, s6;
	s7 =	simm.s32 @p2 $0x1082  }
0x22: {  	[simem:s7], [sflag:s8] =	dma.local @!p0 [hbm:s6], $0xF7A  }
0x23: {  	s9 =	sor.u32 $0xD0000000, s2;
	s6 =	simm.s32 $0x108;
	_ =	swait.ge @!p0 [sflag:s8], $0x0  }
0x24: {  	s3 =	sadd.s32 $0x88, s3;
	s6 =	simm.s32 @!p1 $0x1082;
	[sflag:s4] =	ssyncset.s32 $0xFFFFF086  }
0x25: {  	[simem:s6], [sflag:s4] =	dma.local [hbm:s3], $0xF7A  }
0x26: {  	[smem:$0x3F8F] =	sst s1;
	(tag) =	ssettag s2;
	_ =	strace s9  }
0x27: {  	s1 =	sld [smem:$0x3F9F]  }
0x28: {  	s2 =	sld [smem:$0x3FA0]  }
0x29: {  	s4 =	sld [smem:$0x3FA2]  }
0x2a: {  	p0 =	seq.s32 s5, $0x0;
	s5 =	sld [smem:$0x3FA3]  }
0x2b: {  	s6 =	sld [smem:$0x3FA4]  }
0x2c: {  	s7 =	sld [smem:$0x3FA5]  }
0x2d: {  	s3 =	simm.s32 $0x108;
	s8 =	sld [smem:$0x3FA6]  }
0x2e: {  	s3 =	simm.s32 @!p0 $0x1082;
	s9 =	sld [smem:$0x3FA7]  }
0x2f: {  	lr =	sadd.s32 s0, s3;
	s0 =	sld [smem:$0x3F9E]  }
0x30: {  	s3 =	sld [smem:$0x3FA1]  }
0x31: {  	[smem:$0x3FAA] =	sst s10  }
0x32: {  	s10 =	sld [smem:$0x3FA8];
	_ =	sdelay $0x3  }
0x33: {  	p0 =	seq.s32 s10, $0x1;
	s10 =	sld [smem:$0x3FAA];
	_ =	sdelay $0x3  }
0x34: {  	[smem:$0x3FAA] =	sst s10  }
0x35: {  	s10 =	sld [smem:$0x3FA9];
	_ =	sdelay $0x3  }
0x36: {  	p1 =	seq.s32 s10, $0x1;
	s10 =	sld [smem:$0x3FAA];
	_ =	sdelay $0x3  }
0x37: {  	[smem:$0x3FAA] =	sst s10  }
0x38: {  	s10 =	sld [smem:$0x3FAB]  }
0x39: {  	_ = 	snop;
	(pc) =	sbr.ind lr, $3  }
0x3a: {  	_ = 	snop  }
0x3b: {  	_ = 	snop  }
0x3c: {  	p2 =	seq.s32 s10, $0x1;
	s10 =	sld [smem:$0x3FAA]  }
0x3d: {  	_ =	shalt  }
0x3e: {  	_ =	shalt  }
0x3f: {  	_ =	shalt  }
0x40: {  	_ =	shalt  }
0x41: {  	_ =	shalt  }
0x42: {  	_ =	shalt  }
0x43: {  	_ =	shalt  }
0x44: {  	_ =	shalt  }
0x45: {  	_ =	shalt  }
0x46: {  	_ =	shalt  }
0x47: {  	_ =	shalt  }
0x48: {  	_ =	shalt  }
0x49: {  	_ =	shalt  }
0x4a: {  	_ =	shalt  }
0x4b: {  	_ =	shalt  }
0x4c: {  	_ =	shalt  }
0x4d: {  	_ =	shalt  }
0x4e: {  	_ =	shalt  }
0x4f: {  	_ =	shalt  }
0x50: {  	_ =	shalt  }
0x51: {  	_ =	shalt  }
0x52: {  	_ =	shalt  }
0x53: {  	_ =	shalt  }
0x54: {  	_ =	shalt  }
0x55: {  	_ =	shalt  }
0x56: {  	_ =	shalt  }
0x57: {  	_ =	shalt  }
0x58: {  	_ =	shalt  }
0x59: {  	_ =	shalt  }
0x5a: {  	_ =	shalt  }
0x5b: {  	_ =	shalt  }
0x5c: {  	_ =	shalt  }
0x5d: {  	_ =	shalt  }
0x5e: {  	_ =	shalt  }
0x5f: {  	_ =	shalt  }
0x60: {  	_ =	shalt  }
0x61: {  	_ =	shalt  }
0x62: {  	_ =	shalt  }
0x63: {  	_ =	shalt  }
0x64: {  	_ =	shalt  }
0x65: {  	_ =	shalt  }
0x66: {  	_ =	shalt  }
0x67: {  	_ =	shalt  }
0x68: {  	_ =	shalt  }
0x69: {  	_ =	shalt  }
0x6a: {  	_ =	shalt  }
0x6b: {  	_ =	shalt  }
0x6c: {  	_ =	shalt  }
0x6d: {  	_ =	shalt  }
0x6e: {  	_ =	shalt  }
0x6f: {  	_ =	shalt  }
0x70: {  	_ =	shalt  }
0x71: {  	_ =	shalt  }
0x72: {  	_ =	shalt  }
0x73: {  	_ =	shalt  }
0x74: {  	_ =	shalt  }
0x75: {  	_ =	shalt  }
0x76: {  	_ =	shalt  }
0x77: {  	_ =	shalt  }
0x78: {  	_ =	shalt  }
0x79: {  	_ =	shalt  }
0x7a: {  	_ =	shalt  }
0x7b: {  	_ =	shalt  }
0x7c: {  	_ =	shalt  }
0x7d: {  	_ =	shalt  }
0x7e: {  	_ =	shalt  }
0x7f: {  	_ =	shalt  }
0x80: {  	_ =	shalt  }
0x81: {  	_ =	shalt  }
0x82: {  	_ =	shalt  }
0x83: {  	_ =	shalt  }
0x84: {  	_ =	shalt  }
0x85: {  	_ =	shalt  }
0x86: {  	_ =	shalt  }
0x87: {  	_ =	shalt  }
.Lfunc_end0:
.L_simem_size_0:
called_computation.1_lowered:
.L_overlay_start_0:
0x88: {  	s2 =	sld [smem:$0x3FD9]  }
0x89: {  	s3 =	sld [smem:$0x3FFE];
	_ =	sdelay $0x1  }
0x8a: {  	s1 =	srdreg.scid  }
0x8b: {  	s0 =	sand.u32 $0x1, s1  }
0x8c: {  	s16 =	sshll.u32 s0, $0xA;
	s2 =	sadd.s32 s3, s2  }
0x8d: {  	s2 =	sadd.s32 s2, s16  }
0x8e: {  	[smem:$0x3FB6] =	sst s2  }
0x8f: {  	_ = 	snop  }
0x90: {  	(tm) =	ssettm $0x1  }
0x91: {  	s17 =	sld [smem:$0x3FFB];
	_ =	sdelay $0x3  }
0x92: {  	_ =	strace s17  }
0x93: {  	s2 =	sld [smem:$0x3FFC];
	_ =	sdelay $0x3  }
0x94: {  	_ =	strace s2  }
0x95: {  	s2 =	sld [smem:$0x3FFD];
	_ =	sdelay $0x3  }
0x96: {  	_ =	strace s2  }
0x97: {  	_ =	strace $0x8FFFFFFF  }
0x98: {  	s18 =	sld [smem:$0x3FDB];
	_ =	sdelay $0x1  }
0x99: {  	s19 =	simm.s32 $_scs_section_size  }
0x9a: {  	s4 =	simm.s32 $_size__tile_overlayer_lowered;
	s5 =	simm.s32 $_tile_overlayer_lowered  }
0x9b: {  	s22 =	simm.s32 $0x1BFF;
	s21 =	sshll.u32 s5, $0x1;
	s2 =	sadd.s32 s19, s18  }
0x9c: {  	s6 =	simm.s32 $0x0;
	s20 =	sshll.u32 s4, $0x1;
	s4 =	sadd.s32 s21, s2  }
0x9d: {  	[timem:s6], [sflag:s22] =	dma.local [hbm:s4], s20  }
0x9e: {  	_ =	swait.ge [sflag:s22], s20  }
0x9f: {  	s3 =	ssub.s32 $0x0, s20;
	[sflag:s22] =	ssyncset.done $0x0  }
0xa0: {  	[sflag:s22] =	ssyncadd.s32 s3;
	_ =	sdelay $0x1  }
0xa1: {  	s23 =	simm.s32 $0x1B8B  }
0xa2: {  	_ =	swait.ge [sflag:s23], $0x1  }
0xa3: {  	[sflag:s23] =	ssyncset.done $0x0  }
0xa4: {  	s25 =	simm.s32 $0x1B8E;
	s24 =	sld [smem:$0x3FFE];
	[sflag:s23] =	ssyncadd.s32 $0xFFFFFFFF  }
0xa5: {  	s26 =	simm.s32 $execute0_lowered;
	[smem:$0x3FD2] =	sst s25  }
0xa6: {  	s4 =	sshll.u32 s26, $0x1;
	_ =	strace $0x80000049;
	[dreg:$0x1] =	wrdreg $0xFFFFFFFF  }
0xa7: {  	s28 =	simm.s32 $_size_execute0_lowered;
	s2 =	sadd.s32 s2, s4;
	[dreg:$0x0] =	wrdreg $0x0  }
0xa8: {  	s4 =	sshll.u32 s28, $0x1;
	[dreg:$0x2] =	wrdreg s2  }
0xa9: {  	[dreg:$0x3] =	wrdreg s4  }
0xaa: {  	[dreg:$0x4] =	wrdreg $0xC0  }
0xab: {  	_ =	task [dreg:s6], $0x5FFFF  }
0xac: {  	[dreg:$0x1] =	wrdreg $0xFFFFFFFF  }
0xad: {  	[dreg:$0x0] =	wrdreg $0x60  }
0xae: {  	[dreg:$0x2] =	wrdreg s24  }
0xaf: {  	[dreg:$0x3] =	wrdreg $0x9  }
0xb0: {  	_ =	task.clear_ibuf [dreg:s6], $0x4FFFF;
	_ =	strace $0x90000049  }
0xb1: {  	s29 =	simm.s32 $0x9;
	_ =	strace $0x8000004B  }
0xb2: {  	_ =	swait.ge [sflag:s29], $0x1  }
0xb3: {  	[sflag:s29] =	ssyncadd.s32 $0xFFFFFFFF  }
0xb4: {  	_ =	strace $0x9000004B  }
0xb5: {  	_ =	sfence  }
0xb6: {  	s30 =	sld [smem:$0x0];
	_ =	sdelay $0x2  }
0xb7: {  	s31 =	sshll.u32 s1, $0xD;
	s1 =	sshrl.u32 s1, $0x2  }
0xb8: {  	s3 =	sand.u32 $0x4000, s31;
	s1 =	sadd.s32 s1, s30  }
0xb9: {  	s0 =	sor.u32 s3, s0;
	s1 =	sshll.u32 s1, $0x11  }
0xba: {  	s0 =	sor.u32 s1, s0  }
0xbb: {  	s0 =	sadd.s32 $0x8F2B, s0  }
0xbc: {  	[sflag:s0] =	ssyncadd.remote.s32 $0x1  }
0xbd: {  	_ =	sfence.sel $0xFFFF  }
0xbe: {  	[dreg:$0x0] =	wrdreg $0xFFFFFFFF;
	(pc) =	sbr.abs _section_cstart, $3  }
0xbf: {  	[dreg:$0x1] =	wrdreg $0xFFFFFFFF  }
0xc0: {  	_ =	task.clear_ibuf [dreg:s6], $0x2FFFF;
	_ =	strace $0x9FFFFFFF  }
0xc1: {  	(tm) =	ssettm $0x7FFFFFFF  }
tec
execute0_lowered:
.L_overlay_start_1:
0x0: {  	(tag) =	ssettag $0x1  }
0x1: {  	s0 =	srdreg.scid  }
0x2: {  	s3 =	sand.u32 $0x1, s0  }
0x3: {  	s17 =	stileid.u32;
	s0 =	sshll.u32 s3, $0x4  }
0x4: {  	s4 =	sand.u32 $0x7, s17;
	s0 =	sor.u32 s17, s0  }
0x5: {  	p1 =	sne.s32 s4, $0x0;
	p0 =	seq.s32 s0, $0x0  }
0x6: {  	p0 =	por !p1, !p0  }
0x7: {  	s1 =	simm.s32 $0x1;
	p0 =	por !p0, !p0  }
0x8: {  	s7 =	sor.u32 $0x8, s17;
	s0 =	sshrl.u32 s0, $0x3;
	s1 =	simm.s32 @!p0 $0x0  }
0x9: {  	s3 =	ssub.s32 $0x2, s3;
	s1 =	ssub.s32 s0, s1;
	s0 =	rddreg [dreg:$0x0]  }
0xa: {  	s13 =	sshrl.u32 s3, $0x1;
	s9 =	sadd.s32 $0xF9200, s0;
	s2 =	sadd.s32 $0xF200, s0  }
0xb: {  	s5 =	sshll.u32 s1, $0x5;
	s12 =	sadd.s32 $0x16E200, s0;
	s15 =	sadd.s32 $0x16EA00, s0  }
0xc: {  	s19 =	sshll.u32 s1, $0x6;
	s1 =	sshll.u32 s1, $0xC;
	s6 =	sor.u32 s4, s5  }
0xd: {  	s10 =	sor.u32 s7, s5;
	s7 =	sor.u32 s7, s19;
	s8 =	smul.u32 $0x7500, s6  }
0xe: {  	s1 =	sand.u32 $0x1FFFF000, s1;
	s11 =	smul.u32 $0x7500, s10;
	s23 =	sshll.u32 s6, $0xC  }
0xf: {  	s6 =	sor.u32 $0x10, s4;
	s10 =	sshll.u32 s10, $0xC;
	s4 =	sor.u32 s4, s19  }
0x10: {  	s24 =	sor.u32 s6, s5;
	s10 =	sand.u32 $0x1FFEF000, s10;
	s14 =	sshrl.u32 s8, $0x3  }
0x11: {  	s8 =	ssub.s32 s3, s13;
	s22 =	sshrl.u32 s11, $0x3;
	s13 =	sor.u32 $0x18, s17  }
0x12: {  	s25 =	smul.u32 $0x7500, s24;
	s26 =	sadd.s32 s12, s10;
	s10 =	sadd.s32 s10, s15  }
0x13: {  	s20 =	sshll.u32 s24, $0xC;
	s21 =	sadd.s32 s9, s14;
	[dreg:$0x5] =	wrdreg s26  }
0x14: {  	s3 =	sadd.s32 s9, s22;
	s5 =	sor.u32 s13, s5;
	[dreg:$0x7] =	wrdreg s10  }
0x15: {  	s10 =	sor.u32 s13, s19;
	s13 =	sor.u32 $0x20, s4;
	[dreg:$0x2] =	wrdreg s21  }
0x16: {  	s8 =	smax.u32 s8, $0x1;
	[dreg:$0x3] =	wrdreg s3;
	s16 =	smul.u32 $0x7500, s5  }
0x17: {  	s3 =	sand.u32 $0x1FFE7000, s23;
	s14 =	sshrl.u32 s25, $0x3;
	s21 =	smul.u32 $0x7500, s4  }
0x18: {  	s5 =	sshll.u32 s5, $0xC;
	s25 =	smul.u32 $0x7500, s7;
	s18 =	sadd.s32 s12, s3  }
0x19: {  	s3 =	sadd.s32 s3, s15;
	s5 =	sand.u32 $0x1FFFF000, s5;
	[dreg:$0x4] =	wrdreg s18  }
0x1a: {  	[dreg:$0x6] =	wrdreg s3;
	s16 =	sshrl.u32 s16, $0x3;
	s3 =	sadd.s32 s9, s14  }
0x1b: {  	s23 =	sadd.s32 s12, s5;
	s24 =	sshrl.u32 s21, $0x3;
	[dreg:$0x8] =	wrdreg s3  }
0x1c: {  	s5 =	sadd.s32 s5, s15;
	s14 =	smul.u32 $0x7500, s13;
	[dreg:$0xb] =	wrdreg s23  }
0x1d: {  	s18 =	sadd.s32 s9, s16;
	s9 =	sand.u32 $0x1FFF7000, s20;
	[dreg:$0xd] =	wrdreg s5  }
0x1e: {  	s26 =	sadd.s32 s2, s24;
	s5 =	sor.u32 s6, s19;
	s3 =	sor.u32 s19, s17  }
0x1f: {  	[dreg:$0x9] =	wrdreg s18;
	s22 =	sadd.s32 s12, s9;
	s11 =	smul.u32 $0x7500, s5  }
0x20: {  	s9 =	sadd.s32 s9, s15;
	[dreg:$0xe] =	wrdreg s26;
	s12 =	smul.u32 $0x7500, s10  }
0x21: {  	s15 =	sor.u32 $0x28, s3;
	s18 =	sor.u32 $0x30, s4;
	s3 =	sor.u32 $0x38, s3  }
0x22: {  	s26 =	sshll.u32 s7, $0xC;
	[dreg:$0xa] =	wrdreg s22;
	s17 =	smul.u32 $0x7500, s15  }
0x23: {  	s7 =	sadd.s32 s1, s0;
	[dreg:$0xc] =	wrdreg s9;
	s20 =	smul.u32 $0x7500, s18  }
0x24: {  	s9 =	sshrl.u32 s25, $0x3;
	s21 =	smul.u32 $0x7500, s3;
	s25 =	sshll.u32 s4, $0xC  }
0x25: {  	s1 =	sand.u32 $0x1FFCF000, s26;
	s4 =	sshll.u32 s5, $0xC;
	s5 =	sshll.u32 s10, $0xC  }
0x26: {  	s16 =	sshll.u32 s18, $0xC;
	s3 =	sshll.u32 s3, $0xC;
	s7 =	sadd.s32 $0xB200, s7  }
0x27: {  	s6 =	sadd.s32 s2, s9;
	s9 =	sshrl.u32 s11, $0x3;
	s11 =	sshrl.u32 s12, $0x3  }
0x28: {  	s10 =	sand.u32 $0x1FFD7000, s4;
	s12 =	sshll.u32 s13, $0xC;
	s18 =	sand.u32 $0x1FFFF000, s3  }
0x29: {  	s13 =	simm.s32 $0x1AA20;
	[dreg:$0xf] =	wrdreg s6;
	s9 =	sadd.s32 s2, s9  }
0x2a: {  	s6 =	sshrl.u32 s14, $0x3;
	s11 =	sadd.s32 s2, s11;
	s22 =	sshrl.u32 s17, $0x3  }
0x2b: {  	s23 =	sshrl.u32 s20, $0x3;
	s24 =	sshrl.u32 s21, $0x3;
	s21 =	simm.s32 $0x0  }
0x2c: {  	s14 =	sshll.u32 s15, $0xC;
	s17 =	sand.u32 $0x1FFF7000, s16;
	[dreg:$0x10] =	wrdreg s9  }
0x2d: {  	[dreg:$0x11] =	wrdreg s11;
	s6 =	sadd.s32 s2, s6;
	s19 =	sadd.s32 s2, s23  }
0x2e: {  	s20 =	sadd.s32 s2, s24;
	[smem:$0x7FF] =	sst s21;
	s9 =	sadd.s32 $0x1EEA00, s0  }
0x2f: {  	s11 =	sand.u32 $0x1FFDF000, s5;
	[dreg:$0x12] =	wrdreg s6;
	s6 =	sadd.s32 s2, s22  }
0x30: {  	s2 =	sand.u32 $0x1FFC7000, s25;
	s25 =	sadd.s32 s1, s9;
	s28 =	sadd.s32 s10, s9  }
0x31: {  	s30 =	sadd.s32 s11, s9;
	s5 =	sadd.s32 s17, s9;
	[dreg:$0x13] =	wrdreg s6  }
0x32: {  	s6 =	sadd.s32 $0x1EE200, s0;
	s23 =	sadd.s32 s2, s9;
	s0 =	sand.u32 $0x1FFE7000, s12  }
0x33: {  	s12 =	simm.s32 $0x16A20;
	s22 =	sadd.s32 s6, s2;
	s24 =	sadd.s32 s6, s1  }
0x34: {  	s26 =	sadd.s32 s6, s10;
	s29 =	sadd.s32 s6, s11;
	s2 =	sand.u32 $0x1FFEF000, s14  }
0x35: {  	s31 =	sadd.s32 s6, s0;
	s0 =	sadd.s32 s0, s9;
	s3 =	sadd.s32 s6, s17  }
0x36: {  	s4 =	sadd.s32 s6, s18;
	_ =	strace $0x8000004A;
	s10 =	simm.s32 $0x8000  }
0x37: {  	s11 =	simm.s32 $0xF510;
	s14 =	simm.s32 $0x0;
	s1 =	sadd.s32 s6, s2  }
0x38: {  	v0 =	vimm.f32 $0.0e+00;
	s2 =	sadd.s32 s2, s9;
	s6 =	sadd.s32 s18, s9;
	s9 =	simm.s32 $0x1  }
.LBB2_1:
0x39: {  	[tilespmem:s21], [sflag:$0x1] =	stream.linear.gather [hbm4b:s7+s21], $0x8000, $0x38;
	[tilespmem:$0x1EA20] =	vst v63  }
0x3a: {  	_ =	swait.ge [sflag:s9], $0x8000  }
0x3b: {  	[sflag:s9] =	ssyncset.done $0x0  }
0x3c: {  	s15 =	rddreg [dreg:$0x2];
	[sflag:s9] =	ssyncadd.s32 $0xFFFF8000  }
0x3d: {  	[tilespmem:s10], [sflag:$0x1] =	stream.linear.gather [hbm4b:s15+s21], $0x7500, $0x38;
	[tilespmem:$0x1EA20] =	vst v63  }
0x3e: {  	_ =	swait.ge [sflag:s9], $0x7500  }
0x3f: {  	[sflag:s9] =	ssyncset.done $0x0  }
0x40: {  	[sflag:s9] =	ssyncadd.s32 $0xFFFF8B00  }
0x41: {  	s18 =	rddreg [dreg:$0x3];
	[tilespmem:$0xF500] =	vst v0  }
0x42: {  	[tilespmem:s11], [sflag:$0x1] =	stream.linear.gather [hbm4b:s18+s21], $0x7500, $0x38;
	[tilespmem:$0x1EA20] =	vst v63  }
0x43: {  	_ =	swait.ge [sflag:s9], $0x7500  }
0x44: {  	[sflag:s9] =	ssyncset.done $0x0  }
0x45: {  	[sflag:s9] =	ssyncadd.s32 $0xFFFF8B00  }
0x46: {  	s15 =	simm.s32 $0x0;
	[tilespmem:$0x16A10] =	vst v0  }
0x47: {  	v1 =	vld [tilespmem:s15+$0x70];
	_ =	sdelay $0x1  }
0x48: {  	v2 =	vld [tilespmem:s15+$0x0]  }
0x49: {  	v3 =	vld [tilespmem:s15+$0x10]  }
0x4a: {  	v4 =	vld [tilespmem:s15+$0x20]  }
0x4b: {  	v5 =	vld [tilespmem:s15+$0x30]  }
0x4c: {  	v6 =	vld [tilespmem:s15+$0x40]  }
0x4d: {  	v7 =	vld [tilespmem:s15+$0x50]  }
0x4e: {  	v9 =	vld.idx.msk [tilespmem:v1+s10+$0x0], $0xffff  }
0x4f: {  	v8 =	vld [tilespmem:s15+$0x60];
	v1 =	vadd.s32 $0x7510, v1  }
0x50: {  	v10 =	vld.idx.msk [tilespmem:v2+s10+$0x0], $0xffff  }
0x51: {  	v11 =	vld.idx.msk [tilespmem:v3+s10+$0x0], $0xffff  }
0x52: {  	v12 =	vld.idx.msk [tilespmem:v4+s10+$0x0], $0xffff  }
0x53: {  	v2 =	vadd.s32 $0x7510, v2;
	v13 =	vld.idx.msk [tilespmem:v5+s10+$0x0], $0xffff;
	[tilespmem:s15+$0x16A90] =	vst v9  }
0x54: {  	v3 =	vadd.s32 $0x7510, v3;
	v1 =	vld.idx.msk [tilespmem:v1+s10+$0x0], $0xffff  }
0x55: {  	v15 =	vadd.s32 $0x7510, v4;
	v14 =	vld.idx.msk [tilespmem:v6+s10+$0x0], $0xffff  }
0x56: {  	v16 =	vld.idx.msk [tilespmem:v7+s10+$0x0], $0xffff;
	v5 =	vadd.s32 $0x7510, v5;
	[tilespmem:s15+$0x16A20] =	vst v10  }
0x57: {  	v6 =	vadd.s32 $0x7510, v6;
	v63 =	vld.idx.msk [tilespmem:v8+s10+$0x0], $0xffff;
	[tilespmem:s15+$0x16A30] =	vst v11  }
0x58: {  	v7 =	vadd.s32 $0x7510, v7;
	[tilespmem:s15+$0x16A40] =	vst v12;
	v4 =	vld.idx.msk [tilespmem:v2+s10+$0x0], $0xffff  }
0x59: {  	v2 =	vld.idx.msk [tilespmem:v3+s10+$0x0], $0xffff;
	[tilespmem:s15+$0x1AA90] =	vst v1;
	v1 =	vadd.s32 $0x7510, v8  }
0x5a: {  	[tilespmem:s15+$0x16A50] =	vst v13;
	v3 =	vld.idx.msk [tilespmem:v15+s10+$0x0], $0xffff  }
0x5b: {  	[tilespmem:s15+$0x16A60] =	vst v14;
	v5 =	vld.idx.msk [tilespmem:v5+s10+$0x0], $0xffff  }
0x5c: {  	[tilespmem:s15+$0x16A70] =	vst v16;
	v6 =	vld.idx.msk [tilespmem:v6+s10+$0x0], $0xffff  }
0x5d: {  	s16 =	simm.s32 $0x0;
	s17 =	simm.s32 $0x200;
	[tilespmem:s15+$0x16A80] =	vst v63;
	v7 =	vld.idx.msk [tilespmem:v7+s10+$0x0], $0xffff  }
.LBB2_2:
0x5e: {  	s18 =	sshra.s32 s17, $0x2;
	s16 =	sadd.s32 $0x8, s16;
	[tilespmem:s15+$0x1AA20] =	vst v4;
	v1 =	vld.idx.msk [tilespmem:v1+s10+$0x0], $0xffff  }
0x5f: {  	v4 =	vld [tilespmem:s18+$0x70];
	p0 =	slt.u32 s16, $0x3F8;
	[tilespmem:s15+$0x1AA30] =	vst v2  }
0x60: {  	v2 =	vld [tilespmem:s18+$0x0];
	[tilespmem:s15+$0x1AA40] =	vst v3  }
0x61: {  	v3 =	vld [tilespmem:s18+$0x10];
	[tilespmem:s15+$0x1AA50] =	vst v5  }
0x62: {  	v5 =	vld [tilespmem:s18+$0x20];
	[tilespmem:s15+$0x1AA60] =	vst v6  }
0x63: {  	v6 =	vld [tilespmem:s18+$0x30];
	[tilespmem:s15+$0x1AA70] =	vst v7  }
0x64: {  	v7 =	vld [tilespmem:s18+$0x40];
	[tilespmem:s15+$0x1AA80] =	vst v1;
	s15 =	smov.u32 s18  }
0x65: {  	v8 =	vadd.s32 $0x7510, v2;
	v9 =	vld [tilespmem:s15+$0x50]  }
0x66: {  	v10 =	vadd.s32 $0x7510, v3;
	v11 =	vld [tilespmem:s15+$0x60]  }
0x67: {  	v12 =	vadd.s32 $0x7510, v5;
	v13 =	vld.idx.msk [tilespmem:v4+s10+$0x0], $0xffff  }
0x68: {  	v2 =	vld.idx.msk [tilespmem:v2+s10+$0x0], $0xffff;
	v14 =	vadd.s32 $0x7510, v6  }
0x69: {  	v4 =	vadd.s32 $0x7510, v4;
	v3 =	vld.idx.msk [tilespmem:v3+s10+$0x0], $0xffff;
	v15 =	vadd.s32 $0x7510, v7  }
0x6a: {  	v5 =	vld.idx.msk [tilespmem:v5+s10+$0x0], $0xffff;
	v16 =	vadd.s32 $0x7510, v9  }
0x6b: {  	v6 =	vld.idx.msk [tilespmem:v6+s10+$0x0], $0xffff;
	v1 =	vadd.s32 $0x7510, v11  }
0x6c: {  	v7 =	vld.idx.msk [tilespmem:v7+s10+$0x0], $0xffff  }
0x6d: {  	v9 =	vld.idx.msk [tilespmem:v9+s10+$0x0], $0xffff;
	[tilespmem:s15+$0x16A90] =	vst v13  }
0x6e: {  	[tilespmem:s15+$0x16A20] =	vst v2;
	v13 =	vld.idx.msk [tilespmem:v4+s10+$0x0], $0xffff  }
0x6f: {  	[tilespmem:s15+$0x16A30] =	vst v3;
	v11 =	vld.idx.msk [tilespmem:v11+s10+$0x0], $0xffff  }
0x70: {  	v4 =	vld.idx.msk [tilespmem:v8+s10+$0x0], $0xffff;
	[tilespmem:s15+$0x16A40] =	vst v5  }
.Ltmp0:
0x71: {  	v2 =	vld.idx.msk [tilespmem:v10+s10+$0x0], $0xffff;
	[tilespmem:s15+$0x16A50] =	vst v6;
	(pc) =	sbr.rel @p0 .LBB2_2-.Ltmp0, $4  }
0x72: {  	v3 =	vld.idx.msk [tilespmem:v12+s10+$0x0], $0xffff;
	[tilespmem:s15+$0x16A60] =	vst v7  }
0x73: {  	v5 =	vld.idx.msk [tilespmem:v14+s10+$0x0], $0xffff;
	[tilespmem:s15+$0x16A70] =	vst v9  }
0x74: {  	v6 =	vld.idx.msk [tilespmem:v15+s10+$0x0], $0xffff;
	[tilespmem:s15+$0x1AA90] =	vst v13  }
0x75: {  	s17 =	sadd.s32 $0x200, s17;
	v7 =	vld.idx.msk [tilespmem:v16+s10+$0x0], $0xffff;
	[tilespmem:s15+$0x16A80] =	vst v11  }
0x76: {  	_ =	sdelay $0x2  }
0x77: {  	[tilespmem:s15+$0x1AA20] =	vst v4  }
0x78: {  	v1 =	vld.idx.msk [tilespmem:v1+s10+$0x0], $0xffff;
	[tilespmem:s15+$0x1AA30] =	vst v2  }
0x79: {  	[tilespmem:s15+$0x1AA40] =	vst v3  }
0x7a: {  	[tilespmem:s15+$0x1AA50] =	vst v5  }
0x7b: {  	[tilespmem:s15+$0x1AA60] =	vst v6  }
0x7c: {  	[tilespmem:s15+$0x1AA70] =	vst v7  }
0x7d: {  	[tilespmem:s15+$0x1AA80] =	vst v1  }
0x7e: {  	s17 =	simm.s32 $0x0;
	s16 =	rddreg [dreg:$0x4]  }
0x7f: {  	[hbm4b:s16+s17] =	stream.linear.scatter [tilespmem:s12], [sflag:$0x1], $0x4000, $0x38;
	[tilespmem:$0x1EA20] =	vst v63  }
0x80: {  	_ =	swait.ge [sflag:s9], $0x4000  }
0x81: {  	[sflag:s9] =	ssyncset.done $0x0  }
0x82: {  	s18 =	rddreg [dreg:$0x5];
	[sflag:s9] =	ssyncadd.s32 $0xFFFFC000  }
0x83: {  	[hbm4b:s18+s17] =	stream.linear.scatter [tilespmem:s13], [sflag:$0x1], $0x4000, $0x38;
	[tilespmem:$0x1EA20] =	vst v63  }
0x84: {  	_ =	swait.ge [sflag:s9], $0x4000  }
0x85: {  	[sflag:s9] =	ssyncset.done $0x0  }
0x86: {  	s15 =	simm.s32 $0x0;
	[sflag:s9] =	ssyncadd.s32 $0xFFFFC000  }
0x87: {  	v1 =	vld [tilespmem:s15+$0x4070];
	_ =	sdelay $0x1  }
0x88: {  	v2 =	vld [tilespmem:s15+$0x4000]  }
0x89: {  	v3 =	vld [tilespmem:s15+$0x4010]  }
0x8a: {  	v4 =	vld [tilespmem:s15+$0x4020]  }
0x8b: {  	v5 =	vld [tilespmem:s15+$0x4030]  }
0x8c: {  	v6 =	vld [tilespmem:s15+$0x4040]  }
0x8d: {  	v7 =	vld [tilespmem:s15+$0x4050]  }
0x8e: {  	v9 =	vld.idx.msk [tilespmem:v1+s10+$0x0], $0xffff  }
0x8f: {  	v8 =	vld [tilespmem:s15+$0x4060];
	v1 =	vadd.s32 $0x7510, v1  }
0x90: {  	v10 =	vld.idx.msk [tilespmem:v2+s10+$0x0], $0xffff  }
0x91: {  	v11 =	vld.idx.msk [tilespmem:v3+s10+$0x0], $0xffff  }
0x92: {  	v12 =	vld.idx.msk [tilespmem:v4+s10+$0x0], $0xffff  }
0x93: {  	v2 =	vadd.s32 $0x7510, v2;
	v13 =	vld.idx.msk [tilespmem:v5+s10+$0x0], $0xffff;
	[tilespmem:s15+$0x16A90] =	vst v9  }
0x94: {  	v3 =	vadd.s32 $0x7510, v3;
	v1 =	vld.idx.msk [tilespmem:v1+s10+$0x0], $0xffff  }
0x95: {  	v15 =	vadd.s32 $0x7510, v4;
	v14 =	vld.idx.msk [tilespmem:v6+s10+$0x0], $0xffff  }
0x96: {  	v16 =	vld.idx.msk [tilespmem:v7+s10+$0x0], $0xffff;
	v5 =	vadd.s32 $0x7510, v5;
	[tilespmem:s15+$0x16A20] =	vst v10  }
0x97: {  	v6 =	vadd.s32 $0x7510, v6;
	v63 =	vld.idx.msk [tilespmem:v8+s10+$0x0], $0xffff;
	[tilespmem:s15+$0x16A30] =	vst v11  }
0x98: {  	v7 =	vadd.s32 $0x7510, v7;
	[tilespmem:s15+$0x16A40] =	vst v12;
	v4 =	vld.idx.msk [tilespmem:v2+s10+$0x0], $0xffff  }
0x99: {  	v2 =	vld.idx.msk [tilespmem:v3+s10+$0x0], $0xffff;
	[tilespmem:s15+$0x1AA90] =	vst v1;
	v1 =	vadd.s32 $0x7510, v8  }
0x9a: {  	[tilespmem:s15+$0x16A50] =	vst v13;
	v3 =	vld.idx.msk [tilespmem:v15+s10+$0x0], $0xffff  }
0x9b: {  	[tilespmem:s15+$0x16A60] =	vst v14;
	v5 =	vld.idx.msk [tilespmem:v5+s10+$0x0], $0xffff  }
0x9c: {  	[tilespmem:s15+$0x16A70] =	vst v16;
	v6 =	vld.idx.msk [tilespmem:v6+s10+$0x0], $0xffff  }
0x9d: {  	s16 =	simm.s32 $0x0;
	s17 =	simm.s32 $0x200;
	[tilespmem:s15+$0x16A80] =	vst v63;
	v7 =	vld.idx.msk [tilespmem:v7+s10+$0x0], $0xffff  }
.LBB2_4:
0x9e: {  	s18 =	sshra.s32 s17, $0x2;
	s16 =	sadd.s32 $0x8, s16;
	[tilespmem:s15+$0x1AA20] =	vst v4;
	v1 =	vld.idx.msk [tilespmem:v1+s10+$0x0], $0xffff  }
0x9f: {  	v4 =	vld [tilespmem:s18+$0x4070];
	p0 =	slt.u32 s16, $0x3F8;
	[tilespmem:s15+$0x1AA30] =	vst v2  }
0xa0: {  	v2 =	vld [tilespmem:s18+$0x4000];
	[tilespmem:s15+$0x1AA40] =	vst v3  }
0xa1: {  	v3 =	vld [tilespmem:s18+$0x4010];
	[tilespmem:s15+$0x1AA50] =	vst v5  }
0xa2: {  	v5 =	vld [tilespmem:s18+$0x4020];
	[tilespmem:s15+$0x1AA60] =	vst v6  }
0xa3: {  	v6 =	vld [tilespmem:s18+$0x4030];
	[tilespmem:s15+$0x1AA70] =	vst v7  }
0xa4: {  	v7 =	vld [tilespmem:s18+$0x4040];
	[tilespmem:s15+$0x1AA80] =	vst v1;
	s15 =	smov.u32 s18  }
0xa5: {  	v8 =	vadd.s32 $0x7510, v2;
	v9 =	vld [tilespmem:s15+$0x4050]  }
0xa6: {  	v10 =	vadd.s32 $0x7510, v3;
	v11 =	vld [tilespmem:s15+$0x4060]  }
0xa7: {  	v12 =	vadd.s32 $0x7510, v5;
	v13 =	vld.idx.msk [tilespmem:v4+s10+$0x0], $0xffff  }
0xa8: {  	v2 =	vld.idx.msk [tilespmem:v2+s10+$0x0], $0xffff;
	v14 =	vadd.s32 $0x7510, v6  }
0xa9: {  	v4 =	vadd.s32 $0x7510, v4;
	v3 =	vld.idx.msk [tilespmem:v3+s10+$0x0], $0xffff;
	v15 =	vadd.s32 $0x7510, v7  }
0xaa: {  	v5 =	vld.idx.msk [tilespmem:v5+s10+$0x0], $0xffff;
	v16 =	vadd.s32 $0x7510, v9  }
0xab: {  	v6 =	vld.idx.msk [tilespmem:v6+s10+$0x0], $0xffff;
	v1 =	vadd.s32 $0x7510, v11  }
0xac: {  	v7 =	vld.idx.msk [tilespmem:v7+s10+$0x0], $0xffff  }
0xad: {  	v9 =	vld.idx.msk [tilespmem:v9+s10+$0x0], $0xffff;
	[tilespmem:s15+$0x16A90] =	vst v13  }
0xae: {  	[tilespmem:s15+$0x16A20] =	vst v2;
	v13 =	vld.idx.msk [tilespmem:v4+s10+$0x0], $0xffff  }
0xaf: {  	[tilespmem:s15+$0x16A30] =	vst v3;
	v11 =	vld.idx.msk [tilespmem:v11+s10+$0x0], $0xffff  }
0xb0: {  	v4 =	vld.idx.msk [tilespmem:v8+s10+$0x0], $0xffff;
	[tilespmem:s15+$0x16A40] =	vst v5  }
.Ltmp1:
0xb1: {  	v2 =	vld.idx.msk [tilespmem:v10+s10+$0x0], $0xffff;
	[tilespmem:s15+$0x16A50] =	vst v6;
	(pc) =	sbr.rel @p0 .LBB2_4-.Ltmp1, $4  }
0xb2: {  	v3 =	vld.idx.msk [tilespmem:v12+s10+$0x0], $0xffff;
	[tilespmem:s15+$0x16A60] =	vst v7  }
0xb3: {  	v5 =	vld.idx.msk [tilespmem:v14+s10+$0x0], $0xffff;
	[tilespmem:s15+$0x16A70] =	vst v9  }
0xb4: {  	v6 =	vld.idx.msk [tilespmem:v15+s10+$0x0], $0xffff;
	[tilespmem:s15+$0x1AA90] =	vst v13  }
0xb5: {  	s17 =	sadd.s32 $0x200, s17;
	v7 =	vld.idx.msk [tilespmem:v16+s10+$0x0], $0xffff;
	[tilespmem:s15+$0x16A80] =	vst v11  }
0xb6: {  	_ =	sdelay $0x2  }
0xb7: {  	[tilespmem:s15+$0x1AA20] =	vst v4  }
0xb8: {  	v1 =	vld.idx.msk [tilespmem:v1+s10+$0x0], $0xffff;
	[tilespmem:s15+$0x1AA30] =	vst v2  }
0xb9: {  	[tilespmem:s15+$0x1AA40] =	vst v3  }
0xba: {  	[tilespmem:s15+$0x1AA50] =	vst v5  }
0xbb: {  	[tilespmem:s15+$0x1AA60] =	vst v6  }
0xbc: {  	[tilespmem:s15+$0x1AA70] =	vst v7  }
0xbd: {  	[tilespmem:s15+$0x1AA80] =	vst v1  }
0xbe: {  	s15 =	simm.s32 $0x0;
	s16 =	rddreg [dreg:$0x6]  }
0xbf: {  	[hbm4b:s16+s15] =	stream.linear.scatter [tilespmem:s12], [sflag:$0x1], $0x4000, $0x38;
	[tilespmem:$0x1EA20] =	vst v63  }
0xc0: {  	_ =	swait.ge [sflag:s9], $0x4000  }
0xc1: {  	[sflag:s9] =	ssyncset.done $0x0  }
0xc2: {  	s18 =	rddreg [dreg:$0x7];
	[sflag:s9] =	ssyncadd.s32 $0xFFFFC000  }
0xc3: {  	[hbm4b:s18+s15] =	stream.linear.scatter [tilespmem:s13], [sflag:$0x1], $0x4000, $0x38;
	[tilespmem:$0x1EA20] =	vst v63  }
0xc4: {  	_ =	swait.ge [sflag:s9], $0x4000  }
0xc5: {  	[sflag:s9] =	ssyncset.done $0x0  }
0xc6: {  	s17 =	rddreg [dreg:$0x8];
	[sflag:s9] =	ssyncadd.s32 $0xFFFFC000  }
0xc7: {  	[tilespmem:s10], [sflag:$0x1] =	stream.linear.gather [hbm4b:s17+s15], $0x7500, $0x38;
	[tilespmem:$0x1EA20] =	vst v63  }
0xc8: {  	_ =	swait.ge [sflag:s9], $0x7500  }
0xc9: {  	[sflag:s9] =	ssyncset.done $0x0  }
0xca: {  	[sflag:s9] =	ssyncadd.s32 $0xFFFF8B00  }
0xcb: {  	s18 =	rddreg [dreg:$0x9];
	[tilespmem:$0xF500] =	vst v0  }
0xcc: {  	[tilespmem:s11], [sflag:$0x1] =	stream.linear.gather [hbm4b:s18+s15], $0x7500, $0x38;
	[tilespmem:$0x1EA20] =	vst v63  }
0xcd: {  	_ =	swait.ge [sflag:s9], $0x7500  }
0xce: {  	[sflag:s9] =	ssyncset.done $0x0  }
0xcf: {  	[sflag:s9] =	ssyncadd.s32 $0xFFFF8B00  }
0xd0: {  	s15 =	simm.s32 $0x0;
	[tilespmem:$0x16A10] =	vst v0  }
0xd1: {  	v1 =	vld [tilespmem:s15+$0x70];
	_ =	sdelay $0x1  }
0xd2: {  	v2 =	vld [tilespmem:s15+$0x0]  }
0xd3: {  	v3 =	vld [tilespmem:s15+$0x10]  }
0xd4: {  	v4 =	vld [tilespmem:s15+$0x20]  }
0xd5: {  	v5 =	vld [tilespmem:s15+$0x30]  }
0xd6: {  	v6 =	vld [tilespmem:s15+$0x40]  }
0xd7: {  	v7 =	vld [tilespmem:s15+$0x50]  }
0xd8: {  	v9 =	vld.idx.msk [tilespmem:v1+s10+$0x0], $0xffff  }
0xd9: {  	v8 =	vld [tilespmem:s15+$0x60];
	v1 =	vadd.s32 $0x7510, v1  }
0xda: {  	v10 =	vld.idx.msk [tilespmem:v2+s10+$0x0], $0xffff  }
0xdb: {  	v11 =	vld.idx.msk [tilespmem:v3+s10+$0x0], $0xffff  }
0xdc: {  	v12 =	vld.idx.msk [tilespmem:v4+s10+$0x0], $0xffff  }
0xdd: {  	v2 =	vadd.s32 $0x7510, v2;
	v13 =	vld.idx.msk [tilespmem:v5+s10+$0x0], $0xffff;
	[tilespmem:s15+$0x16A90] =	vst v9  }
0xde: {  	v3 =	vadd.s32 $0x7510, v3;
	v1 =	vld.idx.msk [tilespmem:v1+s10+$0x0], $0xffff  }
0xdf: {  	v15 =	vadd.s32 $0x7510, v4;
	v14 =	vld.idx.msk [tilespmem:v6+s10+$0x0], $0xffff  }
0xe0: {  	v16 =	vld.idx.msk [tilespmem:v7+s10+$0x0], $0xffff;
	v5 =	vadd.s32 $0x7510, v5;
	[tilespmem:s15+$0x16A20] =	vst v10  }
0xe1: {  	v6 =	vadd.s32 $0x7510, v6;
	v63 =	vld.idx.msk [tilespmem:v8+s10+$0x0], $0xffff;
	[tilespmem:s15+$0x16A30] =	vst v11  }
0xe2: {  	v7 =	vadd.s32 $0x7510, v7;
	[tilespmem:s15+$0x16A40] =	vst v12;
	v4 =	vld.idx.msk [tilespmem:v2+s10+$0x0], $0xffff  }
0xe3: {  	v2 =	vld.idx.msk [tilespmem:v3+s10+$0x0], $0xffff;
	[tilespmem:s15+$0x1AA90] =	vst v1;
	v1 =	vadd.s32 $0x7510, v8  }
0xe4: {  	[tilespmem:s15+$0x16A50] =	vst v13;
	v3 =	vld.idx.msk [tilespmem:v15+s10+$0x0], $0xffff  }
0xe5: {  	[tilespmem:s15+$0x16A60] =	vst v14;
	v5 =	vld.idx.msk [tilespmem:v5+s10+$0x0], $0xffff  }
0xe6: {  	[tilespmem:s15+$0x16A70] =	vst v16;
	v6 =	vld.idx.msk [tilespmem:v6+s10+$0x0], $0xffff  }
0xe7: {  	s16 =	simm.s32 $0x0;
	s17 =	simm.s32 $0x200;
	[tilespmem:s15+$0x16A80] =	vst v63;
	v7 =	vld.idx.msk [tilespmem:v7+s10+$0x0], $0xffff  }
.LBB2_6:
0xe8: {  	s18 =	sshra.s32 s17, $0x2;
	s16 =	sadd.s32 $0x8, s16;
	[tilespmem:s15+$0x1AA20] =	vst v4;
	v1 =	vld.idx.msk [tilespmem:v1+s10+$0x0], $0xffff  }
0xe9: {  	v4 =	vld [tilespmem:s18+$0x70];
	p0 =	slt.u32 s16, $0x3F8;
	[tilespmem:s15+$0x1AA30] =	vst v2  }
0xea: {  	v2 =	vld [tilespmem:s18+$0x0];
	[tilespmem:s15+$0x1AA40] =	vst v3  }
0xeb: {  	v3 =	vld [tilespmem:s18+$0x10];
	[tilespmem:s15+$0x1AA50] =	vst v5  }
0xec: {  	v5 =	vld [tilespmem:s18+$0x20];
	[tilespmem:s15+$0x1AA60] =	vst v6  }
0xed: {  	v6 =	vld [tilespmem:s18+$0x30];
	[tilespmem:s15+$0x1AA70] =	vst v7  }
0xee: {  	v7 =	vld [tilespmem:s18+$0x40];
	[tilespmem:s15+$0x1AA80] =	vst v1;
	s15 =	smov.u32 s18  }
0xef: {  	v8 =	vadd.s32 $0x7510, v2;
	v9 =	vld [tilespmem:s15+$0x50]  }
0xf0: {  	v10 =	vadd.s32 $0x7510, v3;
	v11 =	vld [tilespmem:s15+$0x60]  }
0xf1: {  	v12 =	vadd.s32 $0x7510, v5;
	v13 =	vld.idx.msk [tilespmem:v4+s10+$0x0], $0xffff  }
0xf2: {  	v2 =	vld.idx.msk [tilespmem:v2+s10+$0x0], $0xffff;
	v14 =	vadd.s32 $0x7510, v6  }
0xf3: {  	v4 =	vadd.s32 $0x7510, v4;
	v3 =	vld.idx.msk [tilespmem:v3+s10+$0x0], $0xffff;
	v15 =	vadd.s32 $0x7510, v7  }
0xf4: {  	v5 =	vld.idx.msk [tilespmem:v5+s10+$0x0], $0xffff;
	v16 =	vadd.s32 $0x7510, v9  }
0xf5: {  	v6 =	vld.idx.msk [tilespmem:v6+s10+$0x0], $0xffff;
	v1 =	vadd.s32 $0x7510, v11  }
0xf6: {  	v7 =	vld.idx.msk [tilespmem:v7+s10+$0x0], $0xffff  }
0xf7: {  	v9 =	vld.idx.msk [tilespmem:v9+s10+$0x0], $0xffff;
	[tilespmem:s15+$0x16A90] =	vst v13  }
0xf8: {  	[tilespmem:s15+$0x16A20] =	vst v2;
	v13 =	vld.idx.msk [tilespmem:v4+s10+$0x0], $0xffff  }
0xf9: {  	[tilespmem:s15+$0x16A30] =	vst v3;
	v11 =	vld.idx.msk [tilespmem:v11+s10+$0x0], $0xffff  }
0xfa: {  	v4 =	vld.idx.msk [tilespmem:v8+s10+$0x0], $0xffff;
	[tilespmem:s15+$0x16A40] =	vst v5  }
.Ltmp2:
0xfb: {  	v2 =	vld.idx.msk [tilespmem:v10+s10+$0x0], $0xffff;
	[tilespmem:s15+$0x16A50] =	vst v6;
	(pc) =	sbr.rel @p0 .LBB2_6-.Ltmp2, $4  }
0xfc: {  	v3 =	vld.idx.msk [tilespmem:v12+s10+$0x0], $0xffff;
	[tilespmem:s15+$0x16A60] =	vst v7  }
0xfd: {  	v5 =	vld.idx.msk [tilespmem:v14+s10+$0x0], $0xffff;
	[tilespmem:s15+$0x16A70] =	vst v9  }
0xfe: {  	v6 =	vld.idx.msk [tilespmem:v15+s10+$0x0], $0xffff;
	[tilespmem:s15+$0x1AA90] =	vst v13  }
0xff: {  	s17 =	sadd.s32 $0x200, s17;
	v7 =	vld.idx.msk [tilespmem:v16+s10+$0x0], $0xffff;
	[tilespmem:s15+$0x16A80] =	vst v11  }
0x100: {  	_ =	sdelay $0x2  }
0x101: {  	[tilespmem:s15+$0x1AA20] =	vst v4  }
0x102: {  	v1 =	vld.idx.msk [tilespmem:v1+s10+$0x0], $0xffff;
	[tilespmem:s15+$0x1AA30] =	vst v2  }
0x103: {  	[tilespmem:s15+$0x1AA40] =	vst v3  }
0x104: {  	[tilespmem:s15+$0x1AA50] =	vst v5  }
0x105: {  	[tilespmem:s15+$0x1AA60] =	vst v6  }
0x106: {  	[tilespmem:s15+$0x1AA70] =	vst v7  }
0x107: {  	[tilespmem:s15+$0x1AA80] =	vst v1  }
0x108: {  	s17 =	simm.s32 $0x0;
	s16 =	rddreg [dreg:$0xa]  }
0x109: {  	[hbm4b:s16+s17] =	stream.linear.scatter [tilespmem:s12], [sflag:$0x1], $0x4000, $0x38;
	[tilespmem:$0x1EA20] =	vst v63  }
0x10a: {  	_ =	swait.ge [sflag:s9], $0x4000  }
0x10b: {  	[sflag:s9] =	ssyncset.done $0x0  }
0x10c: {  	s18 =	rddreg [dreg:$0xb];
	[sflag:s9] =	ssyncadd.s32 $0xFFFFC000  }
0x10d: {  	[hbm4b:s18+s17] =	stream.linear.scatter [tilespmem:s13], [sflag:$0x1], $0x4000, $0x38;
	[tilespmem:$0x1EA20] =	vst v63  }
0x10e: {  	_ =	swait.ge [sflag:s9], $0x4000  }
0x10f: {  	[sflag:s9] =	ssyncset.done $0x0  }
0x110: {  	s15 =	simm.s32 $0x0;
	[sflag:s9] =	ssyncadd.s32 $0xFFFFC000  }
0x111: {  	v1 =	vld [tilespmem:s15+$0x4070];
	_ =	sdelay $0x1  }
0x112: {  	v2 =	vld [tilespmem:s15+$0x4000]  }
0x113: {  	v3 =	vld [tilespmem:s15+$0x4010]  }
0x114: {  	v4 =	vld [tilespmem:s15+$0x4020]  }
0x115: {  	v5 =	vld [tilespmem:s15+$0x4030]  }
0x116: {  	v6 =	vld [tilespmem:s15+$0x4040]  }
0x117: {  	v7 =	vld [tilespmem:s15+$0x4050]  }
0x118: {  	v9 =	vld.idx.msk [tilespmem:v1+s10+$0x0], $0xffff  }
0x119: {  	v8 =	vld [tilespmem:s15+$0x4060];
	v1 =	vadd.s32 $0x7510, v1  }
0x11a: {  	v10 =	vld.idx.msk [tilespmem:v2+s10+$0x0], $0xffff  }
0x11b: {  	v11 =	vld.idx.msk [tilespmem:v3+s10+$0x0], $0xffff  }
0x11c: {  	v12 =	vld.idx.msk [tilespmem:v4+s10+$0x0], $0xffff  }
0x11d: {  	v2 =	vadd.s32 $0x7510, v2;
	v13 =	vld.idx.msk [tilespmem:v5+s10+$0x0], $0xffff;
	[tilespmem:s15+$0x16A90] =	vst v9  }
0x11e: {  	v3 =	vadd.s32 $0x7510, v3;
	v1 =	vld.idx.msk [tilespmem:v1+s10+$0x0], $0xffff  }
0x11f: {  	v15 =	vadd.s32 $0x7510, v4;
	v14 =	vld.idx.msk [tilespmem:v6+s10+$0x0], $0xffff  }
0x120: {  	v16 =	vld.idx.msk [tilespmem:v7+s10+$0x0], $0xffff;
	v5 =	vadd.s32 $0x7510, v5;
	[tilespmem:s15+$0x16A20] =	vst v10  }
0x121: {  	v6 =	vadd.s32 $0x7510, v6;
	v63 =	vld.idx.msk [tilespmem:v8+s10+$0x0], $0xffff;
	[tilespmem:s15+$0x16A30] =	vst v11  }
0x122: {  	v7 =	vadd.s32 $0x7510, v7;
	[tilespmem:s15+$0x16A40] =	vst v12;
	v4 =	vld.idx.msk [tilespmem:v2+s10+$0x0], $0xffff  }
0x123: {  	v2 =	vld.idx.msk [tilespmem:v3+s10+$0x0], $0xffff;
	[tilespmem:s15+$0x1AA90] =	vst v1;
	v1 =	vadd.s32 $0x7510, v8  }
0x124: {  	[tilespmem:s15+$0x16A50] =	vst v13;
	v3 =	vld.idx.msk [tilespmem:v15+s10+$0x0], $0xffff  }
0x125: {  	[tilespmem:s15+$0x16A60] =	vst v14;
	v5 =	vld.idx.msk [tilespmem:v5+s10+$0x0], $0xffff  }
0x126: {  	[tilespmem:s15+$0x16A70] =	vst v16;
	v6 =	vld.idx.msk [tilespmem:v6+s10+$0x0], $0xffff  }
0x127: {  	s16 =	simm.s32 $0x0;
	s17 =	simm.s32 $0x200;
	[tilespmem:s15+$0x16A80] =	vst v63;
	v7 =	vld.idx.msk [tilespmem:v7+s10+$0x0], $0xffff  }
.LBB2_8:
0x128: {  	s18 =	sshra.s32 s17, $0x2;
	s16 =	sadd.s32 $0x8, s16;
	[tilespmem:s15+$0x1AA20] =	vst v4;
	v1 =	vld.idx.msk [tilespmem:v1+s10+$0x0], $0xffff  }
0x129: {  	v4 =	vld [tilespmem:s18+$0x4070];
	p0 =	slt.u32 s16, $0x3F8;
	[tilespmem:s15+$0x1AA30] =	vst v2  }
0x12a: {  	v2 =	vld [tilespmem:s18+$0x4000];
	[tilespmem:s15+$0x1AA40] =	vst v3  }
0x12b: {  	v3 =	vld [tilespmem:s18+$0x4010];
	[tilespmem:s15+$0x1AA50] =	vst v5  }
0x12c: {  	v5 =	vld [tilespmem:s18+$0x4020];
	[tilespmem:s15+$0x1AA60] =	vst v6  }
0x12d: {  	v6 =	vld [tilespmem:s18+$0x4030];
	[tilespmem:s15+$0x1AA70] =	vst v7  }
0x12e: {  	v7 =	vld [tilespmem:s18+$0x4040];
	[tilespmem:s15+$0x1AA80] =	vst v1;
	s15 =	smov.u32 s18  }
0x12f: {  	v8 =	vadd.s32 $0x7510, v2;
	v9 =	vld [tilespmem:s15+$0x4050]  }
0x130: {  	v10 =	vadd.s32 $0x7510, v3;
	v11 =	vld [tilespmem:s15+$0x4060]  }
0x131: {  	v12 =	vadd.s32 $0x7510, v5;
	v13 =	vld.idx.msk [tilespmem:v4+s10+$0x0], $0xffff  }
0x132: {  	v2 =	vld.idx.msk [tilespmem:v2+s10+$0x0], $0xffff;
	v14 =	vadd.s32 $0x7510, v6  }
0x133: {  	v4 =	vadd.s32 $0x7510, v4;
	v3 =	vld.idx.msk [tilespmem:v3+s10+$0x0], $0xffff;
	v15 =	vadd.s32 $0x7510, v7  }
0x134: {  	v5 =	vld.idx.msk [tilespmem:v5+s10+$0x0], $0xffff;
	v16 =	vadd.s32 $0x7510, v9  }
0x135: {  	v6 =	vld.idx.msk [tilespmem:v6+s10+$0x0], $0xffff;
	v1 =	vadd.s32 $0x7510, v11  }
0x136: {  	v7 =	vld.idx.msk [tilespmem:v7+s10+$0x0], $0xffff  }
0x137: {  	v9 =	vld.idx.msk [tilespmem:v9+s10+$0x0], $0xffff;
	[tilespmem:s15+$0x16A90] =	vst v13  }
0x138: {  	[tilespmem:s15+$0x16A20] =	vst v2;
	v13 =	vld.idx.msk [tilespmem:v4+s10+$0x0], $0xffff  }
0x139: {  	[tilespmem:s15+$0x16A30] =	vst v3;
	v11 =	vld.idx.msk [tilespmem:v11+s10+$0x0], $0xffff  }
0x13a: {  	v4 =	vld.idx.msk [tilespmem:v8+s10+$0x0], $0xffff;
	[tilespmem:s15+$0x16A40] =	vst v5  }
.Ltmp3:
0x13b: {  	v2 =	vld.idx.msk [tilespmem:v10+s10+$0x0], $0xffff;
	[tilespmem:s15+$0x16A50] =	vst v6;
	(pc) =	sbr.rel @p0 .LBB2_8-.Ltmp3, $4  }
0x13c: {  	v3 =	vld.idx.msk [tilespmem:v12+s10+$0x0], $0xffff;
	[tilespmem:s15+$0x16A60] =	vst v7  }
0x13d: {  	v5 =	vld.idx.msk [tilespmem:v14+s10+$0x0], $0xffff;
	[tilespmem:s15+$0x16A70] =	vst v9  }
0x13e: {  	v6 =	vld.idx.msk [tilespmem:v15+s10+$0x0], $0xffff;
	[tilespmem:s15+$0x1AA90] =	vst v13  }
0x13f: {  	s17 =	sadd.s32 $0x200, s17;
	v7 =	vld.idx.msk [tilespmem:v16+s10+$0x0], $0xffff;
	[tilespmem:s15+$0x16A80] =	vst v11  }
0x140: {  	_ =	sdelay $0x2  }
0x141: {  	[tilespmem:s15+$0x1AA20] =	vst v4  }
0x142: {  	v1 =	vld.idx.msk [tilespmem:v1+s10+$0x0], $0xffff;
	[tilespmem:s15+$0x1AA30] =	vst v2  }
0x143: {  	[tilespmem:s15+$0x1AA40] =	vst v3  }
0x144: {  	[tilespmem:s15+$0x1AA50] =	vst v5  }
0x145: {  	[tilespmem:s15+$0x1AA60] =	vst v6  }
0x146: {  	[tilespmem:s15+$0x1AA70] =	vst v7  }
0x147: {  	[tilespmem:s15+$0x1AA80] =	vst v1  }
0x148: {  	s15 =	simm.s32 $0x0;
	s16 =	rddreg [dreg:$0xc]  }
0x149: {  	[hbm4b:s16+s15] =	stream.linear.scatter [tilespmem:s12], [sflag:$0x1], $0x4000, $0x38;
	[tilespmem:$0x1EA20] =	vst v63  }
0x14a: {  	_ =	swait.ge [sflag:s9], $0x4000  }
0x14b: {  	[sflag:s9] =	ssyncset.done $0x0  }
0x14c: {  	s18 =	rddreg [dreg:$0xd];
	[sflag:s9] =	ssyncadd.s32 $0xFFFFC000  }
0x14d: {  	[hbm4b:s18+s15] =	stream.linear.scatter [tilespmem:s13], [sflag:$0x1], $0x4000, $0x38;
	[tilespmem:$0x1EA20] =	vst v63  }
0x14e: {  	_ =	swait.ge [sflag:s9], $0x4000  }
0x14f: {  	[sflag:s9] =	ssyncset.done $0x0  }
0x150: {  	s17 =	rddreg [dreg:$0xe];
	[sflag:s9] =	ssyncadd.s32 $0xFFFFC000  }
0x151: {  	[tilespmem:s10], [sflag:$0x1] =	stream.linear.gather [hbm4b:s17+s15], $0x7500, $0x38;
	[tilespmem:$0x1EA20] =	vst v63  }
0x152: {  	_ =	swait.ge [sflag:s9], $0x7500  }
0x153: {  	[sflag:s9] =	ssyncset.done $0x0  }
0x154: {  	[sflag:s9] =	ssyncadd.s32 $0xFFFF8B00  }
0x155: {  	s18 =	rddreg [dreg:$0xf];
	[tilespmem:$0xF500] =	vst v0  }
0x156: {  	[tilespmem:s11], [sflag:$0x1] =	stream.linear.gather [hbm4b:s18+s15], $0x7500, $0x38;
	[tilespmem:$0x1EA20] =	vst v63  }
0x157: {  	_ =	swait.ge [sflag:s9], $0x7500  }
0x158: {  	[sflag:s9] =	ssyncset.done $0x0  }
0x159: {  	[sflag:s9] =	ssyncadd.s32 $0xFFFF8B00  }
0x15a: {  	s15 =	simm.s32 $0x0;
	[tilespmem:$0x16A10] =	vst v0  }
0x15b: {  	v1 =	vld [tilespmem:s15+$0x70];
	_ =	sdelay $0x1  }
0x15c: {  	v2 =	vld [tilespmem:s15+$0x0]  }
0x15d: {  	v3 =	vld [tilespmem:s15+$0x10]  }
0x15e: {  	v4 =	vld [tilespmem:s15+$0x20]  }
0x15f: {  	v5 =	vld [tilespmem:s15+$0x30]  }
0x160: {  	v6 =	vld [tilespmem:s15+$0x40]  }
0x161: {  	v7 =	vld [tilespmem:s15+$0x50]  }
0x162: {  	v9 =	vld.idx.msk [tilespmem:v1+s10+$0x0], $0xffff  }
0x163: {  	v8 =	vld [tilespmem:s15+$0x60];
	v1 =	vadd.s32 $0x7510, v1  }
0x164: {  	v10 =	vld.idx.msk [tilespmem:v2+s10+$0x0], $0xffff  }
0x165: {  	v11 =	vld.idx.msk [tilespmem:v3+s10+$0x0], $0xffff  }
0x166: {  	v12 =	vld.idx.msk [tilespmem:v4+s10+$0x0], $0xffff  }
0x167: {  	v2 =	vadd.s32 $0x7510, v2;
	v13 =	vld.idx.msk [tilespmem:v5+s10+$0x0], $0xffff;
	[tilespmem:s15+$0x16A90] =	vst v9  }
0x168: {  	v3 =	vadd.s32 $0x7510, v3;
	v1 =	vld.idx.msk [tilespmem:v1+s10+$0x0], $0xffff  }
0x169: {  	v15 =	vadd.s32 $0x7510, v4;
	v14 =	vld.idx.msk [tilespmem:v6+s10+$0x0], $0xffff  }
0x16a: {  	v16 =	vld.idx.msk [tilespmem:v7+s10+$0x0], $0xffff;
	v5 =	vadd.s32 $0x7510, v5;
	[tilespmem:s15+$0x16A20] =	vst v10  }
0x16b: {  	v6 =	vadd.s32 $0x7510, v6;
	v63 =	vld.idx.msk [tilespmem:v8+s10+$0x0], $0xffff;
	[tilespmem:s15+$0x16A30] =	vst v11  }
0x16c: {  	v7 =	vadd.s32 $0x7510, v7;
	[tilespmem:s15+$0x16A40] =	vst v12;
	v4 =	vld.idx.msk [tilespmem:v2+s10+$0x0], $0xffff  }
0x16d: {  	v2 =	vld.idx.msk [tilespmem:v3+s10+$0x0], $0xffff;
	[tilespmem:s15+$0x1AA90] =	vst v1;
	v1 =	vadd.s32 $0x7510, v8  }
0x16e: {  	[tilespmem:s15+$0x16A50] =	vst v13;
	v3 =	vld.idx.msk [tilespmem:v15+s10+$0x0], $0xffff  }
0x16f: {  	[tilespmem:s15+$0x16A60] =	vst v14;
	v5 =	vld.idx.msk [tilespmem:v5+s10+$0x0], $0xffff  }
0x170: {  	[tilespmem:s15+$0x16A70] =	vst v16;
	v6 =	vld.idx.msk [tilespmem:v6+s10+$0x0], $0xffff  }
0x171: {  	s16 =	simm.s32 $0x0;
	s17 =	simm.s32 $0x200;
	[tilespmem:s15+$0x16A80] =	vst v63;
	v7 =	vld.idx.msk [tilespmem:v7+s10+$0x0], $0xffff  }
.LBB2_10:
0x172: {  	s18 =	sshra.s32 s17, $0x2;
	s16 =	sadd.s32 $0x8, s16;
	[tilespmem:s15+$0x1AA20] =	vst v4;
	v1 =	vld.idx.msk [tilespmem:v1+s10+$0x0], $0xffff  }
0x173: {  	v4 =	vld [tilespmem:s18+$0x70];
	p0 =	slt.u32 s16, $0x3F8;
	[tilespmem:s15+$0x1AA30] =	vst v2  }
0x174: {  	v2 =	vld [tilespmem:s18+$0x0];
	[tilespmem:s15+$0x1AA40] =	vst v3  }
0x175: {  	v3 =	vld [tilespmem:s18+$0x10];
	[tilespmem:s15+$0x1AA50] =	vst v5  }
0x176: {  	v5 =	vld [tilespmem:s18+$0x20];
	[tilespmem:s15+$0x1AA60] =	vst v6  }
0x177: {  	v6 =	vld [tilespmem:s18+$0x30];
	[tilespmem:s15+$0x1AA70] =	vst v7  }
0x178: {  	v7 =	vld [tilespmem:s18+$0x40];
	[tilespmem:s15+$0x1AA80] =	vst v1;
	s15 =	smov.u32 s18  }
0x179: {  	v8 =	vadd.s32 $0x7510, v2;
	v9 =	vld [tilespmem:s15+$0x50]  }
0x17a: {  	v10 =	vadd.s32 $0x7510, v3;
	v11 =	vld [tilespmem:s15+$0x60]  }
0x17b: {  	v12 =	vadd.s32 $0x7510, v5;
	v13 =	vld.idx.msk [tilespmem:v4+s10+$0x0], $0xffff  }
0x17c: {  	v2 =	vld.idx.msk [tilespmem:v2+s10+$0x0], $0xffff;
	v14 =	vadd.s32 $0x7510, v6  }
0x17d: {  	v4 =	vadd.s32 $0x7510, v4;
	v3 =	vld.idx.msk [tilespmem:v3+s10+$0x0], $0xffff;
	v15 =	vadd.s32 $0x7510, v7  }
0x17e: {  	v5 =	vld.idx.msk [tilespmem:v5+s10+$0x0], $0xffff;
	v16 =	vadd.s32 $0x7510, v9  }
0x17f: {  	v6 =	vld.idx.msk [tilespmem:v6+s10+$0x0], $0xffff;
	v1 =	vadd.s32 $0x7510, v11  }
0x180: {  	v7 =	vld.idx.msk [tilespmem:v7+s10+$0x0], $0xffff  }
0x181: {  	v9 =	vld.idx.msk [tilespmem:v9+s10+$0x0], $0xffff;
	[tilespmem:s15+$0x16A90] =	vst v13  }
0x182: {  	[tilespmem:s15+$0x16A20] =	vst v2;
	v13 =	vld.idx.msk [tilespmem:v4+s10+$0x0], $0xffff  }
0x183: {  	[tilespmem:s15+$0x16A30] =	vst v3;
	v11 =	vld.idx.msk [tilespmem:v11+s10+$0x0], $0xffff  }
0x184: {  	v4 =	vld.idx.msk [tilespmem:v8+s10+$0x0], $0xffff;
	[tilespmem:s15+$0x16A40] =	vst v5  }
.Ltmp4:
0x185: {  	v2 =	vld.idx.msk [tilespmem:v10+s10+$0x0], $0xffff;
	[tilespmem:s15+$0x16A50] =	vst v6;
	(pc) =	sbr.rel @p0 .LBB2_10-.Ltmp4, $4  }
0x186: {  	v3 =	vld.idx.msk [tilespmem:v12+s10+$0x0], $0xffff;
	[tilespmem:s15+$0x16A60] =	vst v7  }
0x187: {  	v5 =	vld.idx.msk [tilespmem:v14+s10+$0x0], $0xffff;
	[tilespmem:s15+$0x16A70] =	vst v9  }
0x188: {  	v6 =	vld.idx.msk [tilespmem:v15+s10+$0x0], $0xffff;
	[tilespmem:s15+$0x1AA90] =	vst v13  }
0x189: {  	s17 =	sadd.s32 $0x200, s17;
	v7 =	vld.idx.msk [tilespmem:v16+s10+$0x0], $0xffff;
	[tilespmem:s15+$0x16A80] =	vst v11  }
0x18a: {  	_ =	sdelay $0x2  }
0x18b: {  	[tilespmem:s15+$0x1AA20] =	vst v4  }
0x18c: {  	v1 =	vld.idx.msk [tilespmem:v1+s10+$0x0], $0xffff;
	[tilespmem:s15+$0x1AA30] =	vst v2  }
0x18d: {  	[tilespmem:s15+$0x1AA40] =	vst v3  }
0x18e: {  	[tilespmem:s15+$0x1AA50] =	vst v5  }
0x18f: {  	[tilespmem:s15+$0x1AA60] =	vst v6  }
0x190: {  	[tilespmem:s15+$0x1AA70] =	vst v7  }
0x191: {  	s18 =	simm.s32 $0x0;
	[tilespmem:s15+$0x1AA80] =	vst v1  }
0x192: {  	[hbm4b:s22+s18] =	stream.linear.scatter [tilespmem:s12], [sflag:$0x1], $0x4000, $0x38;
	[tilespmem:$0x1EA20] =	vst v63  }
0x193: {  	_ =	swait.ge [sflag:s9], $0x4000  }
0x194: {  	[sflag:s9] =	ssyncset.done $0x0  }
0x195: {  	[sflag:s9] =	ssyncadd.s32 $0xFFFFC000  }
0x196: {  	[hbm4b:s24+s18] =	stream.linear.scatter [tilespmem:s13], [sflag:$0x1], $0x4000, $0x38;
	[tilespmem:$0x1EA20] =	vst v63  }
0x197: {  	_ =	swait.ge [sflag:s9], $0x4000  }
0x198: {  	[sflag:s9] =	ssyncset.done $0x0  }
0x199: {  	s15 =	simm.s32 $0x0;
	[sflag:s9] =	ssyncadd.s32 $0xFFFFC000  }
0x19a: {  	v1 =	vld [tilespmem:s15+$0x4070];
	_ =	sdelay $0x1  }
0x19b: {  	v2 =	vld [tilespmem:s15+$0x4000]  }
0x19c: {  	v3 =	vld [tilespmem:s15+$0x4010]  }
0x19d: {  	v4 =	vld [tilespmem:s15+$0x4020]  }
0x19e: {  	v5 =	vld [tilespmem:s15+$0x4030]  }
0x19f: {  	v6 =	vld [tilespmem:s15+$0x4040]  }
0x1a0: {  	v7 =	vld [tilespmem:s15+$0x4050]  }
0x1a1: {  	v9 =	vld.idx.msk [tilespmem:v1+s10+$0x0], $0xffff  }
0x1a2: {  	v8 =	vld [tilespmem:s15+$0x4060];
	v1 =	vadd.s32 $0x7510, v1  }
0x1a3: {  	v10 =	vld.idx.msk [tilespmem:v2+s10+$0x0], $0xffff  }
0x1a4: {  	v11 =	vld.idx.msk [tilespmem:v3+s10+$0x0], $0xffff  }
0x1a5: {  	v12 =	vld.idx.msk [tilespmem:v4+s10+$0x0], $0xffff  }
0x1a6: {  	v2 =	vadd.s32 $0x7510, v2;
	v13 =	vld.idx.msk [tilespmem:v5+s10+$0x0], $0xffff;
	[tilespmem:s15+$0x16A90] =	vst v9  }
0x1a7: {  	v3 =	vadd.s32 $0x7510, v3;
	v1 =	vld.idx.msk [tilespmem:v1+s10+$0x0], $0xffff  }
0x1a8: {  	v15 =	vadd.s32 $0x7510, v4;
	v14 =	vld.idx.msk [tilespmem:v6+s10+$0x0], $0xffff  }
0x1a9: {  	v16 =	vld.idx.msk [tilespmem:v7+s10+$0x0], $0xffff;
	v5 =	vadd.s32 $0x7510, v5;
	[tilespmem:s15+$0x16A20] =	vst v10  }
0x1aa: {  	v6 =	vadd.s32 $0x7510, v6;
	v63 =	vld.idx.msk [tilespmem:v8+s10+$0x0], $0xffff;
	[tilespmem:s15+$0x16A30] =	vst v11  }
0x1ab: {  	v7 =	vadd.s32 $0x7510, v7;
	[tilespmem:s15+$0x16A40] =	vst v12;
	v4 =	vld.idx.msk [tilespmem:v2+s10+$0x0], $0xffff  }
0x1ac: {  	v2 =	vld.idx.msk [tilespmem:v3+s10+$0x0], $0xffff;
	[tilespmem:s15+$0x1AA90] =	vst v1;
	v1 =	vadd.s32 $0x7510, v8  }
0x1ad: {  	[tilespmem:s15+$0x16A50] =	vst v13;
	v3 =	vld.idx.msk [tilespmem:v15+s10+$0x0], $0xffff  }
0x1ae: {  	[tilespmem:s15+$0x16A60] =	vst v14;
	v5 =	vld.idx.msk [tilespmem:v5+s10+$0x0], $0xffff  }
0x1af: {  	[tilespmem:s15+$0x16A70] =	vst v16;
	v6 =	vld.idx.msk [tilespmem:v6+s10+$0x0], $0xffff  }
0x1b0: {  	s16 =	simm.s32 $0x0;
	s17 =	simm.s32 $0x200;
	[tilespmem:s15+$0x16A80] =	vst v63;
	v7 =	vld.idx.msk [tilespmem:v7+s10+$0x0], $0xffff  }
.LBB2_12:
0x1b1: {  	s18 =	sshra.s32 s17, $0x2;
	s16 =	sadd.s32 $0x8, s16;
	[tilespmem:s15+$0x1AA20] =	vst v4;
	v1 =	vld.idx.msk [tilespmem:v1+s10+$0x0], $0xffff  }
0x1b2: {  	v4 =	vld [tilespmem:s18+$0x4070];
	p0 =	slt.u32 s16, $0x3F8;
	[tilespmem:s15+$0x1AA30] =	vst v2  }
0x1b3: {  	v2 =	vld [tilespmem:s18+$0x4000];
	[tilespmem:s15+$0x1AA40] =	vst v3  }
0x1b4: {  	v3 =	vld [tilespmem:s18+$0x4010];
	[tilespmem:s15+$0x1AA50] =	vst v5  }
0x1b5: {  	v5 =	vld [tilespmem:s18+$0x4020];
	[tilespmem:s15+$0x1AA60] =	vst v6  }
0x1b6: {  	v6 =	vld [tilespmem:s18+$0x4030];
	[tilespmem:s15+$0x1AA70] =	vst v7  }
0x1b7: {  	v7 =	vld [tilespmem:s18+$0x4040];
	[tilespmem:s15+$0x1AA80] =	vst v1;
	s15 =	smov.u32 s18  }
0x1b8: {  	v8 =	vadd.s32 $0x7510, v2;
	v9 =	vld [tilespmem:s15+$0x4050]  }
0x1b9: {  	v10 =	vadd.s32 $0x7510, v3;
	v11 =	vld [tilespmem:s15+$0x4060]  }
0x1ba: {  	v12 =	vadd.s32 $0x7510, v5;
	v13 =	vld.idx.msk [tilespmem:v4+s10+$0x0], $0xffff  }
0x1bb: {  	v2 =	vld.idx.msk [tilespmem:v2+s10+$0x0], $0xffff;
	v14 =	vadd.s32 $0x7510, v6  }
0x1bc: {  	v4 =	vadd.s32 $0x7510, v4;
	v3 =	vld.idx.msk [tilespmem:v3+s10+$0x0], $0xffff;
	v15 =	vadd.s32 $0x7510, v7  }
0x1bd: {  	v5 =	vld.idx.msk [tilespmem:v5+s10+$0x0], $0xffff;
	v16 =	vadd.s32 $0x7510, v9  }
0x1be: {  	v6 =	vld.idx.msk [tilespmem:v6+s10+$0x0], $0xffff;
	v1 =	vadd.s32 $0x7510, v11  }
0x1bf: {  	v7 =	vld.idx.msk [tilespmem:v7+s10+$0x0], $0xffff  }
0x1c0: {  	v9 =	vld.idx.msk [tilespmem:v9+s10+$0x0], $0xffff;
	[tilespmem:s15+$0x16A90] =	vst v13  }
0x1c1: {  	[tilespmem:s15+$0x16A20] =	vst v2;
	v13 =	vld.idx.msk [tilespmem:v4+s10+$0x0], $0xffff  }
0x1c2: {  	[tilespmem:s15+$0x16A30] =	vst v3;
	v11 =	vld.idx.msk [tilespmem:v11+s10+$0x0], $0xffff  }
0x1c3: {  	v4 =	vld.idx.msk [tilespmem:v8+s10+$0x0], $0xffff;
	[tilespmem:s15+$0x16A40] =	vst v5  }
.Ltmp5:
0x1c4: {  	v2 =	vld.idx.msk [tilespmem:v10+s10+$0x0], $0xffff;
	[tilespmem:s15+$0x16A50] =	vst v6;
	(pc) =	sbr.rel @p0 .LBB2_12-.Ltmp5, $4  }
0x1c5: {  	v3 =	vld.idx.msk [tilespmem:v12+s10+$0x0], $0xffff;
	[tilespmem:s15+$0x16A60] =	vst v7  }
0x1c6: {  	v5 =	vld.idx.msk [tilespmem:v14+s10+$0x0], $0xffff;
	[tilespmem:s15+$0x16A70] =	vst v9  }
0x1c7: {  	v6 =	vld.idx.msk [tilespmem:v15+s10+$0x0], $0xffff;
	[tilespmem:s15+$0x1AA90] =	vst v13  }
0x1c8: {  	s17 =	sadd.s32 $0x200, s17;
	v7 =	vld.idx.msk [tilespmem:v16+s10+$0x0], $0xffff;
	[tilespmem:s15+$0x16A80] =	vst v11  }
0x1c9: {  	_ =	sdelay $0x2  }
0x1ca: {  	[tilespmem:s15+$0x1AA20] =	vst v4  }
0x1cb: {  	v1 =	vld.idx.msk [tilespmem:v1+s10+$0x0], $0xffff;
	[tilespmem:s15+$0x1AA30] =	vst v2  }
0x1cc: {  	[tilespmem:s15+$0x1AA40] =	vst v3  }
0x1cd: {  	[tilespmem:s15+$0x1AA50] =	vst v5  }
0x1ce: {  	[tilespmem:s15+$0x1AA60] =	vst v6  }
0x1cf: {  	[tilespmem:s15+$0x1AA70] =	vst v7  }
0x1d0: {  	s17 =	simm.s32 $0x0;
	[tilespmem:s15+$0x1AA80] =	vst v1  }
0x1d1: {  	[hbm4b:s23+s17] =	stream.linear.scatter [tilespmem:s12], [sflag:$0x1], $0x4000, $0x38;
	[tilespmem:$0x1EA20] =	vst v63  }
0x1d2: {  	_ =	swait.ge [sflag:s9], $0x4000  }
0x1d3: {  	[sflag:s9] =	ssyncset.done $0x0  }
0x1d4: {  	[sflag:s9] =	ssyncadd.s32 $0xFFFFC000  }
0x1d5: {  	[hbm4b:s25+s17] =	stream.linear.scatter [tilespmem:s13], [sflag:$0x1], $0x4000, $0x38;
	[tilespmem:$0x1EA20] =	vst v63  }
0x1d6: {  	_ =	swait.ge [sflag:s9], $0x4000  }
0x1d7: {  	[sflag:s9] =	ssyncset.done $0x0  }
0x1d8: {  	s16 =	rddreg [dreg:$0x10];
	[sflag:s9] =	ssyncadd.s32 $0xFFFFC000  }
0x1d9: {  	[tilespmem:s10], [sflag:$0x1] =	stream.linear.gather [hbm4b:s16+s17], $0x7500, $0x38;
	[tilespmem:$0x1EA20] =	vst v63  }
0x1da: {  	_ =	swait.ge [sflag:s9], $0x7500  }
0x1db: {  	[sflag:s9] =	ssyncset.done $0x0  }
0x1dc: {  	[sflag:s9] =	ssyncadd.s32 $0xFFFF8B00  }
0x1dd: {  	s18 =	rddreg [dreg:$0x11];
	[tilespmem:$0xF500] =	vst v0  }
0x1de: {  	[tilespmem:s11], [sflag:$0x1] =	stream.linear.gather [hbm4b:s18+s17], $0x7500, $0x38;
	[tilespmem:$0x1EA20] =	vst v63  }
0x1df: {  	_ =	swait.ge [sflag:s9], $0x7500  }
0x1e0: {  	[sflag:s9] =	ssyncset.done $0x0  }
0x1e1: {  	[sflag:s9] =	ssyncadd.s32 $0xFFFF8B00  }
0x1e2: {  	s15 =	simm.s32 $0x0;
	[tilespmem:$0x16A10] =	vst v0  }
0x1e3: {  	v1 =	vld [tilespmem:s15+$0x70];
	_ =	sdelay $0x1  }
0x1e4: {  	v2 =	vld [tilespmem:s15+$0x0]  }
0x1e5: {  	v3 =	vld [tilespmem:s15+$0x10]  }
0x1e6: {  	v4 =	vld [tilespmem:s15+$0x20]  }
0x1e7: {  	v5 =	vld [tilespmem:s15+$0x30]  }
0x1e8: {  	v6 =	vld [tilespmem:s15+$0x40]  }
0x1e9: {  	v7 =	vld [tilespmem:s15+$0x50]  }
0x1ea: {  	v9 =	vld.idx.msk [tilespmem:v1+s10+$0x0], $0xffff  }
0x1eb: {  	v8 =	vld [tilespmem:s15+$0x60];
	v1 =	vadd.s32 $0x7510, v1  }
0x1ec: {  	v10 =	vld.idx.msk [tilespmem:v2+s10+$0x0], $0xffff  }
0x1ed: {  	v11 =	vld.idx.msk [tilespmem:v3+s10+$0x0], $0xffff  }
0x1ee: {  	v12 =	vld.idx.msk [tilespmem:v4+s10+$0x0], $0xffff  }
0x1ef: {  	v2 =	vadd.s32 $0x7510, v2;
	v13 =	vld.idx.msk [tilespmem:v5+s10+$0x0], $0xffff;
	[tilespmem:s15+$0x16A90] =	vst v9  }
0x1f0: {  	v3 =	vadd.s32 $0x7510, v3;
	v1 =	vld.idx.msk [tilespmem:v1+s10+$0x0], $0xffff  }
0x1f1: {  	v15 =	vadd.s32 $0x7510, v4;
	v14 =	vld.idx.msk [tilespmem:v6+s10+$0x0], $0xffff  }
0x1f2: {  	v16 =	vld.idx.msk [tilespmem:v7+s10+$0x0], $0xffff;
	v5 =	vadd.s32 $0x7510, v5;
	[tilespmem:s15+$0x16A20] =	vst v10  }
0x1f3: {  	v6 =	vadd.s32 $0x7510, v6;
	v63 =	vld.idx.msk [tilespmem:v8+s10+$0x0], $0xffff;
	[tilespmem:s15+$0x16A30] =	vst v11  }
0x1f4: {  	v7 =	vadd.s32 $0x7510, v7;
	[tilespmem:s15+$0x16A40] =	vst v12;
	v4 =	vld.idx.msk [tilespmem:v2+s10+$0x0], $0xffff  }
0x1f5: {  	v2 =	vld.idx.msk [tilespmem:v3+s10+$0x0], $0xffff;
	[tilespmem:s15+$0x1AA90] =	vst v1;
	v1 =	vadd.s32 $0x7510, v8  }
0x1f6: {  	[tilespmem:s15+$0x16A50] =	vst v13;
	v3 =	vld.idx.msk [tilespmem:v15+s10+$0x0], $0xffff  }
0x1f7: {  	[tilespmem:s15+$0x16A60] =	vst v14;
	v5 =	vld.idx.msk [tilespmem:v5+s10+$0x0], $0xffff  }
0x1f8: {  	[tilespmem:s15+$0x16A70] =	vst v16;
	v6 =	vld.idx.msk [tilespmem:v6+s10+$0x0], $0xffff  }
0x1f9: {  	s16 =	simm.s32 $0x0;
	s17 =	simm.s32 $0x200;
	[tilespmem:s15+$0x16A80] =	vst v63;
	v7 =	vld.idx.msk [tilespmem:v7+s10+$0x0], $0xffff  }
.LBB2_14:
0x1fa: {  	s18 =	sshra.s32 s17, $0x2;
	s16 =	sadd.s32 $0x8, s16;
	[tilespmem:s15+$0x1AA20] =	vst v4;
	v1 =	vld.idx.msk [tilespmem:v1+s10+$0x0], $0xffff  }
0x1fb: {  	v4 =	vld [tilespmem:s18+$0x70];
	p0 =	slt.u32 s16, $0x3F8;
	[tilespmem:s15+$0x1AA30] =	vst v2  }
0x1fc: {  	v2 =	vld [tilespmem:s18+$0x0];
	[tilespmem:s15+$0x1AA40] =	vst v3  }
0x1fd: {  	v3 =	vld [tilespmem:s18+$0x10];
	[tilespmem:s15+$0x1AA50] =	vst v5  }
0x1fe: {  	v5 =	vld [tilespmem:s18+$0x20];
	[tilespmem:s15+$0x1AA60] =	vst v6  }
0x1ff: {  	v6 =	vld [tilespmem:s18+$0x30];
	[tilespmem:s15+$0x1AA70] =	vst v7  }
0x200: {  	v7 =	vld [tilespmem:s18+$0x40];
	[tilespmem:s15+$0x1AA80] =	vst v1;
	s15 =	smov.u32 s18  }
0x201: {  	v8 =	vadd.s32 $0x7510, v2;
	v9 =	vld [tilespmem:s15+$0x50]  }
0x202: {  	v10 =	vadd.s32 $0x7510, v3;
	v11 =	vld [tilespmem:s15+$0x60]  }
0x203: {  	v12 =	vadd.s32 $0x7510, v5;
	v13 =	vld.idx.msk [tilespmem:v4+s10+$0x0], $0xffff  }
0x204: {  	v2 =	vld.idx.msk [tilespmem:v2+s10+$0x0], $0xffff;
	v14 =	vadd.s32 $0x7510, v6  }
0x205: {  	v4 =	vadd.s32 $0x7510, v4;
	v3 =	vld.idx.msk [tilespmem:v3+s10+$0x0], $0xffff;
	v15 =	vadd.s32 $0x7510, v7  }
0x206: {  	v5 =	vld.idx.msk [tilespmem:v5+s10+$0x0], $0xffff;
	v16 =	vadd.s32 $0x7510, v9  }
0x207: {  	v6 =	vld.idx.msk [tilespmem:v6+s10+$0x0], $0xffff;
	v1 =	vadd.s32 $0x7510, v11  }
0x208: {  	v7 =	vld.idx.msk [tilespmem:v7+s10+$0x0], $0xffff  }
0x209: {  	v9 =	vld.idx.msk [tilespmem:v9+s10+$0x0], $0xffff;
	[tilespmem:s15+$0x16A90] =	vst v13  }
0x20a: {  	[tilespmem:s15+$0x16A20] =	vst v2;
	v13 =	vld.idx.msk [tilespmem:v4+s10+$0x0], $0xffff  }
0x20b: {  	[tilespmem:s15+$0x16A30] =	vst v3;
	v11 =	vld.idx.msk [tilespmem:v11+s10+$0x0], $0xffff  }
0x20c: {  	v4 =	vld.idx.msk [tilespmem:v8+s10+$0x0], $0xffff;
	[tilespmem:s15+$0x16A40] =	vst v5  }
.Ltmp6:
0x20d: {  	v2 =	vld.idx.msk [tilespmem:v10+s10+$0x0], $0xffff;
	[tilespmem:s15+$0x16A50] =	vst v6;
	(pc) =	sbr.rel @p0 .LBB2_14-.Ltmp6, $4  }
0x20e: {  	v3 =	vld.idx.msk [tilespmem:v12+s10+$0x0], $0xffff;
	[tilespmem:s15+$0x16A60] =	vst v7  }
0x20f: {  	v5 =	vld.idx.msk [tilespmem:v14+s10+$0x0], $0xffff;
	[tilespmem:s15+$0x16A70] =	vst v9  }
0x210: {  	v6 =	vld.idx.msk [tilespmem:v15+s10+$0x0], $0xffff;
	[tilespmem:s15+$0x1AA90] =	vst v13  }
0x211: {  	s17 =	sadd.s32 $0x200, s17;
	v7 =	vld.idx.msk [tilespmem:v16+s10+$0x0], $0xffff;
	[tilespmem:s15+$0x16A80] =	vst v11  }
0x212: {  	_ =	sdelay $0x2  }
0x213: {  	[tilespmem:s15+$0x1AA20] =	vst v4  }
0x214: {  	v1 =	vld.idx.msk [tilespmem:v1+s10+$0x0], $0xffff;
	[tilespmem:s15+$0x1AA30] =	vst v2  }
0x215: {  	[tilespmem:s15+$0x1AA40] =	vst v3  }
0x216: {  	[tilespmem:s15+$0x1AA50] =	vst v5  }
0x217: {  	[tilespmem:s15+$0x1AA60] =	vst v6  }
0x218: {  	[tilespmem:s15+$0x1AA70] =	vst v7  }
0x219: {  	s18 =	simm.s32 $0x0;
	[tilespmem:s15+$0x1AA80] =	vst v1  }
0x21a: {  	[hbm4b:s26+s18] =	stream.linear.scatter [tilespmem:s12], [sflag:$0x1], $0x4000, $0x38;
	[tilespmem:$0x1EA20] =	vst v63  }
0x21b: {  	_ =	swait.ge [sflag:s9], $0x4000  }
0x21c: {  	[sflag:s9] =	ssyncset.done $0x0  }
0x21d: {  	[sflag:s9] =	ssyncadd.s32 $0xFFFFC000  }
0x21e: {  	[hbm4b:s29+s18] =	stream.linear.scatter [tilespmem:s13], [sflag:$0x1], $0x4000, $0x38;
	[tilespmem:$0x1EA20] =	vst v63  }
0x21f: {  	_ =	swait.ge [sflag:s9], $0x4000  }
0x220: {  	[sflag:s9] =	ssyncset.done $0x0  }
0x221: {  	s15 =	simm.s32 $0x0;
	[sflag:s9] =	ssyncadd.s32 $0xFFFFC000  }
0x222: {  	v1 =	vld [tilespmem:s15+$0x4070];
	_ =	sdelay $0x1  }
0x223: {  	v2 =	vld [tilespmem:s15+$0x4000]  }
0x224: {  	v3 =	vld [tilespmem:s15+$0x4010]  }
0x225: {  	v4 =	vld [tilespmem:s15+$0x4020]  }
0x226: {  	v5 =	vld [tilespmem:s15+$0x4030]  }
0x227: {  	v6 =	vld [tilespmem:s15+$0x4040]  }
0x228: {  	v7 =	vld [tilespmem:s15+$0x4050]  }
0x229: {  	v9 =	vld.idx.msk [tilespmem:v1+s10+$0x0], $0xffff  }
0x22a: {  	v8 =	vld [tilespmem:s15+$0x4060];
	v1 =	vadd.s32 $0x7510, v1  }
0x22b: {  	v10 =	vld.idx.msk [tilespmem:v2+s10+$0x0], $0xffff  }
0x22c: {  	v11 =	vld.idx.msk [tilespmem:v3+s10+$0x0], $0xffff  }
0x22d: {  	v12 =	vld.idx.msk [tilespmem:v4+s10+$0x0], $0xffff  }
0x22e: {  	v2 =	vadd.s32 $0x7510, v2;
	v13 =	vld.idx.msk [tilespmem:v5+s10+$0x0], $0xffff;
	[tilespmem:s15+$0x16A90] =	vst v9  }
0x22f: {  	v3 =	vadd.s32 $0x7510, v3;
	v1 =	vld.idx.msk [tilespmem:v1+s10+$0x0], $0xffff  }
0x230: {  	v15 =	vadd.s32 $0x7510, v4;
	v14 =	vld.idx.msk [tilespmem:v6+s10+$0x0], $0xffff  }
0x231: {  	v16 =	vld.idx.msk [tilespmem:v7+s10+$0x0], $0xffff;
	v5 =	vadd.s32 $0x7510, v5;
	[tilespmem:s15+$0x16A20] =	vst v10  }
0x232: {  	v6 =	vadd.s32 $0x7510, v6;
	v63 =	vld.idx.msk [tilespmem:v8+s10+$0x0], $0xffff;
	[tilespmem:s15+$0x16A30] =	vst v11  }
0x233: {  	v7 =	vadd.s32 $0x7510, v7;
	[tilespmem:s15+$0x16A40] =	vst v12;
	v4 =	vld.idx.msk [tilespmem:v2+s10+$0x0], $0xffff  }
0x234: {  	v2 =	vld.idx.msk [tilespmem:v3+s10+$0x0], $0xffff;
	[tilespmem:s15+$0x1AA90] =	vst v1;
	v1 =	vadd.s32 $0x7510, v8  }
0x235: {  	[tilespmem:s15+$0x16A50] =	vst v13;
	v3 =	vld.idx.msk [tilespmem:v15+s10+$0x0], $0xffff  }
0x236: {  	[tilespmem:s15+$0x16A60] =	vst v14;
	v5 =	vld.idx.msk [tilespmem:v5+s10+$0x0], $0xffff  }
0x237: {  	[tilespmem:s15+$0x16A70] =	vst v16;
	v6 =	vld.idx.msk [tilespmem:v6+s10+$0x0], $0xffff  }
0x238: {  	s16 =	simm.s32 $0x0;
	s17 =	simm.s32 $0x200;
	[tilespmem:s15+$0x16A80] =	vst v63;
	v7 =	vld.idx.msk [tilespmem:v7+s10+$0x0], $0xffff  }
.LBB2_16:
0x239: {  	s18 =	sshra.s32 s17, $0x2;
	s16 =	sadd.s32 $0x8, s16;
	[tilespmem:s15+$0x1AA20] =	vst v4;
	v1 =	vld.idx.msk [tilespmem:v1+s10+$0x0], $0xffff  }
0x23a: {  	v4 =	vld [tilespmem:s18+$0x4070];
	p0 =	slt.u32 s16, $0x3F8;
	[tilespmem:s15+$0x1AA30] =	vst v2  }
0x23b: {  	v2 =	vld [tilespmem:s18+$0x4000];
	[tilespmem:s15+$0x1AA40] =	vst v3  }
0x23c: {  	v3 =	vld [tilespmem:s18+$0x4010];
	[tilespmem:s15+$0x1AA50] =	vst v5  }
0x23d: {  	v5 =	vld [tilespmem:s18+$0x4020];
	[tilespmem:s15+$0x1AA60] =	vst v6  }
0x23e: {  	v6 =	vld [tilespmem:s18+$0x4030];
	[tilespmem:s15+$0x1AA70] =	vst v7  }
0x23f: {  	v7 =	vld [tilespmem:s18+$0x4040];
	[tilespmem:s15+$0x1AA80] =	vst v1;
	s15 =	smov.u32 s18  }
0x240: {  	v8 =	vadd.s32 $0x7510, v2;
	v9 =	vld [tilespmem:s15+$0x4050]  }
0x241: {  	v10 =	vadd.s32 $0x7510, v3;
	v11 =	vld [tilespmem:s15+$0x4060]  }
0x242: {  	v12 =	vadd.s32 $0x7510, v5;
	v13 =	vld.idx.msk [tilespmem:v4+s10+$0x0], $0xffff  }
0x243: {  	v2 =	vld.idx.msk [tilespmem:v2+s10+$0x0], $0xffff;
	v14 =	vadd.s32 $0x7510, v6  }
0x244: {  	v4 =	vadd.s32 $0x7510, v4;
	v3 =	vld.idx.msk [tilespmem:v3+s10+$0x0], $0xffff;
	v15 =	vadd.s32 $0x7510, v7  }
0x245: {  	v5 =	vld.idx.msk [tilespmem:v5+s10+$0x0], $0xffff;
	v16 =	vadd.s32 $0x7510, v9  }
0x246: {  	v6 =	vld.idx.msk [tilespmem:v6+s10+$0x0], $0xffff;
	v1 =	vadd.s32 $0x7510, v11  }
0x247: {  	v7 =	vld.idx.msk [tilespmem:v7+s10+$0x0], $0xffff  }
0x248: {  	v9 =	vld.idx.msk [tilespmem:v9+s10+$0x0], $0xffff;
	[tilespmem:s15+$0x16A90] =	vst v13  }
0x249: {  	[tilespmem:s15+$0x16A20] =	vst v2;
	v13 =	vld.idx.msk [tilespmem:v4+s10+$0x0], $0xffff  }
0x24a: {  	[tilespmem:s15+$0x16A30] =	vst v3;
	v11 =	vld.idx.msk [tilespmem:v11+s10+$0x0], $0xffff  }
0x24b: {  	v4 =	vld.idx.msk [tilespmem:v8+s10+$0x0], $0xffff;
	[tilespmem:s15+$0x16A40] =	vst v5  }
.Ltmp7:
0x24c: {  	v2 =	vld.idx.msk [tilespmem:v10+s10+$0x0], $0xffff;
	[tilespmem:s15+$0x16A50] =	vst v6;
	(pc) =	sbr.rel @p0 .LBB2_16-.Ltmp7, $4  }
0x24d: {  	v3 =	vld.idx.msk [tilespmem:v12+s10+$0x0], $0xffff;
	[tilespmem:s15+$0x16A60] =	vst v7  }
0x24e: {  	v5 =	vld.idx.msk [tilespmem:v14+s10+$0x0], $0xffff;
	[tilespmem:s15+$0x16A70] =	vst v9  }
0x24f: {  	v6 =	vld.idx.msk [tilespmem:v15+s10+$0x0], $0xffff;
	[tilespmem:s15+$0x1AA90] =	vst v13  }
0x250: {  	s17 =	sadd.s32 $0x200, s17;
	v7 =	vld.idx.msk [tilespmem:v16+s10+$0x0], $0xffff;
	[tilespmem:s15+$0x16A80] =	vst v11  }
0x251: {  	_ =	sdelay $0x2  }
0x252: {  	[tilespmem:s15+$0x1AA20] =	vst v4  }
0x253: {  	v1 =	vld.idx.msk [tilespmem:v1+s10+$0x0], $0xffff;
	[tilespmem:s15+$0x1AA30] =	vst v2  }
0x254: {  	[tilespmem:s15+$0x1AA40] =	vst v3  }
0x255: {  	[tilespmem:s15+$0x1AA50] =	vst v5  }
0x256: {  	[tilespmem:s15+$0x1AA60] =	vst v6  }
0x257: {  	[tilespmem:s15+$0x1AA70] =	vst v7  }
0x258: {  	s17 =	simm.s32 $0x0;
	[tilespmem:s15+$0x1AA80] =	vst v1  }
0x259: {  	[hbm4b:s28+s17] =	stream.linear.scatter [tilespmem:s12], [sflag:$0x1], $0x4000, $0x38;
	[tilespmem:$0x1EA20] =	vst v63  }
0x25a: {  	_ =	swait.ge [sflag:s9], $0x4000  }
0x25b: {  	[sflag:s9] =	ssyncset.done $0x0  }
0x25c: {  	[sflag:s9] =	ssyncadd.s32 $0xFFFFC000  }
0x25d: {  	[hbm4b:s30+s17] =	stream.linear.scatter [tilespmem:s13], [sflag:$0x1], $0x4000, $0x38;
	[tilespmem:$0x1EA20] =	vst v63  }
0x25e: {  	_ =	swait.ge [sflag:s9], $0x4000  }
0x25f: {  	[sflag:s9] =	ssyncset.done $0x0  }
0x260: {  	s16 =	rddreg [dreg:$0x12];
	[sflag:s9] =	ssyncadd.s32 $0xFFFFC000  }
0x261: {  	[tilespmem:s10], [sflag:$0x1] =	stream.linear.gather [hbm4b:s16+s17], $0x7500, $0x38;
	[tilespmem:$0x1EA20] =	vst v63  }
0x262: {  	_ =	swait.ge [sflag:s9], $0x7500  }
0x263: {  	[sflag:s9] =	ssyncset.done $0x0  }
0x264: {  	[sflag:s9] =	ssyncadd.s32 $0xFFFF8B00  }
0x265: {  	s18 =	rddreg [dreg:$0x13];
	[tilespmem:$0xF500] =	vst v0  }
0x266: {  	[tilespmem:s11], [sflag:$0x1] =	stream.linear.gather [hbm4b:s18+s17], $0x7500, $0x38;
	[tilespmem:$0x1EA20] =	vst v63  }
0x267: {  	_ =	swait.ge [sflag:s9], $0x7500  }
0x268: {  	[sflag:s9] =	ssyncset.done $0x0  }
0x269: {  	[sflag:s9] =	ssyncadd.s32 $0xFFFF8B00  }
0x26a: {  	s15 =	simm.s32 $0x0;
	[tilespmem:$0x16A10] =	vst v0  }
0x26b: {  	v1 =	vld [tilespmem:s15+$0x70];
	_ =	sdelay $0x1  }
0x26c: {  	v2 =	vld [tilespmem:s15+$0x0]  }
0x26d: {  	v3 =	vld [tilespmem:s15+$0x10]  }
0x26e: {  	v4 =	vld [tilespmem:s15+$0x20]  }
0x26f: {  	v5 =	vld [tilespmem:s15+$0x30]  }
0x270: {  	v6 =	vld [tilespmem:s15+$0x40]  }
0x271: {  	v7 =	vld [tilespmem:s15+$0x50]  }
0x272: {  	v9 =	vld.idx.msk [tilespmem:v1+s10+$0x0], $0xffff  }
0x273: {  	v8 =	vld [tilespmem:s15+$0x60];
	v1 =	vadd.s32 $0x7510, v1  }
0x274: {  	v10 =	vld.idx.msk [tilespmem:v2+s10+$0x0], $0xffff  }
0x275: {  	v11 =	vld.idx.msk [tilespmem:v3+s10+$0x0], $0xffff  }
0x276: {  	v12 =	vld.idx.msk [tilespmem:v4+s10+$0x0], $0xffff  }
0x277: {  	v2 =	vadd.s32 $0x7510, v2;
	v13 =	vld.idx.msk [tilespmem:v5+s10+$0x0], $0xffff;
	[tilespmem:s15+$0x16A90] =	vst v9  }
0x278: {  	v3 =	vadd.s32 $0x7510, v3;
	v1 =	vld.idx.msk [tilespmem:v1+s10+$0x0], $0xffff  }
0x279: {  	v15 =	vadd.s32 $0x7510, v4;
	v14 =	vld.idx.msk [tilespmem:v6+s10+$0x0], $0xffff  }
0x27a: {  	v16 =	vld.idx.msk [tilespmem:v7+s10+$0x0], $0xffff;
	v5 =	vadd.s32 $0x7510, v5;
	[tilespmem:s15+$0x16A20] =	vst v10  }
0x27b: {  	v6 =	vadd.s32 $0x7510, v6;
	v63 =	vld.idx.msk [tilespmem:v8+s10+$0x0], $0xffff;
	[tilespmem:s15+$0x16A30] =	vst v11  }
0x27c: {  	v7 =	vadd.s32 $0x7510, v7;
	[tilespmem:s15+$0x16A40] =	vst v12;
	v4 =	vld.idx.msk [tilespmem:v2+s10+$0x0], $0xffff  }
0x27d: {  	v2 =	vld.idx.msk [tilespmem:v3+s10+$0x0], $0xffff;
	[tilespmem:s15+$0x1AA90] =	vst v1;
	v1 =	vadd.s32 $0x7510, v8  }
0x27e: {  	[tilespmem:s15+$0x16A50] =	vst v13;
	v3 =	vld.idx.msk [tilespmem:v15+s10+$0x0], $0xffff  }
0x27f: {  	[tilespmem:s15+$0x16A60] =	vst v14;
	v5 =	vld.idx.msk [tilespmem:v5+s10+$0x0], $0xffff  }
0x280: {  	[tilespmem:s15+$0x16A70] =	vst v16;
	v6 =	vld.idx.msk [tilespmem:v6+s10+$0x0], $0xffff  }
0x281: {  	s16 =	simm.s32 $0x0;
	s17 =	simm.s32 $0x200;
	[tilespmem:s15+$0x16A80] =	vst v63;
	v7 =	vld.idx.msk [tilespmem:v7+s10+$0x0], $0xffff  }
.LBB2_18:
0x282: {  	s18 =	sshra.s32 s17, $0x2;
	s16 =	sadd.s32 $0x8, s16;
	[tilespmem:s15+$0x1AA20] =	vst v4;
	v1 =	vld.idx.msk [tilespmem:v1+s10+$0x0], $0xffff  }
0x283: {  	v4 =	vld [tilespmem:s18+$0x70];
	p0 =	slt.u32 s16, $0x3F8;
	[tilespmem:s15+$0x1AA30] =	vst v2  }
0x284: {  	v2 =	vld [tilespmem:s18+$0x0];
	[tilespmem:s15+$0x1AA40] =	vst v3  }
0x285: {  	v3 =	vld [tilespmem:s18+$0x10];
	[tilespmem:s15+$0x1AA50] =	vst v5  }
0x286: {  	v5 =	vld [tilespmem:s18+$0x20];
	[tilespmem:s15+$0x1AA60] =	vst v6  }
0x287: {  	v6 =	vld [tilespmem:s18+$0x30];
	[tilespmem:s15+$0x1AA70] =	vst v7  }
0x288: {  	v7 =	vld [tilespmem:s18+$0x40];
	[tilespmem:s15+$0x1AA80] =	vst v1;
	s15 =	smov.u32 s18  }
0x289: {  	v8 =	vadd.s32 $0x7510, v2;
	v9 =	vld [tilespmem:s15+$0x50]  }
0x28a: {  	v10 =	vadd.s32 $0x7510, v3;
	v11 =	vld [tilespmem:s15+$0x60]  }
0x28b: {  	v12 =	vadd.s32 $0x7510, v5;
	v13 =	vld.idx.msk [tilespmem:v4+s10+$0x0], $0xffff  }
0x28c: {  	v2 =	vld.idx.msk [tilespmem:v2+s10+$0x0], $0xffff;
	v14 =	vadd.s32 $0x7510, v6  }
0x28d: {  	v4 =	vadd.s32 $0x7510, v4;
	v3 =	vld.idx.msk [tilespmem:v3+s10+$0x0], $0xffff;
	v15 =	vadd.s32 $0x7510, v7  }
0x28e: {  	v5 =	vld.idx.msk [tilespmem:v5+s10+$0x0], $0xffff;
	v16 =	vadd.s32 $0x7510, v9  }
0x28f: {  	v6 =	vld.idx.msk [tilespmem:v6+s10+$0x0], $0xffff;
	v1 =	vadd.s32 $0x7510, v11  }
0x290: {  	v7 =	vld.idx.msk [tilespmem:v7+s10+$0x0], $0xffff  }
0x291: {  	v9 =	vld.idx.msk [tilespmem:v9+s10+$0x0], $0xffff;
	[tilespmem:s15+$0x16A90] =	vst v13  }
0x292: {  	[tilespmem:s15+$0x16A20] =	vst v2;
	v13 =	vld.idx.msk [tilespmem:v4+s10+$0x0], $0xffff  }
0x293: {  	[tilespmem:s15+$0x16A30] =	vst v3;
	v11 =	vld.idx.msk [tilespmem:v11+s10+$0x0], $0xffff  }
0x294: {  	v4 =	vld.idx.msk [tilespmem:v8+s10+$0x0], $0xffff;
	[tilespmem:s15+$0x16A40] =	vst v5  }
.Ltmp8:
0x295: {  	v2 =	vld.idx.msk [tilespmem:v10+s10+$0x0], $0xffff;
	[tilespmem:s15+$0x16A50] =	vst v6;
	(pc) =	sbr.rel @p0 .LBB2_18-.Ltmp8, $4  }
0x296: {  	v3 =	vld.idx.msk [tilespmem:v12+s10+$0x0], $0xffff;
	[tilespmem:s15+$0x16A60] =	vst v7  }
0x297: {  	v5 =	vld.idx.msk [tilespmem:v14+s10+$0x0], $0xffff;
	[tilespmem:s15+$0x16A70] =	vst v9  }
0x298: {  	v6 =	vld.idx.msk [tilespmem:v15+s10+$0x0], $0xffff;
	[tilespmem:s15+$0x1AA90] =	vst v13  }
0x299: {  	s17 =	sadd.s32 $0x200, s17;
	v7 =	vld.idx.msk [tilespmem:v16+s10+$0x0], $0xffff;
	[tilespmem:s15+$0x16A80] =	vst v11  }
0x29a: {  	_ =	sdelay $0x2  }
0x29b: {  	[tilespmem:s15+$0x1AA20] =	vst v4  }
0x29c: {  	v1 =	vld.idx.msk [tilespmem:v1+s10+$0x0], $0xffff;
	[tilespmem:s15+$0x1AA30] =	vst v2  }
0x29d: {  	[tilespmem:s15+$0x1AA40] =	vst v3  }
0x29e: {  	[tilespmem:s15+$0x1AA50] =	vst v5  }
0x29f: {  	[tilespmem:s15+$0x1AA60] =	vst v6  }
0x2a0: {  	[tilespmem:s15+$0x1AA70] =	vst v7  }
0x2a1: {  	s18 =	simm.s32 $0x0;
	[tilespmem:s15+$0x1AA80] =	vst v1  }
0x2a2: {  	[hbm4b:s31+s18] =	stream.linear.scatter [tilespmem:s12], [sflag:$0x1], $0x4000, $0x38;
	[tilespmem:$0x1EA20] =	vst v63  }
0x2a3: {  	_ =	swait.ge [sflag:s9], $0x4000  }
0x2a4: {  	[sflag:s9] =	ssyncset.done $0x0  }
0x2a5: {  	[sflag:s9] =	ssyncadd.s32 $0xFFFFC000  }
0x2a6: {  	[hbm4b:s1+s18] =	stream.linear.scatter [tilespmem:s13], [sflag:$0x1], $0x4000, $0x38;
	[tilespmem:$0x1EA20] =	vst v63  }
0x2a7: {  	_ =	swait.ge [sflag:s9], $0x4000  }
0x2a8: {  	[sflag:s9] =	ssyncset.done $0x0  }
0x2a9: {  	s15 =	simm.s32 $0x0;
	[sflag:s9] =	ssyncadd.s32 $0xFFFFC000  }
0x2aa: {  	v1 =	vld [tilespmem:s15+$0x4070];
	_ =	sdelay $0x1  }
0x2ab: {  	v2 =	vld [tilespmem:s15+$0x4000]  }
0x2ac: {  	v3 =	vld [tilespmem:s15+$0x4010]  }
0x2ad: {  	v4 =	vld [tilespmem:s15+$0x4020]  }
0x2ae: {  	v5 =	vld [tilespmem:s15+$0x4030]  }
0x2af: {  	v6 =	vld [tilespmem:s15+$0x4040]  }
0x2b0: {  	v7 =	vld [tilespmem:s15+$0x4050]  }
0x2b1: {  	v9 =	vld.idx.msk [tilespmem:v1+s10+$0x0], $0xffff  }
0x2b2: {  	v8 =	vld [tilespmem:s15+$0x4060];
	v1 =	vadd.s32 $0x7510, v1  }
0x2b3: {  	v10 =	vld.idx.msk [tilespmem:v2+s10+$0x0], $0xffff  }
0x2b4: {  	v11 =	vld.idx.msk [tilespmem:v3+s10+$0x0], $0xffff  }
0x2b5: {  	v12 =	vld.idx.msk [tilespmem:v4+s10+$0x0], $0xffff  }
0x2b6: {  	v2 =	vadd.s32 $0x7510, v2;
	v13 =	vld.idx.msk [tilespmem:v5+s10+$0x0], $0xffff;
	[tilespmem:s15+$0x16A90] =	vst v9  }
0x2b7: {  	v3 =	vadd.s32 $0x7510, v3;
	v1 =	vld.idx.msk [tilespmem:v1+s10+$0x0], $0xffff  }
0x2b8: {  	v15 =	vadd.s32 $0x7510, v4;
	v14 =	vld.idx.msk [tilespmem:v6+s10+$0x0], $0xffff  }
0x2b9: {  	v16 =	vld.idx.msk [tilespmem:v7+s10+$0x0], $0xffff;
	v5 =	vadd.s32 $0x7510, v5;
	[tilespmem:s15+$0x16A20] =	vst v10  }
0x2ba: {  	v6 =	vadd.s32 $0x7510, v6;
	v63 =	vld.idx.msk [tilespmem:v8+s10+$0x0], $0xffff;
	[tilespmem:s15+$0x16A30] =	vst v11  }
0x2bb: {  	v7 =	vadd.s32 $0x7510, v7;
	[tilespmem:s15+$0x16A40] =	vst v12;
	v4 =	vld.idx.msk [tilespmem:v2+s10+$0x0], $0xffff  }
0x2bc: {  	v2 =	vld.idx.msk [tilespmem:v3+s10+$0x0], $0xffff;
	[tilespmem:s15+$0x1AA90] =	vst v1;
	v1 =	vadd.s32 $0x7510, v8  }
0x2bd: {  	[tilespmem:s15+$0x16A50] =	vst v13;
	v3 =	vld.idx.msk [tilespmem:v15+s10+$0x0], $0xffff  }
0x2be: {  	[tilespmem:s15+$0x16A60] =	vst v14;
	v5 =	vld.idx.msk [tilespmem:v5+s10+$0x0], $0xffff  }
0x2bf: {  	[tilespmem:s15+$0x16A70] =	vst v16;
	v6 =	vld.idx.msk [tilespmem:v6+s10+$0x0], $0xffff  }
0x2c0: {  	s16 =	simm.s32 $0x0;
	s17 =	simm.s32 $0x200;
	[tilespmem:s15+$0x16A80] =	vst v63;
	v7 =	vld.idx.msk [tilespmem:v7+s10+$0x0], $0xffff  }
.LBB2_20:
0x2c1: {  	s18 =	sshra.s32 s17, $0x2;
	s16 =	sadd.s32 $0x8, s16;
	[tilespmem:s15+$0x1AA20] =	vst v4;
	v1 =	vld.idx.msk [tilespmem:v1+s10+$0x0], $0xffff  }
0x2c2: {  	v4 =	vld [tilespmem:s18+$0x4070];
	p0 =	slt.u32 s16, $0x3F8;
	[tilespmem:s15+$0x1AA30] =	vst v2  }
0x2c3: {  	v2 =	vld [tilespmem:s18+$0x4000];
	[tilespmem:s15+$0x1AA40] =	vst v3  }
0x2c4: {  	v3 =	vld [tilespmem:s18+$0x4010];
	[tilespmem:s15+$0x1AA50] =	vst v5  }
0x2c5: {  	v5 =	vld [tilespmem:s18+$0x4020];
	[tilespmem:s15+$0x1AA60] =	vst v6  }
0x2c6: {  	v6 =	vld [tilespmem:s18+$0x4030];
	[tilespmem:s15+$0x1AA70] =	vst v7  }
0x2c7: {  	v7 =	vld [tilespmem:s18+$0x4040];
	[tilespmem:s15+$0x1AA80] =	vst v1;
	s15 =	smov.u32 s18  }
0x2c8: {  	v8 =	vadd.s32 $0x7510, v2;
	v9 =	vld [tilespmem:s15+$0x4050]  }
0x2c9: {  	v10 =	vadd.s32 $0x7510, v3;
	v11 =	vld [tilespmem:s15+$0x4060]  }
0x2ca: {  	v12 =	vadd.s32 $0x7510, v5;
	v13 =	vld.idx.msk [tilespmem:v4+s10+$0x0], $0xffff  }
0x2cb: {  	v2 =	vld.idx.msk [tilespmem:v2+s10+$0x0], $0xffff;
	v14 =	vadd.s32 $0x7510, v6  }
0x2cc: {  	v4 =	vadd.s32 $0x7510, v4;
	v3 =	vld.idx.msk [tilespmem:v3+s10+$0x0], $0xffff;
	v15 =	vadd.s32 $0x7510, v7  }
0x2cd: {  	v5 =	vld.idx.msk [tilespmem:v5+s10+$0x0], $0xffff;
	v16 =	vadd.s32 $0x7510, v9  }
0x2ce: {  	v6 =	vld.idx.msk [tilespmem:v6+s10+$0x0], $0xffff;
	v1 =	vadd.s32 $0x7510, v11  }
0x2cf: {  	v7 =	vld.idx.msk [tilespmem:v7+s10+$0x0], $0xffff  }
0x2d0: {  	v9 =	vld.idx.msk [tilespmem:v9+s10+$0x0], $0xffff;
	[tilespmem:s15+$0x16A90] =	vst v13  }
0x2d1: {  	[tilespmem:s15+$0x16A20] =	vst v2;
	v13 =	vld.idx.msk [tilespmem:v4+s10+$0x0], $0xffff  }
0x2d2: {  	[tilespmem:s15+$0x16A30] =	vst v3;
	v11 =	vld.idx.msk [tilespmem:v11+s10+$0x0], $0xffff  }
0x2d3: {  	v4 =	vld.idx.msk [tilespmem:v8+s10+$0x0], $0xffff;
	[tilespmem:s15+$0x16A40] =	vst v5  }
.Ltmp9:
0x2d4: {  	v2 =	vld.idx.msk [tilespmem:v10+s10+$0x0], $0xffff;
	[tilespmem:s15+$0x16A50] =	vst v6;
	(pc) =	sbr.rel @p0 .LBB2_20-.Ltmp9, $4  }
0x2d5: {  	v3 =	vld.idx.msk [tilespmem:v12+s10+$0x0], $0xffff;
	[tilespmem:s15+$0x16A60] =	vst v7  }
0x2d6: {  	v5 =	vld.idx.msk [tilespmem:v14+s10+$0x0], $0xffff;
	[tilespmem:s15+$0x16A70] =	vst v9  }
0x2d7: {  	v6 =	vld.idx.msk [tilespmem:v15+s10+$0x0], $0xffff;
	[tilespmem:s15+$0x1AA90] =	vst v13  }
0x2d8: {  	s17 =	sadd.s32 $0x200, s17;
	v7 =	vld.idx.msk [tilespmem:v16+s10+$0x0], $0xffff;
	[tilespmem:s15+$0x16A80] =	vst v11  }
0x2d9: {  	_ =	sdelay $0x2  }
0x2da: {  	[tilespmem:s15+$0x1AA20] =	vst v4  }
0x2db: {  	v1 =	vld.idx.msk [tilespmem:v1+s10+$0x0], $0xffff;
	[tilespmem:s15+$0x1AA30] =	vst v2  }
0x2dc: {  	[tilespmem:s15+$0x1AA40] =	vst v3  }
0x2dd: {  	[tilespmem:s15+$0x1AA50] =	vst v5  }
0x2de: {  	[tilespmem:s15+$0x1AA60] =	vst v6  }
0x2df: {  	[tilespmem:s15+$0x1AA70] =	vst v7  }
0x2e0: {  	s18 =	simm.s32 $0x0;
	[tilespmem:s15+$0x1AA80] =	vst v1  }
0x2e1: {  	[hbm4b:s0+s18] =	stream.linear.scatter [tilespmem:s12], [sflag:$0x1], $0x4000, $0x38;
	[tilespmem:$0x1EA20] =	vst v63  }
0x2e2: {  	_ =	swait.ge [sflag:s9], $0x4000  }
0x2e3: {  	[sflag:s9] =	ssyncset.done $0x0  }
0x2e4: {  	[sflag:s9] =	ssyncadd.s32 $0xFFFFC000  }
0x2e5: {  	[hbm4b:s2+s18] =	stream.linear.scatter [tilespmem:s13], [sflag:$0x1], $0x4000, $0x38;
	[tilespmem:$0x1EA20] =	vst v63  }
0x2e6: {  	_ =	swait.ge [sflag:s9], $0x4000  }
0x2e7: {  	[sflag:s9] =	ssyncset.done $0x0  }
0x2e8: {  	[sflag:s9] =	ssyncadd.s32 $0xFFFFC000  }
0x2e9: {  	[tilespmem:s10], [sflag:$0x1] =	stream.linear.gather [hbm4b:s19+s18], $0x7500, $0x38;
	[tilespmem:$0x1EA20] =	vst v63  }
0x2ea: {  	_ =	swait.ge [sflag:s9], $0x7500  }
0x2eb: {  	[sflag:s9] =	ssyncset.done $0x0  }
0x2ec: {  	[sflag:s9] =	ssyncadd.s32 $0xFFFF8B00  }
0x2ed: {  	[tilespmem:$0xF500] =	vst v0  }
0x2ee: {  	[tilespmem:s11], [sflag:$0x1] =	stream.linear.gather [hbm4b:s20+s18], $0x7500, $0x38;
	[tilespmem:$0x1EA20] =	vst v63  }
0x2ef: {  	_ =	swait.ge [sflag:s9], $0x7500  }
0x2f0: {  	[sflag:s9] =	ssyncset.done $0x0  }
0x2f1: {  	[sflag:s9] =	ssyncadd.s32 $0xFFFF8B00  }
0x2f2: {  	s15 =	simm.s32 $0x0;
	[tilespmem:$0x16A10] =	vst v0  }
0x2f3: {  	v1 =	vld [tilespmem:s15+$0x70];
	_ =	sdelay $0x1  }
0x2f4: {  	v2 =	vld [tilespmem:s15+$0x0]  }
0x2f5: {  	v3 =	vld [tilespmem:s15+$0x10]  }
0x2f6: {  	v4 =	vld [tilespmem:s15+$0x20]  }
0x2f7: {  	v5 =	vld [tilespmem:s15+$0x30]  }
0x2f8: {  	v6 =	vld [tilespmem:s15+$0x40]  }
0x2f9: {  	v7 =	vld [tilespmem:s15+$0x50]  }
0x2fa: {  	v9 =	vld.idx.msk [tilespmem:v1+s10+$0x0], $0xffff  }
0x2fb: {  	v8 =	vld [tilespmem:s15+$0x60];
	v1 =	vadd.s32 $0x7510, v1  }
0x2fc: {  	v10 =	vld.idx.msk [tilespmem:v2+s10+$0x0], $0xffff  }
0x2fd: {  	v11 =	vld.idx.msk [tilespmem:v3+s10+$0x0], $0xffff  }
0x2fe: {  	v12 =	vld.idx.msk [tilespmem:v4+s10+$0x0], $0xffff  }
0x2ff: {  	v2 =	vadd.s32 $0x7510, v2;
	v13 =	vld.idx.msk [tilespmem:v5+s10+$0x0], $0xffff;
	[tilespmem:s15+$0x16A90] =	vst v9  }
0x300: {  	v3 =	vadd.s32 $0x7510, v3;
	v1 =	vld.idx.msk [tilespmem:v1+s10+$0x0], $0xffff  }
0x301: {  	v15 =	vadd.s32 $0x7510, v4;
	v14 =	vld.idx.msk [tilespmem:v6+s10+$0x0], $0xffff  }
0x302: {  	v16 =	vld.idx.msk [tilespmem:v7+s10+$0x0], $0xffff;
	v5 =	vadd.s32 $0x7510, v5;
	[tilespmem:s15+$0x16A20] =	vst v10  }
0x303: {  	v6 =	vadd.s32 $0x7510, v6;
	v63 =	vld.idx.msk [tilespmem:v8+s10+$0x0], $0xffff;
	[tilespmem:s15+$0x16A30] =	vst v11  }
0x304: {  	v7 =	vadd.s32 $0x7510, v7;
	[tilespmem:s15+$0x16A40] =	vst v12;
	v4 =	vld.idx.msk [tilespmem:v2+s10+$0x0], $0xffff  }
0x305: {  	v2 =	vld.idx.msk [tilespmem:v3+s10+$0x0], $0xffff;
	[tilespmem:s15+$0x1AA90] =	vst v1;
	v1 =	vadd.s32 $0x7510, v8  }
0x306: {  	[tilespmem:s15+$0x16A50] =	vst v13;
	v3 =	vld.idx.msk [tilespmem:v15+s10+$0x0], $0xffff  }
0x307: {  	[tilespmem:s15+$0x16A60] =	vst v14;
	v5 =	vld.idx.msk [tilespmem:v5+s10+$0x0], $0xffff  }
0x308: {  	[tilespmem:s15+$0x16A70] =	vst v16;
	v6 =	vld.idx.msk [tilespmem:v6+s10+$0x0], $0xffff  }
0x309: {  	s16 =	simm.s32 $0x0;
	s17 =	simm.s32 $0x200;
	[tilespmem:s15+$0x16A80] =	vst v63;
	v7 =	vld.idx.msk [tilespmem:v7+s10+$0x0], $0xffff  }
.LBB2_22:
0x30a: {  	s18 =	sshra.s32 s17, $0x2;
	s16 =	sadd.s32 $0x8, s16;
	[tilespmem:s15+$0x1AA20] =	vst v4;
	v1 =	vld.idx.msk [tilespmem:v1+s10+$0x0], $0xffff  }
0x30b: {  	v4 =	vld [tilespmem:s18+$0x70];
	p0 =	slt.u32 s16, $0x3F8;
	[tilespmem:s15+$0x1AA30] =	vst v2  }
0x30c: {  	v2 =	vld [tilespmem:s18+$0x0];
	[tilespmem:s15+$0x1AA40] =	vst v3  }
0x30d: {  	v3 =	vld [tilespmem:s18+$0x10];
	[tilespmem:s15+$0x1AA50] =	vst v5  }
0x30e: {  	v5 =	vld [tilespmem:s18+$0x20];
	[tilespmem:s15+$0x1AA60] =	vst v6  }
0x30f: {  	v6 =	vld [tilespmem:s18+$0x30];
	[tilespmem:s15+$0x1AA70] =	vst v7  }
0x310: {  	v7 =	vld [tilespmem:s18+$0x40];
	[tilespmem:s15+$0x1AA80] =	vst v1;
	s15 =	smov.u32 s18  }
0x311: {  	v8 =	vadd.s32 $0x7510, v2;
	v9 =	vld [tilespmem:s15+$0x50]  }
0x312: {  	v10 =	vadd.s32 $0x7510, v3;
	v11 =	vld [tilespmem:s15+$0x60]  }
0x313: {  	v12 =	vadd.s32 $0x7510, v5;
	v13 =	vld.idx.msk [tilespmem:v4+s10+$0x0], $0xffff  }
0x314: {  	v2 =	vld.idx.msk [tilespmem:v2+s10+$0x0], $0xffff;
	v14 =	vadd.s32 $0x7510, v6  }
0x315: {  	v4 =	vadd.s32 $0x7510, v4;
	v3 =	vld.idx.msk [tilespmem:v3+s10+$0x0], $0xffff;
	v15 =	vadd.s32 $0x7510, v7  }
0x316: {  	v5 =	vld.idx.msk [tilespmem:v5+s10+$0x0], $0xffff;
	v16 =	vadd.s32 $0x7510, v9  }
0x317: {  	v6 =	vld.idx.msk [tilespmem:v6+s10+$0x0], $0xffff;
	v1 =	vadd.s32 $0x7510, v11  }
0x318: {  	v7 =	vld.idx.msk [tilespmem:v7+s10+$0x0], $0xffff  }
0x319: {  	v9 =	vld.idx.msk [tilespmem:v9+s10+$0x0], $0xffff;
	[tilespmem:s15+$0x16A90] =	vst v13  }
0x31a: {  	[tilespmem:s15+$0x16A20] =	vst v2;
	v13 =	vld.idx.msk [tilespmem:v4+s10+$0x0], $0xffff  }
0x31b: {  	[tilespmem:s15+$0x16A30] =	vst v3;
	v11 =	vld.idx.msk [tilespmem:v11+s10+$0x0], $0xffff  }
0x31c: {  	v4 =	vld.idx.msk [tilespmem:v8+s10+$0x0], $0xffff;
	[tilespmem:s15+$0x16A40] =	vst v5  }
.Ltmp10:
0x31d: {  	v2 =	vld.idx.msk [tilespmem:v10+s10+$0x0], $0xffff;
	[tilespmem:s15+$0x16A50] =	vst v6;
	(pc) =	sbr.rel @p0 .LBB2_22-.Ltmp10, $4  }
0x31e: {  	v3 =	vld.idx.msk [tilespmem:v12+s10+$0x0], $0xffff;
	[tilespmem:s15+$0x16A60] =	vst v7  }
0x31f: {  	v5 =	vld.idx.msk [tilespmem:v14+s10+$0x0], $0xffff;
	[tilespmem:s15+$0x16A70] =	vst v9  }
0x320: {  	v6 =	vld.idx.msk [tilespmem:v15+s10+$0x0], $0xffff;
	[tilespmem:s15+$0x1AA90] =	vst v13  }
0x321: {  	s17 =	sadd.s32 $0x200, s17;
	v7 =	vld.idx.msk [tilespmem:v16+s10+$0x0], $0xffff;
	[tilespmem:s15+$0x16A80] =	vst v11  }
0x322: {  	_ =	sdelay $0x2  }
0x323: {  	[tilespmem:s15+$0x1AA20] =	vst v4  }
0x324: {  	v1 =	vld.idx.msk [tilespmem:v1+s10+$0x0], $0xffff;
	[tilespmem:s15+$0x1AA30] =	vst v2  }
0x325: {  	[tilespmem:s15+$0x1AA40] =	vst v3  }
0x326: {  	[tilespmem:s15+$0x1AA50] =	vst v5  }
0x327: {  	[tilespmem:s15+$0x1AA60] =	vst v6  }
0x328: {  	[tilespmem:s15+$0x1AA70] =	vst v7  }
0x329: {  	s18 =	simm.s32 $0x0;
	[tilespmem:s15+$0x1AA80] =	vst v1  }
0x32a: {  	[hbm4b:s3+s18] =	stream.linear.scatter [tilespmem:s12], [sflag:$0x1], $0x4000, $0x38;
	[tilespmem:$0x1EA20] =	vst v63  }
0x32b: {  	_ =	swait.ge [sflag:s9], $0x4000  }
0x32c: {  	[sflag:s9] =	ssyncset.done $0x0  }
0x32d: {  	[sflag:s9] =	ssyncadd.s32 $0xFFFFC000  }
0x32e: {  	[hbm4b:s4+s18] =	stream.linear.scatter [tilespmem:s13], [sflag:$0x1], $0x4000, $0x38;
	[tilespmem:$0x1EA20] =	vst v63  }
0x32f: {  	_ =	swait.ge [sflag:s9], $0x4000  }
0x330: {  	[sflag:s9] =	ssyncset.done $0x0  }
0x331: {  	s15 =	simm.s32 $0x0;
	[sflag:s9] =	ssyncadd.s32 $0xFFFFC000  }
0x332: {  	v1 =	vld [tilespmem:s15+$0x4070];
	_ =	sdelay $0x1  }
0x333: {  	v2 =	vld [tilespmem:s15+$0x4000]  }
0x334: {  	v3 =	vld [tilespmem:s15+$0x4010]  }
0x335: {  	v4 =	vld [tilespmem:s15+$0x4020]  }
0x336: {  	v5 =	vld [tilespmem:s15+$0x4030]  }
0x337: {  	v6 =	vld [tilespmem:s15+$0x4040]  }
0x338: {  	v7 =	vld [tilespmem:s15+$0x4050]  }
0x339: {  	v9 =	vld.idx.msk [tilespmem:v1+s10+$0x0], $0xffff  }
0x33a: {  	v8 =	vld [tilespmem:s15+$0x4060];
	v1 =	vadd.s32 $0x7510, v1  }
0x33b: {  	v10 =	vld.idx.msk [tilespmem:v2+s10+$0x0], $0xffff  }
0x33c: {  	v11 =	vld.idx.msk [tilespmem:v3+s10+$0x0], $0xffff  }
0x33d: {  	v12 =	vld.idx.msk [tilespmem:v4+s10+$0x0], $0xffff  }
0x33e: {  	v2 =	vadd.s32 $0x7510, v2;
	v13 =	vld.idx.msk [tilespmem:v5+s10+$0x0], $0xffff;
	[tilespmem:s15+$0x16A90] =	vst v9  }
0x33f: {  	v3 =	vadd.s32 $0x7510, v3;
	v1 =	vld.idx.msk [tilespmem:v1+s10+$0x0], $0xffff  }
0x340: {  	v15 =	vadd.s32 $0x7510, v4;
	v14 =	vld.idx.msk [tilespmem:v6+s10+$0x0], $0xffff  }
0x341: {  	v16 =	vld.idx.msk [tilespmem:v7+s10+$0x0], $0xffff;
	v5 =	vadd.s32 $0x7510, v5;
	[tilespmem:s15+$0x16A20] =	vst v10  }
0x342: {  	v6 =	vadd.s32 $0x7510, v6;
	v63 =	vld.idx.msk [tilespmem:v8+s10+$0x0], $0xffff;
	[tilespmem:s15+$0x16A30] =	vst v11  }
0x343: {  	v7 =	vadd.s32 $0x7510, v7;
	[tilespmem:s15+$0x16A40] =	vst v12;
	v4 =	vld.idx.msk [tilespmem:v2+s10+$0x0], $0xffff  }
0x344: {  	v2 =	vld.idx.msk [tilespmem:v3+s10+$0x0], $0xffff;
	[tilespmem:s15+$0x1AA90] =	vst v1;
	v1 =	vadd.s32 $0x7510, v8  }
0x345: {  	[tilespmem:s15+$0x16A50] =	vst v13;
	v3 =	vld.idx.msk [tilespmem:v15+s10+$0x0], $0xffff  }
0x346: {  	[tilespmem:s15+$0x16A60] =	vst v14;
	v5 =	vld.idx.msk [tilespmem:v5+s10+$0x0], $0xffff  }
0x347: {  	[tilespmem:s15+$0x16A70] =	vst v16;
	v6 =	vld.idx.msk [tilespmem:v6+s10+$0x0], $0xffff  }
0x348: {  	s16 =	simm.s32 $0x0;
	s17 =	simm.s32 $0x200;
	[tilespmem:s15+$0x16A80] =	vst v63;
	v7 =	vld.idx.msk [tilespmem:v7+s10+$0x0], $0xffff  }
.LBB2_24:
0x349: {  	s18 =	sshra.s32 s17, $0x2;
	s16 =	sadd.s32 $0x8, s16;
	[tilespmem:s15+$0x1AA20] =	vst v4;
	v1 =	vld.idx.msk [tilespmem:v1+s10+$0x0], $0xffff  }
0x34a: {  	v4 =	vld [tilespmem:s18+$0x4070];
	p0 =	slt.u32 s16, $0x3F8;
	[tilespmem:s15+$0x1AA30] =	vst v2  }
0x34b: {  	v2 =	vld [tilespmem:s18+$0x4000];
	[tilespmem:s15+$0x1AA40] =	vst v3  }
0x34c: {  	v3 =	vld [tilespmem:s18+$0x4010];
	[tilespmem:s15+$0x1AA50] =	vst v5  }
0x34d: {  	v5 =	vld [tilespmem:s18+$0x4020];
	[tilespmem:s15+$0x1AA60] =	vst v6  }
0x34e: {  	v6 =	vld [tilespmem:s18+$0x4030];
	[tilespmem:s15+$0x1AA70] =	vst v7  }
0x34f: {  	v7 =	vld [tilespmem:s18+$0x4040];
	[tilespmem:s15+$0x1AA80] =	vst v1;
	s15 =	smov.u32 s18  }
0x350: {  	v8 =	vadd.s32 $0x7510, v2;
	v9 =	vld [tilespmem:s15+$0x4050]  }
0x351: {  	v10 =	vadd.s32 $0x7510, v3;
	v11 =	vld [tilespmem:s15+$0x4060]  }
0x352: {  	v12 =	vadd.s32 $0x7510, v5;
	v13 =	vld.idx.msk [tilespmem:v4+s10+$0x0], $0xffff  }
0x353: {  	v2 =	vld.idx.msk [tilespmem:v2+s10+$0x0], $0xffff;
	v14 =	vadd.s32 $0x7510, v6  }
0x354: {  	v4 =	vadd.s32 $0x7510, v4;
	v3 =	vld.idx.msk [tilespmem:v3+s10+$0x0], $0xffff;
	v15 =	vadd.s32 $0x7510, v7  }
0x355: {  	v5 =	vld.idx.msk [tilespmem:v5+s10+$0x0], $0xffff;
	v16 =	vadd.s32 $0x7510, v9  }
0x356: {  	v6 =	vld.idx.msk [tilespmem:v6+s10+$0x0], $0xffff;
	v1 =	vadd.s32 $0x7510, v11  }
0x357: {  	v7 =	vld.idx.msk [tilespmem:v7+s10+$0x0], $0xffff  }
0x358: {  	v9 =	vld.idx.msk [tilespmem:v9+s10+$0x0], $0xffff;
	[tilespmem:s15+$0x16A90] =	vst v13  }
0x359: {  	[tilespmem:s15+$0x16A20] =	vst v2;
	v13 =	vld.idx.msk [tilespmem:v4+s10+$0x0], $0xffff  }
0x35a: {  	[tilespmem:s15+$0x16A30] =	vst v3;
	v11 =	vld.idx.msk [tilespmem:v11+s10+$0x0], $0xffff  }
0x35b: {  	v4 =	vld.idx.msk [tilespmem:v8+s10+$0x0], $0xffff;
	[tilespmem:s15+$0x16A40] =	vst v5  }
.Ltmp11:
0x35c: {  	v2 =	vld.idx.msk [tilespmem:v10+s10+$0x0], $0xffff;
	[tilespmem:s15+$0x16A50] =	vst v6;
	(pc) =	sbr.rel @p0 .LBB2_24-.Ltmp11, $4  }
0x35d: {  	v3 =	vld.idx.msk [tilespmem:v12+s10+$0x0], $0xffff;
	[tilespmem:s15+$0x16A60] =	vst v7  }
0x35e: {  	v5 =	vld.idx.msk [tilespmem:v14+s10+$0x0], $0xffff;
	[tilespmem:s15+$0x16A70] =	vst v9  }
0x35f: {  	v6 =	vld.idx.msk [tilespmem:v15+s10+$0x0], $0xffff;
	[tilespmem:s15+$0x1AA90] =	vst v13  }
0x360: {  	s17 =	sadd.s32 $0x200, s17;
	v7 =	vld.idx.msk [tilespmem:v16+s10+$0x0], $0xffff;
	[tilespmem:s15+$0x16A80] =	vst v11  }
0x361: {  	_ =	sdelay $0x2  }
0x362: {  	[tilespmem:s15+$0x1AA20] =	vst v4  }
0x363: {  	v1 =	vld.idx.msk [tilespmem:v1+s10+$0x0], $0xffff;
	[tilespmem:s15+$0x1AA30] =	vst v2  }
0x364: {  	[tilespmem:s15+$0x1AA40] =	vst v3  }
0x365: {  	[tilespmem:s15+$0x1AA50] =	vst v5  }
0x366: {  	[tilespmem:s15+$0x1AA60] =	vst v6  }
0x367: {  	[tilespmem:s15+$0x1AA70] =	vst v7  }
0x368: {  	[tilespmem:s15+$0x1AA80] =	vst v1  }
0x369: {  	[hbm4b:s5+s21] =	stream.linear.scatter [tilespmem:s12], [sflag:$0x1], $0x4000, $0x38;
	[tilespmem:$0x1EA20] =	vst v63  }
0x36a: {  	s14 =	sadd.s32 $0x1, s14;
	_ =	swait.ge [sflag:s9], $0x4000  }
0x36b: {  	p0 =	sne.s32 s14, s8;
	[sflag:s9] =	ssyncset.done $0x0  }
.Ltmp12:
0x36c: {  	[sflag:s9] =	ssyncadd.s32 $0xFFFFC000;
	(pc) =	sbr.rel @p0 .LBB2_1-.Ltmp12, $4  }
0x36d: {  	[hbm4b:s6+s21] =	stream.linear.scatter [tilespmem:s13], [sflag:$0x1], $0x4000, $0x38;
	[tilespmem:$0x1EA20] =	vst v63  }
0x36e: {  	_ =	swait.ge [sflag:s9], $0x4000  }
0x36f: {  	[sflag:s9] =	ssyncset.done $0x0  }
0x370: {  	[sflag:s9] =	ssyncadd.s32 $0xFFFFC000  }
0x371: {  	_ =	sfence.sel $0x180000  }
0x372: {  	[bflag:$0x0] =	sbarrier.arrive $0xFFFF  }
0x373: {  	_ =	strace $0x9000004A  }
0x374: {  	s0 =	stileid.u32;
	[bflag:$0x2] =	sbarrier.arrive $0xFFFF  }
0x375: {  	p0 =	sne.s32 s0, $0x0;
	s0 =	rddreg [dreg:$0x1]  }
0x376: {  	s0 =	sadd.s32 @!p0 $0x100000, s0  }
0x377: {  	[sflag:s0] =	ssyncadd.tile.s32 @!p0 $0x1;
	_ =	shalt  }
.Lfunc_end2:
_tile_overlayer_lowered:
.L_overlay_start_2:
0x378: {  	(tag) =	ssettag $0x2  }
0x379: {  	s0 =	rddreg [dreg:$0x0];
	s2 =	stileid.u32  }
0x37a: {  	s1 =	rddreg [dreg:$0x1];
	p0 =	sne.s32 s2, $0x0  }
0x37b: {  	s3 =	rddreg [dreg:$0x2];
	[bflag:$0x3] =	sbarrier.arrive $0xFFFF;
	s2 =	simm.s32 @!p0 $0x1C01  }
0x37c: {  	[timem:s3], [sflag:s2] =	dma.local @!p0 [hbm:s0], s1  }
0x37d: {  	s0 =	simm.s32 @!p0 $0x1  }
0x37e: {  	_ =	swait.ge @!p0 [sflag:s0], s1  }
0x37f: {  	s1 =	ssub.s32 @!p0 $0x0, s1;
	[sflag:s0] =	ssyncset.done @!p0 $0x0  }
0x380: {  	[sflag:s0] =	ssyncadd.s32 @!p0 s1  }
0x381: {  	[bflag:$0x3] =	sbarrier.arrive $0xFFFF  }
0x382: {  	_ =	shalt  }

</sc_bundles>
